<compile_context>
chip_gen: v7x
topology: tpu7x:2x2x1
jax: 0.10.2.dev20260603
libtpu: 0.0.44.dev20260713+nightly
codegen_flags: <defaults>
</compile_context>

<pallas_src>
import functools

import jax
import jax.numpy as jnp
import numpy as np
from jax import lax
from jax.experimental import pallas as pl
from jax.experimental.pallas import tpu as pltpu
from jax.experimental.pallas import tpu_sc as plsc

N = 10000
C = 64
NG = 128
CUTOFF = 0.073
NI = 3
P = 5
E_MAX = 400000

CHUNK = 2048
E_CAP = 262144

def _ssp(x):
    return jnp.logaddexp(x, 0.0) - np.log(2.0).astype(np.float32)


NP_ = 10240
GW = NP_ // 16
TR = 2048
TCOL = 512
NSUB = 32


def _mask_pack_kernel(posr, posct, x2r, x2c, p_out):
    rb = pl.program_id(1)
    cb = pl.program_id(0)
    mm = jnp.dot(posr[...], posct[...], preferred_element_type=jnp.float32)
    d2 = (x2r[...] + x2c[...]) - 2.0 * mm
    rid = rb * TR + jax.lax.broadcasted_iota(jnp.int32, (TR, 1), 0)
    cid = cb * TCOL + jax.lax.broadcasted_iota(jnp.int32, (1, TCOL), 1)
    m = (d2 < np.float32(CUTOFF * CUTOFF)) & (rid != cid)
    mi = m.astype(jnp.int32)
    m3 = mi.reshape(TR // 16, 16, TCOL)
    w = jnp.left_shift(
        1, jax.lax.broadcasted_iota(jnp.int32, (1, 16, 1), 1))
    packed = jnp.sum(m3 * w, axis=1)
    p_out[:, pl.ds(rb * (TR // 16), TR // 16)] = packed.T


def _build_packed_adjacency(pos):
    i = jnp.arange(NP_ - N, dtype=jnp.float32)
    pad = jnp.stack(
        [3.0 + 0.05 * jnp.floor_divide(i, 16.0),
         3.0 + 0.05 * jnp.mod(i, 16.0),
         jnp.zeros((NP_ - N,), jnp.float32)], axis=1)
    posp = jnp.concatenate([pos, pad], axis=0)
    x2 = jnp.sum(posp * posp, axis=1)
    pos8 = jnp.pad(posp, ((0, 0), (0, 5)))
    pos8t = pos8.T
    x2r = x2[:, None]
    x2c = x2[None, :]
    grid = (NP_ // TCOL, NP_ // TR)
    return pl.pallas_call(
        _mask_pack_kernel,
        grid=grid,
        in_specs=[
            pl.BlockSpec((TR, 8), lambda c, r: (r, 0)),
            pl.BlockSpec((8, TCOL), lambda c, r: (0, c)),
            pl.BlockSpec((TR, 1), lambda c, r: (r, 0)),
            pl.BlockSpec((1, TCOL), lambda c, r: (0, c)),
        ],
        out_specs=pl.BlockSpec((TCOL, GW), lambda c, r: (c, 0)),
        out_shape=jax.ShapeDtypeStruct((NP_, GW), jnp.int32),
        compiler_params=pltpu.CompilerParams(
            dimension_semantics=("arbitrary", "arbitrary"),
        ),
    )(pos8, pos8t, x2r, x2c)


GCH = 128
PER_W = E_CAP // NSUB
G_NIT = PER_W // GCH


def _sc_gather2(row, col, tab1, tab2):
    def _gather_kernel(row_hbm, col_hbm, t1_hbm, t2_hbm, o1_hbm, o2_hbm,
                       idxr, idxc, buf1, buf2, sem1, sem2):
        cidx = lax.axis_index("c")
        sidx = lax.axis_index("s")
        wid = sidx * 2 + cidx
        base = wid * PER_W

        pltpu.sync_copy(row_hbm.at[pl.ds(base, PER_W)], idxr)
        pltpu.sync_copy(col_hbm.at[pl.ds(base, PER_W)], idxc)

        def fire(j, slot):
            pltpu.async_copy(t1_hbm.at[idxr.at[pl.ds(j * GCH, GCH)]],
                             buf1.at[slot], sem1)
            pltpu.async_copy(t2_hbm.at[idxc.at[pl.ds(j * GCH, GCH)]],
                             buf2.at[slot], sem2)

        fire(0, 0)

        def chunk(j, _):
            slot = j % 2
            off = pl.multiple_of(base + j * GCH, GCH)
            pltpu.make_async_copy(t1_hbm.at[pl.ds(0, GCH)], buf1.at[slot],
                                  sem1).wait()
            pltpu.make_async_copy(t2_hbm.at[pl.ds(0, GCH)], buf2.at[slot],
                                  sem2).wait()

            @pl.when(j + 1 < G_NIT)
            def _():
                fire(j + 1, 1 - slot)
            pltpu.sync_copy(buf1.at[slot], o1_hbm.at[pl.ds(off, GCH), :])
            pltpu.sync_copy(buf2.at[slot], o2_hbm.at[pl.ds(off, GCH), :])
            return 0
        lax.fori_loop(0, G_NIT, chunk, 0)

    mesh = plsc.VectorSubcoreMesh(core_axis_name="c", subcore_axis_name="s",
                                  num_cores=2, num_subcores=16)
    f = pl.kernel(
        _gather_kernel,
        out_type=[jax.ShapeDtypeStruct((E_CAP, 128), jnp.float32),
                  jax.ShapeDtypeStruct((E_CAP, 128), jnp.float32)],
        mesh=mesh,
        scratch_types=[
            pltpu.VMEM((PER_W,), jnp.int32),
            pltpu.VMEM((PER_W,), jnp.int32),
            pltpu.VMEM((2, GCH, 128), jnp.float32),
            pltpu.VMEM((2, GCH, 128), jnp.float32),
            pltpu.SemaphoreType.DMA,
            pltpu.SemaphoreType.DMA,
        ])
    return f(row, col, tab1, tab2)


def _edge_block0_kernel(d_ref, ghr_ref, ghc_ref, ghh_ref,
                        w1h_ref, w1e_ref, b1_ref, w2_ref, b2_ref,
                        mw1_ref, mb1_ref, mw2_ref, mb2_ref,
                        ea_out_ref, msg_out_ref):
    d = d_ref[...]
    a = -(P + 1) * (P + 2) / 2.0
    b = P * (P + 2) * 1.0
    c = -P * (P + 1) / 2.0
    d2 = d * d
    d4 = d2 * d2
    d5 = d4 * d
    env = 1.0 + a * d5 + b * d5 * d + c * d5 * d2
    env = jnp.where(d < 1.0, env, 0.0)
    step = 1.0 / (NG - 1)
    coeff = np.float32(-0.5 / step**2)
    offs = (jax.lax.broadcasted_iota(jnp.int32, (1, NG), 1).astype(jnp.float32)
            * np.float32(step))
    ea = env * jnp.exp(coeff * (d - offs) ** 2)

    hcat0 = ghr_ref[...]
    hcat1 = ghc_ref[...]
    pre = (jnp.dot(hcat0, w1h_ref[0:C, :], preferred_element_type=jnp.float32)
           + jnp.dot(hcat1, w1h_ref[C:2 * C, :], preferred_element_type=jnp.float32)
           + jnp.dot(ea, w1e_ref[...], preferred_element_type=jnp.float32)
           + b1_ref[...])
    sp = _ssp(pre)
    ea_new = jnp.dot(sp, w2_ref[...], preferred_element_type=jnp.float32) + b2_ref[...]
    ea_out_ref[...] = ea_new

    t = _ssp(jnp.dot(ea_new, mw1_ref[...], preferred_element_type=jnp.float32) + mb1_ref[...])
    e = _ssp(jnp.dot(t, mw2_ref[...], preferred_element_type=jnp.float32) + mb2_ref[...])
    msg_out_ref[...] = ghh_ref[...] * e


def _edge_blockN_kernel(ea_ref, ghr_ref, ghc_ref, ghh_ref,
                        w1h_ref, w1e_ref, b1_ref, w2_ref, b2_ref,
                        mw1_ref, mb1_ref, mw2_ref, mb2_ref,
                        ea_out_ref, msg_out_ref):
    ea = ea_ref[...]
    pre = (jnp.dot(ghr_ref[...], w1h_ref[0:C, :], preferred_element_type=jnp.float32)
           + jnp.dot(ghc_ref[...], w1h_ref[C:2 * C, :], preferred_element_type=jnp.float32)
           + jnp.dot(ea, w1e_ref[...], preferred_element_type=jnp.float32)
           + b1_ref[...])
    sp = _ssp(pre)
    ea_new = jnp.dot(sp, w2_ref[...], preferred_element_type=jnp.float32) + b2_ref[...]
    ea_out_ref[...] = ea_new

    t = _ssp(jnp.dot(ea_new, mw1_ref[...], preferred_element_type=jnp.float32) + mb1_ref[...])
    e = _ssp(jnp.dot(t, mw2_ref[...], preferred_element_type=jnp.float32) + mb2_ref[...])
    msg_out_ref[...] = ghh_ref[...] * e


def _edge_chunk_spec(width):
    return pl.BlockSpec((CHUNK, width), lambda i: (i, 0))


def _full_spec(shape):
    nd = len(shape)
    return pl.BlockSpec(shape, lambda i: (0,) * nd)


def _run_edge_block(block_idx, ea_or_d, ghr, ghc, ghh, wts):
    (w1h, w1e, b1, w2, b2, mw1, mb1, mw2, mb2) = wts
    e_pad = ea_or_d.shape[0]
    grid = e_pad // CHUNK
    in_width = ea_or_d.shape[1]
    kern = _edge_block0_kernel if block_idx == 0 else _edge_blockN_kernel
    in_specs = [
        _edge_chunk_spec(in_width),
        _edge_chunk_spec(C), _edge_chunk_spec(C), _edge_chunk_spec(C),
        _full_spec(w1h.shape), _full_spec(w1e.shape), _full_spec(b1.shape),
        _full_spec(w2.shape), _full_spec(b2.shape),
        _full_spec(mw1.shape), _full_spec(mb1.shape),
        _full_spec(mw2.shape), _full_spec(mb2.shape),
    ]
    out_specs = [_edge_chunk_spec(C), _edge_chunk_spec(C)]
    ea_new, msg = pl.pallas_call(
        kern,
        grid=(grid,),
        in_specs=in_specs,
        out_specs=out_specs,
        out_shape=[
            jax.ShapeDtypeStruct((e_pad, C), jnp.float32),
            jax.ShapeDtypeStruct((e_pad, C), jnp.float32),
        ],
        compiler_params=pltpu.CompilerParams(
            dimension_semantics=("arbitrary",),
        ),
    )(ea_or_d, ghr, ghc, ghh, w1h, w1e, b1, w2, b2, mw1, mb1, mw2, mb2)
    return ea_new, msg


def kernel(z, pos, params):
    p_packed = _build_packed_adjacency(pos)
    wcnt = jnp.sum(p_packed != 0)
    ci, gi = jnp.nonzero(p_packed, size=E_CAP, fill_value=0)
    w = p_packed[ci, gi]
    w = jnp.where(jnp.arange(E_CAP) < wcnt, w, 0)
    bitmat = ((w[:, None] >> jnp.arange(16)[None, :]) & 1) != 0
    ebits = jnp.sum(bitmat)
    wi, k = jnp.nonzero(bitmat, size=E_CAP, fill_value=0)
    row_raw = gi[wi] * 16 + k
    col_raw = ci[wi]
    good = ((jnp.arange(E_CAP) < ebits)
            & (row_raw < N) & (col_raw < N))
    row = jnp.where(good, row_raw, 0)
    seg = jnp.where(good, col_raw, N)
    col = jnp.where(good, col_raw, 0)

    dist = jnp.linalg.norm(pos[row] - pos[col], axis=-1)
    d = (dist / CUTOFF)[:, None]

    h = params['emb'][z]

    ea = d
    for i, (eu, it) in enumerate(zip(params['eupd'], params['inter'])):
        w1t = eu['W1'].T
        w1h = w1t[0:2 * C, :]
        w1e = w1t[2 * C:, :]
        b1 = eu['b1'][None, :]
        w2 = eu['W2'].T
        b2 = eu['b2'][None, :]
        mw1 = it['mW1'].T
        mb1 = it['mb1'][None, :]
        mw2 = it['mW2'].T
        mb2 = it['mb2'][None, :]
        wts = (w1h, w1e, b1, w2, b2, mw1, mb1, mw2, mb2)

        hh = h @ it['fc1_W'].T + it['fc1_b']
        g1, g2 = _sc_gather2(row, col, jnp.concatenate([h, hh], axis=1),
                             jnp.pad(h, ((0, 0), (0, C))))
        ghr = g1[:, :C]
        ghh = g1[:, C:]
        ghc = g2[:, :C]
        ea, msg = _run_edge_block(i, ea, ghr, ghc, ghh, wts)

        m = jax.ops.segment_sum(msg, seg, num_segments=N)
        m = _ssp(m @ it['m1W1'].T + it['m1b1']) @ it['m1W2'].T + it['m1b2']
        h = h + m

    out = _ssp(h @ params['oW1'].T + params['ob1']) @ params['oW2'].T + params['ob2']
    return out

# --- scband reference (transcript-rebuilt; emitter-appended) ---
"""Pipeline reference for scband-edge-update-net-backbone-30932354466269 (READ-ONLY COPY).

The authoritative reference and input builder live on the scoring server;
editing this copy changes nothing except your own understanding.
"""

import jax, jax.numpy as jnp
import numpy as np

N = 10000
C = 64
NG = 128
CUTOFF = 0.073
NI = 3
P = 5
E_MAX = 400000

def ssp(x):
    return jax.nn.softplus(x) - jnp.log(2.0)

def lin(x, W, b):
    return x @ W.T + b

def _mk_lin(key, out_f, in_f):
    W = jax.random.normal(key, (out_f, in_f), dtype=jnp.float32) / np.sqrt(in_f)
    b = jnp.zeros((out_f,), dtype=jnp.float32)
    return W, b

def setup_inputs(seed: int = 0):
    key = jax.random.key(seed)
    ks = jax.random.split(key, 40)
    z = jax.random.randint(ks[0], (N,), 0, 95)
    pos = jax.random.uniform(ks[1], (N, 3), dtype=jnp.float32)
    emb = jax.random.normal(ks[2], (95, C), dtype=jnp.float32) * 0.1
    k = 3
    inter = []
    for _ in range(NI):
        blk = {}
        blk['fc1_W'], blk['fc1_b'] = _mk_lin(ks[k], C, C); k += 1
        blk['mW1'], blk['mb1'] = _mk_lin(ks[k], C, C); k += 1
        blk['mW2'], blk['mb2'] = _mk_lin(ks[k], C, C); k += 1
        blk['m1W1'], blk['m1b1'] = _mk_lin(ks[k], C, C); k += 1
        blk['m1W2'], blk['m1b2'] = _mk_lin(ks[k], C, C); k += 1
        inter.append(blk)
    eupd = []
    for i in range(NI):
        in_f = NG + 2 * C if i == 0 else 3 * C
        blk = {}
        blk['W1'], blk['b1'] = _mk_lin(ks[k], 2 * C, in_f); k += 1
        blk['W2'], blk['b2'] = _mk_lin(ks[k], C, 2 * C); k += 1
        eupd.append(blk)
    oW1, ob1 = _mk_lin(ks[k], C // 2, C); k += 1
    oW2, ob2 = _mk_lin(ks[k], 1, C // 2); k += 1
    params = {'emb': emb, 'inter': inter, 'eupd': eupd, 'oW1': oW1, 'ob1': ob1, 'oW2': oW2, 'ob2': ob2}
    return {'z': z, 'pos': pos, 'params': params}

def _radius_graph(pos):
    x2 = jnp.sum(pos * pos, axis=1)
    D = x2[:, None] + x2[None, :] - 2.0 * (pos @ pos.T)
    mask = D < CUTOFF * CUTOFF
    idx = jnp.arange(N)
    mask = mask.at[idx, idx].set(False)
    cnt = jnp.sum(mask)
    row, col = jnp.nonzero(mask, size=E_MAX, fill_value=0)
    valid = jnp.arange(E_MAX) < cnt
    return row, col, valid

def _forward(z, pos, params, row, col, valid):
    dist = jnp.linalg.norm(pos[row] - pos[col], axis=-1)
    d = dist / CUTOFF
    a = -(P + 1) * (P + 2) / 2.0
    b = P * (P + 2) * 1.0
    c = -P * (P + 1) / 2.0
    env = 1.0 + a * d ** P + b * d ** (P + 1) + c * d ** (P + 2)
    env = jnp.where(d < 1.0, env, 0.0)
    offsets = jnp.linspace(0.0, 1.0, NG)
    coeff = -0.5 / (offsets[1] - offsets[0]) ** 2
    edge_attr = env[:, None] * jnp.exp(coeff * (d[:, None] - offsets[None, :]) ** 2)
    h = params['emb'][z]
    seg = jnp.where(valid, col, N)
    for eu, it in zip(params['eupd'], params['inter']):
        cat = jnp.concatenate([h[row], h[col], edge_attr], axis=1)
        edge_attr = lin(ssp(lin(cat, eu['W1'], eu['b1'])), eu['W2'], eu['b2'])
        hh = lin(h, it['fc1_W'], it['fc1_b'])
        e = ssp(lin(ssp(lin(edge_attr, it['mW1'], it['mb1'])), it['mW2'], it['mb2']))
        m = jax.ops.segment_sum(hh[row] * e, seg, num_segments=N)
        m = lin(ssp(lin(m, it['m1W1'], it['m1b1'])), it['m1W2'], it['m1b2'])
        h = h + m
    return lin(ssp(lin(h, params['oW1'], params['ob1'])), params['oW2'], params['ob2'])

def reference(z, pos, params):
    row, col, valid = _radius_graph(pos)
    return _forward(z, pos, params, row, col, valid)

if __name__ == "__main__":
    import jax
    _d = setup_inputs()
    print(jax.jit(kernel)(*tuple(_d.values())))

</pallas_src>

<mosaic_0001>
#map = affine_map<(d0, d1) -> (0)>
#map1 = affine_map<(d0, d1) -> (0, 0)>
module attributes {stable_mosaic.version = 14 : i64} {
  func.func @_gather_kernel(%arg0: i32, %arg1: i32, %arg2: memref<262144xi32, #tpu.memory_space<hbm>>, %arg3: memref<262144xi32, #tpu.memory_space<hbm>>, %arg4: memref<10000x128xf32, #tpu.memory_space<hbm>>, %arg5: memref<10000x128xf32, #tpu.memory_space<hbm>>, %arg6: memref<262144x128xf32, #tpu.memory_space<hbm>>, %arg7: memref<262144x128xf32, #tpu.memory_space<hbm>>, %arg8: memref<8192xi32, #tpu.memory_space<vmem>>, %arg9: memref<8192xi32, #tpu.memory_space<vmem>>, %arg10: memref<2x128x128xf32, #tpu.memory_space<vmem>>, %arg11: memref<2x128x128xf32, #tpu.memory_space<vmem>>, %arg12: memref<!tpu.dma_semaphore, #tpu.memory_space<semaphore_mem>>, %arg13: memref<!tpu.dma_semaphore, #tpu.memory_space<semaphore_mem>>) attributes {dimension_semantics = [#tpu.dimension_semantics<core_parallel>, #tpu.dimension_semantics<subcore_parallel>], iteration_bounds = array<i64: 2, 16>, scalar_prefetch = 0 : i64, scratch_operands = 6 : i64, tpu.core_type = #tpu.core_type<sc_vector_subcore>, window_params = [{transform_indices = #map}, {transform_indices = #map}, {transform_indices = #map1}, {transform_indices = #map1}, {transform_indices = #map1}, {transform_indices = #map1}]} {
    %mul3A = arith.constant 2 : i32
    %mul3A_0 = arith.muli %arg1, %mul3A : i32
    %add3A = arith.addi %mul3A_0, %arg0 : i32
    %mul3A_1 = arith.constant 8192 : i32
    %mul3A_2 = arith.muli %add3A, %mul3A_1 : i32
    "tpu.region"() ({
      %run_scoped3A = tpu.sem_alloc : memref<!tpu.dma_semaphore, #tpu.memory_space<semaphore_mem>>
      %dma_start3A_28 = tpu.memref_slice %arg2[%mul3A_2] : memref<262144xi32, #tpu.memory_space<hbm>> -> memref<8192xi32, #tpu.memory_space<hbm>>
      %dma_start3A_29 = tpu.memref_slice %arg2[%mul3A_2] : memref<262144xi32, #tpu.memory_space<hbm>> -> memref<8192xi32, #tpu.memory_space<hbm>>
      tpu.enqueue_dma source(%dma_start3A_29 : memref<8192xi32, #tpu.memory_space<hbm>>) target(%arg8 : memref<8192xi32, #tpu.memory_space<vmem>>) target_semaphore(%run_scoped3A : memref<!tpu.dma_semaphore, #tpu.memory_space<semaphore_mem>>)
      %dma_wait3A = tpu.memref_slice %arg2[%mul3A_2] : memref<262144xi32, #tpu.memory_space<hbm>> -> memref<8192xi32, #tpu.memory_space<hbm>>
      %dma_wait3A_30 = tpu.memref_slice %arg2[%mul3A_2] : memref<262144xi32, #tpu.memory_space<hbm>> -> memref<8192xi32, #tpu.memory_space<hbm>>
      tpu.wait_dma2 semaphore(%run_scoped3A : memref<!tpu.dma_semaphore, #tpu.memory_space<semaphore_mem>>) src(%dma_wait3A_30 : memref<8192xi32, #tpu.memory_space<hbm>>) dst(%arg8 : memref<8192xi32, #tpu.memory_space<vmem>>)
      tpu.yield
    }) : () -> ()
    "tpu.region"() ({
      %run_scoped3A = tpu.sem_alloc : memref<!tpu.dma_semaphore, #tpu.memory_space<semaphore_mem>>
      %dma_start3A_28 = tpu.memref_slice %arg3[%mul3A_2] : memref<262144xi32, #tpu.memory_space<hbm>> -> memref<8192xi32, #tpu.memory_space<hbm>>
      %dma_start3A_29 = tpu.memref_slice %arg3[%mul3A_2] : memref<262144xi32, #tpu.memory_space<hbm>> -> memref<8192xi32, #tpu.memory_space<hbm>>
      tpu.enqueue_dma source(%dma_start3A_29 : memref<8192xi32, #tpu.memory_space<hbm>>) target(%arg9 : memref<8192xi32, #tpu.memory_space<vmem>>) target_semaphore(%run_scoped3A : memref<!tpu.dma_semaphore, #tpu.memory_space<semaphore_mem>>)
      %dma_wait3A = tpu.memref_slice %arg3[%mul3A_2] : memref<262144xi32, #tpu.memory_space<hbm>> -> memref<8192xi32, #tpu.memory_space<hbm>>
      %dma_wait3A_30 = tpu.memref_slice %arg3[%mul3A_2] : memref<262144xi32, #tpu.memory_space<hbm>> -> memref<8192xi32, #tpu.memory_space<hbm>>
      tpu.wait_dma2 semaphore(%run_scoped3A : memref<!tpu.dma_semaphore, #tpu.memory_space<semaphore_mem>>) src(%dma_wait3A_30 : memref<8192xi32, #tpu.memory_space<hbm>>) dst(%arg9 : memref<8192xi32, #tpu.memory_space<vmem>>)
      tpu.yield
    }) : () -> ()
    %dma_start3A = arith.constant 0 : i32
    %dma_start3A_3 = arith.constant 0 : i32
    %dma_start3A_4 = arith.constant 0 : i32
    %dma_start3A_5 = tpu.memref_slice %arg10[%dma_start3A, %dma_start3A_3, %dma_start3A_4] : memref<2x128x128xf32, #tpu.memory_space<vmem>> -> memref<1x128x128xf32, #tpu.memory_space<vmem>>
    %dma_start3A_6 = tpu.memref_squeeze %dma_start3A_5 : memref<1x128x128xf32, #tpu.memory_space<vmem>> -> memref<128x128xf32, #tpu.memory_space<vmem>>
    %dma_start3A_7 = arith.constant 0 : i32
    %dma_start3A_8 = tpu.memref_slice %arg8[%dma_start3A_7] : memref<8192xi32, #tpu.memory_space<vmem>> -> memref<128xi32, #tpu.memory_space<vmem>>
    %dma_start3A_9 = arith.constant 0 : i32
    %dma_start3A_10 = arith.constant 0 : i32
    %dma_start3A_11 = tpu.memref_slice %arg4[%dma_start3A_9, %dma_start3A_10] : memref<10000x128xf32, #tpu.memory_space<hbm>> -> memref<10000x128xf32, #tpu.memory_space<hbm>>
    tpu.enqueue_indirect_dma source(%dma_start3A_11 : memref<10000x128xf32, #tpu.memory_space<hbm>>) target(%dma_start3A_6 : memref<128x128xf32, #tpu.memory_space<vmem>>) offsets(%dma_start3A_8 : memref<128xi32, #tpu.memory_space<vmem>>) semaphore(%arg12 : memref<!tpu.dma_semaphore, #tpu.memory_space<semaphore_mem>>)
    %dma_start3A_12 = arith.constant 0 : i32
    %dma_start3A_13 = arith.constant 0 : i32
    %dma_start3A_14 = arith.constant 0 : i32
    %dma_start3A_15 = tpu.memref_slice %arg11[%dma_start3A_12, %dma_start3A_13, %dma_start3A_14] : memref<2x128x128xf32, #tpu.memory_space<vmem>> -> memref<1x128x128xf32, #tpu.memory_space<vmem>>
    %dma_start3A_16 = tpu.memref_squeeze %dma_start3A_15 : memref<1x128x128xf32, #tpu.memory_space<vmem>> -> memref<128x128xf32, #tpu.memory_space<vmem>>
    %dma_start3A_17 = arith.constant 0 : i32
    %dma_start3A_18 = tpu.memref_slice %arg9[%dma_start3A_17] : memref<8192xi32, #tpu.memory_space<vmem>> -> memref<128xi32, #tpu.memory_space<vmem>>
    %dma_start3A_19 = arith.constant 0 : i32
    %dma_start3A_20 = arith.constant 0 : i32
    %dma_start3A_21 = tpu.memref_slice %arg5[%dma_start3A_19, %dma_start3A_20] : memref<10000x128xf32, #tpu.memory_space<hbm>> -> memref<10000x128xf32, #tpu.memory_space<hbm>>
    tpu.enqueue_indirect_dma source(%dma_start3A_21 : memref<10000x128xf32, #tpu.memory_space<hbm>>) target(%dma_start3A_16 : memref<128x128xf32, #tpu.memory_space<vmem>>) offsets(%dma_start3A_18 : memref<128xi32, #tpu.memory_space<vmem>>) semaphore(%arg13 : memref<!tpu.dma_semaphore, #tpu.memory_space<semaphore_mem>>)
    %scan3A = arith.constant 0 : i32
    %scan3A_22 = arith.constant 0 : i32
    %scan3A_23 = arith.constant 64 : i32
    %scan3A_24 = arith.addi %scan3A_22, %scan3A_23 : i32
    %scan3A_25 = arith.constant 1 : i32
    %scan3A_26 = scf.for %scan3A_28 = %scan3A_22 to %scan3A_24 step %scan3A_25 iter_args(%scan3A_29 = %scan3A) -> (i32)  : i32 {
      %jit3A = arith.constant 2 : i32
      %eq3A = arith.constant 0 : i32
      %eq3A_30 = arith.cmpi eq, %jit3A, %eq3A : i32
      %jit3A_31 = arith.constant 1 : i32
      %select_n3A = arith.select %eq3A_30, %jit3A_31, %jit3A : i32
      %rem3A = arith.remsi %scan3A_28, %select_n3A : i32
      %ne3A = arith.constant 0 : i32
      %ne3A_32 = arith.cmpi ne, %rem3A, %ne3A : i32
      %lt3A = arith.constant 0 : i32
      %lt3A_33 = arith.cmpi slt, %rem3A, %lt3A : i32
      %lt3A_34 = arith.constant 0 : i32
      %lt3A_35 = arith.cmpi slt, %select_n3A, %lt3A_34 : i32
      %ne3A_36 = arith.xori %lt3A_33, %lt3A_35 : i1
      %and3A = arith.andi %ne3A_36, %ne3A_32 : i1
      %add3A_37 = arith.addi %rem3A, %select_n3A : i32
      %select_n3A_38 = arith.select %and3A, %add3A_37, %rem3A : i32
      %mul3A_39 = arith.constant 128 : i32
      %mul3A_40 = arith.muli %scan3A_28, %mul3A_39 : i32
      %add3A_41 = arith.addi %mul3A_2, %mul3A_40 : i32
      %multiple_of3A = tpu.assume_multiple %add3A_41, 128 : i32
      %dma_wait3A = arith.constant 0 : i32
      %dma_wait3A_42 = arith.constant 0 : i32
      %dma_wait3A_43 = tpu.memref_slice %arg10[%select_n3A_38, %dma_wait3A, %dma_wait3A_42] : memref<2x128x128xf32, #tpu.memory_space<vmem>> -> memref<1x128x128xf32, #tpu.memory_space<vmem>>
      %dma_wait3A_44 = tpu.memref_squeeze %dma_wait3A_43 : memref<1x128x128xf32, #tpu.memory_space<vmem>> -> memref<128x128xf32, #tpu.memory_space<vmem>>
      %dma_wait3A_45 = arith.constant 0 : i32
      %dma_wait3A_46 = arith.constant 0 : i32
      %dma_wait3A_47 = tpu.memref_slice %arg4[%dma_wait3A_45, %dma_wait3A_46] : memref<10000x128xf32, #tpu.memory_space<hbm>> -> memref<128x128xf32, #tpu.memory_space<hbm>>
      %dma_wait3A_48 = arith.constant 0 : i32
      %dma_wait3A_49 = arith.constant 0 : i32
      %dma_wait3A_50 = tpu.memref_slice %arg10[%select_n3A_38, %dma_wait3A_48, %dma_wait3A_49] : memref<2x128x128xf32, #tpu.memory_space<vmem>> -> memref<1x128x128xf32, #tpu.memory_space<vmem>>
      %dma_wait3A_51 = tpu.memref_squeeze %dma_wait3A_50 : memref<1x128x128xf32, #tpu.memory_space<vmem>> -> memref<128x128xf32, #tpu.memory_space<vmem>>
      %dma_wait3A_52 = arith.constant 0 : i32
      %dma_wait3A_53 = arith.constant 0 : i32
      %dma_wait3A_54 = tpu.memref_slice %arg4[%dma_wait3A_52, %dma_wait3A_53] : memref<10000x128xf32, #tpu.memory_space<hbm>> -> memref<128x128xf32, #tpu.memory_space<hbm>>
      tpu.wait_dma2 semaphore(%arg12 : memref<!tpu.dma_semaphore, #tpu.memory_space<semaphore_mem>>) src(%dma_wait3A_54 : memref<128x128xf32, #tpu.memory_space<hbm>>) dst(%dma_wait3A_51 : memref<128x128xf32, #tpu.memory_space<vmem>>)
      %dma_wait3A_55 = arith.constant 0 : i32
      %dma_wait3A_56 = arith.constant 0 : i32
      %dma_wait3A_57 = tpu.memref_slice %arg11[%select_n3A_38, %dma_wait3A_55, %dma_wait3A_56] : memref<2x128x128xf32, #tpu.memory_space<vmem>> -> memref<1x128x128xf32, #tpu.memory_space<vmem>>
      %dma_wait3A_58 = tpu.memref_squeeze %dma_wait3A_57 : memref<1x128x128xf32, #tpu.memory_space<vmem>> -> memref<128x128xf32, #tpu.memory_space<vmem>>
      %dma_wait3A_59 = arith.constant 0 : i32
      %dma_wait3A_60 = arith.constant 0 : i32
      %dma_wait3A_61 = tpu.memref_slice %arg5[%dma_wait3A_59, %dma_wait3A_60] : memref<10000x128xf32, #tpu.memory_space<hbm>> -> memref<128x128xf32, #tpu.memory_space<hbm>>
      %dma_wait3A_62 = arith.constant 0 : i32
      %dma_wait3A_63 = arith.constant 0 : i32
      %dma_wait3A_64 = tpu.memref_slice %arg11[%select_n3A_38, %dma_wait3A_62, %dma_wait3A_63] : memref<2x128x128xf32, #tpu.memory_space<vmem>> -> memref<1x128x128xf32, #tpu.memory_space<vmem>>
      %dma_wait3A_65 = tpu.memref_squeeze %dma_wait3A_64 : memref<1x128x128xf32, #tpu.memory_space<vmem>> -> memref<128x128xf32, #tpu.memory_space<vmem>>
      %dma_wait3A_66 = arith.constant 0 : i32
      %dma_wait3A_67 = arith.constant 0 : i32
      %dma_wait3A_68 = tpu.memref_slice %arg5[%dma_wait3A_66, %dma_wait3A_67] : memref<10000x128xf32, #tpu.memory_space<hbm>> -> memref<128x128xf32, #tpu.memory_space<hbm>>
      tpu.wait_dma2 semaphore(%arg13 : memref<!tpu.dma_semaphore, #tpu.memory_space<semaphore_mem>>) src(%dma_wait3A_68 : memref<128x128xf32, #tpu.memory_space<hbm>>) dst(%dma_wait3A_65 : memref<128x128xf32, #tpu.memory_space<vmem>>)
      %add3A_69 = arith.constant 1 : i32
      %add3A_70 = arith.addi %scan3A_28, %add3A_69 : i32
      %lt3A_71 = arith.constant 64 : i32
      %lt3A_72 = arith.cmpi slt, %add3A_70, %lt3A_71 : i32
      %convert_element_type3A = arith.extui %lt3A_72 : i1 to i32
      %cond3A = arith.constant 0 : i32
      %cond3A_73 = arith.cmpi ne, %convert_element_type3A, %cond3A : i32
      scf.if %cond3A_73 {
        %add3A_75 = arith.constant 1 : i32
        %add3A_76 = arith.addi %scan3A_28, %add3A_75 : i32
        %sub3A = arith.constant 1 : i32
        %sub3A_77 = arith.subi %sub3A, %select_n3A_38 : i32
        %mul3A_78 = arith.constant 128 : i32
        %mul3A_79 = arith.muli %add3A_76, %mul3A_78 : i32
        %dma_start3A_80 = arith.constant 0 : i32
        %dma_start3A_81 = arith.constant 0 : i32
        %dma_start3A_82 = tpu.memref_slice %arg10[%sub3A_77, %dma_start3A_80, %dma_start3A_81] : memref<2x128x128xf32, #tpu.memory_space<vmem>> -> memref<1x128x128xf32, #tpu.memory_space<vmem>>
        %dma_start3A_83 = tpu.memref_squeeze %dma_start3A_82 : memref<1x128x128xf32, #tpu.memory_space<vmem>> -> memref<128x128xf32, #tpu.memory_space<vmem>>
        %dma_start3A_84 = tpu.memref_slice %arg8[%mul3A_79] : memref<8192xi32, #tpu.memory_space<vmem>> -> memref<128xi32, #tpu.memory_space<vmem>>
        %dma_start3A_85 = arith.constant 0 : i32
        %dma_start3A_86 = arith.constant 0 : i32
        %dma_start3A_87 = tpu.memref_slice %arg4[%dma_start3A_85, %dma_start3A_86] : memref<10000x128xf32, #tpu.memory_space<hbm>> -> memref<10000x128xf32, #tpu.memory_space<hbm>>
        tpu.enqueue_indirect_dma source(%dma_start3A_87 : memref<10000x128xf32, #tpu.memory_space<hbm>>) target(%dma_start3A_83 : memref<128x128xf32, #tpu.memory_space<vmem>>) offsets(%dma_start3A_84 : memref<128xi32, #tpu.memory_space<vmem>>) semaphore(%arg12 : memref<!tpu.dma_semaphore, #tpu.memory_space<semaphore_mem>>)
        %mul3A_88 = arith.constant 128 : i32
        %mul3A_89 = arith.muli %add3A_76, %mul3A_88 : i32
        %dma_start3A_90 = arith.constant 0 : i32
        %dma_start3A_91 = arith.constant 0 : i32
        %dma_start3A_92 = tpu.memref_slice %arg11[%sub3A_77, %dma_start3A_90, %dma_start3A_91] : memref<2x128x128xf32, #tpu.memory_space<vmem>> -> memref<1x128x128xf32, #tpu.memory_space<vmem>>
        %dma_start3A_93 = tpu.memref_squeeze %dma_start3A_92 : memref<1x128x128xf32, #tpu.memory_space<vmem>> -> memref<128x128xf32, #tpu.memory_space<vmem>>
        %dma_start3A_94 = tpu.memref_slice %arg9[%mul3A_89] : memref<8192xi32, #tpu.memory_space<vmem>> -> memref<128xi32, #tpu.memory_space<vmem>>
        %dma_start3A_95 = arith.constant 0 : i32
        %dma_start3A_96 = arith.constant 0 : i32
        %dma_start3A_97 = tpu.memref_slice %arg5[%dma_start3A_95, %dma_start3A_96] : memref<10000x128xf32, #tpu.memory_space<hbm>> -> memref<10000x128xf32, #tpu.memory_space<hbm>>
        tpu.enqueue_indirect_dma source(%dma_start3A_97 : memref<10000x128xf32, #tpu.memory_space<hbm>>) target(%dma_start3A_93 : memref<128x128xf32, #tpu.memory_space<vmem>>) offsets(%dma_start3A_94 : memref<128xi32, #tpu.memory_space<vmem>>) semaphore(%arg13 : memref<!tpu.dma_semaphore, #tpu.memory_space<semaphore_mem>>)
      } else {
      }
      "tpu.region"() ({
        %run_scoped3A = tpu.sem_alloc : memref<!tpu.dma_semaphore, #tpu.memory_space<semaphore_mem>>
        %dma_start3A_75 = arith.constant 0 : i32
        %dma_start3A_76 = arith.constant 0 : i32
        %dma_start3A_77 = tpu.memref_slice %arg10[%select_n3A_38, %dma_start3A_75, %dma_start3A_76] : memref<2x128x128xf32, #tpu.memory_space<vmem>> -> memref<1x128x128xf32, #tpu.memory_space<vmem>>
        %dma_start3A_78 = tpu.memref_squeeze %dma_start3A_77 : memref<1x128x128xf32, #tpu.memory_space<vmem>> -> memref<128x128xf32, #tpu.memory_space<vmem>>
        %dma_start3A_79 = arith.constant 0 : i32
        %dma_start3A_80 = tpu.memref_slice %arg6[%multiple_of3A, %dma_start3A_79] : memref<262144x128xf32, #tpu.memory_space<hbm>> -> memref<128x128xf32, #tpu.memory_space<hbm>>
        %dma_start3A_81 = arith.constant 0 : i32
        %dma_start3A_82 = tpu.memref_slice %arg6[%multiple_of3A, %dma_start3A_81] : memref<262144x128xf32, #tpu.memory_space<hbm>> -> memref<128x128xf32, #tpu.memory_space<hbm>>
        %dma_start3A_83 = arith.constant 0 : i32
        %dma_start3A_84 = arith.constant 0 : i32
        %dma_start3A_85 = tpu.memref_slice %arg10[%select_n3A_38, %dma_start3A_83, %dma_start3A_84] : memref<2x128x128xf32, #tpu.memory_space<vmem>> -> memref<1x128x128xf32, #tpu.memory_space<vmem>>
        %dma_start3A_86 = tpu.memref_squeeze %dma_start3A_85 : memref<1x128x128xf32, #tpu.memory_space<vmem>> -> memref<128x128xf32, #tpu.memory_space<vmem>>
        tpu.enqueue_dma source(%dma_start3A_86 : memref<128x128xf32, #tpu.memory_space<vmem>>) target(%dma_start3A_82 : memref<128x128xf32, #tpu.memory_space<hbm>>) target_semaphore(%run_scoped3A : memref<!tpu.dma_semaphore, #tpu.memory_space<semaphore_mem>>)
        %dma_wait3A_87 = arith.constant 0 : i32
        %dma_wait3A_88 = arith.constant 0 : i32
        %dma_wait3A_89 = tpu.memref_slice %arg10[%select_n3A_38, %dma_wait3A_87, %dma_wait3A_88] : memref<2x128x128xf32, #tpu.memory_space<vmem>> -> memref<1x128x128xf32, #tpu.memory_space<vmem>>
        %dma_wait3A_90 = tpu.memref_squeeze %dma_wait3A_89 : memref<1x128x128xf32, #tpu.memory_space<vmem>> -> memref<128x128xf32, #tpu.memory_space<vmem>>
        %dma_wait3A_91 = arith.constant 0 : i32
        %dma_wait3A_92 = tpu.memref_slice %arg6[%multiple_of3A, %dma_wait3A_91] : memref<262144x128xf32, #tpu.memory_space<hbm>> -> memref<128x128xf32, #tpu.memory_space<hbm>>
        %dma_wait3A_93 = arith.constant 0 : i32
        %dma_wait3A_94 = tpu.memref_slice %arg6[%multiple_of3A, %dma_wait3A_93] : memref<262144x128xf32, #tpu.memory_space<hbm>> -> memref<128x128xf32, #tpu.memory_space<hbm>>
        %dma_wait3A_95 = arith.constant 0 : i32
        %dma_wait3A_96 = arith.constant 0 : i32
        %dma_wait3A_97 = tpu.memref_slice %arg10[%select_n3A_38, %dma_wait3A_95, %dma_wait3A_96] : memref<2x128x128xf32, #tpu.memory_space<vmem>> -> memref<1x128x128xf32, #tpu.memory_space<vmem>>
        %dma_wait3A_98 = tpu.memref_squeeze %dma_wait3A_97 : memref<1x128x128xf32, #tpu.memory_space<vmem>> -> memref<128x128xf32, #tpu.memory_space<vmem>>
        tpu.wait_dma2 semaphore(%run_scoped3A : memref<!tpu.dma_semaphore, #tpu.memory_space<semaphore_mem>>) src(%dma_wait3A_98 : memref<128x128xf32, #tpu.memory_space<vmem>>) dst(%dma_wait3A_94 : memref<128x128xf32, #tpu.memory_space<hbm>>)
        tpu.yield
      }) : () -> ()
      "tpu.region"() ({
        %run_scoped3A = tpu.sem_alloc : memref<!tpu.dma_semaphore, #tpu.memory_space<semaphore_mem>>
        %dma_start3A_75 = arith.constant 0 : i32
        %dma_start3A_76 = arith.constant 0 : i32
        %dma_start3A_77 = tpu.memref_slice %arg11[%select_n3A_38, %dma_start3A_75, %dma_start3A_76] : memref<2x128x128xf32, #tpu.memory_space<vmem>> -> memref<1x128x128xf32, #tpu.memory_space<vmem>>
        %dma_start3A_78 = tpu.memref_squeeze %dma_start3A_77 : memref<1x128x128xf32, #tpu.memory_space<vmem>> -> memref<128x128xf32, #tpu.memory_space<vmem>>
        %dma_start3A_79 = arith.constant 0 : i32
        %dma_start3A_80 = tpu.memref_slice %arg7[%multiple_of3A, %dma_start3A_79] : memref<262144x128xf32, #tpu.memory_space<hbm>> -> memref<128x128xf32, #tpu.memory_space<hbm>>
        %dma_start3A_81 = arith.constant 0 : i32
        %dma_start3A_82 = tpu.memref_slice %arg7[%multiple_of3A, %dma_start3A_81] : memref<262144x128xf32, #tpu.memory_space<hbm>> -> memref<128x128xf32, #tpu.memory_space<hbm>>
        %dma_start3A_83 = arith.constant 0 : i32
        %dma_start3A_84 = arith.constant 0 : i32
        %dma_start3A_85 = tpu.memref_slice %arg11[%select_n3A_38, %dma_start3A_83, %dma_start3A_84] : memref<2x128x128xf32, #tpu.memory_space<vmem>> -> memref<1x128x128xf32, #tpu.memory_space<vmem>>
        %dma_start3A_86 = tpu.memref_squeeze %dma_start3A_85 : memref<1x128x128xf32, #tpu.memory_space<vmem>> -> memref<128x128xf32, #tpu.memory_space<vmem>>
        tpu.enqueue_dma source(%dma_start3A_86 : memref<128x128xf32, #tpu.memory_space<vmem>>) target(%dma_start3A_82 : memref<128x128xf32, #tpu.memory_space<hbm>>) target_semaphore(%run_scoped3A : memref<!tpu.dma_semaphore, #tpu.memory_space<semaphore_mem>>)
        %dma_wait3A_87 = arith.constant 0 : i32
        %dma_wait3A_88 = arith.constant 0 : i32
        %dma_wait3A_89 = tpu.memref_slice %arg11[%select_n3A_38, %dma_wait3A_87, %dma_wait3A_88] : memref<2x128x128xf32, #tpu.memory_space<vmem>> -> memref<1x128x128xf32, #tpu.memory_space<vmem>>
        %dma_wait3A_90 = tpu.memref_squeeze %dma_wait3A_89 : memref<1x128x128xf32, #tpu.memory_space<vmem>> -> memref<128x128xf32, #tpu.memory_space<vmem>>
        %dma_wait3A_91 = arith.constant 0 : i32
        %dma_wait3A_92 = tpu.memref_slice %arg7[%multiple_of3A, %dma_wait3A_91] : memref<262144x128xf32, #tpu.memory_space<hbm>> -> memref<128x128xf32, #tpu.memory_space<hbm>>
        %dma_wait3A_93 = arith.constant 0 : i32
        %dma_wait3A_94 = tpu.memref_slice %arg7[%multiple_of3A, %dma_wait3A_93] : memref<262144x128xf32, #tpu.memory_space<hbm>> -> memref<128x128xf32, #tpu.memory_space<hbm>>
        %dma_wait3A_95 = arith.constant 0 : i32
        %dma_wait3A_96 = arith.constant 0 : i32
        %dma_wait3A_97 = tpu.memref_slice %arg11[%select_n3A_38, %dma_wait3A_95, %dma_wait3A_96] : memref<2x128x128xf32, #tpu.memory_space<vmem>> -> memref<1x128x128xf32, #tpu.memory_space<vmem>>
        %dma_wait3A_98 = tpu.memref_squeeze %dma_wait3A_97 : memref<1x128x128xf32, #tpu.memory_space<vmem>> -> memref<128x128xf32, #tpu.memory_space<vmem>>
        tpu.wait_dma2 semaphore(%run_scoped3A : memref<!tpu.dma_semaphore, #tpu.memory_space<semaphore_mem>>) src(%dma_wait3A_98 : memref<128x128xf32, #tpu.memory_space<vmem>>) dst(%dma_wait3A_94 : memref<128x128xf32, #tpu.memory_space<hbm>>)
        tpu.yield
      }) : () -> ()
      %scan3A_74 = arith.constant 0 : i32
      scf.yield %scan3A_74 : i32
    }
    %scan3A_27 = arith.constant 64 : i32
    return
  }
}

#map = affine_map<(d0, d1) -> (0)>
#map1 = affine_map<(d0, d1) -> (0, 0)>
module attributes {stable_mosaic.version = 14 : i64} {
  func.func @_gather_kernel(%arg0: i32, %arg1: i32, %arg2: memref<262144xi32, #tpu.memory_space<hbm>>, %arg3: memref<262144xi32, #tpu.memory_space<hbm>>, %arg4: memref<10000x128xf32, #tpu.memory_space<hbm>>, %arg5: memref<10000x128xf32, #tpu.memory_space<hbm>>, %arg6: memref<262144x128xf32, #tpu.memory_space<hbm>>, %arg7: memref<262144x128xf32, #tpu.memory_space<hbm>>, %arg8: memref<8192xi32, #tpu.memory_space<vmem>>, %arg9: memref<8192xi32, #tpu.memory_space<vmem>>, %arg10: memref<2x128x128xf32, #tpu.memory_space<vmem>>, %arg11: memref<2x128x128xf32, #tpu.memory_space<vmem>>, %arg12: memref<!tpu.dma_semaphore, #tpu.memory_space<semaphore_mem>>, %arg13: memref<!tpu.dma_semaphore, #tpu.memory_space<semaphore_mem>>) attributes {dimension_semantics = [#tpu.dimension_semantics<core_parallel>, #tpu.dimension_semantics<subcore_parallel>], iteration_bounds = array<i64: 2, 16>, scalar_prefetch = 0 : i64, scratch_operands = 6 : i64, tpu.core_type = #tpu.core_type<sc_vector_subcore>, window_params = [{transform_indices = #map}, {transform_indices = #map}, {transform_indices = #map1}, {transform_indices = #map1}, {transform_indices = #map1}, {transform_indices = #map1}]} {
    %mul3A = arith.constant 2 : i32
    %mul3A_0 = arith.muli %arg1, %mul3A : i32
    %add3A = arith.addi %mul3A_0, %arg0 : i32
    %mul3A_1 = arith.constant 8192 : i32
    %mul3A_2 = arith.muli %add3A, %mul3A_1 : i32
    "tpu.region"() ({
      %run_scoped3A = tpu.sem_alloc : memref<!tpu.dma_semaphore, #tpu.memory_space<semaphore_mem>>
      %dma_start3A_28 = tpu.memref_slice %arg2[%mul3A_2] : memref<262144xi32, #tpu.memory_space<hbm>> -> memref<8192xi32, #tpu.memory_space<hbm>>
      %dma_start3A_29 = tpu.memref_slice %arg2[%mul3A_2] : memref<262144xi32, #tpu.memory_space<hbm>> -> memref<8192xi32, #tpu.memory_space<hbm>>
      tpu.enqueue_dma source(%dma_start3A_29 : memref<8192xi32, #tpu.memory_space<hbm>>) target(%arg8 : memref<8192xi32, #tpu.memory_space<vmem>>) target_semaphore(%run_scoped3A : memref<!tpu.dma_semaphore, #tpu.memory_space<semaphore_mem>>)
      %dma_wait3A = tpu.memref_slice %arg2[%mul3A_2] : memref<262144xi32, #tpu.memory_space<hbm>> -> memref<8192xi32, #tpu.memory_space<hbm>>
      %dma_wait3A_30 = tpu.memref_slice %arg2[%mul3A_2] : memref<262144xi32, #tpu.memory_space<hbm>> -> memref<8192xi32, #tpu.memory_space<hbm>>
      tpu.wait_dma2 semaphore(%run_scoped3A : memref<!tpu.dma_semaphore, #tpu.memory_space<semaphore_mem>>) src(%dma_wait3A_30 : memref<8192xi32, #tpu.memory_space<hbm>>) dst(%arg8 : memref<8192xi32, #tpu.memory_space<vmem>>)
      tpu.yield
    }) : () -> ()
    "tpu.region"() ({
      %run_scoped3A = tpu.sem_alloc : memref<!tpu.dma_semaphore, #tpu.memory_space<semaphore_mem>>
      %dma_start3A_28 = tpu.memref_slice %arg3[%mul3A_2] : memref<262144xi32, #tpu.memory_space<hbm>> -> memref<8192xi32, #tpu.memory_space<hbm>>
      %dma_start3A_29 = tpu.memref_slice %arg3[%mul3A_2] : memref<262144xi32, #tpu.memory_space<hbm>> -> memref<8192xi32, #tpu.memory_space<hbm>>
      tpu.enqueue_dma source(%dma_start3A_29 : memref<8192xi32, #tpu.memory_space<hbm>>) target(%arg9 : memref<8192xi32, #tpu.memory_space<vmem>>) target_semaphore(%run_scoped3A : memref<!tpu.dma_semaphore, #tpu.memory_space<semaphore_mem>>)
      %dma_wait3A = tpu.memref_slice %arg3[%mul3A_2] : memref<262144xi32, #tpu.memory_space<hbm>> -> memref<8192xi32, #tpu.memory_space<hbm>>
      %dma_wait3A_30 = tpu.memref_slice %arg3[%mul3A_2] : memref<262144xi32, #tpu.memory_space<hbm>> -> memref<8192xi32, #tpu.memory_space<hbm>>
      tpu.wait_dma2 semaphore(%run_scoped3A : memref<!tpu.dma_semaphore, #tpu.memory_space<semaphore_mem>>) src(%dma_wait3A_30 : memref<8192xi32, #tpu.memory_space<hbm>>) dst(%arg9 : memref<8192xi32, #tpu.memory_space<vmem>>)
      tpu.yield
    }) : () -> ()
    %dma_start3A = arith.constant 0 : i32
    %dma_start3A_3 = arith.constant 0 : i32
    %dma_start3A_4 = arith.constant 0 : i32
    %dma_start3A_5 = tpu.memref_slice %arg10[%dma_start3A, %dma_start3A_3, %dma_start3A_4] : memref<2x128x128xf32, #tpu.memory_space<vmem>> -> memref<1x128x128xf32, #tpu.memory_space<vmem>>
    %dma_start3A_6 = tpu.memref_squeeze %dma_start3A_5 : memref<1x128x128xf32, #tpu.memory_space<vmem>> -> memref<128x128xf32, #tpu.memory_space<vmem>>
    %dma_start3A_7 = arith.constant 0 : i32
    %dma_start3A_8 = tpu.memref_slice %arg8[%dma_start3A_7] : memref<8192xi32, #tpu.memory_space<vmem>> -> memref<128xi32, #tpu.memory_space<vmem>>
    %dma_start3A_9 = arith.constant 0 : i32
    %dma_start3A_10 = arith.constant 0 : i32
    %dma_start3A_11 = tpu.memref_slice %arg4[%dma_start3A_9, %dma_start3A_10] : memref<10000x128xf32, #tpu.memory_space<hbm>> -> memref<10000x128xf32, #tpu.memory_space<hbm>>
    tpu.enqueue_indirect_dma source(%dma_start3A_11 : memref<10000x128xf32, #tpu.memory_space<hbm>>) target(%dma_start3A_6 : memref<128x128xf32, #tpu.memory_space<vmem>>) offsets(%dma_start3A_8 : memref<128xi32, #tpu.memory_space<vmem>>) semaphore(%arg12 : memref<!tpu.dma_semaphore, #tpu.memory_space<semaphore_mem>>)
    %dma_start3A_12 = arith.constant 0 : i32
    %dma_start3A_13 = arith.constant 0 : i32
    %dma_start3A_14 = arith.constant 0 : i32
    %dma_start3A_15 = tpu.memref_slice %arg11[%dma_start3A_12, %dma_start3A_13, %dma_start3A_14] : memref<2x128x128xf32, #tpu.memory_space<vmem>> -> memref<1x128x128xf32, #tpu.memory_space<vmem>>
    %dma_start3A_16 = tpu.memref_squeeze %dma_start3A_15 : memref<1x128x128xf32, #tpu.memory_space<vmem>> -> memref<128x128xf32, #tpu.memory_space<vmem>>
    %dma_start3A_17 = arith.constant 0 : i32
    %dma_start3A_18 = tpu.memref_slice %arg9[%dma_start3A_17] : memref<8192xi32, #tpu.memory_space<vmem>> -> memref<128xi32, #tpu.memory_space<vmem>>
    %dma_start3A_19 = arith.constant 0 : i32
    %dma_start3A_20 = arith.constant 0 : i32
    %dma_start3A_21 = tpu.memref_slice %arg5[%dma_start3A_19, %dma_start3A_20] : memref<10000x128xf32, #tpu.memory_space<hbm>> -> memref<10000x128xf32, #tpu.memory_space<hbm>>
    tpu.enqueue_indirect_dma source(%dma_start3A_21 : memref<10000x128xf32, #tpu.memory_space<hbm>>) target(%dma_start3A_16 : memref<128x128xf32, #tpu.memory_space<vmem>>) offsets(%dma_start3A_18 : memref<128xi32, #tpu.memory_space<vmem>>) semaphore(%arg13 : memref<!tpu.dma_semaphore, #tpu.memory_space<semaphore_mem>>)
    %scan3A = arith.constant 0 : i32
    %scan3A_22 = arith.constant 0 : i32
    %scan3A_23 = arith.constant 64 : i32
    %scan3A_24 = arith.addi %scan3A_22, %scan3A_23 : i32
    %scan3A_25 = arith.constant 1 : i32
    %scan3A_26 = scf.for %scan3A_28 = %scan3A_22 to %scan3A_24 step %scan3A_25 iter_args(%scan3A_29 = %scan3A) -> (i32)  : i32 {
      %jit3A = arith.constant 2 : i32
      %eq3A = arith.constant 0 : i32
      %eq3A_30 = arith.cmpi eq, %jit3A, %eq3A : i32
      %jit3A_31 = arith.constant 1 : i32
      %select_n3A = arith.select %eq3A_30, %jit3A_31, %jit3A : i32
      %rem3A = arith.remsi %scan3A_28, %select_n3A : i32
      %ne3A = arith.constant 0 : i32
      %ne3A_32 = arith.cmpi ne, %rem3A, %ne3A : i32
      %lt3A = arith.constant 0 : i32
      %lt3A_33 = arith.cmpi slt, %rem3A, %lt3A : i32
      %lt3A_34 = arith.constant 0 : i32
      %lt3A_35 = arith.cmpi slt, %select_n3A, %lt3A_34 : i32
      %ne3A_36 = arith.xori %lt3A_33, %lt3A_35 : i1
      %and3A = arith.andi %ne3A_36, %ne3A_32 : i1
      %add3A_37 = arith.addi %rem3A, %select_n3A : i32
      %select_n3A_38 = arith.select %and3A, %add3A_37, %rem3A : i32
      %mul3A_39 = arith.constant 128 : i32
      %mul3A_40 = arith.muli %scan3A_28, %mul3A_39 : i32
      %add3A_41 = arith.addi %mul3A_2, %mul3A_40 : i32
      %multiple_of3A = tpu.assume_multiple %add3A_41, 128 : i32
      %dma_wait3A = arith.constant 0 : i32
      %dma_wait3A_42 = arith.constant 0 : i32
      %dma_wait3A_43 = tpu.memref_slice %arg10[%select_n3A_38, %dma_wait3A, %dma_wait3A_42] : memref<2x128x128xf32, #tpu.memory_space<vmem>> -> memref<1x128x128xf32, #tpu.memory_space<vmem>>
      %dma_wait3A_44 = tpu.memref_squeeze %dma_wait3A_43 : memref<1x128x128xf32, #tpu.memory_space<vmem>> -> memref<128x128xf32, #tpu.memory_space<vmem>>
      %dma_wait3A_45 = arith.constant 0 : i32
      %dma_wait3A_46 = arith.constant 0 : i32
      %dma_wait3A_47 = tpu.memref_slice %arg4[%dma_wait3A_45, %dma_wait3A_46] : memref<10000x128xf32, #tpu.memory_space<hbm>> -> memref<128x128xf32, #tpu.memory_space<hbm>>
      %dma_wait3A_48 = arith.constant 0 : i32
      %dma_wait3A_49 = arith.constant 0 : i32
      %dma_wait3A_50 = tpu.memref_slice %arg10[%select_n3A_38, %dma_wait3A_48, %dma_wait3A_49] : memref<2x128x128xf32, #tpu.memory_space<vmem>> -> memref<1x128x128xf32, #tpu.memory_space<vmem>>
      %dma_wait3A_51 = tpu.memref_squeeze %dma_wait3A_50 : memref<1x128x128xf32, #tpu.memory_space<vmem>> -> memref<128x128xf32, #tpu.memory_space<vmem>>
      %dma_wait3A_52 = arith.constant 0 : i32
      %dma_wait3A_53 = arith.constant 0 : i32
      %dma_wait3A_54 = tpu.memref_slice %arg4[%dma_wait3A_52, %dma_wait3A_53] : memref<10000x128xf32, #tpu.memory_space<hbm>> -> memref<128x128xf32, #tpu.memory_space<hbm>>
      tpu.wait_dma2 semaphore(%arg12 : memref<!tpu.dma_semaphore, #tpu.memory_space<semaphore_mem>>) src(%dma_wait3A_54 : memref<128x128xf32, #tpu.memory_space<hbm>>) dst(%dma_wait3A_51 : memref<128x128xf32, #tpu.memory_space<vmem>>)
      %dma_wait3A_55 = arith.constant 0 : i32
      %dma_wait3A_56 = arith.constant 0 : i32
      %dma_wait3A_57 = tpu.memref_slice %arg11[%select_n3A_38, %dma_wait3A_55, %dma_wait3A_56] : memref<2x128x128xf32, #tpu.memory_space<vmem>> -> memref<1x128x128xf32, #tpu.memory_space<vmem>>
      %dma_wait3A_58 = tpu.memref_squeeze %dma_wait3A_57 : memref<1x128x128xf32, #tpu.memory_space<vmem>> -> memref<128x128xf32, #tpu.memory_space<vmem>>
      %dma_wait3A_59 = arith.constant 0 : i32
      %dma_wait3A_60 = arith.constant 0 : i32
      %dma_wait3A_61 = tpu.memref_slice %arg5[%dma_wait3A_59, %dma_wait3A_60] : memref<10000x128xf32, #tpu.memory_space<hbm>> -> memref<128x128xf32, #tpu.memory_space<hbm>>
      %dma_wait3A_62 = arith.constant 0 : i32
      %dma_wait3A_63 = arith.constant 0 : i32
      %dma_wait3A_64 = tpu.memref_slice %arg11[%select_n3A_38, %dma_wait3A_62, %dma_wait3A_63] : memref<2x128x128xf32, #tpu.memory_space<vmem>> -> memref<1x128x128xf32, #tpu.memory_space<vmem>>
      %dma_wait3A_65 = tpu.memref_squeeze %dma_wait3A_64 : memref<1x128x128xf32, #tpu.memory_space<vmem>> -> memref<128x128xf32, #tpu.memory_space<vmem>>
      %dma_wait3A_66 = arith.constant 0 : i32
      %dma_wait3A_67 = arith.constant 0 : i32
      %dma_wait3A_68 = tpu.memref_slice %arg5[%dma_wait3A_66, %dma_wait3A_67] : memref<10000x128xf32, #tpu.memory_space<hbm>> -> memref<128x128xf32, #tpu.memory_space<hbm>>
      tpu.wait_dma2 semaphore(%arg13 : memref<!tpu.dma_semaphore, #tpu.memory_space<semaphore_mem>>) src(%dma_wait3A_68 : memref<128x128xf32, #tpu.memory_space<hbm>>) dst(%dma_wait3A_65 : memref<128x128xf32, #tpu.memory_space<vmem>>)
      %add3A_69 = arith.constant 1 : i32
      %add3A_70 = arith.addi %scan3A_28, %add3A_69 : i32
      %lt3A_71 = arith.constant 64 : i32
      %lt3A_72 = arith.cmpi slt, %add3A_70, %lt3A_71 : i32
      %convert_element_type3A = arith.extui %lt3A_72 : i1 to i32
      %cond3A = arith.constant 0 : i32
      %cond3A_73 = arith.cmpi ne, %convert_element_type3A, %cond3A : i32
      scf.if %cond3A_73 {
        %add3A_75 = arith.constant 1 : i32
        %add3A_76 = arith.addi %scan3A_28, %add3A_75 : i32
        %sub3A = arith.constant 1 : i32
        %sub3A_77 = arith.subi %sub3A, %select_n3A_38 : i32
        %mul3A_78 = arith.constant 128 : i32
        %mul3A_79 = arith.muli %add3A_76, %mul3A_78 : i32
        %dma_start3A_80 = arith.constant 0 : i32
        %dma_start3A_81 = arith.constant 0 : i32
        %dma_start3A_82 = tpu.memref_slice %arg10[%sub3A_77, %dma_start3A_80, %dma_start3A_81] : memref<2x128x128xf32, #tpu.memory_space<vmem>> -> memref<1x128x128xf32, #tpu.memory_space<vmem>>
        %dma_start3A_83 = tpu.memref_squeeze %dma_start3A_82 : memref<1x128x128xf32, #tpu.memory_space<vmem>> -> memref<128x128xf32, #tpu.memory_space<vmem>>
        %dma_start3A_84 = tpu.memref_slice %arg8[%mul3A_79] : memref<8192xi32, #tpu.memory_space<vmem>> -> memref<128xi32, #tpu.memory_space<vmem>>
        %dma_start3A_85 = arith.constant 0 : i32
        %dma_start3A_86 = arith.constant 0 : i32
        %dma_start3A_87 = tpu.memref_slice %arg4[%dma_start3A_85, %dma_start3A_86] : memref<10000x128xf32, #tpu.memory_space<hbm>> -> memref<10000x128xf32, #tpu.memory_space<hbm>>
        tpu.enqueue_indirect_dma source(%dma_start3A_87 : memref<10000x128xf32, #tpu.memory_space<hbm>>) target(%dma_start3A_83 : memref<128x128xf32, #tpu.memory_space<vmem>>) offsets(%dma_start3A_84 : memref<128xi32, #tpu.memory_space<vmem>>) semaphore(%arg12 : memref<!tpu.dma_semaphore, #tpu.memory_space<semaphore_mem>>)
        %mul3A_88 = arith.constant 128 : i32
        %mul3A_89 = arith.muli %add3A_76, %mul3A_88 : i32
        %dma_start3A_90 = arith.constant 0 : i32
        %dma_start3A_91 = arith.constant 0 : i32
        %dma_start3A_92 = tpu.memref_slice %arg11[%sub3A_77, %dma_start3A_90, %dma_start3A_91] : memref<2x128x128xf32, #tpu.memory_space<vmem>> -> memref<1x128x128xf32, #tpu.memory_space<vmem>>
        %dma_start3A_93 = tpu.memref_squeeze %dma_start3A_92 : memref<1x128x128xf32, #tpu.memory_space<vmem>> -> memref<128x128xf32, #tpu.memory_space<vmem>>
        %dma_start3A_94 = tpu.memref_slice %arg9[%mul3A_89] : memref<8192xi32, #tpu.memory_space<vmem>> -> memref<128xi32, #tpu.memory_space<vmem>>
        %dma_start3A_95 = arith.constant 0 : i32
        %dma_start3A_96 = arith.constant 0 : i32
        %dma_start3A_97 = tpu.memref_slice %arg5[%dma_start3A_95, %dma_start3A_96] : memref<10000x128xf32, #tpu.memory_space<hbm>> -> memref<10000x128xf32, #tpu.memory_space<hbm>>
        tpu.enqueue_indirect_dma source(%dma_start3A_97 : memref<10000x128xf32, #tpu.memory_space<hbm>>) target(%dma_start3A_93 : memref<128x128xf32, #tpu.memory_space<vmem>>) offsets(%dma_start3A_94 : memref<128xi32, #tpu.memory_space<vmem>>) semaphore(%arg13 : memref<!tpu.dma_semaphore, #tpu.memory_space<semaphore_mem>>)
      } else {
      }
      "tpu.region"() ({
        %run_scoped3A = tpu.sem_alloc : memref<!tpu.dma_semaphore, #tpu.memory_space<semaphore_mem>>
        %dma_start3A_75 = arith.constant 0 : i32
        %dma_start3A_76 = arith.constant 0 : i32
        %dma_start3A_77 = tpu.memref_slice %arg10[%select_n3A_38, %dma_start3A_75, %dma_start3A_76] : memref<2x128x128xf32, #tpu.memory_space<vmem>> -> memref<1x128x128xf32, #tpu.memory_space<vmem>>
        %dma_start3A_78 = tpu.memref_squeeze %dma_start3A_77 : memref<1x128x128xf32, #tpu.memory_space<vmem>> -> memref<128x128xf32, #tpu.memory_space<vmem>>
        %dma_start3A_79 = arith.constant 0 : i32
        %dma_start3A_80 = tpu.memref_slice %arg6[%multiple_of3A, %dma_start3A_79] : memref<262144x128xf32, #tpu.memory_space<hbm>> -> memref<128x128xf32, #tpu.memory_space<hbm>>
        %dma_start3A_81 = arith.constant 0 : i32
        %dma_start3A_82 = tpu.memref_slice %arg6[%multiple_of3A, %dma_start3A_81] : memref<262144x128xf32, #tpu.memory_space<hbm>> -> memref<128x128xf32, #tpu.memory_space<hbm>>
        %dma_start3A_83 = arith.constant 0 : i32
        %dma_start3A_84 = arith.constant 0 : i32
        %dma_start3A_85 = tpu.memref_slice %arg10[%select_n3A_38, %dma_start3A_83, %dma_start3A_84] : memref<2x128x128xf32, #tpu.memory_space<vmem>> -> memref<1x128x128xf32, #tpu.memory_space<vmem>>
        %dma_start3A_86 = tpu.memref_squeeze %dma_start3A_85 : memref<1x128x128xf32, #tpu.memory_space<vmem>> -> memref<128x128xf32, #tpu.memory_space<vmem>>
        tpu.enqueue_dma source(%dma_start3A_86 : memref<128x128xf32, #tpu.memory_space<vmem>>) target(%dma_start3A_82 : memref<128x128xf32, #tpu.memory_space<hbm>>) target_semaphore(%run_scoped3A : memref<!tpu.dma_semaphore, #tpu.memory_space<semaphore_mem>>)
        %dma_wait3A_87 = arith.constant 0 : i32
        %dma_wait3A_88 = arith.constant 0 : i32
        %dma_wait3A_89 = tpu.memref_slice %arg10[%select_n3A_38, %dma_wait3A_87, %dma_wait3A_88] : memref<2x128x128xf32, #tpu.memory_space<vmem>> -> memref<1x128x128xf32, #tpu.memory_space<vmem>>
        %dma_wait3A_90 = tpu.memref_squeeze %dma_wait3A_89 : memref<1x128x128xf32, #tpu.memory_space<vmem>> -> memref<128x128xf32, #tpu.memory_space<vmem>>
        %dma_wait3A_91 = arith.constant 0 : i32
        %dma_wait3A_92 = tpu.memref_slice %arg6[%multiple_of3A, %dma_wait3A_91] : memref<262144x128xf32, #tpu.memory_space<hbm>> -> memref<128x128xf32, #tpu.memory_space<hbm>>
        %dma_wait3A_93 = arith.constant 0 : i32
        %dma_wait3A_94 = tpu.memref_slice %arg6[%multiple_of3A, %dma_wait3A_93] : memref<262144x128xf32, #tpu.memory_space<hbm>> -> memref<128x128xf32, #tpu.memory_space<hbm>>
        %dma_wait3A_95 = arith.constant 0 : i32
        %dma_wait3A_96 = arith.constant 0 : i32
        %dma_wait3A_97 = tpu.memref_slice %arg10[%select_n3A_38, %dma_wait3A_95, %dma_wait3A_96] : memref<2x128x128xf32, #tpu.memory_space<vmem>> -> memref<1x128x128xf32, #tpu.memory_space<vmem>>
        %dma_wait3A_98 = tpu.memref_squeeze %dma_wait3A_97 : memref<1x128x128xf32, #tpu.memory_space<vmem>> -> memref<128x128xf32, #tpu.memory_space<vmem>>
        tpu.wait_dma2 semaphore(%run_scoped3A : memref<!tpu.dma_semaphore, #tpu.memory_space<semaphore_mem>>) src(%dma_wait3A_98 : memref<128x128xf32, #tpu.memory_space<vmem>>) dst(%dma_wait3A_94 : memref<128x128xf32, #tpu.memory_space<hbm>>)
        tpu.yield
      }) : () -> ()
      "tpu.region"() ({
        %run_scoped3A = tpu.sem_alloc : memref<!tpu.dma_semaphore, #tpu.memory_space<semaphore_mem>>
        %dma_start3A_75 = arith.constant 0 : i32
        %dma_start3A_76 = arith.constant 0 : i32
        %dma_start3A_77 = tpu.memref_slice %arg11[%select_n3A_38, %dma_start3A_75, %dma_start3A_76] : memref<2x128x128xf32, #tpu.memory_space<vmem>> -> memref<1x128x128xf32, #tpu.memory_space<vmem>>
        %dma_start3A_78 = tpu.memref_squeeze %dma_start3A_77 : memref<1x128x128xf32, #tpu.memory_space<vmem>> -> memref<128x128xf32, #tpu.memory_space<vmem>>
        %dma_start3A_79 = arith.constant 0 : i32
        %dma_start3A_80 = tpu.memref_slice %arg7[%multiple_of3A, %dma_start3A_79] : memref<262144x128xf32, #tpu.memory_space<hbm>> -> memref<128x128xf32, #tpu.memory_space<hbm>>
        %dma_start3A_81 = arith.constant 0 : i32
        %dma_start3A_82 = tpu.memref_slice %arg7[%multiple_of3A, %dma_start3A_81] : memref<262144x128xf32, #tpu.memory_space<hbm>> -> memref<128x128xf32, #tpu.memory_space<hbm>>
        %dma_start3A_83 = arith.constant 0 : i32
        %dma_start3A_84 = arith.constant 0 : i32
        %dma_start3A_85 = tpu.memref_slice %arg11[%select_n3A_38, %dma_start3A_83, %dma_start3A_84] : memref<2x128x128xf32, #tpu.memory_space<vmem>> -> memref<1x128x128xf32, #tpu.memory_space<vmem>>
        %dma_start3A_86 = tpu.memref_squeeze %dma_start3A_85 : memref<1x128x128xf32, #tpu.memory_space<vmem>> -> memref<128x128xf32, #tpu.memory_space<vmem>>
        tpu.enqueue_dma source(%dma_start3A_86 : memref<128x128xf32, #tpu.memory_space<vmem>>) target(%dma_start3A_82 : memref<128x128xf32, #tpu.memory_space<hbm>>) target_semaphore(%run_scoped3A : memref<!tpu.dma_semaphore, #tpu.memory_space<semaphore_mem>>)
        %dma_wait3A_87 = arith.constant 0 : i32
        %dma_wait3A_88 = arith.constant 0 : i32
        %dma_wait3A_89 = tpu.memref_slice %arg11[%select_n3A_38, %dma_wait3A_87, %dma_wait3A_88] : memref<2x128x128xf32, #tpu.memory_space<vmem>> -> memref<1x128x128xf32, #tpu.memory_space<vmem>>
        %dma_wait3A_90 = tpu.memref_squeeze %dma_wait3A_89 : memref<1x128x128xf32, #tpu.memory_space<vmem>> -> memref<128x128xf32, #tpu.memory_space<vmem>>
        %dma_wait3A_91 = arith.constant 0 : i32
        %dma_wait3A_92 = tpu.memref_slice %arg7[%multiple_of3A, %dma_wait3A_91] : memref<262144x128xf32, #tpu.memory_space<hbm>> -> memref<128x128xf32, #tpu.memory_space<hbm>>
        %dma_wait3A_93 = arith.constant 0 : i32
        %dma_wait3A_94 = tpu.memref_slice %arg7[%multiple_of3A, %dma_wait3A_93] : memref<262144x128xf32, #tpu.memory_space<hbm>> -> memref<128x128xf32, #tpu.memory_space<hbm>>
        %dma_wait3A_95 = arith.constant 0 : i32
        %dma_wait3A_96 = arith.constant 0 : i32
        %dma_wait3A_97 = tpu.memref_slice %arg11[%select_n3A_38, %dma_wait3A_95, %dma_wait3A_96] : memref<2x128x128xf32, #tpu.memory_space<vmem>> -> memref<1x128x128xf32, #tpu.memory_space<vmem>>
        %dma_wait3A_98 = tpu.memref_squeeze %dma_wait3A_97 : memref<1x128x128xf32, #tpu.memory_space<vmem>> -> memref<128x128xf32, #tpu.memory_space<vmem>>
        tpu.wait_dma2 semaphore(%run_scoped3A : memref<!tpu.dma_semaphore, #tpu.memory_space<semaphore_mem>>) src(%dma_wait3A_98 : memref<128x128xf32, #tpu.memory_space<vmem>>) dst(%dma_wait3A_94 : memref<128x128xf32, #tpu.memory_space<hbm>>)
        tpu.yield
      }) : () -> ()
      %scan3A_74 = arith.constant 0 : i32
      scf.yield %scan3A_74 : i32
    }
    %scan3A_27 = arith.constant 64 : i32
    return
  }
}

#map = affine_map<(d0, d1) -> (0)>
#map1 = affine_map<(d0, d1) -> (0, 0)>
module attributes {stable_mosaic.version = 14 : i64} {
  func.func @_gather_kernel(%arg0: i32, %arg1: i32, %arg2: memref<262144xi32, #tpu.memory_space<hbm>>, %arg3: memref<262144xi32, #tpu.memory_space<hbm>>, %arg4: memref<10000x128xf32, #tpu.memory_space<hbm>>, %arg5: memref<10000x128xf32, #tpu.memory_space<hbm>>, %arg6: memref<262144x128xf32, #tpu.memory_space<hbm>>, %arg7: memref<262144x128xf32, #tpu.memory_space<hbm>>, %arg8: memref<8192xi32, #tpu.memory_space<vmem>>, %arg9: memref<8192xi32, #tpu.memory_space<vmem>>, %arg10: memref<2x128x128xf32, #tpu.memory_space<vmem>>, %arg11: memref<2x128x128xf32, #tpu.memory_space<vmem>>, %arg12: memref<!tpu.dma_semaphore, #tpu.memory_space<semaphore_mem>>, %arg13: memref<!tpu.dma_semaphore, #tpu.memory_space<semaphore_mem>>) attributes {dimension_semantics = [#tpu.dimension_semantics<core_parallel>, #tpu.dimension_semantics<subcore_parallel>], iteration_bounds = array<i64: 2, 16>, scalar_prefetch = 0 : i64, scratch_operands = 6 : i64, tpu.core_type = #tpu.core_type<sc_vector_subcore>, window_params = [{transform_indices = #map}, {transform_indices = #map}, {transform_indices = #map1}, {transform_indices = #map1}, {transform_indices = #map1}, {transform_indices = #map1}]} {
    %mul3A = arith.constant 2 : i32
    %mul3A_0 = arith.muli %arg1, %mul3A : i32
    %add3A = arith.addi %mul3A_0, %arg0 : i32
    %mul3A_1 = arith.constant 8192 : i32
    %mul3A_2 = arith.muli %add3A, %mul3A_1 : i32
    "tpu.region"() ({
      %run_scoped3A = tpu.sem_alloc : memref<!tpu.dma_semaphore, #tpu.memory_space<semaphore_mem>>
      %dma_start3A_28 = tpu.memref_slice %arg2[%mul3A_2] : memref<262144xi32, #tpu.memory_space<hbm>> -> memref<8192xi32, #tpu.memory_space<hbm>>
      %dma_start3A_29 = tpu.memref_slice %arg2[%mul3A_2] : memref<262144xi32, #tpu.memory_space<hbm>> -> memref<8192xi32, #tpu.memory_space<hbm>>
      tpu.enqueue_dma source(%dma_start3A_29 : memref<8192xi32, #tpu.memory_space<hbm>>) target(%arg8 : memref<8192xi32, #tpu.memory_space<vmem>>) target_semaphore(%run_scoped3A : memref<!tpu.dma_semaphore, #tpu.memory_space<semaphore_mem>>)
      %dma_wait3A = tpu.memref_slice %arg2[%mul3A_2] : memref<262144xi32, #tpu.memory_space<hbm>> -> memref<8192xi32, #tpu.memory_space<hbm>>
      %dma_wait3A_30 = tpu.memref_slice %arg2[%mul3A_2] : memref<262144xi32, #tpu.memory_space<hbm>> -> memref<8192xi32, #tpu.memory_space<hbm>>
      tpu.wait_dma2 semaphore(%run_scoped3A : memref<!tpu.dma_semaphore, #tpu.memory_space<semaphore_mem>>) src(%dma_wait3A_30 : memref<8192xi32, #tpu.memory_space<hbm>>) dst(%arg8 : memref<8192xi32, #tpu.memory_space<vmem>>)
      tpu.yield
    }) : () -> ()
    "tpu.region"() ({
      %run_scoped3A = tpu.sem_alloc : memref<!tpu.dma_semaphore, #tpu.memory_space<semaphore_mem>>
      %dma_start3A_28 = tpu.memref_slice %arg3[%mul3A_2] : memref<262144xi32, #tpu.memory_space<hbm>> -> memref<8192xi32, #tpu.memory_space<hbm>>
      %dma_start3A_29 = tpu.memref_slice %arg3[%mul3A_2] : memref<262144xi32, #tpu.memory_space<hbm>> -> memref<8192xi32, #tpu.memory_space<hbm>>
      tpu.enqueue_dma source(%dma_start3A_29 : memref<8192xi32, #tpu.memory_space<hbm>>) target(%arg9 : memref<8192xi32, #tpu.memory_space<vmem>>) target_semaphore(%run_scoped3A : memref<!tpu.dma_semaphore, #tpu.memory_space<semaphore_mem>>)
      %dma_wait3A = tpu.memref_slice %arg3[%mul3A_2] : memref<262144xi32, #tpu.memory_space<hbm>> -> memref<8192xi32, #tpu.memory_space<hbm>>
      %dma_wait3A_30 = tpu.memref_slice %arg3[%mul3A_2] : memref<262144xi32, #tpu.memory_space<hbm>> -> memref<8192xi32, #tpu.memory_space<hbm>>
      tpu.wait_dma2 semaphore(%run_scoped3A : memref<!tpu.dma_semaphore, #tpu.memory_space<semaphore_mem>>) src(%dma_wait3A_30 : memref<8192xi32, #tpu.memory_space<hbm>>) dst(%arg9 : memref<8192xi32, #tpu.memory_space<vmem>>)
      tpu.yield
    }) : () -> ()
    %dma_start3A = arith.constant 0 : i32
    %dma_start3A_3 = arith.constant 0 : i32
    %dma_start3A_4 = arith.constant 0 : i32
    %dma_start3A_5 = tpu.memref_slice %arg10[%dma_start3A, %dma_start3A_3, %dma_start3A_4] : memref<2x128x128xf32, #tpu.memory_space<vmem>> -> memref<1x128x128xf32, #tpu.memory_space<vmem>>
    %dma_start3A_6 = tpu.memref_squeeze %dma_start3A_5 : memref<1x128x128xf32, #tpu.memory_space<vmem>> -> memref<128x128xf32, #tpu.memory_space<vmem>>
    %dma_start3A_7 = arith.constant 0 : i32
    %dma_start3A_8 = tpu.memref_slice %arg8[%dma_start3A_7] : memref<8192xi32, #tpu.memory_space<vmem>> -> memref<128xi32, #tpu.memory_space<vmem>>
    %dma_start3A_9 = arith.constant 0 : i32
    %dma_start3A_10 = arith.constant 0 : i32
    %dma_start3A_11 = tpu.memref_slice %arg4[%dma_start3A_9, %dma_start3A_10] : memref<10000x128xf32, #tpu.memory_space<hbm>> -> memref<10000x128xf32, #tpu.memory_space<hbm>>
    tpu.enqueue_indirect_dma source(%dma_start3A_11 : memref<10000x128xf32, #tpu.memory_space<hbm>>) target(%dma_start3A_6 : memref<128x128xf32, #tpu.memory_space<vmem>>) offsets(%dma_start3A_8 : memref<128xi32, #tpu.memory_space<vmem>>) semaphore(%arg12 : memref<!tpu.dma_semaphore, #tpu.memory_space<semaphore_mem>>)
    %dma_start3A_12 = arith.constant 0 : i32
    %dma_start3A_13 = arith.constant 0 : i32
    %dma_start3A_14 = arith.constant 0 : i32
    %dma_start3A_15 = tpu.memref_slice %arg11[%dma_start3A_12, %dma_start3A_13, %dma_start3A_14] : memref<2x128x128xf32, #tpu.memory_space<vmem>> -> memref<1x128x128xf32, #tpu.memory_space<vmem>>
    %dma_start3A_16 = tpu.memref_squeeze %dma_start3A_15 : memref<1x128x128xf32, #tpu.memory_space<vmem>> -> memref<128x128xf32, #tpu.memory_space<vmem>>
    %dma_start3A_17 = arith.constant 0 : i32
    %dma_start3A_18 = tpu.memref_slice %arg9[%dma_start3A_17] : memref<8192xi32, #tpu.memory_space<vmem>> -> memref<128xi32, #tpu.memory_space<vmem>>
    %dma_start3A_19 = arith.constant 0 : i32
    %dma_start3A_20 = arith.constant 0 : i32
    %dma_start3A_21 = tpu.memref_slice %arg5[%dma_start3A_19, %dma_start3A_20] : memref<10000x128xf32, #tpu.memory_space<hbm>> -> memref<10000x128xf32, #tpu.memory_space<hbm>>
    tpu.enqueue_indirect_dma source(%dma_start3A_21 : memref<10000x128xf32, #tpu.memory_space<hbm>>) target(%dma_start3A_16 : memref<128x128xf32, #tpu.memory_space<vmem>>) offsets(%dma_start3A_18 : memref<128xi32, #tpu.memory_space<vmem>>) semaphore(%arg13 : memref<!tpu.dma_semaphore, #tpu.memory_space<semaphore_mem>>)
    %scan3A = arith.constant 0 : i32
    %scan3A_22 = arith.constant 0 : i32
    %scan3A_23 = arith.constant 64 : i32
    %scan3A_24 = arith.addi %scan3A_22, %scan3A_23 : i32
    %scan3A_25 = arith.constant 1 : i32
    %scan3A_26 = scf.for %scan3A_28 = %scan3A_22 to %scan3A_24 step %scan3A_25 iter_args(%scan3A_29 = %scan3A) -> (i32)  : i32 {
      %jit3A = arith.constant 2 : i32
      %eq3A = arith.constant 0 : i32
      %eq3A_30 = arith.cmpi eq, %jit3A, %eq3A : i32
      %jit3A_31 = arith.constant 1 : i32
      %select_n3A = arith.select %eq3A_30, %jit3A_31, %jit3A : i32
      %rem3A = arith.remsi %scan3A_28, %select_n3A : i32
      %ne3A = arith.constant 0 : i32
      %ne3A_32 = arith.cmpi ne, %rem3A, %ne3A : i32
      %lt3A = arith.constant 0 : i32
      %lt3A_33 = arith.cmpi slt, %rem3A, %lt3A : i32
      %lt3A_34 = arith.constant 0 : i32
      %lt3A_35 = arith.cmpi slt, %select_n3A, %lt3A_34 : i32
      %ne3A_36 = arith.xori %lt3A_33, %lt3A_35 : i1
      %and3A = arith.andi %ne3A_36, %ne3A_32 : i1
      %add3A_37 = arith.addi %rem3A, %select_n3A : i32
      %select_n3A_38 = arith.select %and3A, %add3A_37, %rem3A : i32
      %mul3A_39 = arith.constant 128 : i32
      %mul3A_40 = arith.muli %scan3A_28, %mul3A_39 : i32
      %add3A_41 = arith.addi %mul3A_2, %mul3A_40 : i32
      %multiple_of3A = tpu.assume_multiple %add3A_41, 128 : i32
      %dma_wait3A = arith.constant 0 : i32
      %dma_wait3A_42 = arith.constant 0 : i32
      %dma_wait3A_43 = tpu.memref_slice %arg10[%select_n3A_38, %dma_wait3A, %dma_wait3A_42] : memref<2x128x128xf32, #tpu.memory_space<vmem>> -> memref<1x128x128xf32, #tpu.memory_space<vmem>>
      %dma_wait3A_44 = tpu.memref_squeeze %dma_wait3A_43 : memref<1x128x128xf32, #tpu.memory_space<vmem>> -> memref<128x128xf32, #tpu.memory_space<vmem>>
      %dma_wait3A_45 = arith.constant 0 : i32
      %dma_wait3A_46 = arith.constant 0 : i32
      %dma_wait3A_47 = tpu.memref_slice %arg4[%dma_wait3A_45, %dma_wait3A_46] : memref<10000x128xf32, #tpu.memory_space<hbm>> -> memref<128x128xf32, #tpu.memory_space<hbm>>
      %dma_wait3A_48 = arith.constant 0 : i32
      %dma_wait3A_49 = arith.constant 0 : i32
      %dma_wait3A_50 = tpu.memref_slice %arg10[%select_n3A_38, %dma_wait3A_48, %dma_wait3A_49] : memref<2x128x128xf32, #tpu.memory_space<vmem>> -> memref<1x128x128xf32, #tpu.memory_space<vmem>>
      %dma_wait3A_51 = tpu.memref_squeeze %dma_wait3A_50 : memref<1x128x128xf32, #tpu.memory_space<vmem>> -> memref<128x128xf32, #tpu.memory_space<vmem>>
      %dma_wait3A_52 = arith.constant 0 : i32
      %dma_wait3A_53 = arith.constant 0 : i32
      %dma_wait3A_54 = tpu.memref_slice %arg4[%dma_wait3A_52, %dma_wait3A_53] : memref<10000x128xf32, #tpu.memory_space<hbm>> -> memref<128x128xf32, #tpu.memory_space<hbm>>
      tpu.wait_dma2 semaphore(%arg12 : memref<!tpu.dma_semaphore, #tpu.memory_space<semaphore_mem>>) src(%dma_wait3A_54 : memref<128x128xf32, #tpu.memory_space<hbm>>) dst(%dma_wait3A_51 : memref<128x128xf32, #tpu.memory_space<vmem>>)
      %dma_wait3A_55 = arith.constant 0 : i32
      %dma_wait3A_56 = arith.constant 0 : i32
      %dma_wait3A_57 = tpu.memref_slice %arg11[%select_n3A_38, %dma_wait3A_55, %dma_wait3A_56] : memref<2x128x128xf32, #tpu.memory_space<vmem>> -> memref<1x128x128xf32, #tpu.memory_space<vmem>>
      %dma_wait3A_58 = tpu.memref_squeeze %dma_wait3A_57 : memref<1x128x128xf32, #tpu.memory_space<vmem>> -> memref<128x128xf32, #tpu.memory_space<vmem>>
      %dma_wait3A_59 = arith.constant 0 : i32
      %dma_wait3A_60 = arith.constant 0 : i32
      %dma_wait3A_61 = tpu.memref_slice %arg5[%dma_wait3A_59, %dma_wait3A_60] : memref<10000x128xf32, #tpu.memory_space<hbm>> -> memref<128x128xf32, #tpu.memory_space<hbm>>
      %dma_wait3A_62 = arith.constant 0 : i32
      %dma_wait3A_63 = arith.constant 0 : i32
      %dma_wait3A_64 = tpu.memref_slice %arg11[%select_n3A_38, %dma_wait3A_62, %dma_wait3A_63] : memref<2x128x128xf32, #tpu.memory_space<vmem>> -> memref<1x128x128xf32, #tpu.memory_space<vmem>>
      %dma_wait3A_65 = tpu.memref_squeeze %dma_wait3A_64 : memref<1x128x128xf32, #tpu.memory_space<vmem>> -> memref<128x128xf32, #tpu.memory_space<vmem>>
      %dma_wait3A_66 = arith.constant 0 : i32
      %dma_wait3A_67 = arith.constant 0 : i32
      %dma_wait3A_68 = tpu.memref_slice %arg5[%dma_wait3A_66, %dma_wait3A_67] : memref<10000x128xf32, #tpu.memory_space<hbm>> -> memref<128x128xf32, #tpu.memory_space<hbm>>
      tpu.wait_dma2 semaphore(%arg13 : memref<!tpu.dma_semaphore, #tpu.memory_space<semaphore_mem>>) src(%dma_wait3A_68 : memref<128x128xf32, #tpu.memory_space<hbm>>) dst(%dma_wait3A_65 : memref<128x128xf32, #tpu.memory_space<vmem>>)
      %add3A_69 = arith.constant 1 : i32
      %add3A_70 = arith.addi %scan3A_28, %add3A_69 : i32
      %lt3A_71 = arith.constant 64 : i32
      %lt3A_72 = arith.cmpi slt, %add3A_70, %lt3A_71 : i32
      %convert_element_type3A = arith.extui %lt3A_72 : i1 to i32
      %cond3A = arith.constant 0 : i32
      %cond3A_73 = arith.cmpi ne, %convert_element_type3A, %cond3A : i32
      scf.if %cond3A_73 {
        %add3A_75 = arith.constant 1 : i32
        %add3A_76 = arith.addi %scan3A_28, %add3A_75 : i32
        %sub3A = arith.constant 1 : i32
        %sub3A_77 = arith.subi %sub3A, %select_n3A_38 : i32
        %mul3A_78 = arith.constant 128 : i32
        %mul3A_79 = arith.muli %add3A_76, %mul3A_78 : i32
        %dma_start3A_80 = arith.constant 0 : i32
        %dma_start3A_81 = arith.constant 0 : i32
        %dma_start3A_82 = tpu.memref_slice %arg10[%sub3A_77, %dma_start3A_80, %dma_start3A_81] : memref<2x128x128xf32, #tpu.memory_space<vmem>> -> memref<1x128x128xf32, #tpu.memory_space<vmem>>
        %dma_start3A_83 = tpu.memref_squeeze %dma_start3A_82 : memref<1x128x128xf32, #tpu.memory_space<vmem>> -> memref<128x128xf32, #tpu.memory_space<vmem>>
        %dma_start3A_84 = tpu.memref_slice %arg8[%mul3A_79] : memref<8192xi32, #tpu.memory_space<vmem>> -> memref<128xi32, #tpu.memory_space<vmem>>
        %dma_start3A_85 = arith.constant 0 : i32
        %dma_start3A_86 = arith.constant 0 : i32
        %dma_start3A_87 = tpu.memref_slice %arg4[%dma_start3A_85, %dma_start3A_86] : memref<10000x128xf32, #tpu.memory_space<hbm>> -> memref<10000x128xf32, #tpu.memory_space<hbm>>
        tpu.enqueue_indirect_dma source(%dma_start3A_87 : memref<10000x128xf32, #tpu.memory_space<hbm>>) target(%dma_start3A_83 : memref<128x128xf32, #tpu.memory_space<vmem>>) offsets(%dma_start3A_84 : memref<128xi32, #tpu.memory_space<vmem>>) semaphore(%arg12 : memref<!tpu.dma_semaphore, #tpu.memory_space<semaphore_mem>>)
        %mul3A_88 = arith.constant 128 : i32
        %mul3A_89 = arith.muli %add3A_76, %mul3A_88 : i32
        %dma_start3A_90 = arith.constant 0 : i32
        %dma_start3A_91 = arith.constant 0 : i32
        %dma_start3A_92 = tpu.memref_slice %arg11[%sub3A_77, %dma_start3A_90, %dma_start3A_91] : memref<2x128x128xf32, #tpu.memory_space<vmem>> -> memref<1x128x128xf32, #tpu.memory_space<vmem>>
        %dma_start3A_93 = tpu.memref_squeeze %dma_start3A_92 : memref<1x128x128xf32, #tpu.memory_space<vmem>> -> memref<128x128xf32, #tpu.memory_space<vmem>>
        %dma_start3A_94 = tpu.memref_slice %arg9[%mul3A_89] : memref<8192xi32, #tpu.memory_space<vmem>> -> memref<128xi32, #tpu.memory_space<vmem>>
        %dma_start3A_95 = arith.constant 0 : i32
        %dma_start3A_96 = arith.constant 0 : i32
        %dma_start3A_97 = tpu.memref_slice %arg5[%dma_start3A_95, %dma_start3A_96] : memref<10000x128xf32, #tpu.memory_space<hbm>> -> memref<10000x128xf32, #tpu.memory_space<hbm>>
        tpu.enqueue_indirect_dma source(%dma_start3A_97 : memref<10000x128xf32, #tpu.memory_space<hbm>>) target(%dma_start3A_93 : memref<128x128xf32, #tpu.memory_space<vmem>>) offsets(%dma_start3A_94 : memref<128xi32, #tpu.memory_space<vmem>>) semaphore(%arg13 : memref<!tpu.dma_semaphore, #tpu.memory_space<semaphore_mem>>)
      } else {
      }
      "tpu.region"() ({
        %run_scoped3A = tpu.sem_alloc : memref<!tpu.dma_semaphore, #tpu.memory_space<semaphore_mem>>
        %dma_start3A_75 = arith.constant 0 : i32
        %dma_start3A_76 = arith.constant 0 : i32
        %dma_start3A_77 = tpu.memref_slice %arg10[%select_n3A_38, %dma_start3A_75, %dma_start3A_76] : memref<2x128x128xf32, #tpu.memory_space<vmem>> -> memref<1x128x128xf32, #tpu.memory_space<vmem>>
        %dma_start3A_78 = tpu.memref_squeeze %dma_start3A_77 : memref<1x128x128xf32, #tpu.memory_space<vmem>> -> memref<128x128xf32, #tpu.memory_space<vmem>>
        %dma_start3A_79 = arith.constant 0 : i32
        %dma_start3A_80 = tpu.memref_slice %arg6[%multiple_of3A, %dma_start3A_79] : memref<262144x128xf32, #tpu.memory_space<hbm>> -> memref<128x128xf32, #tpu.memory_space<hbm>>
        %dma_start3A_81 = arith.constant 0 : i32
        %dma_start3A_82 = tpu.memref_slice %arg6[%multiple_of3A, %dma_start3A_81] : memref<262144x128xf32, #tpu.memory_space<hbm>> -> memref<128x128xf32, #tpu.memory_space<hbm>>
        %dma_start3A_83 = arith.constant 0 : i32
        %dma_start3A_84 = arith.constant 0 : i32
        %dma_start3A_85 = tpu.memref_slice %arg10[%select_n3A_38, %dma_start3A_83, %dma_start3A_84] : memref<2x128x128xf32, #tpu.memory_space<vmem>> -> memref<1x128x128xf32, #tpu.memory_space<vmem>>
        %dma_start3A_86 = tpu.memref_squeeze %dma_start3A_85 : memref<1x128x128xf32, #tpu.memory_space<vmem>> -> memref<128x128xf32, #tpu.memory_space<vmem>>
        tpu.enqueue_dma source(%dma_start3A_86 : memref<128x128xf32, #tpu.memory_space<vmem>>) target(%dma_start3A_82 : memref<128x128xf32, #tpu.memory_space<hbm>>) target_semaphore(%run_scoped3A : memref<!tpu.dma_semaphore, #tpu.memory_space<semaphore_mem>>)
        %dma_wait3A_87 = arith.constant 0 : i32
        %dma_wait3A_88 = arith.constant 0 : i32
        %dma_wait3A_89 = tpu.memref_slice %arg10[%select_n3A_38, %dma_wait3A_87, %dma_wait3A_88] : memref<2x128x128xf32, #tpu.memory_space<vmem>> -> memref<1x128x128xf32, #tpu.memory_space<vmem>>
        %dma_wait3A_90 = tpu.memref_squeeze %dma_wait3A_89 : memref<1x128x128xf32, #tpu.memory_space<vmem>> -> memref<128x128xf32, #tpu.memory_space<vmem>>
        %dma_wait3A_91 = arith.constant 0 : i32
        %dma_wait3A_92 = tpu.memref_slice %arg6[%multiple_of3A, %dma_wait3A_91] : memref<262144x128xf32, #tpu.memory_space<hbm>> -> memref<128x128xf32, #tpu.memory_space<hbm>>
        %dma_wait3A_93 = arith.constant 0 : i32
        %dma_wait3A_94 = tpu.memref_slice %arg6[%multiple_of3A, %dma_wait3A_93] : memref<262144x128xf32, #tpu.memory_space<hbm>> -> memref<128x128xf32, #tpu.memory_space<hbm>>
        %dma_wait3A_95 = arith.constant 0 : i32
        %dma_wait3A_96 = arith.constant 0 : i32
        %dma_wait3A_97 = tpu.memref_slice %arg10[%select_n3A_38, %dma_wait3A_95, %dma_wait3A_96] : memref<2x128x128xf32, #tpu.memory_space<vmem>> -> memref<1x128x128xf32, #tpu.memory_space<vmem>>
        %dma_wait3A_98 = tpu.memref_squeeze %dma_wait3A_97 : memref<1x128x128xf32, #tpu.memory_space<vmem>> -> memref<128x128xf32, #tpu.memory_space<vmem>>
        tpu.wait_dma2 semaphore(%run_scoped3A : memref<!tpu.dma_semaphore, #tpu.memory_space<semaphore_mem>>) src(%dma_wait3A_98 : memref<128x128xf32, #tpu.memory_space<vmem>>) dst(%dma_wait3A_94 : memref<128x128xf32, #tpu.memory_space<hbm>>)
        tpu.yield
      }) : () -> ()
      "tpu.region"() ({
        %run_scoped3A = tpu.sem_alloc : memref<!tpu.dma_semaphore, #tpu.memory_space<semaphore_mem>>
        %dma_start3A_75 = arith.constant 0 : i32
        %dma_start3A_76 = arith.constant 0 : i32
        %dma_start3A_77 = tpu.memref_slice %arg11[%select_n3A_38, %dma_start3A_75, %dma_start3A_76] : memref<2x128x128xf32, #tpu.memory_space<vmem>> -> memref<1x128x128xf32, #tpu.memory_space<vmem>>
        %dma_start3A_78 = tpu.memref_squeeze %dma_start3A_77 : memref<1x128x128xf32, #tpu.memory_space<vmem>> -> memref<128x128xf32, #tpu.memory_space<vmem>>
        %dma_start3A_79 = arith.constant 0 : i32
        %dma_start3A_80 = tpu.memref_slice %arg7[%multiple_of3A, %dma_start3A_79] : memref<262144x128xf32, #tpu.memory_space<hbm>> -> memref<128x128xf32, #tpu.memory_space<hbm>>
        %dma_start3A_81 = arith.constant 0 : i32
        %dma_start3A_82 = tpu.memref_slice %arg7[%multiple_of3A, %dma_start3A_81] : memref<262144x128xf32, #tpu.memory_space<hbm>> -> memref<128x128xf32, #tpu.memory_space<hbm>>
        %dma_start3A_83 = arith.constant 0 : i32
        %dma_start3A_84 = arith.constant 0 : i32
        %dma_start3A_85 = tpu.memref_slice %arg11[%select_n3A_38, %dma_start3A_83, %dma_start3A_84] : memref<2x128x128xf32, #tpu.memory_space<vmem>> -> memref<1x128x128xf32, #tpu.memory_space<vmem>>
        %dma_start3A_86 = tpu.memref_squeeze %dma_start3A_85 : memref<1x128x128xf32, #tpu.memory_space<vmem>> -> memref<128x128xf32, #tpu.memory_space<vmem>>
        tpu.enqueue_dma source(%dma_start3A_86 : memref<128x128xf32, #tpu.memory_space<vmem>>) target(%dma_start3A_82 : memref<128x128xf32, #tpu.memory_space<hbm>>) target_semaphore(%run_scoped3A : memref<!tpu.dma_semaphore, #tpu.memory_space<semaphore_mem>>)
        %dma_wait3A_87 = arith.constant 0 : i32
        %dma_wait3A_88 = arith.constant 0 : i32
        %dma_wait3A_89 = tpu.memref_slice %arg11[%select_n3A_38, %dma_wait3A_87, %dma_wait3A_88] : memref<2x128x128xf32, #tpu.memory_space<vmem>> -> memref<1x128x128xf32, #tpu.memory_space<vmem>>
        %dma_wait3A_90 = tpu.memref_squeeze %dma_wait3A_89 : memref<1x128x128xf32, #tpu.memory_space<vmem>> -> memref<128x128xf32, #tpu.memory_space<vmem>>
        %dma_wait3A_91 = arith.constant 0 : i32
        %dma_wait3A_92 = tpu.memref_slice %arg7[%multiple_of3A, %dma_wait3A_91] : memref<262144x128xf32, #tpu.memory_space<hbm>> -> memref<128x128xf32, #tpu.memory_space<hbm>>
        %dma_wait3A_93 = arith.constant 0 : i32
        %dma_wait3A_94 = tpu.memref_slice %arg7[%multiple_of3A, %dma_wait3A_93] : memref<262144x128xf32, #tpu.memory_space<hbm>> -> memref<128x128xf32, #tpu.memory_space<hbm>>
        %dma_wait3A_95 = arith.constant 0 : i32
        %dma_wait3A_96 = arith.constant 0 : i32
        %dma_wait3A_97 = tpu.memref_slice %arg11[%select_n3A_38, %dma_wait3A_95, %dma_wait3A_96] : memref<2x128x128xf32, #tpu.memory_space<vmem>> -> memref<1x128x128xf32, #tpu.memory_space<vmem>>
        %dma_wait3A_98 = tpu.memref_squeeze %dma_wait3A_97 : memref<1x128x128xf32, #tpu.memory_space<vmem>> -> memref<128x128xf32, #tpu.memory_space<vmem>>
        tpu.wait_dma2 semaphore(%run_scoped3A : memref<!tpu.dma_semaphore, #tpu.memory_space<semaphore_mem>>) src(%dma_wait3A_98 : memref<128x128xf32, #tpu.memory_space<vmem>>) dst(%dma_wait3A_94 : memref<128x128xf32, #tpu.memory_space<hbm>>)
        tpu.yield
      }) : () -> ()
      %scan3A_74 = arith.constant 0 : i32
      scf.yield %scan3A_74 : i32
    }
    %scan3A_27 = arith.constant 64 : i32
    return
  }
}

module attributes {stable_mosaic.version = 14 : i64} {
  func.func @_mask_pack_kernel(%arg0: i32, %arg1: i32, %arg2: memref<2048x8xf32, #tpu.memory_space<vmem>>, %arg3: memref<8x512xf32, #tpu.memory_space<vmem>>, %arg4: memref<2048x1xf32, #tpu.memory_space<vmem>>, %arg5: memref<1x512xf32, #tpu.memory_space<vmem>>, %arg6: memref<512x640xi32, #tpu.memory_space<vmem>>) attributes {dimension_semantics = [#tpu.dimension_semantics<arbitrary>, #tpu.dimension_semantics<arbitrary>], iteration_bounds = array<i64: 20, 5>, scalar_prefetch = 0 : i64, scratch_operands = 0 : i64, tpu.core_type = #tpu.core_type<tc>, window_params = [{transform_indices = @transform_0, window_bounds = array<i64: 2048, 8>}, {transform_indices = @transform_1, window_bounds = array<i64: 8, 512>}, {transform_indices = @transform_2, window_bounds = array<i64: 2048, 1>}, {transform_indices = @transform_3, window_bounds = array<i64: 1, 512>}, {transform_indices = @transform_4, window_bounds = array<i64: 512, 640>}]} {
    %get3A = arith.constant 0 : index
    %get3A_0 = arith.constant 0 : index
    %get3A_1 = vector.load %arg2[%get3A, %get3A_0] : memref<2048x8xf32, #tpu.memory_space<vmem>>, vector<2048x8xf32>
    %get3A_2 = arith.constant 0 : index
    %get3A_3 = arith.constant 0 : index
    %get3A_4 = vector.load %arg3[%get3A_2, %get3A_3] : memref<8x512xf32, #tpu.memory_space<vmem>>, vector<8x512xf32>
    %dot_general3A = arith.constant dense<0.000000e+00> : vector<2048x512xf32>
    %dot_general3A_5 = tpu.matmul %get3A_1, %get3A_4, %dot_general3A {dimension_numbers = #tpu.dot_dimension_numbers<[1], [0], [0], [1], [0, 0, 1, 1], [], []>, transpose_lhs_hint = false} : vector<2048x8xf32>, vector<8x512xf32>, vector<2048x512xf32> -> vector<2048x512xf32>
    %get3A_6 = arith.constant 0 : index
    %get3A_7 = arith.constant 0 : index
    %get3A_8 = vector.load %arg4[%get3A_6, %get3A_7] : memref<2048x1xf32, #tpu.memory_space<vmem>>, vector<2048x1xf32>
    %get3A_9 = arith.constant 0 : index
    %get3A_10 = arith.constant 0 : index
    %get3A_11 = vector.load %arg5[%get3A_9, %get3A_10] : memref<1x512xf32, #tpu.memory_space<vmem>>, vector<1x512xf32>
    %add3A = vector.broadcast %get3A_8 : vector<2048x1xf32> to vector<2048x512xf32>
    %add3A_12 = vector.broadcast %get3A_11 : vector<1x512xf32> to vector<2048x512xf32>
    %add3A_13 = arith.addf %add3A, %add3A_12 : vector<2048x512xf32>
    %mul3A = arith.constant 2.000000e+00 : f32
    %mul3A_14 = vector.broadcast %mul3A : f32 to vector<2048x512xf32>
    %mul3A_15 = arith.mulf %mul3A_14, %dot_general3A_5 : vector<2048x512xf32>
    %sub3A = arith.subf %add3A_13, %mul3A_15 : vector<2048x512xf32>
    %mul3A_16 = arith.constant 2048 : i32
    %mul3A_17 = arith.muli %arg1, %mul3A_16 : i32
    %iota3A = tpu.iota {dimensions = array<i32: 0>} : vector<2048x1xi32>
    %add3A_18 = vector.broadcast %mul3A_17 : i32 to vector<2048x1xi32>
    %add3A_19 = arith.addi %add3A_18, %iota3A : vector<2048x1xi32>
    %mul3A_20 = arith.constant 512 : i32
    %mul3A_21 = arith.muli %arg0, %mul3A_20 : i32
    %iota3A_22 = tpu.iota {dimensions = array<i32: 1>} : vector<1x512xi32>
    %add3A_23 = vector.broadcast %mul3A_21 : i32 to vector<1x512xi32>
    %add3A_24 = arith.addi %add3A_23, %iota3A_22 : vector<1x512xi32>
    %lt3A = arith.constant 5.329000e-03 : f32
    %lt3A_25 = vector.broadcast %lt3A : f32 to vector<2048x512xf32>
    %lt3A_26 = arith.cmpf olt, %sub3A, %lt3A_25 : vector<2048x512xf32>
    %ne3A = vector.broadcast %add3A_19 : vector<2048x1xi32> to vector<2048x512xi32>
    %ne3A_27 = vector.broadcast %add3A_24 : vector<1x512xi32> to vector<2048x512xi32>
    %ne3A_28 = arith.cmpi ne, %ne3A, %ne3A_27 : vector<2048x512xi32>
    %and3A = arith.andi %lt3A_26, %ne3A_28 : vector<2048x512xi1>
    %convert_element_type3A = arith.extui %and3A : vector<2048x512xi1> to vector<2048x512xi32>
    %reshape3A = vector.shape_cast %convert_element_type3A : vector<2048x512xi32> to vector<128x16x512xi32>
    %iota3A_29 = tpu.iota {dimensions = array<i32: 1>} : vector<1x16x1xi32>
    %shift_left3A = arith.constant 1 : i32
    %shift_left3A_30 = vector.broadcast %shift_left3A : i32 to vector<1x16x1xi32>
    %shift_left3A_31 = arith.shli %shift_left3A_30, %iota3A_29 : vector<1x16x1xi32>
    %mul3A_32 = vector.broadcast %shift_left3A_31 : vector<1x16x1xi32> to vector<128x16x512xi32>
    %mul3A_33 = arith.muli %reshape3A, %mul3A_32 : vector<128x16x512xi32>
    %reduce_sum3A = arith.constant dense<0> : vector<128x512xi32>
    %reduce_sum3A_34 = vector.multi_reduction <add>, %mul3A_33, %reduce_sum3A [1] : vector<128x16x512xi32> to vector<128x512xi32>
    %transpose3A = tpu.transpose %reduce_sum3A_34, [1, 0] : vector<128x512xi32> -> vector<512x128xi32>
    %mul3A_35 = arith.constant 128 : i32
    %mul3A_36 = arith.muli %arg1, %mul3A_35 : i32
    %swap3A = arith.constant 0 : index
    %swap3A_37 = arith.index_cast %mul3A_36 : i32 to index
    %swap3A_38 = vector.load %arg6[%swap3A, %swap3A_37] : memref<512x640xi32, #tpu.memory_space<vmem>>, vector<512x128xi32>
    tpu.vector_store %arg6[%swap3A, %swap3A_37], %transpose3A {strides = array<i32>} : memref<512x640xi32, #tpu.memory_space<vmem>>, vector<512x128xi32>,
    return
  }
  func.func @transform_0(%arg0: i32, %arg1: i32) -> (i32, i32) {
    %c0_i32 = arith.constant 0 : i32
    %c0_i32_0 = arith.constant 0 : i32
    return %arg1, %c0_i32 : i32, i32
  }
  func.func @transform_1(%arg0: i32, %arg1: i32) -> (i32, i32) {
    %c0_i32 = arith.constant 0 : i32
    %c0_i32_0 = arith.constant 0 : i32
    return %c0_i32, %arg0 : i32, i32
  }
  func.func @transform_2(%arg0: i32, %arg1: i32) -> (i32, i32) {
    %c0_i32 = arith.constant 0 : i32
    %c0_i32_0 = arith.constant 0 : i32
    return %arg1, %c0_i32 : i32, i32
  }
  func.func @transform_3(%arg0: i32, %arg1: i32) -> (i32, i32) {
    %c0_i32 = arith.constant 0 : i32
    %c0_i32_0 = arith.constant 0 : i32
    return %c0_i32, %arg0 : i32, i32
  }
  func.func @transform_4(%arg0: i32, %arg1: i32) -> (i32, i32) {
    %c0_i32 = arith.constant 0 : i32
    %c0_i32_0 = arith.constant 0 : i32
    return %arg0, %c0_i32 : i32, i32
  }
}

module attributes {stable_mosaic.version = 14 : i64} {
  func.func @_edge_block0_kernel(%arg0: i32, %arg1: memref<2048x1xf32, #tpu.memory_space<vmem>>, %arg2: memref<2048x64xf32, #tpu.memory_space<vmem>>, %arg3: memref<2048x64xf32, #tpu.memory_space<vmem>>, %arg4: memref<2048x64xf32, #tpu.memory_space<vmem>>, %arg5: memref<128x128xf32, #tpu.memory_space<vmem>>, %arg6: memref<128x128xf32, #tpu.memory_space<vmem>>, %arg7: memref<1x128xf32, #tpu.memory_space<vmem>>, %arg8: memref<128x64xf32, #tpu.memory_space<vmem>>, %arg9: memref<1x64xf32, #tpu.memory_space<vmem>>, %arg10: memref<64x64xf32, #tpu.memory_space<vmem>>, %arg11: memref<1x64xf32, #tpu.memory_space<vmem>>, %arg12: memref<64x64xf32, #tpu.memory_space<vmem>>, %arg13: memref<1x64xf32, #tpu.memory_space<vmem>>, %arg14: memref<2048x64xf32, #tpu.memory_space<vmem>>, %arg15: memref<2048x64xf32, #tpu.memory_space<vmem>>) attributes {dimension_semantics = [#tpu.dimension_semantics<arbitrary>], iteration_bounds = array<i64: 128>, scalar_prefetch = 0 : i64, scratch_operands = 0 : i64, tpu.core_type = #tpu.core_type<tc>, window_params = [{transform_indices = @transform_0, window_bounds = array<i64: 2048, 1>}, {transform_indices = @transform_1, window_bounds = array<i64: 2048, 64>}, {transform_indices = @transform_2, window_bounds = array<i64: 2048, 64>}, {transform_indices = @transform_3, window_bounds = array<i64: 2048, 64>}, {pipeline_mode = #tpu.pipeline_mode<synchronous>, transform_indices = @transform_4, window_bounds = array<i64: 128, 128>}, {pipeline_mode = #tpu.pipeline_mode<synchronous>, transform_indices = @transform_5, window_bounds = array<i64: 128, 128>}, {pipeline_mode = #tpu.pipeline_mode<synchronous>, transform_indices = @transform_6, window_bounds = array<i64: 1, 128>}, {pipeline_mode = #tpu.pipeline_mode<synchronous>, transform_indices = @transform_7, window_bounds = array<i64: 128, 64>}, {pipeline_mode = #tpu.pipeline_mode<synchronous>, transform_indices = @transform_8, window_bounds = array<i64: 1, 64>}, {pipeline_mode = #tpu.pipeline_mode<synchronous>, transform_indices = @transform_9, window_bounds = array<i64: 64, 64>}, {pipeline_mode = #tpu.pipeline_mode<synchronous>, transform_indices = @transform_10, window_bounds = array<i64: 1, 64>}, {pipeline_mode = #tpu.pipeline_mode<synchronous>, transform_indices = @transform_11, window_bounds = array<i64: 64, 64>}, {pipeline_mode = #tpu.pipeline_mode<synchronous>, transform_indices = @transform_12, window_bounds = array<i64: 1, 64>}, {transform_indices = @transform_13, window_bounds = array<i64: 2048, 64>}, {transform_indices = @transform_14, window_bounds = array<i64: 2048, 64>}]} {
    %get3A = arith.constant 0 : index
    %get3A_0 = arith.constant 0 : index
    %get3A_1 = vector.load %arg1[%get3A, %get3A_0] : memref<2048x1xf32, #tpu.memory_space<vmem>>, vector<2048x1xf32>
    %mul3A = arith.mulf %get3A_1, %get3A_1 : vector<2048x1xf32>
    %mul3A_2 = arith.mulf %mul3A, %mul3A : vector<2048x1xf32>
    %mul3A_3 = arith.mulf %mul3A_2, %get3A_1 : vector<2048x1xf32>
    %mul3A_4 = arith.constant -2.100000e+01 : f32
    %mul3A_5 = vector.broadcast %mul3A_4 : f32 to vector<2048x1xf32>
    %mul3A_6 = arith.mulf %mul3A_5, %mul3A_3 : vector<2048x1xf32>
    %add3A = arith.constant 1.000000e+00 : f32
    %add3A_7 = vector.broadcast %add3A : f32 to vector<2048x1xf32>
    %add3A_8 = arith.addf %add3A_7, %mul3A_6 : vector<2048x1xf32>
    %mul3A_9 = arith.constant 3.500000e+01 : f32
    %mul3A_10 = vector.broadcast %mul3A_9 : f32 to vector<2048x1xf32>
    %mul3A_11 = arith.mulf %mul3A_10, %mul3A_3 : vector<2048x1xf32>
    %mul3A_12 = arith.mulf %mul3A_11, %get3A_1 : vector<2048x1xf32>
    %add3A_13 = arith.addf %add3A_8, %mul3A_12 : vector<2048x1xf32>
    %mul3A_14 = arith.constant -1.500000e+01 : f32
    %mul3A_15 = vector.broadcast %mul3A_14 : f32 to vector<2048x1xf32>
    %mul3A_16 = arith.mulf %mul3A_15, %mul3A_3 : vector<2048x1xf32>
    %mul3A_17 = arith.mulf %mul3A_16, %mul3A : vector<2048x1xf32>
    %add3A_18 = arith.addf %add3A_13, %mul3A_17 : vector<2048x1xf32>
    %lt3A = arith.constant 1.000000e+00 : f32
    %lt3A_19 = vector.broadcast %lt3A : f32 to vector<2048x1xf32>
    %lt3A_20 = arith.cmpf olt, %get3A_1, %lt3A_19 : vector<2048x1xf32>
    %jit3A = arith.constant 0.000000e+00 : f32
    %broadcast_in_dim3A = vector.broadcast %jit3A : f32 to vector<2048x1xf32>
    %select_n3A = arith.select %lt3A_20, %add3A_18, %broadcast_in_dim3A : vector<2048x1xi1>, vector<2048x1xf32>
    %iota3A = tpu.iota {dimensions = array<i32: 1>} : vector<1x128xi32>
    %convert_element_type3A = arith.sitofp %iota3A : vector<1x128xi32> to vector<1x128xf32>
    %mul3A_21 = arith.constant 0.00787401571 : f32
    %mul3A_22 = vector.broadcast %mul3A_21 : f32 to vector<1x128xf32>
    %mul3A_23 = arith.mulf %convert_element_type3A, %mul3A_22 : vector<1x128xf32>
    %sub3A = vector.broadcast %get3A_1 : vector<2048x1xf32> to vector<2048x128xf32>
    %sub3A_24 = vector.broadcast %mul3A_23 : vector<1x128xf32> to vector<2048x128xf32>
    %sub3A_25 = arith.subf %sub3A, %sub3A_24 : vector<2048x128xf32>
    %integer_pow3A = arith.mulf %sub3A_25, %sub3A_25 : vector<2048x128xf32>
    %mul3A_26 = arith.constant -8.064500e+03 : f32
    %mul3A_27 = vector.broadcast %mul3A_26 : f32 to vector<2048x128xf32>
    %mul3A_28 = arith.mulf %mul3A_27, %integer_pow3A : vector<2048x128xf32>
    %exp3A = math.exp %mul3A_28 : vector<2048x128xf32>
    %mul3A_29 = vector.broadcast %select_n3A : vector<2048x1xf32> to vector<2048x128xf32>
    %mul3A_30 = arith.mulf %mul3A_29, %exp3A : vector<2048x128xf32>
    %get3A_31 = arith.constant 0 : index
    %get3A_32 = arith.constant 0 : index
    %get3A_33 = vector.load %arg2[%get3A_31, %get3A_32] : memref<2048x64xf32, #tpu.memory_space<vmem>>, vector<2048x64xf32>
    %get3A_34 = arith.constant 0 : index
    %get3A_35 = arith.constant 0 : index
    %get3A_36 = vector.load %arg3[%get3A_34, %get3A_35] : memref<2048x64xf32, #tpu.memory_space<vmem>>, vector<2048x64xf32>
    %get3A_37 = arith.constant 0 : index
    %get3A_38 = arith.constant 0 : index
    %get3A_39 = vector.load %arg5[%get3A_37, %get3A_38] : memref<128x128xf32, #tpu.memory_space<vmem>>, vector<64x128xf32>
    %dot_general3A = arith.constant dense<0.000000e+00> : vector<2048x128xf32>
    %dot_general3A_40 = tpu.matmul %get3A_33, %get3A_39, %dot_general3A {dimension_numbers = #tpu.dot_dimension_numbers<[1], [0], [0], [1], [0, 0, 1, 1], [], []>, transpose_lhs_hint = false} : vector<2048x64xf32>, vector<64x128xf32>, vector<2048x128xf32> -> vector<2048x128xf32>
    %get3A_41 = arith.constant 64 : index
    %get3A_42 = arith.constant 0 : index
    %get3A_43 = vector.load %arg5[%get3A_41, %get3A_42] : memref<128x128xf32, #tpu.memory_space<vmem>>, vector<64x128xf32>
    %dot_general3A_44 = arith.constant dense<0.000000e+00> : vector<2048x128xf32>
    %dot_general3A_45 = tpu.matmul %get3A_36, %get3A_43, %dot_general3A_44 {dimension_numbers = #tpu.dot_dimension_numbers<[1], [0], [0], [1], [0, 0, 1, 1], [], []>, transpose_lhs_hint = false} : vector<2048x64xf32>, vector<64x128xf32>, vector<2048x128xf32> -> vector<2048x128xf32>
    %add3A_46 = arith.addf %dot_general3A_40, %dot_general3A_45 : vector<2048x128xf32>
    %get3A_47 = arith.constant 0 : index
    %get3A_48 = arith.constant 0 : index
    %get3A_49 = vector.load %arg6[%get3A_47, %get3A_48] : memref<128x128xf32, #tpu.memory_space<vmem>>, vector<128x128xf32>
    %dot_general3A_50 = arith.constant dense<0.000000e+00> : vector<2048x128xf32>
    %dot_general3A_51 = tpu.matmul %mul3A_30, %get3A_49, %dot_general3A_50 {dimension_numbers = #tpu.dot_dimension_numbers<[1], [0], [0], [1], [0, 0, 1, 1], [], []>, transpose_lhs_hint = false} : vector<2048x128xf32>, vector<128x128xf32>, vector<2048x128xf32> -> vector<2048x128xf32>
    %add3A_52 = arith.addf %add3A_46, %dot_general3A_51 : vector<2048x128xf32>
    %get3A_53 = arith.constant 0 : index
    %get3A_54 = arith.constant 0 : index
    %get3A_55 = vector.load %arg7[%get3A_53, %get3A_54] : memref<1x128xf32, #tpu.memory_space<vmem>>, vector<1x128xf32>
    %add3A_56 = vector.broadcast %get3A_55 : vector<1x128xf32> to vector<2048x128xf32>
    %add3A_57 = arith.addf %add3A_52, %add3A_56 : vector<2048x128xf32>
    %custom_jvp_call3A = arith.constant 0.000000e+00 : f32
    %max3A = vector.broadcast %custom_jvp_call3A : f32 to vector<2048x128xf32>
    %max3A_58 = arith.maximumf %add3A_57, %max3A : vector<2048x128xf32>
    %sub3A_59 = vector.broadcast %custom_jvp_call3A : f32 to vector<2048x128xf32>
    %sub3A_60 = arith.subf %add3A_57, %sub3A_59 : vector<2048x128xf32>
    %ne3A = arith.cmpf one, %sub3A_60, %sub3A_60 : vector<2048x128xf32>
    %add3A_61 = vector.broadcast %custom_jvp_call3A : f32 to vector<2048x128xf32>
    %add3A_62 = arith.addf %add3A_57, %add3A_61 : vector<2048x128xf32>
    %abs3A = math.absf %sub3A_60 : vector<2048x128xf32>
    %neg3A = arith.constant 0.000000e+00 : f32
    %neg3A_63 = vector.broadcast %neg3A : f32 to vector<2048x128xf32>
    %neg3A_64 = arith.subf %neg3A_63, %abs3A : vector<2048x128xf32>
    %exp3A_65 = math.exp %neg3A_64 : vector<2048x128xf32>
    %log1p3A = math.log1p %exp3A_65 : vector<2048x128xf32>
    %add3A_66 = arith.addf %max3A_58, %log1p3A : vector<2048x128xf32>
    %select_n3A_67 = arith.select %ne3A, %add3A_62, %add3A_66 : vector<2048x128xi1>, vector<2048x128xf32>
    %sub3A_68 = arith.constant 0.693147182 : f32
    %sub3A_69 = vector.broadcast %sub3A_68 : f32 to vector<2048x128xf32>
    %sub3A_70 = arith.subf %select_n3A_67, %sub3A_69 : vector<2048x128xf32>
    %get3A_71 = arith.constant 0 : index
    %get3A_72 = arith.constant 0 : index
    %get3A_73 = vector.load %arg8[%get3A_71, %get3A_72] : memref<128x64xf32, #tpu.memory_space<vmem>>, vector<128x64xf32>
    %dot_general3A_74 = arith.constant dense<0.000000e+00> : vector<2048x64xf32>
    %dot_general3A_75 = tpu.matmul %sub3A_70, %get3A_73, %dot_general3A_74 {dimension_numbers = #tpu.dot_dimension_numbers<[1], [0], [0], [1], [0, 0, 1, 1], [], []>, transpose_lhs_hint = false} : vector<2048x128xf32>, vector<128x64xf32>, vector<2048x64xf32> -> vector<2048x64xf32>
    %get3A_76 = arith.constant 0 : index
    %get3A_77 = arith.constant 0 : index
    %get3A_78 = vector.load %arg9[%get3A_76, %get3A_77] : memref<1x64xf32, #tpu.memory_space<vmem>>, vector<1x64xf32>
    %add3A_79 = vector.broadcast %get3A_78 : vector<1x64xf32> to vector<2048x64xf32>
    %add3A_80 = arith.addf %dot_general3A_75, %add3A_79 : vector<2048x64xf32>
    %swap3A = arith.constant 0 : index
    %swap3A_81 = arith.constant 0 : index
    %swap3A_82 = vector.load %arg14[%swap3A, %swap3A_81] : memref<2048x64xf32, #tpu.memory_space<vmem>>, vector<2048x64xf32>
    tpu.vector_store %arg14[%swap3A, %swap3A_81], %add3A_80 {strides = array<i32>} : memref<2048x64xf32, #tpu.memory_space<vmem>>, vector<2048x64xf32>,
    %get3A_83 = arith.constant 0 : index
    %get3A_84 = arith.constant 0 : index
    %get3A_85 = vector.load %arg10[%get3A_83, %get3A_84] : memref<64x64xf32, #tpu.memory_space<vmem>>, vector<64x64xf32>
    %dot_general3A_86 = arith.constant dense<0.000000e+00> : vector<2048x64xf32>
    %dot_general3A_87 = tpu.matmul %add3A_80, %get3A_85, %dot_general3A_86 {dimension_numbers = #tpu.dot_dimension_numbers<[1], [0], [0], [1], [0, 0, 1, 1], [], []>, transpose_lhs_hint = false} : vector<2048x64xf32>, vector<64x64xf32>, vector<2048x64xf32> -> vector<2048x64xf32>
    %get3A_88 = arith.constant 0 : index
    %get3A_89 = arith.constant 0 : index
    %get3A_90 = vector.load %arg11[%get3A_88, %get3A_89] : memref<1x64xf32, #tpu.memory_space<vmem>>, vector<1x64xf32>
    %add3A_91 = vector.broadcast %get3A_90 : vector<1x64xf32> to vector<2048x64xf32>
    %add3A_92 = arith.addf %dot_general3A_87, %add3A_91 : vector<2048x64xf32>
    %custom_jvp_call3A_93 = arith.constant 0.000000e+00 : f32
    %max3A_94 = vector.broadcast %custom_jvp_call3A_93 : f32 to vector<2048x64xf32>
    %max3A_95 = arith.maximumf %add3A_92, %max3A_94 : vector<2048x64xf32>
    %sub3A_96 = vector.broadcast %custom_jvp_call3A_93 : f32 to vector<2048x64xf32>
    %sub3A_97 = arith.subf %add3A_92, %sub3A_96 : vector<2048x64xf32>
    %ne3A_98 = arith.cmpf one, %sub3A_97, %sub3A_97 : vector<2048x64xf32>
    %add3A_99 = vector.broadcast %custom_jvp_call3A_93 : f32 to vector<2048x64xf32>
    %add3A_100 = arith.addf %add3A_92, %add3A_99 : vector<2048x64xf32>
    %abs3A_101 = math.absf %sub3A_97 : vector<2048x64xf32>
    %neg3A_102 = arith.constant 0.000000e+00 : f32
    %neg3A_103 = vector.broadcast %neg3A_102 : f32 to vector<2048x64xf32>
    %neg3A_104 = arith.subf %neg3A_103, %abs3A_101 : vector<2048x64xf32>
    %exp3A_105 = math.exp %neg3A_104 : vector<2048x64xf32>
    %log1p3A_106 = math.log1p %exp3A_105 : vector<2048x64xf32>
    %add3A_107 = arith.addf %max3A_95, %log1p3A_106 : vector<2048x64xf32>
    %select_n3A_108 = arith.select %ne3A_98, %add3A_100, %add3A_107 : vector<2048x64xi1>, vector<2048x64xf32>
    %sub3A_109 = arith.constant 0.693147182 : f32
    %sub3A_110 = vector.broadcast %sub3A_109 : f32 to vector<2048x64xf32>
    %sub3A_111 = arith.subf %select_n3A_108, %sub3A_110 : vector<2048x64xf32>
    %get3A_112 = arith.constant 0 : index
    %get3A_113 = arith.constant 0 : index
    %get3A_114 = vector.load %arg12[%get3A_112, %get3A_113] : memref<64x64xf32, #tpu.memory_space<vmem>>, vector<64x64xf32>
    %dot_general3A_115 = arith.constant dense<0.000000e+00> : vector<2048x64xf32>
    %dot_general3A_116 = tpu.matmul %sub3A_111, %get3A_114, %dot_general3A_115 {dimension_numbers = #tpu.dot_dimension_numbers<[1], [0], [0], [1], [0, 0, 1, 1], [], []>, transpose_lhs_hint = false} : vector<2048x64xf32>, vector<64x64xf32>, vector<2048x64xf32> -> vector<2048x64xf32>
    %get3A_117 = arith.constant 0 : index
    %get3A_118 = arith.constant 0 : index
    %get3A_119 = vector.load %arg13[%get3A_117, %get3A_118] : memref<1x64xf32, #tpu.memory_space<vmem>>, vector<1x64xf32>
    %add3A_120 = vector.broadcast %get3A_119 : vector<1x64xf32> to vector<2048x64xf32>
    %add3A_121 = arith.addf %dot_general3A_116, %add3A_120 : vector<2048x64xf32>
    %custom_jvp_call3A_122 = arith.constant 0.000000e+00 : f32
    %max3A_123 = vector.broadcast %custom_jvp_call3A_122 : f32 to vector<2048x64xf32>
    %max3A_124 = arith.maximumf %add3A_121, %max3A_123 : vector<2048x64xf32>
    %sub3A_125 = vector.broadcast %custom_jvp_call3A_122 : f32 to vector<2048x64xf32>
    %sub3A_126 = arith.subf %add3A_121, %sub3A_125 : vector<2048x64xf32>
    %ne3A_127 = arith.cmpf one, %sub3A_126, %sub3A_126 : vector<2048x64xf32>
    %add3A_128 = vector.broadcast %custom_jvp_call3A_122 : f32 to vector<2048x64xf32>
    %add3A_129 = arith.addf %add3A_121, %add3A_128 : vector<2048x64xf32>
    %abs3A_130 = math.absf %sub3A_126 : vector<2048x64xf32>
    %neg3A_131 = arith.constant 0.000000e+00 : f32
    %neg3A_132 = vector.broadcast %neg3A_131 : f32 to vector<2048x64xf32>
    %neg3A_133 = arith.subf %neg3A_132, %abs3A_130 : vector<2048x64xf32>
    %exp3A_134 = math.exp %neg3A_133 : vector<2048x64xf32>
    %log1p3A_135 = math.log1p %exp3A_134 : vector<2048x64xf32>
    %add3A_136 = arith.addf %max3A_124, %log1p3A_135 : vector<2048x64xf32>
    %select_n3A_137 = arith.select %ne3A_127, %add3A_129, %add3A_136 : vector<2048x64xi1>, vector<2048x64xf32>
    %sub3A_138 = arith.constant 0.693147182 : f32
    %sub3A_139 = vector.broadcast %sub3A_138 : f32 to vector<2048x64xf32>
    %sub3A_140 = arith.subf %select_n3A_137, %sub3A_139 : vector<2048x64xf32>
    %get3A_141 = arith.constant 0 : index
    %get3A_142 = arith.constant 0 : index
    %get3A_143 = vector.load %arg4[%get3A_141, %get3A_142] : memref<2048x64xf32, #tpu.memory_space<vmem>>, vector<2048x64xf32>
    %mul3A_144 = arith.mulf %get3A_143, %sub3A_140 : vector<2048x64xf32>
    %swap3A_145 = arith.constant 0 : index
    %swap3A_146 = arith.constant 0 : index
    %swap3A_147 = vector.load %arg15[%swap3A_145, %swap3A_146] : memref<2048x64xf32, #tpu.memory_space<vmem>>, vector<2048x64xf32>
    tpu.vector_store %arg15[%swap3A_145, %swap3A_146], %mul3A_144 {strides = array<i32>} : memref<2048x64xf32, #tpu.memory_space<vmem>>, vector<2048x64xf32>,
    return
  }
  func.func @transform_0(%arg0: i32) -> (i32, i32) {
    %c0_i32 = arith.constant 0 : i32
    %c0_i32_0 = arith.constant 0 : i32
    return %arg0, %c0_i32 : i32, i32
  }
  func.func @transform_1(%arg0: i32) -> (i32, i32) {
    %c0_i32 = arith.constant 0 : i32
    %c0_i32_0 = arith.constant 0 : i32
    return %arg0, %c0_i32 : i32, i32
  }
  func.func @transform_2(%arg0: i32) -> (i32, i32) {
    %c0_i32 = arith.constant 0 : i32
    %c0_i32_0 = arith.constant 0 : i32
    return %arg0, %c0_i32 : i32, i32
  }
  func.func @transform_3(%arg0: i32) -> (i32, i32) {
    %c0_i32 = arith.constant 0 : i32
    %c0_i32_0 = arith.constant 0 : i32
    return %arg0, %c0_i32 : i32, i32
  }
  func.func @transform_4(%arg0: i32) -> (i32, i32) {
    %c0_i32 = arith.constant 0 : i32
    %c0_i32_0 = arith.constant 0 : i32
    %c0_i32_1 = arith.constant 0 : i32
    return %c0_i32, %c0_i32_0 : i32, i32
  }
  func.func @transform_5(%arg0: i32) -> (i32, i32) {
    %c0_i32 = arith.constant 0 : i32
    %c0_i32_0 = arith.constant 0 : i32
    %c0_i32_1 = arith.constant 0 : i32
    return %c0_i32, %c0_i32_0 : i32, i32
  }
  func.func @transform_6(%arg0: i32) -> (i32, i32) {
    %c0_i32 = arith.constant 0 : i32
    %c0_i32_0 = arith.constant 0 : i32
    %c0_i32_1 = arith.constant 0 : i32
    return %c0_i32, %c0_i32_0 : i32, i32
  }
  func.func @transform_7(%arg0: i32) -> (i32, i32) {
    %c0_i32 = arith.constant 0 : i32
    %c0_i32_0 = arith.constant 0 : i32
    %c0_i32_1 = arith.constant 0 : i32
    return %c0_i32, %c0_i32_0 : i32, i32
  }
  func.func @transform_8(%arg0: i32) -> (i32, i32) {
    %c0_i32 = arith.constant 0 : i32
    %c0_i32_0 = arith.constant 0 : i32
    %c0_i32_1 = arith.constant 0 : i32
    return %c0_i32, %c0_i32_0 : i32, i32
  }
  func.func @transform_9(%arg0: i32) -> (i32, i32) {
    %c0_i32 = arith.constant 0 : i32
    %c0_i32_0 = arith.constant 0 : i32
    %c0_i32_1 = arith.constant 0 : i32
    return %c0_i32, %c0_i32_0 : i32, i32
  }
  func.func @transform_10(%arg0: i32) -> (i32, i32) {
    %c0_i32 = arith.constant 0 : i32
    %c0_i32_0 = arith.constant 0 : i32
    %c0_i32_1 = arith.constant 0 : i32
    return %c0_i32, %c0_i32_0 : i32, i32
  }
  func.func @transform_11(%arg0: i32) -> (i32, i32) {
    %c0_i32 = arith.constant 0 : i32
    %c0_i32_0 = arith.constant 0 : i32
    %c0_i32_1 = arith.constant 0 : i32
    return %c0_i32, %c0_i32_0 : i32, i32
  }
  func.func @transform_12(%arg0: i32) -> (i32, i32) {
    %c0_i32 = arith.constant 0 : i32
    %c0_i32_0 = arith.constant 0 : i32
    %c0_i32_1 = arith.constant 0 : i32
    return %c0_i32, %c0_i32_0 : i32, i32
  }
  func.func @transform_13(%arg0: i32) -> (i32, i32) {
    %c0_i32 = arith.constant 0 : i32
    %c0_i32_0 = arith.constant 0 : i32
    return %arg0, %c0_i32 : i32, i32
  }
  func.func @transform_14(%arg0: i32) -> (i32, i32) {
    %c0_i32 = arith.constant 0 : i32
    %c0_i32_0 = arith.constant 0 : i32
    return %arg0, %c0_i32 : i32, i32
  }
}

module attributes {stable_mosaic.version = 14 : i64} {
  func.func @_edge_blockN_kernel(%arg0: i32, %arg1: memref<2048x64xf32, #tpu.memory_space<vmem>>, %arg2: memref<2048x64xf32, #tpu.memory_space<vmem>>, %arg3: memref<2048x64xf32, #tpu.memory_space<vmem>>, %arg4: memref<2048x64xf32, #tpu.memory_space<vmem>>, %arg5: memref<128x128xf32, #tpu.memory_space<vmem>>, %arg6: memref<64x128xf32, #tpu.memory_space<vmem>>, %arg7: memref<1x128xf32, #tpu.memory_space<vmem>>, %arg8: memref<128x64xf32, #tpu.memory_space<vmem>>, %arg9: memref<1x64xf32, #tpu.memory_space<vmem>>, %arg10: memref<64x64xf32, #tpu.memory_space<vmem>>, %arg11: memref<1x64xf32, #tpu.memory_space<vmem>>, %arg12: memref<64x64xf32, #tpu.memory_space<vmem>>, %arg13: memref<1x64xf32, #tpu.memory_space<vmem>>, %arg14: memref<2048x64xf32, #tpu.memory_space<vmem>>, %arg15: memref<2048x64xf32, #tpu.memory_space<vmem>>) attributes {dimension_semantics = [#tpu.dimension_semantics<arbitrary>], iteration_bounds = array<i64: 128>, scalar_prefetch = 0 : i64, scratch_operands = 0 : i64, tpu.core_type = #tpu.core_type<tc>, window_params = [{transform_indices = @transform_0, window_bounds = array<i64: 2048, 64>}, {transform_indices = @transform_1, window_bounds = array<i64: 2048, 64>}, {transform_indices = @transform_2, window_bounds = array<i64: 2048, 64>}, {transform_indices = @transform_3, window_bounds = array<i64: 2048, 64>}, {pipeline_mode = #tpu.pipeline_mode<synchronous>, transform_indices = @transform_4, window_bounds = array<i64: 128, 128>}, {pipeline_mode = #tpu.pipeline_mode<synchronous>, transform_indices = @transform_5, window_bounds = array<i64: 64, 128>}, {pipeline_mode = #tpu.pipeline_mode<synchronous>, transform_indices = @transform_6, window_bounds = array<i64: 1, 128>}, {pipeline_mode = #tpu.pipeline_mode<synchronous>, transform_indices = @transform_7, window_bounds = array<i64: 128, 64>}, {pipeline_mode = #tpu.pipeline_mode<synchronous>, transform_indices = @transform_8, window_bounds = array<i64: 1, 64>}, {pipeline_mode = #tpu.pipeline_mode<synchronous>, transform_indices = @transform_9, window_bounds = array<i64: 64, 64>}, {pipeline_mode = #tpu.pipeline_mode<synchronous>, transform_indices = @transform_10, window_bounds = array<i64: 1, 64>}, {pipeline_mode = #tpu.pipeline_mode<synchronous>, transform_indices = @transform_11, window_bounds = array<i64: 64, 64>}, {pipeline_mode = #tpu.pipeline_mode<synchronous>, transform_indices = @transform_12, window_bounds = array<i64: 1, 64>}, {transform_indices = @transform_13, window_bounds = array<i64: 2048, 64>}, {transform_indices = @transform_14, window_bounds = array<i64: 2048, 64>}]} {
    %get3A = arith.constant 0 : index
    %get3A_0 = arith.constant 0 : index
    %get3A_1 = vector.load %arg1[%get3A, %get3A_0] : memref<2048x64xf32, #tpu.memory_space<vmem>>, vector<2048x64xf32>
    %get3A_2 = arith.constant 0 : index
    %get3A_3 = arith.constant 0 : index
    %get3A_4 = vector.load %arg2[%get3A_2, %get3A_3] : memref<2048x64xf32, #tpu.memory_space<vmem>>, vector<2048x64xf32>
    %get3A_5 = arith.constant 0 : index
    %get3A_6 = arith.constant 0 : index
    %get3A_7 = vector.load %arg5[%get3A_5, %get3A_6] : memref<128x128xf32, #tpu.memory_space<vmem>>, vector<64x128xf32>
    %dot_general3A = arith.constant dense<0.000000e+00> : vector<2048x128xf32>
    %dot_general3A_8 = tpu.matmul %get3A_4, %get3A_7, %dot_general3A {dimension_numbers = #tpu.dot_dimension_numbers<[1], [0], [0], [1], [0, 0, 1, 1], [], []>, transpose_lhs_hint = false} : vector<2048x64xf32>, vector<64x128xf32>, vector<2048x128xf32> -> vector<2048x128xf32>
    %get3A_9 = arith.constant 0 : index
    %get3A_10 = arith.constant 0 : index
    %get3A_11 = vector.load %arg3[%get3A_9, %get3A_10] : memref<2048x64xf32, #tpu.memory_space<vmem>>, vector<2048x64xf32>
    %get3A_12 = arith.constant 64 : index
    %get3A_13 = arith.constant 0 : index
    %get3A_14 = vector.load %arg5[%get3A_12, %get3A_13] : memref<128x128xf32, #tpu.memory_space<vmem>>, vector<64x128xf32>
    %dot_general3A_15 = arith.constant dense<0.000000e+00> : vector<2048x128xf32>
    %dot_general3A_16 = tpu.matmul %get3A_11, %get3A_14, %dot_general3A_15 {dimension_numbers = #tpu.dot_dimension_numbers<[1], [0], [0], [1], [0, 0, 1, 1], [], []>, transpose_lhs_hint = false} : vector<2048x64xf32>, vector<64x128xf32>, vector<2048x128xf32> -> vector<2048x128xf32>
    %add3A = arith.addf %dot_general3A_8, %dot_general3A_16 : vector<2048x128xf32>
    %get3A_17 = arith.constant 0 : index
    %get3A_18 = arith.constant 0 : index
    %get3A_19 = vector.load %arg6[%get3A_17, %get3A_18] : memref<64x128xf32, #tpu.memory_space<vmem>>, vector<64x128xf32>
    %dot_general3A_20 = arith.constant dense<0.000000e+00> : vector<2048x128xf32>
    %dot_general3A_21 = tpu.matmul %get3A_1, %get3A_19, %dot_general3A_20 {dimension_numbers = #tpu.dot_dimension_numbers<[1], [0], [0], [1], [0, 0, 1, 1], [], []>, transpose_lhs_hint = false} : vector<2048x64xf32>, vector<64x128xf32>, vector<2048x128xf32> -> vector<2048x128xf32>
    %add3A_22 = arith.addf %add3A, %dot_general3A_21 : vector<2048x128xf32>
    %get3A_23 = arith.constant 0 : index
    %get3A_24 = arith.constant 0 : index
    %get3A_25 = vector.load %arg7[%get3A_23, %get3A_24] : memref<1x128xf32, #tpu.memory_space<vmem>>, vector<1x128xf32>
    %add3A_26 = vector.broadcast %get3A_25 : vector<1x128xf32> to vector<2048x128xf32>
    %add3A_27 = arith.addf %add3A_22, %add3A_26 : vector<2048x128xf32>
    %custom_jvp_call3A = arith.constant 0.000000e+00 : f32
    %max3A = vector.broadcast %custom_jvp_call3A : f32 to vector<2048x128xf32>
    %max3A_28 = arith.maximumf %add3A_27, %max3A : vector<2048x128xf32>
    %sub3A = vector.broadcast %custom_jvp_call3A : f32 to vector<2048x128xf32>
    %sub3A_29 = arith.subf %add3A_27, %sub3A : vector<2048x128xf32>
    %ne3A = arith.cmpf one, %sub3A_29, %sub3A_29 : vector<2048x128xf32>
    %add3A_30 = vector.broadcast %custom_jvp_call3A : f32 to vector<2048x128xf32>
    %add3A_31 = arith.addf %add3A_27, %add3A_30 : vector<2048x128xf32>
    %abs3A = math.absf %sub3A_29 : vector<2048x128xf32>
    %neg3A = arith.constant 0.000000e+00 : f32
    %neg3A_32 = vector.broadcast %neg3A : f32 to vector<2048x128xf32>
    %neg3A_33 = arith.subf %neg3A_32, %abs3A : vector<2048x128xf32>
    %exp3A = math.exp %neg3A_33 : vector<2048x128xf32>
    %log1p3A = math.log1p %exp3A : vector<2048x128xf32>
    %add3A_34 = arith.addf %max3A_28, %log1p3A : vector<2048x128xf32>
    %select_n3A = arith.select %ne3A, %add3A_31, %add3A_34 : vector<2048x128xi1>, vector<2048x128xf32>
    %sub3A_35 = arith.constant 0.693147182 : f32
    %sub3A_36 = vector.broadcast %sub3A_35 : f32 to vector<2048x128xf32>
    %sub3A_37 = arith.subf %select_n3A, %sub3A_36 : vector<2048x128xf32>
    %get3A_38 = arith.constant 0 : index
    %get3A_39 = arith.constant 0 : index
    %get3A_40 = vector.load %arg8[%get3A_38, %get3A_39] : memref<128x64xf32, #tpu.memory_space<vmem>>, vector<128x64xf32>
    %dot_general3A_41 = arith.constant dense<0.000000e+00> : vector<2048x64xf32>
    %dot_general3A_42 = tpu.matmul %sub3A_37, %get3A_40, %dot_general3A_41 {dimension_numbers = #tpu.dot_dimension_numbers<[1], [0], [0], [1], [0, 0, 1, 1], [], []>, transpose_lhs_hint = false} : vector<2048x128xf32>, vector<128x64xf32>, vector<2048x64xf32> -> vector<2048x64xf32>
    %get3A_43 = arith.constant 0 : index
    %get3A_44 = arith.constant 0 : index
    %get3A_45 = vector.load %arg9[%get3A_43, %get3A_44] : memref<1x64xf32, #tpu.memory_space<vmem>>, vector<1x64xf32>
    %add3A_46 = vector.broadcast %get3A_45 : vector<1x64xf32> to vector<2048x64xf32>
    %add3A_47 = arith.addf %dot_general3A_42, %add3A_46 : vector<2048x64xf32>
    %swap3A = arith.constant 0 : index
    %swap3A_48 = arith.constant 0 : index
    %swap3A_49 = vector.load %arg14[%swap3A, %swap3A_48] : memref<2048x64xf32, #tpu.memory_space<vmem>>, vector<2048x64xf32>
    tpu.vector_store %arg14[%swap3A, %swap3A_48], %add3A_47 {strides = array<i32>} : memref<2048x64xf32, #tpu.memory_space<vmem>>, vector<2048x64xf32>,
    %get3A_50 = arith.constant 0 : index
    %get3A_51 = arith.constant 0 : index
    %get3A_52 = vector.load %arg10[%get3A_50, %get3A_51] : memref<64x64xf32, #tpu.memory_space<vmem>>, vector<64x64xf32>
    %dot_general3A_53 = arith.constant dense<0.000000e+00> : vector<2048x64xf32>
    %dot_general3A_54 = tpu.matmul %add3A_47, %get3A_52, %dot_general3A_53 {dimension_numbers = #tpu.dot_dimension_numbers<[1], [0], [0], [1], [0, 0, 1, 1], [], []>, transpose_lhs_hint = false} : vector<2048x64xf32>, vector<64x64xf32>, vector<2048x64xf32> -> vector<2048x64xf32>
    %get3A_55 = arith.constant 0 : index
    %get3A_56 = arith.constant 0 : index
    %get3A_57 = vector.load %arg11[%get3A_55, %get3A_56] : memref<1x64xf32, #tpu.memory_space<vmem>>, vector<1x64xf32>
    %add3A_58 = vector.broadcast %get3A_57 : vector<1x64xf32> to vector<2048x64xf32>
    %add3A_59 = arith.addf %dot_general3A_54, %add3A_58 : vector<2048x64xf32>
    %custom_jvp_call3A_60 = arith.constant 0.000000e+00 : f32
    %max3A_61 = vector.broadcast %custom_jvp_call3A_60 : f32 to vector<2048x64xf32>
    %max3A_62 = arith.maximumf %add3A_59, %max3A_61 : vector<2048x64xf32>
    %sub3A_63 = vector.broadcast %custom_jvp_call3A_60 : f32 to vector<2048x64xf32>
    %sub3A_64 = arith.subf %add3A_59, %sub3A_63 : vector<2048x64xf32>
    %ne3A_65 = arith.cmpf one, %sub3A_64, %sub3A_64 : vector<2048x64xf32>
    %add3A_66 = vector.broadcast %custom_jvp_call3A_60 : f32 to vector<2048x64xf32>
    %add3A_67 = arith.addf %add3A_59, %add3A_66 : vector<2048x64xf32>
    %abs3A_68 = math.absf %sub3A_64 : vector<2048x64xf32>
    %neg3A_69 = arith.constant 0.000000e+00 : f32
    %neg3A_70 = vector.broadcast %neg3A_69 : f32 to vector<2048x64xf32>
    %neg3A_71 = arith.subf %neg3A_70, %abs3A_68 : vector<2048x64xf32>
    %exp3A_72 = math.exp %neg3A_71 : vector<2048x64xf32>
    %log1p3A_73 = math.log1p %exp3A_72 : vector<2048x64xf32>
    %add3A_74 = arith.addf %max3A_62, %log1p3A_73 : vector<2048x64xf32>
    %select_n3A_75 = arith.select %ne3A_65, %add3A_67, %add3A_74 : vector<2048x64xi1>, vector<2048x64xf32>
    %sub3A_76 = arith.constant 0.693147182 : f32
    %sub3A_77 = vector.broadcast %sub3A_76 : f32 to vector<2048x64xf32>
    %sub3A_78 = arith.subf %select_n3A_75, %sub3A_77 : vector<2048x64xf32>
    %get3A_79 = arith.constant 0 : index
    %get3A_80 = arith.constant 0 : index
    %get3A_81 = vector.load %arg12[%get3A_79, %get3A_80] : memref<64x64xf32, #tpu.memory_space<vmem>>, vector<64x64xf32>
    %dot_general3A_82 = arith.constant dense<0.000000e+00> : vector<2048x64xf32>
    %dot_general3A_83 = tpu.matmul %sub3A_78, %get3A_81, %dot_general3A_82 {dimension_numbers = #tpu.dot_dimension_numbers<[1], [0], [0], [1], [0, 0, 1, 1], [], []>, transpose_lhs_hint = false} : vector<2048x64xf32>, vector<64x64xf32>, vector<2048x64xf32> -> vector<2048x64xf32>
    %get3A_84 = arith.constant 0 : index
    %get3A_85 = arith.constant 0 : index
    %get3A_86 = vector.load %arg13[%get3A_84, %get3A_85] : memref<1x64xf32, #tpu.memory_space<vmem>>, vector<1x64xf32>
    %add3A_87 = vector.broadcast %get3A_86 : vector<1x64xf32> to vector<2048x64xf32>
    %add3A_88 = arith.addf %dot_general3A_83, %add3A_87 : vector<2048x64xf32>
    %custom_jvp_call3A_89 = arith.constant 0.000000e+00 : f32
    %max3A_90 = vector.broadcast %custom_jvp_call3A_89 : f32 to vector<2048x64xf32>
    %max3A_91 = arith.maximumf %add3A_88, %max3A_90 : vector<2048x64xf32>
    %sub3A_92 = vector.broadcast %custom_jvp_call3A_89 : f32 to vector<2048x64xf32>
    %sub3A_93 = arith.subf %add3A_88, %sub3A_92 : vector<2048x64xf32>
    %ne3A_94 = arith.cmpf one, %sub3A_93, %sub3A_93 : vector<2048x64xf32>
    %add3A_95 = vector.broadcast %custom_jvp_call3A_89 : f32 to vector<2048x64xf32>
    %add3A_96 = arith.addf %add3A_88, %add3A_95 : vector<2048x64xf32>
    %abs3A_97 = math.absf %sub3A_93 : vector<2048x64xf32>
    %neg3A_98 = arith.constant 0.000000e+00 : f32
    %neg3A_99 = vector.broadcast %neg3A_98 : f32 to vector<2048x64xf32>
    %neg3A_100 = arith.subf %neg3A_99, %abs3A_97 : vector<2048x64xf32>
    %exp3A_101 = math.exp %neg3A_100 : vector<2048x64xf32>
    %log1p3A_102 = math.log1p %exp3A_101 : vector<2048x64xf32>
    %add3A_103 = arith.addf %max3A_91, %log1p3A_102 : vector<2048x64xf32>
    %select_n3A_104 = arith.select %ne3A_94, %add3A_96, %add3A_103 : vector<2048x64xi1>, vector<2048x64xf32>
    %sub3A_105 = arith.constant 0.693147182 : f32
    %sub3A_106 = vector.broadcast %sub3A_105 : f32 to vector<2048x64xf32>
    %sub3A_107 = arith.subf %select_n3A_104, %sub3A_106 : vector<2048x64xf32>
    %get3A_108 = arith.constant 0 : index
    %get3A_109 = arith.constant 0 : index
    %get3A_110 = vector.load %arg4[%get3A_108, %get3A_109] : memref<2048x64xf32, #tpu.memory_space<vmem>>, vector<2048x64xf32>
    %mul3A = arith.mulf %get3A_110, %sub3A_107 : vector<2048x64xf32>
    %swap3A_111 = arith.constant 0 : index
    %swap3A_112 = arith.constant 0 : index
    %swap3A_113 = vector.load %arg15[%swap3A_111, %swap3A_112] : memref<2048x64xf32, #tpu.memory_space<vmem>>, vector<2048x64xf32>
    tpu.vector_store %arg15[%swap3A_111, %swap3A_112], %mul3A {strides = array<i32>} : memref<2048x64xf32, #tpu.memory_space<vmem>>, vector<2048x64xf32>,
    return
  }
  func.func @transform_0(%arg0: i32) -> (i32, i32) {
    %c0_i32 = arith.constant 0 : i32
    %c0_i32_0 = arith.constant 0 : i32
    return %arg0, %c0_i32 : i32, i32
  }
  func.func @transform_1(%arg0: i32) -> (i32, i32) {
    %c0_i32 = arith.constant 0 : i32
    %c0_i32_0 = arith.constant 0 : i32
    return %arg0, %c0_i32 : i32, i32
  }
  func.func @transform_2(%arg0: i32) -> (i32, i32) {
    %c0_i32 = arith.constant 0 : i32
    %c0_i32_0 = arith.constant 0 : i32
    return %arg0, %c0_i32 : i32, i32
  }
  func.func @transform_3(%arg0: i32) -> (i32, i32) {
    %c0_i32 = arith.constant 0 : i32
    %c0_i32_0 = arith.constant 0 : i32
    return %arg0, %c0_i32 : i32, i32
  }
  func.func @transform_4(%arg0: i32) -> (i32, i32) {
    %c0_i32 = arith.constant 0 : i32
    %c0_i32_0 = arith.constant 0 : i32
    %c0_i32_1 = arith.constant 0 : i32
    return %c0_i32, %c0_i32_0 : i32, i32
  }
  func.func @transform_5(%arg0: i32) -> (i32, i32) {
    %c0_i32 = arith.constant 0 : i32
    %c0_i32_0 = arith.constant 0 : i32
    %c0_i32_1 = arith.constant 0 : i32
    return %c0_i32, %c0_i32_0 : i32, i32
  }
  func.func @transform_6(%arg0: i32) -> (i32, i32) {
    %c0_i32 = arith.constant 0 : i32
    %c0_i32_0 = arith.constant 0 : i32
    %c0_i32_1 = arith.constant 0 : i32
    return %c0_i32, %c0_i32_0 : i32, i32
  }
  func.func @transform_7(%arg0: i32) -> (i32, i32) {
    %c0_i32 = arith.constant 0 : i32
    %c0_i32_0 = arith.constant 0 : i32
    %c0_i32_1 = arith.constant 0 : i32
    return %c0_i32, %c0_i32_0 : i32, i32
  }
  func.func @transform_8(%arg0: i32) -> (i32, i32) {
    %c0_i32 = arith.constant 0 : i32
    %c0_i32_0 = arith.constant 0 : i32
    %c0_i32_1 = arith.constant 0 : i32
    return %c0_i32, %c0_i32_0 : i32, i32
  }
  func.func @transform_9(%arg0: i32) -> (i32, i32) {
    %c0_i32 = arith.constant 0 : i32
    %c0_i32_0 = arith.constant 0 : i32
    %c0_i32_1 = arith.constant 0 : i32
    return %c0_i32, %c0_i32_0 : i32, i32
  }
  func.func @transform_10(%arg0: i32) -> (i32, i32) {
    %c0_i32 = arith.constant 0 : i32
    %c0_i32_0 = arith.constant 0 : i32
    %c0_i32_1 = arith.constant 0 : i32
    return %c0_i32, %c0_i32_0 : i32, i32
  }
  func.func @transform_11(%arg0: i32) -> (i32, i32) {
    %c0_i32 = arith.constant 0 : i32
    %c0_i32_0 = arith.constant 0 : i32
    %c0_i32_1 = arith.constant 0 : i32
    return %c0_i32, %c0_i32_0 : i32, i32
  }
  func.func @transform_12(%arg0: i32) -> (i32, i32) {
    %c0_i32 = arith.constant 0 : i32
    %c0_i32_0 = arith.constant 0 : i32
    %c0_i32_1 = arith.constant 0 : i32
    return %c0_i32, %c0_i32_0 : i32, i32
  }
  func.func @transform_13(%arg0: i32) -> (i32, i32) {
    %c0_i32 = arith.constant 0 : i32
    %c0_i32_0 = arith.constant 0 : i32
    return %arg0, %c0_i32 : i32, i32
  }
  func.func @transform_14(%arg0: i32) -> (i32, i32) {
    %c0_i32 = arith.constant 0 : i32
    %c0_i32_0 = arith.constant 0 : i32
    return %arg0, %c0_i32 : i32, i32
  }
}

</mosaic_0001>

<sc_bundles>
// kernel: gather_offload_async_start.1
scs
__scs_entry_jumppad:
0x0: {  	(pc) =	sbr.rel $0x88, $3  }
0x1: {  	(tag) =	ssettag $0x0;
	lr =	simm.s32 $0x1  }
0x2: {  	[smem:$0x3F70] =	sst lr;
	_ =	strace $0xD0000000  }
0x3: {  	_ = 	snop  }
0x4: {  	_ = 	snop  }
0x5: {  	_ = 	snop  }
0x6: {  	_ = 	snop  }
0x7: {  	_ = 	snop  }
__scs_overlays_trampoline_lowered:
0x8: {  	[smem:$0x3F7F] =	sst s0  }
0x9: {  	[smem:$0x3F80] =	sst s1  }
0xa: {  	[smem:$0x3F81] =	sst s2  }
0xb: {  	[smem:$0x3F82] =	sst s3  }
0xc: {  	[smem:$0x3F83] =	sst s4  }
0xd: {  	[smem:$0x3F84] =	sst s5  }
0xe: {  	[smem:$0x3F85] =	sst s6  }
0xf: {  	[smem:$0x3F86] =	sst s7  }
0x10: {  	[smem:$0x3F87] =	sst s8  }
0x11: {  	[smem:$0x3F88] =	sst s9;
	s0 =	simm.s32 @!p0 $0x0  }
0x12: {  	s1 =	sld [smem:$0x3F6E];
	s0 =	simm.s32 @p0 $0x1  }
0x13: {  	[smem:$0x3F89] =	sst s0;
	s0 =	simm.s32 @!p1 $0x0  }
0x14: {  	s2 =	sld [smem:$0x3F6D];
	s0 =	simm.s32 @p1 $0x1  }
0x15: {  	[smem:$0x3F8A] =	sst s0;
	s0 =	simm.s32 @!p2 $0x0  }
0x16: {  	s3 =	sld [smem:$0x3FDB];
	s0 =	simm.s32 @p2 $0x1  }
0x17: {  	s4 =	simm.s32 $0x1BF5;
	[smem:$0x3F8C] =	sst s0  }
0x18: {  	s0 =	sld [smem:$0x3F6F];
	_ =	swait.ge [sflag:s4], $0x0  }
0x19: {  	s7 =	sld [smem:$0x3F70]  }
0x1a: {  	s8 =	sadd.s32 $0xFFFFE003, lr  }
0x1b: {  	s9 =	sadd.s32 $0xFFFFFEF7, lr;
	s5 =	simm.s32 $0xFFFFFFFF;
	p2 =	slt.u32 s8, $0xFFFFF086  }
0x1c: {  	p1 =	slt.u32 s9, $0xF7A;
	s5 =	simm.s32 @!p2 $0x0  }
0x1d: {  	s5 =	simm.s32 @p1 $0x1;
	p0 =	seq.s32 s7, s2  }
0x1e: {  	s7 =	smul.u32 @!p0 $0xF7A, s2;
	p2 =	seq.s32 @!p0 s5, $0x0  }
0x1f: {  	s9 =	smul.u32 $0xF7A, s1;
	s8 =	simm.s32 @!p0 $0x1BF5;
	p2 =	por !p2, p0  }
0x20: {  	[sflag:s8] =	ssyncset.s32 @!p0 $0xFFFFF086;
	s6 =	sadd.s32 @!p0 s3, s7;
	s7 =	simm.s32 @!p0 $0x108  }
0x21: {  	s3 =	sadd.s32 s3, s9;
	s6 =	sadd.s32 @!p0 $0x88, s6;
	s7 =	simm.s32 @p2 $0x1082  }
0x22: {  	[simem:s7], [sflag:s8] =	dma.local @!p0 [hbm:s6], $0xF7A  }
0x23: {  	s9 =	sor.u32 $0xD0000000, s2;
	s6 =	simm.s32 $0x108;
	_ =	swait.ge @!p0 [sflag:s8], $0x0  }
0x24: {  	s3 =	sadd.s32 $0x88, s3;
	s6 =	simm.s32 @!p1 $0x1082;
	[sflag:s4] =	ssyncset.s32 $0xFFFFF086  }
0x25: {  	[simem:s6], [sflag:s4] =	dma.local [hbm:s3], $0xF7A  }
0x26: {  	[smem:$0x3F70] =	sst s1;
	(tag) =	ssettag s2;
	_ =	strace s9  }
0x27: {  	s1 =	sld [smem:$0x3F80]  }
0x28: {  	s2 =	sld [smem:$0x3F81]  }
0x29: {  	s4 =	sld [smem:$0x3F83]  }
0x2a: {  	p0 =	seq.s32 s5, $0x0;
	s5 =	sld [smem:$0x3F84]  }
0x2b: {  	s6 =	sld [smem:$0x3F85]  }
0x2c: {  	s7 =	sld [smem:$0x3F86]  }
0x2d: {  	s3 =	simm.s32 $0x108;
	s8 =	sld [smem:$0x3F87]  }
0x2e: {  	s3 =	simm.s32 @!p0 $0x1082;
	s9 =	sld [smem:$0x3F88]  }
0x2f: {  	lr =	sadd.s32 s0, s3;
	s0 =	sld [smem:$0x3F7F]  }
0x30: {  	s3 =	sld [smem:$0x3F82]  }
0x31: {  	[smem:$0x3F8B] =	sst s10  }
0x32: {  	s10 =	sld [smem:$0x3F89];
	_ =	sdelay $0x3  }
0x33: {  	p0 =	seq.s32 s10, $0x1;
	s10 =	sld [smem:$0x3F8B];
	_ =	sdelay $0x3  }
0x34: {  	[smem:$0x3F8B] =	sst s10  }
0x35: {  	s10 =	sld [smem:$0x3F8A];
	_ =	sdelay $0x3  }
0x36: {  	p1 =	seq.s32 s10, $0x1;
	s10 =	sld [smem:$0x3F8B];
	_ =	sdelay $0x3  }
0x37: {  	[smem:$0x3F8B] =	sst s10  }
0x38: {  	s10 =	sld [smem:$0x3F8C]  }
0x39: {  	_ = 	snop;
	(pc) =	sbr.ind lr, $3  }
0x3a: {  	_ = 	snop  }
0x3b: {  	_ = 	snop  }
0x3c: {  	p2 =	seq.s32 s10, $0x1;
	s10 =	sld [smem:$0x3F8B]  }
0x3d: {  	_ =	shalt  }
0x3e: {  	_ =	shalt  }
0x3f: {  	_ =	shalt  }
0x40: {  	_ =	shalt  }
0x41: {  	_ =	shalt  }
0x42: {  	_ =	shalt  }
0x43: {  	_ =	shalt  }
0x44: {  	_ =	shalt  }
0x45: {  	_ =	shalt  }
0x46: {  	_ =	shalt  }
0x47: {  	_ =	shalt  }
0x48: {  	_ =	shalt  }
0x49: {  	_ =	shalt  }
0x4a: {  	_ =	shalt  }
0x4b: {  	_ =	shalt  }
0x4c: {  	_ =	shalt  }
0x4d: {  	_ =	shalt  }
0x4e: {  	_ =	shalt  }
0x4f: {  	_ =	shalt  }
0x50: {  	_ =	shalt  }
0x51: {  	_ =	shalt  }
0x52: {  	_ =	shalt  }
0x53: {  	_ =	shalt  }
0x54: {  	_ =	shalt  }
0x55: {  	_ =	shalt  }
0x56: {  	_ =	shalt  }
0x57: {  	_ =	shalt  }
0x58: {  	_ =	shalt  }
0x59: {  	_ =	shalt  }
0x5a: {  	_ =	shalt  }
0x5b: {  	_ =	shalt  }
0x5c: {  	_ =	shalt  }
0x5d: {  	_ =	shalt  }
0x5e: {  	_ =	shalt  }
0x5f: {  	_ =	shalt  }
0x60: {  	_ =	shalt  }
0x61: {  	_ =	shalt  }
0x62: {  	_ =	shalt  }
0x63: {  	_ =	shalt  }
0x64: {  	_ =	shalt  }
0x65: {  	_ =	shalt  }
0x66: {  	_ =	shalt  }
0x67: {  	_ =	shalt  }
0x68: {  	_ =	shalt  }
0x69: {  	_ =	shalt  }
0x6a: {  	_ =	shalt  }
0x6b: {  	_ =	shalt  }
0x6c: {  	_ =	shalt  }
0x6d: {  	_ =	shalt  }
0x6e: {  	_ =	shalt  }
0x6f: {  	_ =	shalt  }
0x70: {  	_ =	shalt  }
0x71: {  	_ =	shalt  }
0x72: {  	_ =	shalt  }
0x73: {  	_ =	shalt  }
0x74: {  	_ =	shalt  }
0x75: {  	_ =	shalt  }
0x76: {  	_ =	shalt  }
0x77: {  	_ =	shalt  }
0x78: {  	_ =	shalt  }
0x79: {  	_ =	shalt  }
0x7a: {  	_ =	shalt  }
0x7b: {  	_ =	shalt  }
0x7c: {  	_ =	shalt  }
0x7d: {  	_ =	shalt  }
0x7e: {  	_ =	shalt  }
0x7f: {  	_ =	shalt  }
0x80: {  	_ =	shalt  }
0x81: {  	_ =	shalt  }
0x82: {  	_ =	shalt  }
0x83: {  	_ =	shalt  }
0x84: {  	_ =	shalt  }
0x85: {  	_ =	shalt  }
0x86: {  	_ =	shalt  }
0x87: {  	_ =	shalt  }
.Lfunc_end0:
.L_simem_size_0:
called_computation.6_lowered:
.L_overlay_start_0:
0x88: {  	s2 =	sld [smem:$0x3FD9]  }
0x89: {  	s3 =	sld [smem:$0x3FFE];
	_ =	sdelay $0x1  }
0x8a: {  	s1 =	srdreg.scid  }
0x8b: {  	s0 =	sand.u32 $0x1, s1  }
0x8c: {  	s16 =	sshll.u32 s0, $0xA;
	s2 =	sadd.s32 s3, s2  }
0x8d: {  	s2 =	sadd.s32 s2, s16  }
0x8e: {  	[smem:$0x3F97] =	sst s2  }
0x8f: {  	_ = 	snop  }
0x90: {  	(tm) =	ssettm $0x1  }
0x91: {  	s17 =	sld [smem:$0x3FFB];
	_ =	sdelay $0x3  }
0x92: {  	_ =	strace s17  }
0x93: {  	s2 =	sld [smem:$0x3FFC];
	_ =	sdelay $0x3  }
0x94: {  	_ =	strace s2  }
0x95: {  	s2 =	sld [smem:$0x3FFD];
	_ =	sdelay $0x3  }
0x96: {  	_ =	strace s2  }
0x97: {  	_ =	strace $0x8FFFFFFF  }
0x98: {  	s18 =	sld [smem:$0x3FDB];
	_ =	sdelay $0x1  }
0x99: {  	s19 =	simm.s32 $_scs_section_size  }
0x9a: {  	s4 =	simm.s32 $_size__tile_overlayer_lowered;
	s5 =	simm.s32 $_tile_overlayer_lowered  }
0x9b: {  	s22 =	simm.s32 $0x1BFF;
	s21 =	sshll.u32 s5, $0x1;
	s2 =	sadd.s32 s19, s18  }
0x9c: {  	s6 =	simm.s32 $0x0;
	s20 =	sshll.u32 s4, $0x1;
	s4 =	sadd.s32 s21, s2  }
0x9d: {  	[timem:s6], [sflag:s22] =	dma.local [hbm:s4], s20  }
0x9e: {  	_ =	swait.ge [sflag:s22], s20  }
0x9f: {  	s3 =	ssub.s32 $0x0, s20;
	[sflag:s22] =	ssyncset.done $0x0  }
0xa0: {  	[sflag:s22] =	ssyncadd.s32 s3;
	_ =	sdelay $0x1  }
0xa1: {  	s23 =	simm.s32 $0x1B8B  }
0xa2: {  	_ =	swait.ge [sflag:s23], $0x1  }
0xa3: {  	[sflag:s23] =	ssyncset.done $0x0  }
0xa4: {  	s25 =	simm.s32 $0x1B8E;
	s24 =	sld [smem:$0x3FFE];
	[sflag:s23] =	ssyncadd.s32 $0xFFFFFFFF  }
0xa5: {  	s26 =	simm.s32 $execute0_lowered;
	[smem:$0x3FD2] =	sst s25  }
0xa6: {  	s4 =	sshll.u32 s26, $0x1;
	_ =	strace $0x80000052;
	[dreg:$0x1] =	wrdreg $0xFFFFFFFF  }
0xa7: {  	s28 =	simm.s32 $_size_execute0_lowered;
	s2 =	sadd.s32 s2, s4;
	[dreg:$0x0] =	wrdreg $0x0  }
0xa8: {  	s4 =	sshll.u32 s28, $0x1;
	[dreg:$0x2] =	wrdreg s2  }
0xa9: {  	[dreg:$0x3] =	wrdreg s4  }
0xaa: {  	[dreg:$0x4] =	wrdreg $0xC0  }
0xab: {  	_ =	task [dreg:s6], $0x5FFFF  }
0xac: {  	[dreg:$0x1] =	wrdreg $0xFFFFFFFF  }
0xad: {  	[dreg:$0x0] =	wrdreg $0x60  }
0xae: {  	[dreg:$0x2] =	wrdreg s24  }
0xaf: {  	[dreg:$0x3] =	wrdreg $0x9  }
0xb0: {  	_ =	task.clear_ibuf [dreg:s6], $0x4FFFF;
	_ =	strace $0x90000052  }
0xb1: {  	s29 =	simm.s32 $0x9;
	_ =	strace $0x80000054  }
0xb2: {  	_ =	swait.ge [sflag:s29], $0x1  }
0xb3: {  	[sflag:s29] =	ssyncadd.s32 $0xFFFFFFFF  }
0xb4: {  	_ =	strace $0x90000054  }
0xb5: {  	_ =	sfence  }
0xb6: {  	s30 =	sld [smem:$0x0];
	_ =	sdelay $0x2  }
0xb7: {  	s31 =	sshll.u32 s1, $0xD;
	s1 =	sshrl.u32 s1, $0x2  }
0xb8: {  	s3 =	sand.u32 $0x4000, s31;
	s1 =	sadd.s32 s1, s30  }
0xb9: {  	s0 =	sor.u32 s3, s0;
	s1 =	sshll.u32 s1, $0x11  }
0xba: {  	s0 =	sor.u32 s1, s0  }
0xbb: {  	s0 =	sadd.s32 $0x8F2B, s0  }
0xbc: {  	[sflag:s0] =	ssyncadd.remote.s32 $0x1  }
0xbd: {  	_ =	sfence.sel $0xFFFF  }
0xbe: {  	[dreg:$0x0] =	wrdreg $0xFFFFFFFF;
	(pc) =	sbr.abs _section_cstart, $3  }
0xbf: {  	[dreg:$0x1] =	wrdreg $0xFFFFFFFF  }
0xc0: {  	_ =	task.clear_ibuf [dreg:s6], $0x2FFFF;
	_ =	strace $0x9FFFFFFF  }
0xc1: {  	(tm) =	ssettm $0x7FFFFFFF  }
tec
execute0_lowered:
.L_overlay_start_1:
0x0: {  	(tag) =	ssettag $0x1  }
0x1: {  	s0 =	srdreg.scid;
	s5 =	rddreg [dreg:$0x0]  }
0x2: {  	s1 =	stileid.u32;
	s6 =	simm.s32 $0x1;
	s9 =	simm.s32 $0x1  }
0x3: {  	s10 =	simm.s32 $0x3;
	s13 =	simm.s32 $0x0;
	s2 =	sshll.u32 s0, $0xC  }
0x4: {  	s12 =	simm.s32 $0x0;
	s3 =	sshll.u32 s1, $0xD;
	s2 =	sand.u32 $0x1000, s2  }
0x5: {  	s0 =	rddreg [dreg:$0x1];
	_ =	strace $0x80000053;
	s2 =	sor.u32 s3, s2  }
0x6: {  	s4 =	sadd.s32 $0x4000, s5;
	[sflag:s6] =	ssyncpa.u1 $0x0;
	s8 =	ssub.s32 $0x40000, s2  }
.Ltmp0:
0x7: {  	s3 =	sadd.s32 $0x149600, s5;
	s7 =	sand.u32 $0x1F000, s8;
	(pc) =	sbr.rel .LBB2_1-.Ltmp0, $4  }
0x8: {  	s5 =	sadd.s32 $0xC000, s5;
	s11 =	smov.u32 s2;
	p0 =	sne.s32 s7, $0x0  }
0x9: {  	s8 =	sshrl.u32 s8, $0x11;
	s7 =	simm.s32 $0x2;
	s9 =	simm.s32 @!p0 $0x0  }
0xa: {  	[sflag:s7] =	ssyncpa.u1 $0x0;
	p0 =	por $0x0, $0x0;
	s8 =	sadd.s32 s9, s8  }
0xb: {  	vm0 =	vmmov $0xffff;
	[sflag:s10] =	ssyncpa.u1 $0x0;
	s10 =	simm.s32 $0x0;
	s9 =	sadd.s32 $0x1, s8  }
.LBB2_4:
0xc: {  	v2 =	vnsel vm1, $0x0, v2  }
0xd: {  	vm1 =	vgt.s32 v0, $0x0;
	v2 =	vmin.u32 v2, $0x3FFFF  }
0xe: {  	v0 =	vnsel vm1, $0x0, v0  }
0xf: {  	v0 =	vmin.u32 v0, $0x3FFFF  }
0x10: {  	[tilespmem:s15], [sflag:$0x1] =	stream.indirect_vreg.gather [hbm4b:s3+s10], $0x1, v1, vm0, $0x4038;
	[tilespmem:$0x4000] =	vst v63  }
0x11: {  	(ifvalue) =	ssetifvalue $0x7FFFFFFF  }
0x12: {  	[tilespmem:s16], [sflag:$0x1] =	stream.indirect_vreg.gather [hbm4b:s3+s10], $0x1, v2, vm0, $0x4038;
	[tilespmem:$0x4000] =	vst v63  }
0x13: {  	s29 =	sadd.s32 $0x10, s16;
	(ifvalue) =	ssetifvalue $0x7FFFFFFF  }
0x14: {  	[tilespmem:s29], [sflag:$0x1] =	stream.indirect_vreg.gather [hbm4b:s3+s10], $0x1, v0, vm0, $0x4038;
	[tilespmem:$0x4000] =	vst v63  }
0x15: {  	_ =	swait.ge [sflag:s6], $0x1000  }
0x16: {  	s30 =	sshrl.u32 s13, $0x3;
	[sflag:s6] =	ssyncset.done $0x0  }
0x17: {  	s31 =	sand.u32 $0x7, s13;
	s15 =	sadd.s32 s5, s30;
	[sflag:s6] =	ssyncadd.s32 $0xFFFFF000  }
0x18: {  	[hbm4b:s15+s31] =	stream.linear.scatter [tilespmem:s14], [sflag:$0x3], $0x1000, $0x38;
	[tilespmem:$0x4000] =	vst v63  }
.LBB2_5:
0x19: {  	s15 =	sadd.s32 $0x20000, s11  }
0x1a: {  	p2 =	sgt.s32 s15, $0x3FFFF  }
0x1b: {  	s15 =	smov.u32 @p2 s2;
	p2 =	sne.s32 s12, s9  }
.Ltmp1:
0x1c: {  	p1 =	slt.u32 s12, $0x2;
	(pc) =	sbr.rel @!p2 .LBB2_6-.Ltmp1, $4  }
0x1d: {  	s14 =	simm.s32 @!p1 $0x3  }
0x1e: {  	s16 =	sadd.s32 $0x1, s12;
	_ =	swait.ge @!p1 [sflag:s14], $0x1000  }
0x1f: {  	s13 =	smov.u32 s11;
	p0 =	por !p0, !p0;
	[sflag:s14] =	ssyncset.done @!p1 $0x0  }
0x20: {  	s12 =	smov.u32 s16;
	s11 =	smov.u32 s15;
	[sflag:s14] =	ssyncadd.s32 @!p1 $0xFFFFF000  }
.LBB2_1:
0x21: {  	p1 =	sge.u32 s12, s8  }
0x22: {  	s14 =	sxor.u32 @!p1 $0xFFFFFFFF, s12  }
0x23: {  	s31 =	sadd.s32 $0xFFFFFFFF, s12;
	s15 =	sshrl.u32 @!p1 s11, $0x3;
	s14 =	sshll.u32 @!p1 s14, $0xC  }
0x24: {  	s16 =	sand.u32 @!p1 $0x7, s11;
	s15 =	sadd.s32 @!p1 s4, s15;
	s14 =	sand.u32 @!p1 $0x1000, s14  }
0x25: {  	[tilespmem:s14], [sflag:$0x2] =	stream.linear.gather @!p1 [hbm4b:s15+s16], $0x1000, $0x38;
	[tilespmem:$0x4000] =	vst v63  }
0x26: {  	p1 =	sge.u32 s31, s8  }
.Ltmp2:
0x27: {  	_ = 	snop;
	(pc) =	sbr.rel @p1 .LBB2_5-.Ltmp2, $1  }
0x28: {  	_ =	sdelay $0x3  }
0x29: {  	s14 =	simm.s32 $0x1  }
0x2a: {  	_ =	swait.ge [sflag:s7], $0x1000;
	s14 =	simm.s32 @!p0 $0x0  }
0x2b: {  	[sflag:s7] =	ssyncset.done $0x0;
	s14 =	sshll.u32 s14, $0xC  }
0x2c: {  	[sflag:s7] =	ssyncadd.s32 $0xFFFFF000;
	(ifvalue) =	ssetifvalue $0x7FFFFFFF;
	v0 =	vld.msk [tilespmem:s14+$0x0 ss:$0x1], $0xffff;
	_ =	sdelay $0x4  }
0x2d: {  	s15 =	sadd.s32 $0x10, s14;
	vm1 =	vgt.s32 v0, $0x0  }
0x2e: {  	v2 =	vld.msk [tilespmem:s15+$0x0 ss:$0x1], $0xffff;
	v1 =	vnsel vm1, $0x0, v0  }
0x2f: {  	v1 =	vmin.u32 v1, $0x3FFFF;
	_ =	sdelay $0x1  }
0x30: {  	s16 =	sshll.u32 s12, $0xC;
	s18 =	simm.s32 $0x20  }
0x31: {  	s16 =	sand.u32 $0x1000, s16;
	s17 =	sadd.s32 $0x10, s15;
	s15 =	sor.u32 $0x2000, s14  }
0x32: {  	s14 =	sor.u32 $0x2000, s16;
	s16 =	sadd.s32 $0x10, s15;
	v0 =	vld.msk [tilespmem:s17+$0x0 ss:$0x1], $0xffff;
	vm1 =	vgt.s32 v2, $0x0;
	(ifvalue) =	ssetifvalue $0x7FFFFFFF  }
.LBB2_3:
0x33: {  	[tilespmem:s15], [sflag:$0x1] =	stream.indirect_vreg.gather [hbm4b:s3+s10], $0x1, v1, vm0, $0x4038;
	[tilespmem:$0x4000] =	vst v63  }
0x34: {  	s18 =	sadd.s32 $0x10, s18  }
0x35: {  	v2 =	vnsel vm1, $0x0, v2;
	p1 =	slt.u32 s18, $0xFF0  }
.Ltmp3:
0x36: {  	s15 =	smov.u32 s16;
	v1 =	vmin.u32 v2, $0x3FFFF;
	(pc) =	sbr.rel @p1 .LBB2_3-.Ltmp3, $3  }
0x37: {  	_ =	sdelay $0x1  }
0x38: {  	s17 =	sadd.s32 $0x10, s17  }
0x39: {  	vm1 =	vgt.s32 v0, $0x0;
	s16 =	sadd.s32 $0x10, s16;
	v2 =	vmov v0;
	(ifvalue) =	ssetifvalue $0x7FFFFFFF;
	v0 =	vld.msk [tilespmem:s17+$0x0 ss:$0x1], $0xffff  }
.Ltmp4:
0x3a: {  	_ = 	snop;
	(pc) =	sbr.rel .LBB2_4-.Ltmp4, $1  }
0x3b: {  	_ =	sdelay $0x3  }
.LBB2_6:
0x3c: {  	_ =	sfence.sel $0x180000  }
0x3d: {  	s2 =	simm.s32 $0x2;
	[bflag:$0x0] =	sbarrier.arrive $0xFFFF  }
0x3e: {  	s30 =	simm.s32 $0x3;
	[sflag:s2] =	ssyncpa.u1 $0x1  }
0x3f: {  	s31 =	simm.s32 $0x1;
	[sflag:s30] =	ssyncpa.u1 $0x1  }
0x40: {  	[sflag:s31] =	ssyncpa.u1 $0x1  }
0x41: {  	p0 =	sne.s32 s1, $0x0;
	_ =	strace $0x90000053  }
0x42: {  	s0 =	sadd.s32 @!p0 $0x100000, s0;
	[bflag:$0x2] =	sbarrier.arrive $0xFFFF  }
0x43: {  	[sflag:s0] =	ssyncadd.tile.s32 @!p0 $0x1;
	_ =	shalt  }
.Lfunc_end2:
_tile_overlayer_lowered:
.L_overlay_start_2:
0x44: {  	(tag) =	ssettag $0x2  }
0x45: {  	s0 =	rddreg [dreg:$0x0];
	s2 =	stileid.u32  }
0x46: {  	s1 =	rddreg [dreg:$0x1];
	p0 =	sne.s32 s2, $0x0  }
0x47: {  	s3 =	rddreg [dreg:$0x2];
	[bflag:$0x3] =	sbarrier.arrive $0xFFFF;
	s2 =	simm.s32 @!p0 $0x1C01  }
0x48: {  	[timem:s3], [sflag:s2] =	dma.local @!p0 [hbm:s0], s1  }
0x49: {  	s0 =	simm.s32 @!p0 $0x1  }
0x4a: {  	_ =	swait.ge @!p0 [sflag:s0], s1  }
0x4b: {  	s1 =	ssub.s32 @!p0 $0x0, s1;
	[sflag:s0] =	ssyncset.done @!p0 $0x0  }
0x4c: {  	[sflag:s0] =	ssyncadd.s32 @!p0 s1  }
0x4d: {  	[bflag:$0x3] =	sbarrier.arrive $0xFFFF  }
0x4e: {  	_ =	shalt  }

// kernel: gather_offload_async_start.2
scs
__scs_entry_jumppad:
0x0: {  	(pc) =	sbr.rel $0x88, $3  }
0x1: {  	(tag) =	ssettag $0x0;
	lr =	simm.s32 $0x1  }
0x2: {  	[smem:$0x3F70] =	sst lr;
	_ =	strace $0xD0000000  }
0x3: {  	_ = 	snop  }
0x4: {  	_ = 	snop  }
0x5: {  	_ = 	snop  }
0x6: {  	_ = 	snop  }
0x7: {  	_ = 	snop  }
__scs_overlays_trampoline_lowered:
0x8: {  	[smem:$0x3F7F] =	sst s0  }
0x9: {  	[smem:$0x3F80] =	sst s1  }
0xa: {  	[smem:$0x3F81] =	sst s2  }
0xb: {  	[smem:$0x3F82] =	sst s3  }
0xc: {  	[smem:$0x3F83] =	sst s4  }
0xd: {  	[smem:$0x3F84] =	sst s5  }
0xe: {  	[smem:$0x3F85] =	sst s6  }
0xf: {  	[smem:$0x3F86] =	sst s7  }
0x10: {  	[smem:$0x3F87] =	sst s8  }
0x11: {  	[smem:$0x3F88] =	sst s9;
	s0 =	simm.s32 @!p0 $0x0  }
0x12: {  	s1 =	sld [smem:$0x3F6E];
	s0 =	simm.s32 @p0 $0x1  }
0x13: {  	[smem:$0x3F89] =	sst s0;
	s0 =	simm.s32 @!p1 $0x0  }
0x14: {  	s2 =	sld [smem:$0x3F6D];
	s0 =	simm.s32 @p1 $0x1  }
0x15: {  	[smem:$0x3F8A] =	sst s0;
	s0 =	simm.s32 @!p2 $0x0  }
0x16: {  	s3 =	sld [smem:$0x3FDB];
	s0 =	simm.s32 @p2 $0x1  }
0x17: {  	s4 =	simm.s32 $0x1BF5;
	[smem:$0x3F8C] =	sst s0  }
0x18: {  	s0 =	sld [smem:$0x3F6F];
	_ =	swait.ge [sflag:s4], $0x0  }
0x19: {  	s7 =	sld [smem:$0x3F70]  }
0x1a: {  	s8 =	sadd.s32 $0xFFFFE003, lr  }
0x1b: {  	s9 =	sadd.s32 $0xFFFFFEF7, lr;
	s5 =	simm.s32 $0xFFFFFFFF;
	p2 =	slt.u32 s8, $0xFFFFF086  }
0x1c: {  	p1 =	slt.u32 s9, $0xF7A;
	s5 =	simm.s32 @!p2 $0x0  }
0x1d: {  	s5 =	simm.s32 @p1 $0x1;
	p0 =	seq.s32 s7, s2  }
0x1e: {  	s7 =	smul.u32 @!p0 $0xF7A, s2;
	p2 =	seq.s32 @!p0 s5, $0x0  }
0x1f: {  	s9 =	smul.u32 $0xF7A, s1;
	s8 =	simm.s32 @!p0 $0x1BF5;
	p2 =	por !p2, p0  }
0x20: {  	[sflag:s8] =	ssyncset.s32 @!p0 $0xFFFFF086;
	s6 =	sadd.s32 @!p0 s3, s7;
	s7 =	simm.s32 @!p0 $0x108  }
0x21: {  	s3 =	sadd.s32 s3, s9;
	s6 =	sadd.s32 @!p0 $0x88, s6;
	s7 =	simm.s32 @p2 $0x1082  }
0x22: {  	[simem:s7], [sflag:s8] =	dma.local @!p0 [hbm:s6], $0xF7A  }
0x23: {  	s9 =	sor.u32 $0xD0000000, s2;
	s6 =	simm.s32 $0x108;
	_ =	swait.ge @!p0 [sflag:s8], $0x0  }
0x24: {  	s3 =	sadd.s32 $0x88, s3;
	s6 =	simm.s32 @!p1 $0x1082;
	[sflag:s4] =	ssyncset.s32 $0xFFFFF086  }
0x25: {  	[simem:s6], [sflag:s4] =	dma.local [hbm:s3], $0xF7A  }
0x26: {  	[smem:$0x3F70] =	sst s1;
	(tag) =	ssettag s2;
	_ =	strace s9  }
0x27: {  	s1 =	sld [smem:$0x3F80]  }
0x28: {  	s2 =	sld [smem:$0x3F81]  }
0x29: {  	s4 =	sld [smem:$0x3F83]  }
0x2a: {  	p0 =	seq.s32 s5, $0x0;
	s5 =	sld [smem:$0x3F84]  }
0x2b: {  	s6 =	sld [smem:$0x3F85]  }
0x2c: {  	s7 =	sld [smem:$0x3F86]  }
0x2d: {  	s3 =	simm.s32 $0x108;
	s8 =	sld [smem:$0x3F87]  }
0x2e: {  	s3 =	simm.s32 @!p0 $0x1082;
	s9 =	sld [smem:$0x3F88]  }
0x2f: {  	lr =	sadd.s32 s0, s3;
	s0 =	sld [smem:$0x3F7F]  }
0x30: {  	s3 =	sld [smem:$0x3F82]  }
0x31: {  	[smem:$0x3F8B] =	sst s10  }
0x32: {  	s10 =	sld [smem:$0x3F89];
	_ =	sdelay $0x3  }
0x33: {  	p0 =	seq.s32 s10, $0x1;
	s10 =	sld [smem:$0x3F8B];
	_ =	sdelay $0x3  }
0x34: {  	[smem:$0x3F8B] =	sst s10  }
0x35: {  	s10 =	sld [smem:$0x3F8A];
	_ =	sdelay $0x3  }
0x36: {  	p1 =	seq.s32 s10, $0x1;
	s10 =	sld [smem:$0x3F8B];
	_ =	sdelay $0x3  }
0x37: {  	[smem:$0x3F8B] =	sst s10  }
0x38: {  	s10 =	sld [smem:$0x3F8C]  }
0x39: {  	_ = 	snop;
	(pc) =	sbr.ind lr, $3  }
0x3a: {  	_ = 	snop  }
0x3b: {  	_ = 	snop  }
0x3c: {  	p2 =	seq.s32 s10, $0x1;
	s10 =	sld [smem:$0x3F8B]  }
0x3d: {  	_ =	shalt  }
0x3e: {  	_ =	shalt  }
0x3f: {  	_ =	shalt  }
0x40: {  	_ =	shalt  }
0x41: {  	_ =	shalt  }
0x42: {  	_ =	shalt  }
0x43: {  	_ =	shalt  }
0x44: {  	_ =	shalt  }
0x45: {  	_ =	shalt  }
0x46: {  	_ =	shalt  }
0x47: {  	_ =	shalt  }
0x48: {  	_ =	shalt  }
0x49: {  	_ =	shalt  }
0x4a: {  	_ =	shalt  }
0x4b: {  	_ =	shalt  }
0x4c: {  	_ =	shalt  }
0x4d: {  	_ =	shalt  }
0x4e: {  	_ =	shalt  }
0x4f: {  	_ =	shalt  }
0x50: {  	_ =	shalt  }
0x51: {  	_ =	shalt  }
0x52: {  	_ =	shalt  }
0x53: {  	_ =	shalt  }
0x54: {  	_ =	shalt  }
0x55: {  	_ =	shalt  }
0x56: {  	_ =	shalt  }
0x57: {  	_ =	shalt  }
0x58: {  	_ =	shalt  }
0x59: {  	_ =	shalt  }
0x5a: {  	_ =	shalt  }
0x5b: {  	_ =	shalt  }
0x5c: {  	_ =	shalt  }
0x5d: {  	_ =	shalt  }
0x5e: {  	_ =	shalt  }
0x5f: {  	_ =	shalt  }
0x60: {  	_ =	shalt  }
0x61: {  	_ =	shalt  }
0x62: {  	_ =	shalt  }
0x63: {  	_ =	shalt  }
0x64: {  	_ =	shalt  }
0x65: {  	_ =	shalt  }
0x66: {  	_ =	shalt  }
0x67: {  	_ =	shalt  }
0x68: {  	_ =	shalt  }
0x69: {  	_ =	shalt  }
0x6a: {  	_ =	shalt  }
0x6b: {  	_ =	shalt  }
0x6c: {  	_ =	shalt  }
0x6d: {  	_ =	shalt  }
0x6e: {  	_ =	shalt  }
0x6f: {  	_ =	shalt  }
0x70: {  	_ =	shalt  }
0x71: {  	_ =	shalt  }
0x72: {  	_ =	shalt  }
0x73: {  	_ =	shalt  }
0x74: {  	_ =	shalt  }
0x75: {  	_ =	shalt  }
0x76: {  	_ =	shalt  }
0x77: {  	_ =	shalt  }
0x78: {  	_ =	shalt  }
0x79: {  	_ =	shalt  }
0x7a: {  	_ =	shalt  }
0x7b: {  	_ =	shalt  }
0x7c: {  	_ =	shalt  }
0x7d: {  	_ =	shalt  }
0x7e: {  	_ =	shalt  }
0x7f: {  	_ =	shalt  }
0x80: {  	_ =	shalt  }
0x81: {  	_ =	shalt  }
0x82: {  	_ =	shalt  }
0x83: {  	_ =	shalt  }
0x84: {  	_ =	shalt  }
0x85: {  	_ =	shalt  }
0x86: {  	_ =	shalt  }
0x87: {  	_ =	shalt  }
.Lfunc_end0:
.L_simem_size_0:
called_computation.7_lowered:
.L_overlay_start_0:
0x88: {  	s2 =	sld [smem:$0x3FD9]  }
0x89: {  	s3 =	sld [smem:$0x3FFE];
	_ =	sdelay $0x1  }
0x8a: {  	s1 =	srdreg.scid  }
0x8b: {  	s0 =	sand.u32 $0x1, s1  }
0x8c: {  	s17 =	sshll.u32 s0, $0xA;
	s2 =	sadd.s32 s3, s2  }
0x8d: {  	s2 =	sadd.s32 s2, s17  }
0x8e: {  	[smem:$0x3F97] =	sst s2  }
0x8f: {  	_ = 	snop  }
0x90: {  	(tm) =	ssettm $0x1  }
0x91: {  	s18 =	sld [smem:$0x3FFB];
	_ =	sdelay $0x3  }
0x92: {  	_ =	strace s18  }
0x93: {  	s2 =	sld [smem:$0x3FFC];
	_ =	sdelay $0x3  }
0x94: {  	_ =	strace s2  }
0x95: {  	s2 =	sld [smem:$0x3FFD];
	_ =	sdelay $0x3  }
0x96: {  	_ =	strace s2  }
0x97: {  	_ =	strace $0x8FFFFFFF  }
0x98: {  	s19 =	sld [smem:$0x3FDB];
	_ =	sdelay $0x1  }
0x99: {  	s20 =	simm.s32 $_scs_section_size  }
0x9a: {  	s4 =	simm.s32 $_size__tile_overlayer_lowered;
	s5 =	simm.s32 $_tile_overlayer_lowered  }
0x9b: {  	s6 =	simm.s32 $0x1BFF;
	s21 =	sshll.u32 s5, $0x1;
	s3 =	sadd.s32 s20, s19  }
0x9c: {  	s22 =	simm.s32 $0x0;
	s4 =	sshll.u32 s4, $0x1;
	s5 =	sadd.s32 s21, s3  }
0x9d: {  	[timem:s22], [sflag:s6] =	dma.local [hbm:s5], s4  }
0x9e: {  	_ =	swait.ge [sflag:s6], s4  }
0x9f: {  	s4 =	ssub.s32 $0x0, s4;
	[sflag:s6] =	ssyncset.done $0x0  }
0xa0: {  	[sflag:s6] =	ssyncadd.s32 s4;
	_ =	sdelay $0x1  }
0xa1: {  	s23 =	simm.s32 $0x1B8B  }
0xa2: {  	_ =	swait.ge [sflag:s23], $0x1  }
0xa3: {  	[sflag:s23] =	ssyncset.done $0x0  }
0xa4: {  	[sflag:s23] =	ssyncadd.s32 $0xFFFFFFFF  }
0xa5: {  	s4 =	sld [smem:$0x0]  }
0xa6: {  	s5 =	sand.u32 $0xFFFFFFFE, s1  }
0xa7: {  	p0 =	sne.s32 s1, s5  }
0xa8: {  	s5 =	sshll.u32 @p0 s5, $0xE  }
0xa9: {  	s5 =	sadd.s32 @p0 $0x11B8D, s5;
	s6 =	sshll.u32 @p0 s4, $0x11  }
0xaa: {  	s5 =	sor.u32 @p0 s6, s5  }
0xab: {  	[sflag:s5] =	ssyncadd.remote.s32 @p0 $0x1;
	_ =	sdelay $0x1  }
0xac: {  	s5 =	simm.s32 @p0 $0x1B8D  }
0xad: {  	_ =	swait.eq @p0 [sflag:s5], $0x1  }
0xae: {  	[sflag:s5] =	ssyncadd.s32 @p0 $0xFFFFFFFF  }
0xaf: {  	s6 =	sshll.u32 @!p0 s1, $0xE  }
0xb0: {  	s6 =	sor.u32 @!p0 $0x4000, s6;
	s5 =	simm.s32 @!p0 $0x1B8D  }
0xb1: {  	s4 =	sshll.u32 @!p0 s4, $0x11;
	s6 =	sadd.s32 @!p0 $0x11B8D, s6;
	_ =	swait.eq @!p0 [sflag:s5], $0x1  }
0xb2: {  	s4 =	sor.u32 @!p0 s4, s6;
	[sflag:s5] =	ssyncadd.s32 @!p0 $0xFFFFFFFF  }
0xb3: {  	s25 =	simm.s32 $0x1B8E;
	s24 =	sld [smem:$0x3FFE];
	[sflag:s4] =	ssyncadd.remote.s32 @!p0 $0x1  }
0xb4: {  	s26 =	simm.s32 $execute0_lowered;
	[smem:$0x3FD2] =	sst s25  }
0xb5: {  	s5 =	sshll.u32 s26, $0x1;
	_ =	strace $0x80000055;
	[dreg:$0x1] =	wrdreg $0xFFFFFFFF  }
0xb6: {  	s28 =	simm.s32 $_size_execute0_lowered;
	s3 =	sadd.s32 s3, s5;
	[dreg:$0x0] =	wrdreg $0x0  }
0xb7: {  	s5 =	sshll.u32 s28, $0x1;
	[dreg:$0x2] =	wrdreg s3  }
0xb8: {  	[dreg:$0x3] =	wrdreg s5  }
0xb9: {  	[dreg:$0x4] =	wrdreg $0xC0  }
0xba: {  	_ =	task [dreg:s22], $0x5FFFF  }
0xbb: {  	[dreg:$0x1] =	wrdreg $0xFFFFFFFF  }
0xbc: {  	[dreg:$0x0] =	wrdreg $0x60  }
0xbd: {  	[dreg:$0x2] =	wrdreg s24  }
0xbe: {  	[dreg:$0x3] =	wrdreg $0xA  }
0xbf: {  	_ =	task.clear_ibuf [dreg:s22], $0x4FFFF;
	_ =	strace $0x90000055  }
0xc0: {  	s29 =	simm.s32 $0xA;
	_ =	strace $0x80000057  }
0xc1: {  	_ =	swait.ge [sflag:s29], $0x1  }
0xc2: {  	[sflag:s29] =	ssyncadd.s32 $0xFFFFFFFF  }
0xc3: {  	_ =	strace $0x90000057  }
0xc4: {  	_ =	sfence  }
0xc5: {  	s30 =	sld [smem:$0x0];
	_ =	sdelay $0x2  }
0xc6: {  	s31 =	sshll.u32 s1, $0xD;
	s1 =	sshrl.u32 s1, $0x2  }
0xc7: {  	s4 =	sand.u32 $0x4000, s31;
	s1 =	sadd.s32 s1, s30  }
0xc8: {  	s0 =	sor.u32 s4, s0;
	s1 =	sshll.u32 s1, $0x11  }
0xc9: {  	s0 =	sor.u32 s1, s0  }
0xca: {  	s0 =	sadd.s32 $0x8F2B, s0  }
0xcb: {  	[sflag:s0] =	ssyncadd.remote.s32 $0x1  }
0xcc: {  	_ =	sfence.sel $0xFFFF  }
0xcd: {  	[dreg:$0x0] =	wrdreg $0xFFFFFFFF;
	(pc) =	sbr.abs _section_cstart, $3  }
0xce: {  	[dreg:$0x1] =	wrdreg $0xFFFFFFFF  }
0xcf: {  	_ =	task.clear_ibuf [dreg:s22], $0x2FFFF;
	_ =	strace $0x9FFFFFFF  }
0xd0: {  	(tm) =	ssettm $0x7FFFFFFF  }
0xd1: {  	_ =	shalt  }
tec
execute0_lowered:
.L_overlay_start_1:
0x0: {  	(tag) =	ssettag $0x1  }
0x1: {  	s0 =	srdreg.scid;
	s5 =	rddreg [dreg:$0x0]  }
0x2: {  	s1 =	stileid.u32;
	s6 =	simm.s32 $0x1;
	s9 =	simm.s32 $0x1  }
0x3: {  	s10 =	simm.s32 $0x3;
	s13 =	simm.s32 $0x0;
	s2 =	sshll.u32 s0, $0xC  }
0x4: {  	s12 =	simm.s32 $0x0;
	s3 =	sshll.u32 s1, $0xD;
	s2 =	sand.u32 $0x1000, s2  }
0x5: {  	s0 =	rddreg [dreg:$0x1];
	_ =	strace $0x80000056;
	s2 =	sor.u32 s3, s2  }
0x6: {  	s4 =	sadd.s32 $0x4000, s5;
	[sflag:s6] =	ssyncpa.u1 $0x0;
	s8 =	ssub.s32 $0x40000, s2  }
.Ltmp0:
0x7: {  	s3 =	sadd.s32 $0x151800, s5;
	s7 =	sand.u32 $0x1F000, s8;
	(pc) =	sbr.rel .LBB2_1-.Ltmp0, $4  }
0x8: {  	s5 =	sadd.s32 $0x14000, s5;
	s11 =	smov.u32 s2;
	p0 =	sne.s32 s7, $0x0  }
0x9: {  	s8 =	sshrl.u32 s8, $0x11;
	s7 =	simm.s32 $0x2;
	s9 =	simm.s32 @!p0 $0x0  }
0xa: {  	[sflag:s7] =	ssyncpa.u1 $0x0;
	p0 =	por $0x0, $0x0;
	s8 =	sadd.s32 s9, s8  }
0xb: {  	vm0 =	vmmov $0xffff;
	[sflag:s10] =	ssyncpa.u1 $0x0;
	s10 =	simm.s32 $0x0;
	s9 =	sadd.s32 $0x1, s8  }
.LBB2_4:
0xc: {  	v2 =	vnsel vm1, $0x0, v2  }
0xd: {  	vm1 =	vgt.s32 v0, $0x0;
	v2 =	vmin.u32 v2, $0x3FFFF  }
0xe: {  	v0 =	vnsel vm1, $0x0, v0  }
0xf: {  	v0 =	vmin.u32 v0, $0x3FFFF  }
0x10: {  	[tilespmem:s15], [sflag:$0x1] =	stream.indirect_vreg.gather [hbm4b:s3+s10], $0x1, v1, vm0, $0x4038;
	[tilespmem:$0x4000] =	vst v63  }
0x11: {  	(ifvalue) =	ssetifvalue $0x7FFFFFFF  }
0x12: {  	[tilespmem:s16], [sflag:$0x1] =	stream.indirect_vreg.gather [hbm4b:s3+s10], $0x1, v2, vm0, $0x4038;
	[tilespmem:$0x4000] =	vst v63  }
0x13: {  	s29 =	sadd.s32 $0x10, s16;
	(ifvalue) =	ssetifvalue $0x7FFFFFFF  }
0x14: {  	[tilespmem:s29], [sflag:$0x1] =	stream.indirect_vreg.gather [hbm4b:s3+s10], $0x1, v0, vm0, $0x4038;
	[tilespmem:$0x4000] =	vst v63  }
0x15: {  	_ =	swait.ge [sflag:s6], $0x1000  }
0x16: {  	s30 =	sshrl.u32 s13, $0x3;
	[sflag:s6] =	ssyncset.done $0x0  }
0x17: {  	s31 =	sand.u32 $0x7, s13;
	s15 =	sadd.s32 s5, s30;
	[sflag:s6] =	ssyncadd.s32 $0xFFFFF000  }
0x18: {  	[hbm4b:s15+s31] =	stream.linear.scatter [tilespmem:s14], [sflag:$0x3], $0x1000, $0x38;
	[tilespmem:$0x4000] =	vst v63  }
.LBB2_5:
0x19: {  	s15 =	sadd.s32 $0x20000, s11  }
0x1a: {  	p2 =	sgt.s32 s15, $0x3FFFF  }
0x1b: {  	s15 =	smov.u32 @p2 s2;
	p2 =	sne.s32 s12, s9  }
.Ltmp1:
0x1c: {  	p1 =	slt.u32 s12, $0x2;
	(pc) =	sbr.rel @!p2 .LBB2_6-.Ltmp1, $4  }
0x1d: {  	s14 =	simm.s32 @!p1 $0x3  }
0x1e: {  	s16 =	sadd.s32 $0x1, s12;
	_ =	swait.ge @!p1 [sflag:s14], $0x1000  }
0x1f: {  	s13 =	smov.u32 s11;
	p0 =	por !p0, !p0;
	[sflag:s14] =	ssyncset.done @!p1 $0x0  }
0x20: {  	s12 =	smov.u32 s16;
	s11 =	smov.u32 s15;
	[sflag:s14] =	ssyncadd.s32 @!p1 $0xFFFFF000  }
.LBB2_1:
0x21: {  	p1 =	sge.u32 s12, s8  }
0x22: {  	s14 =	sxor.u32 @!p1 $0xFFFFFFFF, s12  }
0x23: {  	s31 =	sadd.s32 $0xFFFFFFFF, s12;
	s15 =	sshrl.u32 @!p1 s11, $0x3;
	s14 =	sshll.u32 @!p1 s14, $0xC  }
0x24: {  	s16 =	sand.u32 @!p1 $0x7, s11;
	s15 =	sadd.s32 @!p1 s4, s15;
	s14 =	sand.u32 @!p1 $0x1000, s14  }
0x25: {  	[tilespmem:s14], [sflag:$0x2] =	stream.linear.gather @!p1 [hbm4b:s15+s16], $0x1000, $0x38;
	[tilespmem:$0x4000] =	vst v63  }
0x26: {  	p1 =	sge.u32 s31, s8  }
.Ltmp2:
0x27: {  	_ = 	snop;
	(pc) =	sbr.rel @p1 .LBB2_5-.Ltmp2, $1  }
0x28: {  	_ =	sdelay $0x3  }
0x29: {  	s14 =	simm.s32 $0x1  }
0x2a: {  	_ =	swait.ge [sflag:s7], $0x1000;
	s14 =	simm.s32 @!p0 $0x0  }
0x2b: {  	[sflag:s7] =	ssyncset.done $0x0;
	s14 =	sshll.u32 s14, $0xC  }
0x2c: {  	[sflag:s7] =	ssyncadd.s32 $0xFFFFF000;
	(ifvalue) =	ssetifvalue $0x7FFFFFFF;
	v0 =	vld.msk [tilespmem:s14+$0x0 ss:$0x1], $0xffff;
	_ =	sdelay $0x4  }
0x2d: {  	s15 =	sadd.s32 $0x10, s14;
	vm1 =	vgt.s32 v0, $0x0  }
0x2e: {  	v2 =	vld.msk [tilespmem:s15+$0x0 ss:$0x1], $0xffff;
	v1 =	vnsel vm1, $0x0, v0  }
0x2f: {  	v1 =	vmin.u32 v1, $0x3FFFF;
	_ =	sdelay $0x1  }
0x30: {  	s16 =	sshll.u32 s12, $0xC;
	s18 =	simm.s32 $0x20  }
0x31: {  	s16 =	sand.u32 $0x1000, s16;
	s17 =	sadd.s32 $0x10, s15;
	s15 =	sor.u32 $0x2000, s14  }
0x32: {  	s14 =	sor.u32 $0x2000, s16;
	s16 =	sadd.s32 $0x10, s15;
	v0 =	vld.msk [tilespmem:s17+$0x0 ss:$0x1], $0xffff;
	vm1 =	vgt.s32 v2, $0x0;
	(ifvalue) =	ssetifvalue $0x7FFFFFFF  }
.LBB2_3:
0x33: {  	[tilespmem:s15], [sflag:$0x1] =	stream.indirect_vreg.gather [hbm4b:s3+s10], $0x1, v1, vm0, $0x4038;
	[tilespmem:$0x4000] =	vst v63  }
0x34: {  	s18 =	sadd.s32 $0x10, s18  }
0x35: {  	v2 =	vnsel vm1, $0x0, v2;
	p1 =	slt.u32 s18, $0xFF0  }
.Ltmp3:
0x36: {  	s15 =	smov.u32 s16;
	v1 =	vmin.u32 v2, $0x3FFFF;
	(pc) =	sbr.rel @p1 .LBB2_3-.Ltmp3, $3  }
0x37: {  	_ =	sdelay $0x1  }
0x38: {  	s17 =	sadd.s32 $0x10, s17  }
0x39: {  	vm1 =	vgt.s32 v0, $0x0;
	s16 =	sadd.s32 $0x10, s16;
	v2 =	vmov v0;
	(ifvalue) =	ssetifvalue $0x7FFFFFFF;
	v0 =	vld.msk [tilespmem:s17+$0x0 ss:$0x1], $0xffff  }
.Ltmp4:
0x3a: {  	_ = 	snop;
	(pc) =	sbr.rel .LBB2_4-.Ltmp4, $1  }
0x3b: {  	_ =	sdelay $0x3  }
.LBB2_6:
0x3c: {  	_ =	sfence.sel $0x180000  }
0x3d: {  	s2 =	simm.s32 $0x2;
	[bflag:$0x0] =	sbarrier.arrive $0xFFFF  }
0x3e: {  	s30 =	simm.s32 $0x3;
	[sflag:s2] =	ssyncpa.u1 $0x1  }
0x3f: {  	s31 =	simm.s32 $0x1;
	[sflag:s30] =	ssyncpa.u1 $0x1  }
0x40: {  	[sflag:s31] =	ssyncpa.u1 $0x1  }
0x41: {  	p0 =	sne.s32 s1, $0x0;
	_ =	strace $0x90000056  }
0x42: {  	s0 =	sadd.s32 @!p0 $0x100000, s0;
	[bflag:$0x2] =	sbarrier.arrive $0xFFFF  }
0x43: {  	[sflag:s0] =	ssyncadd.tile.s32 @!p0 $0x1;
	_ =	shalt  }
.Lfunc_end2:
_tile_overlayer_lowered:
.L_overlay_start_2:
0x44: {  	(tag) =	ssettag $0x2  }
0x45: {  	s0 =	rddreg [dreg:$0x0];
	s2 =	stileid.u32  }
0x46: {  	s1 =	rddreg [dreg:$0x1];
	p0 =	sne.s32 s2, $0x0  }
0x47: {  	s3 =	rddreg [dreg:$0x2];
	[bflag:$0x3] =	sbarrier.arrive $0xFFFF;
	s2 =	simm.s32 @!p0 $0x1C01  }
0x48: {  	[timem:s3], [sflag:s2] =	dma.local @!p0 [hbm:s0], s1  }
0x49: {  	s0 =	simm.s32 @!p0 $0x1  }
0x4a: {  	_ =	swait.ge @!p0 [sflag:s0], s1  }
0x4b: {  	s1 =	ssub.s32 @!p0 $0x0, s1;
	[sflag:s0] =	ssyncset.done @!p0 $0x0  }
0x4c: {  	[sflag:s0] =	ssyncadd.s32 @!p0 s1  }
0x4d: {  	[bflag:$0x3] =	sbarrier.arrive $0xFFFF  }
0x4e: {  	_ =	shalt  }

// kernel: gather_offload_async_start
scs
__scs_entry_jumppad:
0x0: {  	(pc) =	sbr.rel $0x88, $3  }
0x1: {  	(tag) =	ssettag $0x0;
	lr =	simm.s32 $0x1  }
0x2: {  	[smem:$0x3F70] =	sst lr;
	_ =	strace $0xD0000000  }
0x3: {  	_ = 	snop  }
0x4: {  	_ = 	snop  }
0x5: {  	_ = 	snop  }
0x6: {  	_ = 	snop  }
0x7: {  	_ = 	snop  }
__scs_overlays_trampoline_lowered:
0x8: {  	[smem:$0x3F7F] =	sst s0  }
0x9: {  	[smem:$0x3F80] =	sst s1  }
0xa: {  	[smem:$0x3F81] =	sst s2  }
0xb: {  	[smem:$0x3F82] =	sst s3  }
0xc: {  	[smem:$0x3F83] =	sst s4  }
0xd: {  	[smem:$0x3F84] =	sst s5  }
0xe: {  	[smem:$0x3F85] =	sst s6  }
0xf: {  	[smem:$0x3F86] =	sst s7  }
0x10: {  	[smem:$0x3F87] =	sst s8  }
0x11: {  	[smem:$0x3F88] =	sst s9;
	s0 =	simm.s32 @!p0 $0x0  }
0x12: {  	s1 =	sld [smem:$0x3F6E];
	s0 =	simm.s32 @p0 $0x1  }
0x13: {  	[smem:$0x3F89] =	sst s0;
	s0 =	simm.s32 @!p1 $0x0  }
0x14: {  	s2 =	sld [smem:$0x3F6D];
	s0 =	simm.s32 @p1 $0x1  }
0x15: {  	[smem:$0x3F8A] =	sst s0;
	s0 =	simm.s32 @!p2 $0x0  }
0x16: {  	s3 =	sld [smem:$0x3FDB];
	s0 =	simm.s32 @p2 $0x1  }
0x17: {  	s4 =	simm.s32 $0x1BF5;
	[smem:$0x3F8C] =	sst s0  }
0x18: {  	s0 =	sld [smem:$0x3F6F];
	_ =	swait.ge [sflag:s4], $0x0  }
0x19: {  	s7 =	sld [smem:$0x3F70]  }
0x1a: {  	s8 =	sadd.s32 $0xFFFFE003, lr  }
0x1b: {  	s9 =	sadd.s32 $0xFFFFFEF7, lr;
	s5 =	simm.s32 $0xFFFFFFFF;
	p2 =	slt.u32 s8, $0xFFFFF086  }
0x1c: {  	p1 =	slt.u32 s9, $0xF7A;
	s5 =	simm.s32 @!p2 $0x0  }
0x1d: {  	s5 =	simm.s32 @p1 $0x1;
	p0 =	seq.s32 s7, s2  }
0x1e: {  	s7 =	smul.u32 @!p0 $0xF7A, s2;
	p2 =	seq.s32 @!p0 s5, $0x0  }
0x1f: {  	s9 =	smul.u32 $0xF7A, s1;
	s8 =	simm.s32 @!p0 $0x1BF5;
	p2 =	por !p2, p0  }
0x20: {  	[sflag:s8] =	ssyncset.s32 @!p0 $0xFFFFF086;
	s6 =	sadd.s32 @!p0 s3, s7;
	s7 =	simm.s32 @!p0 $0x108  }
0x21: {  	s3 =	sadd.s32 s3, s9;
	s6 =	sadd.s32 @!p0 $0x88, s6;
	s7 =	simm.s32 @p2 $0x1082  }
0x22: {  	[simem:s7], [sflag:s8] =	dma.local @!p0 [hbm:s6], $0xF7A  }
0x23: {  	s9 =	sor.u32 $0xD0000000, s2;
	s6 =	simm.s32 $0x108;
	_ =	swait.ge @!p0 [sflag:s8], $0x0  }
0x24: {  	s3 =	sadd.s32 $0x88, s3;
	s6 =	simm.s32 @!p1 $0x1082;
	[sflag:s4] =	ssyncset.s32 $0xFFFFF086  }
0x25: {  	[simem:s6], [sflag:s4] =	dma.local [hbm:s3], $0xF7A  }
0x26: {  	[smem:$0x3F70] =	sst s1;
	(tag) =	ssettag s2;
	_ =	strace s9  }
0x27: {  	s1 =	sld [smem:$0x3F80]  }
0x28: {  	s2 =	sld [smem:$0x3F81]  }
0x29: {  	s4 =	sld [smem:$0x3F83]  }
0x2a: {  	p0 =	seq.s32 s5, $0x0;
	s5 =	sld [smem:$0x3F84]  }
0x2b: {  	s6 =	sld [smem:$0x3F85]  }
0x2c: {  	s7 =	sld [smem:$0x3F86]  }
0x2d: {  	s3 =	simm.s32 $0x108;
	s8 =	sld [smem:$0x3F87]  }
0x2e: {  	s3 =	simm.s32 @!p0 $0x1082;
	s9 =	sld [smem:$0x3F88]  }
0x2f: {  	lr =	sadd.s32 s0, s3;
	s0 =	sld [smem:$0x3F7F]  }
0x30: {  	s3 =	sld [smem:$0x3F82]  }
0x31: {  	[smem:$0x3F8B] =	sst s10  }
0x32: {  	s10 =	sld [smem:$0x3F89];
	_ =	sdelay $0x3  }
0x33: {  	p0 =	seq.s32 s10, $0x1;
	s10 =	sld [smem:$0x3F8B];
	_ =	sdelay $0x3  }
0x34: {  	[smem:$0x3F8B] =	sst s10  }
0x35: {  	s10 =	sld [smem:$0x3F8A];
	_ =	sdelay $0x3  }
0x36: {  	p1 =	seq.s32 s10, $0x1;
	s10 =	sld [smem:$0x3F8B];
	_ =	sdelay $0x3  }
0x37: {  	[smem:$0x3F8B] =	sst s10  }
0x38: {  	s10 =	sld [smem:$0x3F8C]  }
0x39: {  	_ = 	snop;
	(pc) =	sbr.ind lr, $3  }
0x3a: {  	_ = 	snop  }
0x3b: {  	_ = 	snop  }
0x3c: {  	p2 =	seq.s32 s10, $0x1;
	s10 =	sld [smem:$0x3F8B]  }
0x3d: {  	_ =	shalt  }
0x3e: {  	_ =	shalt  }
0x3f: {  	_ =	shalt  }
0x40: {  	_ =	shalt  }
0x41: {  	_ =	shalt  }
0x42: {  	_ =	shalt  }
0x43: {  	_ =	shalt  }
0x44: {  	_ =	shalt  }
0x45: {  	_ =	shalt  }
0x46: {  	_ =	shalt  }
0x47: {  	_ =	shalt  }
0x48: {  	_ =	shalt  }
0x49: {  	_ =	shalt  }
0x4a: {  	_ =	shalt  }
0x4b: {  	_ =	shalt  }
0x4c: {  	_ =	shalt  }
0x4d: {  	_ =	shalt  }
0x4e: {  	_ =	shalt  }
0x4f: {  	_ =	shalt  }
0x50: {  	_ =	shalt  }
0x51: {  	_ =	shalt  }
0x52: {  	_ =	shalt  }
0x53: {  	_ =	shalt  }
0x54: {  	_ =	shalt  }
0x55: {  	_ =	shalt  }
0x56: {  	_ =	shalt  }
0x57: {  	_ =	shalt  }
0x58: {  	_ =	shalt  }
0x59: {  	_ =	shalt  }
0x5a: {  	_ =	shalt  }
0x5b: {  	_ =	shalt  }
0x5c: {  	_ =	shalt  }
0x5d: {  	_ =	shalt  }
0x5e: {  	_ =	shalt  }
0x5f: {  	_ =	shalt  }
0x60: {  	_ =	shalt  }
0x61: {  	_ =	shalt  }
0x62: {  	_ =	shalt  }
0x63: {  	_ =	shalt  }
0x64: {  	_ =	shalt  }
0x65: {  	_ =	shalt  }
0x66: {  	_ =	shalt  }
0x67: {  	_ =	shalt  }
0x68: {  	_ =	shalt  }
0x69: {  	_ =	shalt  }
0x6a: {  	_ =	shalt  }
0x6b: {  	_ =	shalt  }
0x6c: {  	_ =	shalt  }
0x6d: {  	_ =	shalt  }
0x6e: {  	_ =	shalt  }
0x6f: {  	_ =	shalt  }
0x70: {  	_ =	shalt  }
0x71: {  	_ =	shalt  }
0x72: {  	_ =	shalt  }
0x73: {  	_ =	shalt  }
0x74: {  	_ =	shalt  }
0x75: {  	_ =	shalt  }
0x76: {  	_ =	shalt  }
0x77: {  	_ =	shalt  }
0x78: {  	_ =	shalt  }
0x79: {  	_ =	shalt  }
0x7a: {  	_ =	shalt  }
0x7b: {  	_ =	shalt  }
0x7c: {  	_ =	shalt  }
0x7d: {  	_ =	shalt  }
0x7e: {  	_ =	shalt  }
0x7f: {  	_ =	shalt  }
0x80: {  	_ =	shalt  }
0x81: {  	_ =	shalt  }
0x82: {  	_ =	shalt  }
0x83: {  	_ =	shalt  }
0x84: {  	_ =	shalt  }
0x85: {  	_ =	shalt  }
0x86: {  	_ =	shalt  }
0x87: {  	_ =	shalt  }
.Lfunc_end0:
.L_simem_size_0:
called_computation.5_lowered:
.L_overlay_start_0:
0x88: {  	s2 =	sld [smem:$0x3FD9]  }
0x89: {  	s3 =	sld [smem:$0x3FFE];
	_ =	sdelay $0x1  }
0x8a: {  	s1 =	srdreg.scid  }
0x8b: {  	s0 =	sand.u32 $0x1, s1  }
0x8c: {  	s16 =	sshll.u32 s0, $0xA;
	s2 =	sadd.s32 s3, s2  }
0x8d: {  	s2 =	sadd.s32 s2, s16  }
0x8e: {  	[smem:$0x3F97] =	sst s2  }
0x8f: {  	_ = 	snop  }
0x90: {  	(tm) =	ssettm $0x1  }
0x91: {  	s17 =	sld [smem:$0x3FFB];
	_ =	sdelay $0x3  }
0x92: {  	_ =	strace s17  }
0x93: {  	s2 =	sld [smem:$0x3FFC];
	_ =	sdelay $0x3  }
0x94: {  	_ =	strace s2  }
0x95: {  	s2 =	sld [smem:$0x3FFD];
	_ =	sdelay $0x3  }
0x96: {  	_ =	strace s2  }
0x97: {  	_ =	strace $0x8FFFFFFF  }
0x98: {  	s18 =	sld [smem:$0x3FDB];
	_ =	sdelay $0x1  }
0x99: {  	s19 =	simm.s32 $_scs_section_size  }
0x9a: {  	s4 =	simm.s32 $_size__tile_overlayer_lowered;
	s5 =	simm.s32 $_tile_overlayer_lowered  }
0x9b: {  	s22 =	simm.s32 $0x1BFF;
	s21 =	sshll.u32 s5, $0x1;
	s2 =	sadd.s32 s19, s18  }
0x9c: {  	s6 =	simm.s32 $0x0;
	s20 =	sshll.u32 s4, $0x1;
	s4 =	sadd.s32 s21, s2  }
0x9d: {  	[timem:s6], [sflag:s22] =	dma.local [hbm:s4], s20  }
0x9e: {  	_ =	swait.ge [sflag:s22], s20  }
0x9f: {  	s3 =	ssub.s32 $0x0, s20;
	[sflag:s22] =	ssyncset.done $0x0  }
0xa0: {  	[sflag:s22] =	ssyncadd.s32 s3;
	_ =	sdelay $0x1  }
0xa1: {  	s23 =	simm.s32 $0x1B8B  }
0xa2: {  	_ =	swait.ge [sflag:s23], $0x1  }
0xa3: {  	[sflag:s23] =	ssyncset.done $0x0  }
0xa4: {  	s25 =	simm.s32 $0x1B8E;
	s24 =	sld [smem:$0x3FFE];
	[sflag:s23] =	ssyncadd.s32 $0xFFFFFFFF  }
0xa5: {  	s26 =	simm.s32 $execute0_lowered;
	[smem:$0x3FD2] =	sst s25  }
0xa6: {  	s4 =	sshll.u32 s26, $0x1;
	_ =	strace $0x8000004C;
	[dreg:$0x1] =	wrdreg $0xFFFFFFFF  }
0xa7: {  	s28 =	simm.s32 $_size_execute0_lowered;
	s2 =	sadd.s32 s2, s4;
	[dreg:$0x0] =	wrdreg $0x0  }
0xa8: {  	s4 =	sshll.u32 s28, $0x1;
	[dreg:$0x2] =	wrdreg s2  }
0xa9: {  	[dreg:$0x3] =	wrdreg s4  }
0xaa: {  	[dreg:$0x4] =	wrdreg $0xC0  }
0xab: {  	_ =	task [dreg:s6], $0x5FFFF  }
0xac: {  	[dreg:$0x1] =	wrdreg $0xFFFFFFFF  }
0xad: {  	[dreg:$0x0] =	wrdreg $0x60  }
0xae: {  	[dreg:$0x2] =	wrdreg s24  }
0xaf: {  	[dreg:$0x3] =	wrdreg $0x9  }
0xb0: {  	_ =	task.clear_ibuf [dreg:s6], $0x4FFFF;
	_ =	strace $0x9000004C  }
0xb1: {  	s29 =	simm.s32 $0x9;
	_ =	strace $0x8000004E  }
0xb2: {  	_ =	swait.ge [sflag:s29], $0x1  }
0xb3: {  	[sflag:s29] =	ssyncadd.s32 $0xFFFFFFFF  }
0xb4: {  	_ =	strace $0x9000004E  }
0xb5: {  	_ =	sfence  }
0xb6: {  	s30 =	sld [smem:$0x0];
	_ =	sdelay $0x2  }
0xb7: {  	s31 =	sshll.u32 s1, $0xD;
	s1 =	sshrl.u32 s1, $0x2  }
0xb8: {  	s3 =	sand.u32 $0x4000, s31;
	s1 =	sadd.s32 s1, s30  }
0xb9: {  	s0 =	sor.u32 s3, s0;
	s1 =	sshll.u32 s1, $0x11  }
0xba: {  	s0 =	sor.u32 s1, s0  }
0xbb: {  	s0 =	sadd.s32 $0x8F2B, s0  }
0xbc: {  	[sflag:s0] =	ssyncadd.remote.s32 $0x1  }
0xbd: {  	_ =	sfence.sel $0xFFFF  }
0xbe: {  	[dreg:$0x0] =	wrdreg $0xFFFFFFFF;
	(pc) =	sbr.abs _section_cstart, $3  }
0xbf: {  	[dreg:$0x1] =	wrdreg $0xFFFFFFFF  }
0xc0: {  	_ =	task.clear_ibuf [dreg:s6], $0x2FFFF;
	_ =	strace $0x9FFFFFFF  }
0xc1: {  	(tm) =	ssettm $0x7FFFFFFF  }
tec
execute0_lowered:
.L_overlay_start_1:
0x0: {  	(tag) =	ssettag $0x1  }
0x1: {  	s0 =	srdreg.scid;
	s5 =	rddreg [dreg:$0x0]  }
0x2: {  	s1 =	stileid.u32;
	s6 =	simm.s32 $0x1;
	s9 =	simm.s32 $0x1  }
0x3: {  	s10 =	simm.s32 $0x3;
	s13 =	simm.s32 $0x0;
	s2 =	sshll.u32 s0, $0xC  }
0x4: {  	s12 =	simm.s32 $0x0;
	s3 =	sshll.u32 s1, $0xD;
	s2 =	sand.u32 $0x1000, s2  }
0x5: {  	s0 =	rddreg [dreg:$0x1];
	_ =	strace $0x8000004D;
	s2 =	sor.u32 s3, s2  }
0x6: {  	s4 =	sadd.s32 $0x159800, s5;
	[sflag:s6] =	ssyncpa.u1 $0x0;
	s8 =	ssub.s32 $0x40000, s2  }
.Ltmp0:
0x7: {  	s3 =	sadd.s32 $0x4000, s5;
	s7 =	sand.u32 $0x1F000, s8;
	(pc) =	sbr.rel .LBB2_1-.Ltmp0, $4  }
0x8: {  	s5 =	sadd.s32 $0x161800, s5;
	s11 =	smov.u32 s2;
	p0 =	sne.s32 s7, $0x0  }
0x9: {  	s8 =	sshrl.u32 s8, $0x11;
	s7 =	simm.s32 $0x2;
	s9 =	simm.s32 @!p0 $0x0  }
0xa: {  	[sflag:s7] =	ssyncpa.u1 $0x0;
	p0 =	por $0x0, $0x0;
	s8 =	sadd.s32 s9, s8  }
0xb: {  	vm0 =	vmmov $0xffff;
	[sflag:s10] =	ssyncpa.u1 $0x0;
	s10 =	simm.s32 $0x0;
	s9 =	sadd.s32 $0x1, s8  }
.LBB2_4:
0xc: {  	vm1 =	veq.s32 v4, $0x80000000;
	v56 =	vand.u32 $0x3FFF, v4;
	v6 =	vand.u32 $0x3FF, v6  }
0xd: {  	v2 =	vor.u32 v2, v5;
	v59 =	vshrl.u32 v1, $0xE;
	v60 =	vand.u32 $0x3FFF, v1  }
0xe: {  	v4 =	vsel vm1, $0xFFFFFFFF, v56;
	v6 =	vsel vm1, $0xFFFFFFFF, v6;
	v2 =	vor.u32 v3, v2  }
0xf: {  	vm1 =	veq.s32 v1, $0x80000000;
	v5 =	vand.u32 $0x3FF, v59;
	v7 =	vshrl.u32 v4, $0x3  }
0x10: {  	v57 =	vshll.u32 v6, $0x3;
	v4 =	vshll.u32 v4, $0x7;
	v1 =	vsel vm1, $0xFFFFFFFF, v60  }
0x11: {  	v5 =	vsel vm1, $0xFFFFFFFF, v5;
	v6 =	vand.u32 $0x7F, v6;
	v7 =	vmul.u32 $0x1400, v7  }
0x12: {  	v58 =	vand.u32 $0xFFFFFC00, v57;
	v4 =	vand.u32 $0x380, v4;
	v61 =	vshrl.u32 v1, $0x3  }
0x13: {  	v62 =	vshll.u32 v5, $0x3;
	v3 =	vadd.s32 v7, v58;
	v7 =	vmul.u32 $0x1400, v61  }
0x14: {  	v1 =	vshll.u32 v1, $0x7;
	v3 =	vor.u32 v4, v3;
	v4 =	vand.u32 $0xFFFFFC00, v62  }
0x15: {  	v1 =	vand.u32 $0x380, v1;
	v3 =	vor.u32 v6, v3;
	v4 =	vadd.s32 v7, v4  }
0x16: {  	[tilespmem:s16], [sflag:$0x1] =	stream.indirect_vreg.gather [hbm4b:s3+s10], $0x1, v0, vm0, $0x4038;
	v63 =	vand.u32 $0x7F, v5;
	v1 =	vor.u32 v1, v4;
	[tilespmem:$0x4000] =	vst v63  }
0x17: {  	s15 =	sadd.s32 $0x10, s15;
	(ifvalue) =	ssetifvalue $0x7FFFFFFF;
	v0 =	vor.u32 v63, v1  }
0x18: {  	[tilespmem:s15], [sflag:$0x1] =	stream.indirect_vreg.gather [hbm4b:s3+s10], $0x1, v2, vm0, $0x4038;
	[tilespmem:$0x4000] =	vst v63  }
0x19: {  	s15 =	sadd.s32 $0x10, s15;
	(ifvalue) =	ssetifvalue $0x7FFFFFFF  }
0x1a: {  	[tilespmem:s15], [sflag:$0x1] =	stream.indirect_vreg.gather [hbm4b:s3+s10], $0x1, v3, vm0, $0x4038;
	[tilespmem:$0x4000] =	vst v63  }
0x1b: {  	s15 =	sadd.s32 $0x10, s15;
	(ifvalue) =	ssetifvalue $0x7FFFFFFF  }
0x1c: {  	[tilespmem:s15], [sflag:$0x1] =	stream.indirect_vreg.gather [hbm4b:s3+s10], $0x1, v0, vm0, $0x4038;
	[tilespmem:$0x4000] =	vst v63  }
0x1d: {  	_ =	swait.ge [sflag:s6], $0x1000  }
0x1e: {  	s30 =	sshrl.u32 s13, $0x3;
	[sflag:s6] =	ssyncset.done $0x0  }
0x1f: {  	s31 =	sand.u32 $0x7, s13;
	s15 =	sadd.s32 s5, s30;
	[sflag:s6] =	ssyncadd.s32 $0xFFFFF000  }
0x20: {  	[hbm4b:s15+s31] =	stream.linear.scatter [tilespmem:s14], [sflag:$0x3], $0x1000, $0x38;
	[tilespmem:$0x4000] =	vst v63  }
.LBB2_5:
0x21: {  	s15 =	sadd.s32 $0x20000, s11  }
0x22: {  	p2 =	sgt.s32 s15, $0x3FFFF  }
0x23: {  	s15 =	smov.u32 @p2 s2;
	p2 =	sne.s32 s12, s9  }
.Ltmp1:
0x24: {  	p1 =	slt.u32 s12, $0x2;
	(pc) =	sbr.rel @!p2 .LBB2_6-.Ltmp1, $4  }
0x25: {  	s14 =	simm.s32 @!p1 $0x3  }
0x26: {  	s16 =	sadd.s32 $0x1, s12;
	_ =	swait.ge @!p1 [sflag:s14], $0x1000  }
0x27: {  	s13 =	smov.u32 s11;
	p0 =	por !p0, !p0;
	[sflag:s14] =	ssyncset.done @!p1 $0x0  }
0x28: {  	s12 =	smov.u32 s16;
	s11 =	smov.u32 s15;
	[sflag:s14] =	ssyncadd.s32 @!p1 $0xFFFFF000  }
.LBB2_1:
0x29: {  	p1 =	sge.u32 s12, s8  }
0x2a: {  	s14 =	sxor.u32 @!p1 $0xFFFFFFFF, s12  }
0x2b: {  	s31 =	sadd.s32 $0xFFFFFFFF, s12;
	s15 =	sshrl.u32 @!p1 s11, $0x3;
	s14 =	sshll.u32 @!p1 s14, $0xC  }
0x2c: {  	s16 =	sand.u32 @!p1 $0x7, s11;
	s15 =	sadd.s32 @!p1 s4, s15;
	s14 =	sand.u32 @!p1 $0x1000, s14  }
0x2d: {  	[tilespmem:s14], [sflag:$0x2] =	stream.linear.gather @!p1 [hbm4b:s15+s16], $0x1000, $0x38;
	[tilespmem:$0x4000] =	vst v63  }
0x2e: {  	p1 =	sge.u32 s31, s8  }
.Ltmp2:
0x2f: {  	_ = 	snop;
	(pc) =	sbr.rel @p1 .LBB2_5-.Ltmp2, $1  }
0x30: {  	_ =	sdelay $0x3  }
0x31: {  	s14 =	simm.s32 $0x1  }
0x32: {  	_ =	swait.ge [sflag:s7], $0x1000;
	s14 =	simm.s32 @!p0 $0x0  }
0x33: {  	[sflag:s7] =	ssyncset.done $0x0;
	s14 =	sshll.u32 s14, $0xC  }
0x34: {  	[sflag:s7] =	ssyncadd.s32 $0xFFFFF000;
	(ifvalue) =	ssetifvalue $0x7FFFFFFF;
	v0 =	vld.msk [tilespmem:s14+$0x0 ss:$0x1], $0xffff  }
0x35: {  	s15 =	sadd.s32 $0x10, s14  }
0x36: {  	v1 =	vld.msk [tilespmem:s15+$0x0 ss:$0x1], $0xffff;
	_ =	sdelay $0x2  }
0x37: {  	v2 =	vshrl.u32 v0, $0xE  }
0x38: {  	vm1 =	veq.s32 v0, $0x80000000;
	v0 =	vand.u32 $0x3FFF, v0;
	v2 =	vand.u32 $0x3FF, v2  }
0x39: {  	v0 =	vsel vm1, $0xFFFFFFFF, v0;
	v6 =	vshrl.u32 v1, $0xE;
	v2 =	vsel vm1, $0xFFFFFFFF, v2  }
0x3a: {  	v3 =	vshrl.u32 v0, $0x3;
	v0 =	vshll.u32 v0, $0x7;
	vm1 =	veq.s32 v1, $0x80000000  }
0x3b: {  	s15 =	sadd.s32 $0x10, s15;
	v1 =	vand.u32 $0x3FFF, v1;
	v4 =	vshll.u32 v2, $0x3;
	v3 =	vmul.u32 $0x1400, v3  }
0x3c: {  	v0 =	vand.u32 $0x380, v0;
	v7 =	vand.u32 $0x7F, v2;
	v5 =	vand.u32 $0xFFFFFC00, v4;
	v4 =	vld.msk [tilespmem:s15+$0x0 ss:$0x1], $0xffff  }
0x3d: {  	v1 =	vsel vm1, $0xFFFFFFFF, v1;
	v2 =	vadd.s32 v3, v5;
	v3 =	vand.u32 $0x3FF, v6  }
0x3e: {  	v3 =	vsel vm1, $0xFFFFFFFF, v3;
	v0 =	vor.u32 v0, v2;
	v2 =	vshrl.u32 v1, $0x3  }
0x3f: {  	s16 =	sshll.u32 s12, $0xC;
	s18 =	simm.s32 $0x30;
	v1 =	vshll.u32 v1, $0x7;
	v5 =	vshll.u32 v3, $0x3;
	v8 =	vmul.u32 $0x1400, v2  }
0x40: {  	s31 =	sand.u32 $0x1000, s16;
	s17 =	sadd.s32 $0x10, s15;
	s15 =	sor.u32 $0x2000, s14;
	v2 =	vand.u32 $0x380, v1;
	v0 =	vor.u32 v7, v0;
	v5 =	vand.u32 $0xFFFFFC00, v5  }
0x41: {  	s14 =	sor.u32 $0x2000, s31;
	s16 =	smov.u32 s15;
	v1 =	vld.msk [tilespmem:s17+$0x0 ss:$0x1], $0xffff;
	v3 =	vand.u32 $0x7F, v3;
	(ifvalue) =	ssetifvalue $0x7FFFFFFF;
	v6 =	vshrl.u32 v4, $0xE;
	v5 =	vadd.s32 v8, v5  }
.LBB2_3:
0x42: {  	s18 =	sadd.s32 $0x10, s18  }
0x43: {  	vm1 =	veq.s32 v4, $0x80000000;
	v4 =	vand.u32 $0x3FFF, v4;
	v6 =	vand.u32 $0x3FF, v6;
	s15 =	sadd.s32 $0x10, s15;
	p1 =	slt.u32 s18, $0xFF0  }
.Ltmp3:
0x44: {  	v5 =	vor.u32 v2, v5;
	v4 =	vsel vm1, $0xFFFFFFFF, v4;
	v7 =	vsel vm1, $0xFFFFFFFF, v6;
	(pc) =	sbr.rel @p1 .LBB2_3-.Ltmp3, $4  }
0x45: {  	v2 =	vshrl.u32 v4, $0x3;
	v6 =	vshll.u32 v7, $0x3;
	v4 =	vshll.u32 v4, $0x7;
	[tilespmem:s16], [sflag:$0x1] =	stream.indirect_vreg.gather [hbm4b:s3+s10], $0x1, v0, vm0, $0x4038;
	[tilespmem:$0x4000] =	vst v63  }
0x46: {  	v0 =	vor.u32 v3, v5;
	s16 =	smov.u32 s15;
	v8 =	vmul.u32 $0x1400, v2;
	v2 =	vand.u32 $0x380, v4  }
0x47: {  	s17 =	sadd.s32 $0x10, s17;
	v9 =	vand.u32 $0xFFFFFC00, v6  }
0x48: {  	v3 =	vand.u32 $0x7F, v7;
	v6 =	vshrl.u32 v1, $0xE;
	v5 =	vadd.s32 v8, v9;
	(ifvalue) =	ssetifvalue $0x7FFFFFFF;
	v4 =	vmovc v1;
	v1 =	vld.msk [tilespmem:s17+$0x0 ss:$0x1], $0xffff  }
.Ltmp4:
0x49: {  	_ = 	snop;
	(pc) =	sbr.rel .LBB2_4-.Ltmp4, $1  }
0x4a: {  	_ =	sdelay $0x3  }
.LBB2_6:
0x4b: {  	_ =	sfence.sel $0x180000  }
0x4c: {  	s2 =	simm.s32 $0x2;
	[bflag:$0x0] =	sbarrier.arrive $0xFFFF  }
0x4d: {  	s30 =	simm.s32 $0x3;
	[sflag:s2] =	ssyncpa.u1 $0x1  }
0x4e: {  	s31 =	simm.s32 $0x1;
	[sflag:s30] =	ssyncpa.u1 $0x1  }
0x4f: {  	[sflag:s31] =	ssyncpa.u1 $0x1  }
0x50: {  	p0 =	sne.s32 s1, $0x0;
	_ =	strace $0x9000004D  }
0x51: {  	s0 =	sadd.s32 @!p0 $0x100000, s0;
	[bflag:$0x2] =	sbarrier.arrive $0xFFFF  }
0x52: {  	[sflag:s0] =	ssyncadd.tile.s32 @!p0 $0x1;
	_ =	shalt  }
.Lfunc_end2:
_tile_overlayer_lowered:
.L_overlay_start_2:
0x53: {  	(tag) =	ssettag $0x2  }
0x54: {  	s0 =	rddreg [dreg:$0x0];
	s2 =	stileid.u32  }
0x55: {  	s1 =	rddreg [dreg:$0x1];
	p0 =	sne.s32 s2, $0x0  }
0x56: {  	s3 =	rddreg [dreg:$0x2];
	[bflag:$0x3] =	sbarrier.arrive $0xFFFF;
	s2 =	simm.s32 @!p0 $0x1C01  }
0x57: {  	[timem:s3], [sflag:s2] =	dma.local @!p0 [hbm:s0], s1  }
0x58: {  	s0 =	simm.s32 @!p0 $0x1  }
0x59: {  	_ =	swait.ge @!p0 [sflag:s0], s1  }
0x5a: {  	s1 =	ssub.s32 @!p0 $0x0, s1;
	[sflag:s0] =	ssyncset.done @!p0 $0x0  }
0x5b: {  	[sflag:s0] =	ssyncadd.s32 @!p0 s1  }
0x5c: {  	[bflag:$0x3] =	sbarrier.arrive $0xFFFF  }
0x5d: {  	_ =	shalt  }

// kernel: kernel.12.cloned.1.call-start
scs
__scs_entry_jumppad:
0x0: {  	(pc) =	sbr.rel $0x88, $3  }
0x1: {  	(tag) =	ssettag $0x0;
	lr =	simm.s32 $0x1  }
0x2: {  	[smem:$0x3F70] =	sst lr;
	_ =	strace $0xD0000000  }
0x3: {  	_ = 	snop  }
0x4: {  	_ = 	snop  }
0x5: {  	_ = 	snop  }
0x6: {  	_ = 	snop  }
0x7: {  	_ = 	snop  }
__scs_overlays_trampoline_lowered:
0x8: {  	[smem:$0x3F7F] =	sst s0  }
0x9: {  	[smem:$0x3F80] =	sst s1  }
0xa: {  	[smem:$0x3F81] =	sst s2  }
0xb: {  	[smem:$0x3F82] =	sst s3  }
0xc: {  	[smem:$0x3F83] =	sst s4  }
0xd: {  	[smem:$0x3F84] =	sst s5  }
0xe: {  	[smem:$0x3F85] =	sst s6  }
0xf: {  	[smem:$0x3F86] =	sst s7  }
0x10: {  	[smem:$0x3F87] =	sst s8  }
0x11: {  	[smem:$0x3F88] =	sst s9;
	s0 =	simm.s32 @!p0 $0x0  }
0x12: {  	s1 =	sld [smem:$0x3F6E];
	s0 =	simm.s32 @p0 $0x1  }
0x13: {  	[smem:$0x3F89] =	sst s0;
	s0 =	simm.s32 @!p1 $0x0  }
0x14: {  	s2 =	sld [smem:$0x3F6D];
	s0 =	simm.s32 @p1 $0x1  }
0x15: {  	[smem:$0x3F8A] =	sst s0;
	s0 =	simm.s32 @!p2 $0x0  }
0x16: {  	s3 =	sld [smem:$0x3FDB];
	s0 =	simm.s32 @p2 $0x1  }
0x17: {  	s4 =	simm.s32 $0x1BF5;
	[smem:$0x3F8C] =	sst s0  }
0x18: {  	s0 =	sld [smem:$0x3F6F];
	_ =	swait.ge [sflag:s4], $0x0  }
0x19: {  	s7 =	sld [smem:$0x3F70]  }
0x1a: {  	s8 =	sadd.s32 $0xFFFFE003, lr  }
0x1b: {  	s9 =	sadd.s32 $0xFFFFFEF7, lr;
	s5 =	simm.s32 $0xFFFFFFFF;
	p2 =	slt.u32 s8, $0xFFFFF086  }
0x1c: {  	p1 =	slt.u32 s9, $0xF7A;
	s5 =	simm.s32 @!p2 $0x0  }
0x1d: {  	s5 =	simm.s32 @p1 $0x1;
	p0 =	seq.s32 s7, s2  }
0x1e: {  	s7 =	smul.u32 @!p0 $0xF7A, s2;
	p2 =	seq.s32 @!p0 s5, $0x0  }
0x1f: {  	s9 =	smul.u32 $0xF7A, s1;
	s8 =	simm.s32 @!p0 $0x1BF5;
	p2 =	por !p2, p0  }
0x20: {  	[sflag:s8] =	ssyncset.s32 @!p0 $0xFFFFF086;
	s6 =	sadd.s32 @!p0 s3, s7;
	s7 =	simm.s32 @!p0 $0x108  }
0x21: {  	s3 =	sadd.s32 s3, s9;
	s6 =	sadd.s32 @!p0 $0x88, s6;
	s7 =	simm.s32 @p2 $0x1082  }
0x22: {  	[simem:s7], [sflag:s8] =	dma.local @!p0 [hbm:s6], $0xF7A  }
0x23: {  	s9 =	sor.u32 $0xD0000000, s2;
	s6 =	simm.s32 $0x108;
	_ =	swait.ge @!p0 [sflag:s8], $0x0  }
0x24: {  	s3 =	sadd.s32 $0x88, s3;
	s6 =	simm.s32 @!p1 $0x1082;
	[sflag:s4] =	ssyncset.s32 $0xFFFFF086  }
0x25: {  	[simem:s6], [sflag:s4] =	dma.local [hbm:s3], $0xF7A  }
0x26: {  	[smem:$0x3F70] =	sst s1;
	(tag) =	ssettag s2;
	_ =	strace s9  }
0x27: {  	s1 =	sld [smem:$0x3F80]  }
0x28: {  	s2 =	sld [smem:$0x3F81]  }
0x29: {  	s4 =	sld [smem:$0x3F83]  }
0x2a: {  	p0 =	seq.s32 s5, $0x0;
	s5 =	sld [smem:$0x3F84]  }
0x2b: {  	s6 =	sld [smem:$0x3F85]  }
0x2c: {  	s7 =	sld [smem:$0x3F86]  }
0x2d: {  	s3 =	simm.s32 $0x108;
	s8 =	sld [smem:$0x3F87]  }
0x2e: {  	s3 =	simm.s32 @!p0 $0x1082;
	s9 =	sld [smem:$0x3F88]  }
0x2f: {  	lr =	sadd.s32 s0, s3;
	s0 =	sld [smem:$0x3F7F]  }
0x30: {  	s3 =	sld [smem:$0x3F82]  }
0x31: {  	[smem:$0x3F8B] =	sst s10  }
0x32: {  	s10 =	sld [smem:$0x3F89];
	_ =	sdelay $0x3  }
0x33: {  	p0 =	seq.s32 s10, $0x1;
	s10 =	sld [smem:$0x3F8B];
	_ =	sdelay $0x3  }
0x34: {  	[smem:$0x3F8B] =	sst s10  }
0x35: {  	s10 =	sld [smem:$0x3F8A];
	_ =	sdelay $0x3  }
0x36: {  	p1 =	seq.s32 s10, $0x1;
	s10 =	sld [smem:$0x3F8B];
	_ =	sdelay $0x3  }
0x37: {  	[smem:$0x3F8B] =	sst s10  }
0x38: {  	s10 =	sld [smem:$0x3F8C]  }
0x39: {  	_ = 	snop;
	(pc) =	sbr.ind lr, $3  }
0x3a: {  	_ = 	snop  }
0x3b: {  	_ = 	snop  }
0x3c: {  	p2 =	seq.s32 s10, $0x1;
	s10 =	sld [smem:$0x3F8B]  }
0x3d: {  	_ =	shalt  }
0x3e: {  	_ =	shalt  }
0x3f: {  	_ =	shalt  }
0x40: {  	_ =	shalt  }
0x41: {  	_ =	shalt  }
0x42: {  	_ =	shalt  }
0x43: {  	_ =	shalt  }
0x44: {  	_ =	shalt  }
0x45: {  	_ =	shalt  }
0x46: {  	_ =	shalt  }
0x47: {  	_ =	shalt  }
0x48: {  	_ =	shalt  }
0x49: {  	_ =	shalt  }
0x4a: {  	_ =	shalt  }
0x4b: {  	_ =	shalt  }
0x4c: {  	_ =	shalt  }
0x4d: {  	_ =	shalt  }
0x4e: {  	_ =	shalt  }
0x4f: {  	_ =	shalt  }
0x50: {  	_ =	shalt  }
0x51: {  	_ =	shalt  }
0x52: {  	_ =	shalt  }
0x53: {  	_ =	shalt  }
0x54: {  	_ =	shalt  }
0x55: {  	_ =	shalt  }
0x56: {  	_ =	shalt  }
0x57: {  	_ =	shalt  }
0x58: {  	_ =	shalt  }
0x59: {  	_ =	shalt  }
0x5a: {  	_ =	shalt  }
0x5b: {  	_ =	shalt  }
0x5c: {  	_ =	shalt  }
0x5d: {  	_ =	shalt  }
0x5e: {  	_ =	shalt  }
0x5f: {  	_ =	shalt  }
0x60: {  	_ =	shalt  }
0x61: {  	_ =	shalt  }
0x62: {  	_ =	shalt  }
0x63: {  	_ =	shalt  }
0x64: {  	_ =	shalt  }
0x65: {  	_ =	shalt  }
0x66: {  	_ =	shalt  }
0x67: {  	_ =	shalt  }
0x68: {  	_ =	shalt  }
0x69: {  	_ =	shalt  }
0x6a: {  	_ =	shalt  }
0x6b: {  	_ =	shalt  }
0x6c: {  	_ =	shalt  }
0x6d: {  	_ =	shalt  }
0x6e: {  	_ =	shalt  }
0x6f: {  	_ =	shalt  }
0x70: {  	_ =	shalt  }
0x71: {  	_ =	shalt  }
0x72: {  	_ =	shalt  }
0x73: {  	_ =	shalt  }
0x74: {  	_ =	shalt  }
0x75: {  	_ =	shalt  }
0x76: {  	_ =	shalt  }
0x77: {  	_ =	shalt  }
0x78: {  	_ =	shalt  }
0x79: {  	_ =	shalt  }
0x7a: {  	_ =	shalt  }
0x7b: {  	_ =	shalt  }
0x7c: {  	_ =	shalt  }
0x7d: {  	_ =	shalt  }
0x7e: {  	_ =	shalt  }
0x7f: {  	_ =	shalt  }
0x80: {  	_ =	shalt  }
0x81: {  	_ =	shalt  }
0x82: {  	_ =	shalt  }
0x83: {  	_ =	shalt  }
0x84: {  	_ =	shalt  }
0x85: {  	_ =	shalt  }
0x86: {  	_ =	shalt  }
0x87: {  	_ =	shalt  }
.Lfunc_end0:
.L_simem_size_0:
called_computation.9_lowered:
.L_overlay_start_0:
0x88: {  	s2 =	sld [smem:$0x3FD9]  }
0x89: {  	s3 =	sld [smem:$0x3FFE];
	_ =	sdelay $0x1  }
0x8a: {  	s1 =	srdreg.scid  }
0x8b: {  	s0 =	sand.u32 $0x1, s1  }
0x8c: {  	s16 =	sshll.u32 s0, $0xA;
	s2 =	sadd.s32 s3, s2  }
0x8d: {  	s2 =	sadd.s32 s2, s16  }
0x8e: {  	[smem:$0x3F97] =	sst s2  }
0x8f: {  	_ = 	snop  }
0x90: {  	(tm) =	ssettm $0x1  }
0x91: {  	s17 =	sld [smem:$0x3FFB];
	_ =	sdelay $0x3  }
0x92: {  	_ =	strace s17  }
0x93: {  	s2 =	sld [smem:$0x3FFC];
	_ =	sdelay $0x3  }
0x94: {  	_ =	strace s2  }
0x95: {  	s2 =	sld [smem:$0x3FFD];
	_ =	sdelay $0x3  }
0x96: {  	_ =	strace s2  }
0x97: {  	_ =	strace $0x8FFFFFFF  }
0x98: {  	s18 =	sld [smem:$0x3FDB];
	_ =	sdelay $0x1  }
0x99: {  	s19 =	simm.s32 $_scs_section_size  }
0x9a: {  	s4 =	simm.s32 $_size__tile_overlayer_lowered;
	s5 =	simm.s32 $_tile_overlayer_lowered  }
0x9b: {  	s22 =	simm.s32 $0x1BFF;
	s21 =	sshll.u32 s5, $0x1;
	s2 =	sadd.s32 s19, s18  }
0x9c: {  	s6 =	simm.s32 $0x0;
	s20 =	sshll.u32 s4, $0x1;
	s4 =	sadd.s32 s21, s2  }
0x9d: {  	[timem:s6], [sflag:s22] =	dma.local [hbm:s4], s20  }
0x9e: {  	_ =	swait.ge [sflag:s22], s20  }
0x9f: {  	s3 =	ssub.s32 $0x0, s20;
	[sflag:s22] =	ssyncset.done $0x0  }
0xa0: {  	[sflag:s22] =	ssyncadd.s32 s3;
	_ =	sdelay $0x1  }
0xa1: {  	s23 =	simm.s32 $0x1B8B  }
0xa2: {  	_ =	swait.ge [sflag:s23], $0x1  }
0xa3: {  	[sflag:s23] =	ssyncset.done $0x0  }
0xa4: {  	s25 =	simm.s32 $0x1B8E;
	s24 =	sld [smem:$0x3FFE];
	[sflag:s23] =	ssyncadd.s32 $0xFFFFFFFF  }
0xa5: {  	s26 =	simm.s32 $execute0_lowered;
	[smem:$0x3FD2] =	sst s25  }
0xa6: {  	s4 =	sshll.u32 s26, $0x1;
	_ =	strace $0x80000061;
	[dreg:$0x1] =	wrdreg $0xFFFFFFFF  }
0xa7: {  	s28 =	simm.s32 $_size_execute0_lowered;
	s2 =	sadd.s32 s2, s4;
	[dreg:$0x0] =	wrdreg $0x0  }
0xa8: {  	s4 =	sshll.u32 s28, $0x1;
	[dreg:$0x2] =	wrdreg s2  }
0xa9: {  	[dreg:$0x3] =	wrdreg s4  }
0xaa: {  	[dreg:$0x4] =	wrdreg $0xC0  }
0xab: {  	_ =	task [dreg:s6], $0x5FFFF  }
0xac: {  	[dreg:$0x1] =	wrdreg $0xFFFFFFFF  }
0xad: {  	[dreg:$0x0] =	wrdreg $0x60  }
0xae: {  	[dreg:$0x2] =	wrdreg s24  }
0xaf: {  	[dreg:$0x3] =	wrdreg $0x9  }
0xb0: {  	_ =	task.clear_ibuf [dreg:s6], $0x4FFFF;
	_ =	strace $0x90000061  }
0xb1: {  	s29 =	simm.s32 $0x9;
	_ =	strace $0x80000063  }
0xb2: {  	_ =	swait.ge [sflag:s29], $0x1  }
0xb3: {  	[sflag:s29] =	ssyncadd.s32 $0xFFFFFFFF  }
0xb4: {  	_ =	strace $0x90000063  }
0xb5: {  	_ =	sfence  }
0xb6: {  	s30 =	sld [smem:$0x0];
	_ =	sdelay $0x2  }
0xb7: {  	s31 =	sshll.u32 s1, $0xD;
	s1 =	sshrl.u32 s1, $0x2  }
0xb8: {  	s3 =	sand.u32 $0x4000, s31;
	s1 =	sadd.s32 s1, s30  }
0xb9: {  	s0 =	sor.u32 s3, s0;
	s1 =	sshll.u32 s1, $0x11  }
0xba: {  	s0 =	sor.u32 s1, s0  }
0xbb: {  	s0 =	sadd.s32 $0x8F2B, s0  }
0xbc: {  	[sflag:s0] =	ssyncadd.remote.s32 $0x1  }
0xbd: {  	_ =	sfence.sel $0xFFFF  }
0xbe: {  	[dreg:$0x0] =	wrdreg $0xFFFFFFFF;
	(pc) =	sbr.abs _section_cstart, $3  }
0xbf: {  	[dreg:$0x1] =	wrdreg $0xFFFFFFFF  }
0xc0: {  	_ =	task.clear_ibuf [dreg:s6], $0x2FFFF;
	_ =	strace $0x9FFFFFFF  }
0xc1: {  	(tm) =	ssettm $0x7FFFFFFF  }
tec
execute0_lowered:
.L_overlay_start_1:
0x0: {  	(tag) =	ssettag $0x1  }
0x1: {  	s1 =	srdreg.scid  }
0x2: {  	s0 =	stileid.u32;
	s5 =	rddreg [dreg:$0x0];
	s2 =	simm.s32 $0x0  }
0x3: {  	s15 =	simm.s32 $0xC000;
	s16 =	simm.s32 $0x1;
	s17 =	simm.s32 $0x2  }
0x4: {  	s18 =	simm.s32 $0x80;
	s19 =	simm.s32 $0x8000;
	s20 =	simm.s32 $0x10000  }
0x5: {  	s21 =	simm.s32 $0x0;
	s10 =	sand.u32 $0x1, s1;
	s1 =	rddreg [dreg:$0x1]  }
0x6: {  	s3 =	sshll.u32 s0, $0xE;
	[smem:$0x7FF] =	sst s2;
	s11 =	sadd.s32 $0x151600, s5  }
0x7: {  	s12 =	sadd.s32 $0x551600, s5;
	s13 =	sshll.u32 s0, $0x12;
	s4 =	sshll.u32 s10, $0xD  }
0x8: {  	_ =	strace $0x80000062;
	s8 =	ssub.s32 $0x2, s10;
	s14 =	sshll.u32 s10, $0x11  }
0x9: {  	s6 =	sor.u32 s4, s3;
	s4 =	sadd.s32 $0x15C00, s5;
	s31 =	sshrl.u32 s8, $0x1  }
0xa: {  	s3 =	sshrl.u32 s6, $0x3;
	s8 =	ssub.s32 s8, s31;
	s9 =	sshll.u32 s6, $0x4  }
0xb: {  	s7 =	sadd.s32 s3, s5;
	s3 =	sadd.s32 $0x3CE00, s5;
	s9 =	sor.u32 $0x1F800, s9  }
0xc: {  	s5 =	sadd.s32 $0x141600, s7;
	s6 =	sadd.s32 $0x4000, s7;
	s7 =	smax.u32 s8, $0x1  }
0xd: {  	s8 =	sadd.s32 s11, s9;
	s9 =	sadd.s32 s12, s9;
	s12 =	sadd.s32 s13, s12  }
0xe: {  	s11 =	sadd.s32 s13, s11;
	s13 =	simm.s32 $0x2000;
	s10 =	sadd.s32 s14, s12  }
0xf: {  	s11 =	sadd.s32 s14, s11;
	s12 =	simm.s32 $0x3;
	s14 =	simm.s32 $0x4000  }
.LBB2_1:
0x10: {  	[tilespmem:s2], [sflag:$0x3] =	stream.linear.gather [hbm4b:s5+s2], $0x2000, $0x38;
	[tilespmem:$0x14000] =	vst v63  }
0x11: {  	_ =	swait.ge [sflag:s12], $0x2000  }
0x12: {  	[sflag:s12] =	ssyncset.done $0x0  }
0x13: {  	[sflag:s12] =	ssyncadd.s32 $0xFFFFE000  }
0x14: {  	[tilespmem:s13], [sflag:$0x3] =	stream.linear.gather [hbm4b:s6+s2], $0x2000, $0x38;
	[tilespmem:$0x14000] =	vst v63  }
0x15: {  	_ =	swait.ge [sflag:s12], $0x2000  }
0x16: {  	[sflag:s12] =	ssyncset.done $0x0  }
0x17: {  	[sflag:s12] =	ssyncadd.s32 $0xFFFFE000  }
0x18: {  	[tilespmem:s14], [sflag:$0x1] =	stream.indirect.gather [hbm4b:s3+s18], $0x80, s2, s18, $0xb8;
	[tilespmem:$0x14000] =	vst v63  }
0x19: {  	_ = 	snop  }
0x1a: {  	[tilespmem:s15], [sflag:$0x2] =	stream.indirect.gather [hbm4b:s4+s18], $0x80, s13, s18, $0xb8;
	[tilespmem:$0x14000] =	vst v63  }
0x1b: {  	_ =	swait.ge [sflag:s16], $0x4000  }
0x1c: {  	[sflag:s16] =	ssyncset.done $0x0  }
0x1d: {  	[sflag:s16] =	ssyncadd.s32 $0xFFFFC000  }
0x1e: {  	s22 =	sand.u32 $0x4000, s2;
	_ =	swait.ge [sflag:s17], $0x4000  }
0x1f: {  	s23 =	sxor.u32 $0x4000, s22;
	[sflag:s17] =	ssyncset.done $0x0  }
0x20: {  	s24 =	sadd.s32 $0x4000, s23;
	[sflag:s17] =	ssyncadd.s32 $0xFFFFC000  }
0x21: {  	[tilespmem:s24], [sflag:$0x1] =	stream.indirect.gather [hbm4b:s3+s18], $0x80, s18, s18, $0xb8;
	[tilespmem:$0x14000] =	vst v63  }
0x22: {  	s30 =	simm.s32 $0x2080;
	s23 =	sadd.s32 $0xC000, s23  }
0x23: {  	[tilespmem:s23], [sflag:$0x2] =	stream.indirect.gather [hbm4b:s4+s18], $0x80, s30, s18, $0xb8;
	[tilespmem:$0x14000] =	vst v63  }
0x24: {  	s31 =	sadd.s32 $0x4000, s22  }
0x25: {  	[hbm4b:s11+s2] =	stream.linear.scatter [tilespmem:s31], [sflag:$0x3], $0x4000, $0x38;
	[tilespmem:$0x14000] =	vst v63  }
0x26: {  	_ =	swait.ge [sflag:s12], $0x4000  }
0x27: {  	[sflag:s12] =	ssyncset.done $0x0  }
0x28: {  	s25 =	smov.u32 s10;
	s22 =	sadd.s32 $0xC000, s22;
	[sflag:s12] =	ssyncadd.s32 $0xFFFFC000  }
0x29: {  	[hbm4b:s10+s2] =	stream.linear.scatter [tilespmem:s22], [sflag:$0x3], $0x4000, $0x38;
	[tilespmem:$0x14000] =	vst v63  }
0x2a: {  	s26 =	smov.u32 s11;
	s24 =	simm.s32 $0x2100;
	_ =	swait.ge [sflag:s12], $0x4000  }
0x2b: {  	s23 =	simm.s32 $0x100;
	s22 =	simm.s32 $0x4000;
	[sflag:s12] =	ssyncset.done $0x0  }
.LBB2_2:
0x2c: {  	[sflag:s12] =	ssyncadd.s32 $0xFFFFC000  }
0x2d: {  	s25 =	sadd.s32 $0x800, s25;
	s26 =	sadd.s32 $0x800, s26;
	s28 =	smov.u32 s22  }
0x2e: {  	p0 =	sne.s32 s22, $0xF8000;
	s22 =	sadd.s32 $0x4000, s22;
	_ =	swait.ge [sflag:s16], $0x4000  }
0x2f: {  	[sflag:s16] =	ssyncset.done $0x0  }
0x30: {  	[sflag:s16] =	ssyncadd.s32 $0xFFFFC000  }
0x31: {  	s28 =	sand.u32 $0x4000, s28;
	_ =	swait.ge [sflag:s17], $0x4000  }
0x32: {  	s29 =	sxor.u32 $0x4000, s28;
	[sflag:s17] =	ssyncset.done $0x0  }
0x33: {  	s30 =	sadd.s32 $0x4000, s29;
	[sflag:s17] =	ssyncadd.s32 $0xFFFFC000  }
0x34: {  	[tilespmem:s30], [sflag:$0x1] =	stream.indirect.gather [hbm4b:s3+s18], $0x80, s23, s18, $0xb8;
	[tilespmem:$0x14000] =	vst v63  }
0x35: {  	s29 =	sadd.s32 $0xC000, s29  }
0x36: {  	[tilespmem:s29], [sflag:$0x2] =	stream.indirect.gather [hbm4b:s4+s18], $0x80, s24, s18, $0xb8;
	[tilespmem:$0x14000] =	vst v63  }
0x37: {  	s29 =	sadd.s32 $0x4000, s28  }
0x38: {  	[hbm4b:s26+s2] =	stream.linear.scatter [tilespmem:s29], [sflag:$0x3], $0x4000, $0x38;
	[tilespmem:$0x14000] =	vst v63  }
0x39: {  	_ =	swait.ge [sflag:s12], $0x4000  }
.Ltmp0:
0x3a: {  	[sflag:s12] =	ssyncset.done $0x0;
	(pc) =	sbr.rel @p0 .LBB2_2-.Ltmp0, $4  }
0x3b: {  	s28 =	sadd.s32 $0xC000, s28;
	[sflag:s12] =	ssyncadd.s32 $0xFFFFC000  }
0x3c: {  	[hbm4b:s25+s2] =	stream.linear.scatter [tilespmem:s28], [sflag:$0x3], $0x4000, $0x38;
	[tilespmem:$0x14000] =	vst v63  }
0x3d: {  	_ =	swait.ge [sflag:s12], $0x4000  }
0x3e: {  	s23 =	sadd.s32 $0x80, s23;
	s24 =	sadd.s32 $0x80, s24;
	[sflag:s12] =	ssyncset.done $0x0  }
0x3f: {  	[sflag:s12] =	ssyncadd.s32 $0xFFFFC000  }
0x40: {  	_ =	swait.ge [sflag:s16], $0x4000  }
0x41: {  	[sflag:s16] =	ssyncset.done $0x0  }
0x42: {  	[sflag:s16] =	ssyncadd.s32 $0xFFFFC000  }
0x43: {  	_ =	swait.ge [sflag:s17], $0x4000  }
0x44: {  	[sflag:s17] =	ssyncset.done $0x0  }
0x45: {  	[sflag:s17] =	ssyncadd.s32 $0xFFFFC000  }
0x46: {  	[hbm4b:s8+s2] =	stream.linear.scatter [tilespmem:s19], [sflag:$0x3], $0x4000, $0x38;
	[tilespmem:$0x14000] =	vst v63  }
0x47: {  	s21 =	sadd.s32 $0x1, s21;
	_ =	swait.ge [sflag:s12], $0x4000  }
0x48: {  	p0 =	sne.s32 s21, s7;
	[sflag:s12] =	ssyncset.done $0x0  }
.Ltmp1:
0x49: {  	[sflag:s12] =	ssyncadd.s32 $0xFFFFC000;
	(pc) =	sbr.rel @p0 .LBB2_1-.Ltmp1, $4  }
0x4a: {  	[hbm4b:s9+s2] =	stream.linear.scatter [tilespmem:s20], [sflag:$0x3], $0x4000, $0x38;
	[tilespmem:$0x14000] =	vst v63  }
0x4b: {  	_ =	swait.ge [sflag:s12], $0x4000  }
0x4c: {  	[sflag:s12] =	ssyncset.done $0x0  }
0x4d: {  	[sflag:s12] =	ssyncadd.s32 $0xFFFFC000  }
0x4e: {  	_ =	sfence.sel $0x180000  }
0x4f: {  	[bflag:$0x0] =	sbarrier.arrive $0xFFFF  }
0x50: {  	p0 =	sne.s32 s0, $0x0;
	_ =	strace $0x90000062  }
0x51: {  	s0 =	sadd.s32 @!p0 $0x100000, s1;
	[bflag:$0x2] =	sbarrier.arrive $0xFFFF  }
0x52: {  	[sflag:s0] =	ssyncadd.tile.s32 @!p0 $0x1;
	_ =	shalt  }
.Lfunc_end2:
_tile_overlayer_lowered:
.L_overlay_start_2:
0x53: {  	(tag) =	ssettag $0x2  }
0x54: {  	s0 =	rddreg [dreg:$0x0];
	s2 =	stileid.u32  }
0x55: {  	s1 =	rddreg [dreg:$0x1];
	p0 =	sne.s32 s2, $0x0  }
0x56: {  	s3 =	rddreg [dreg:$0x2];
	[bflag:$0x3] =	sbarrier.arrive $0xFFFF;
	s2 =	simm.s32 @!p0 $0x1C03  }
0x57: {  	[timem:s3], [sflag:s2] =	dma.local @!p0 [hbm:s0], s1  }
0x58: {  	s0 =	simm.s32 @!p0 $0x3  }
0x59: {  	_ =	swait.ge @!p0 [sflag:s0], s1  }
0x5a: {  	s1 =	ssub.s32 @!p0 $0x0, s1;
	[sflag:s0] =	ssyncset.done @!p0 $0x0  }
0x5b: {  	[sflag:s0] =	ssyncadd.s32 @!p0 s1  }
0x5c: {  	[bflag:$0x3] =	sbarrier.arrive $0xFFFF  }
0x5d: {  	_ =	shalt  }

// kernel: kernel.15.cloned.1.call-start
scs
__scs_entry_jumppad:
0x0: {  	(pc) =	sbr.rel $0x88, $3  }
0x1: {  	(tag) =	ssettag $0x0;
	lr =	simm.s32 $0x1  }
0x2: {  	[smem:$0x3F70] =	sst lr;
	_ =	strace $0xD0000000  }
0x3: {  	_ = 	snop  }
0x4: {  	_ = 	snop  }
0x5: {  	_ = 	snop  }
0x6: {  	_ = 	snop  }
0x7: {  	_ = 	snop  }
__scs_overlays_trampoline_lowered:
0x8: {  	[smem:$0x3F7F] =	sst s0  }
0x9: {  	[smem:$0x3F80] =	sst s1  }
0xa: {  	[smem:$0x3F81] =	sst s2  }
0xb: {  	[smem:$0x3F82] =	sst s3  }
0xc: {  	[smem:$0x3F83] =	sst s4  }
0xd: {  	[smem:$0x3F84] =	sst s5  }
0xe: {  	[smem:$0x3F85] =	sst s6  }
0xf: {  	[smem:$0x3F86] =	sst s7  }
0x10: {  	[smem:$0x3F87] =	sst s8  }
0x11: {  	[smem:$0x3F88] =	sst s9;
	s0 =	simm.s32 @!p0 $0x0  }
0x12: {  	s1 =	sld [smem:$0x3F6E];
	s0 =	simm.s32 @p0 $0x1  }
0x13: {  	[smem:$0x3F89] =	sst s0;
	s0 =	simm.s32 @!p1 $0x0  }
0x14: {  	s2 =	sld [smem:$0x3F6D];
	s0 =	simm.s32 @p1 $0x1  }
0x15: {  	[smem:$0x3F8A] =	sst s0;
	s0 =	simm.s32 @!p2 $0x0  }
0x16: {  	s3 =	sld [smem:$0x3FDB];
	s0 =	simm.s32 @p2 $0x1  }
0x17: {  	s4 =	simm.s32 $0x1BF5;
	[smem:$0x3F8C] =	sst s0  }
0x18: {  	s0 =	sld [smem:$0x3F6F];
	_ =	swait.ge [sflag:s4], $0x0  }
0x19: {  	s7 =	sld [smem:$0x3F70]  }
0x1a: {  	s8 =	sadd.s32 $0xFFFFE003, lr  }
0x1b: {  	s9 =	sadd.s32 $0xFFFFFEF7, lr;
	s5 =	simm.s32 $0xFFFFFFFF;
	p2 =	slt.u32 s8, $0xFFFFF086  }
0x1c: {  	p1 =	slt.u32 s9, $0xF7A;
	s5 =	simm.s32 @!p2 $0x0  }
0x1d: {  	s5 =	simm.s32 @p1 $0x1;
	p0 =	seq.s32 s7, s2  }
0x1e: {  	s7 =	smul.u32 @!p0 $0xF7A, s2;
	p2 =	seq.s32 @!p0 s5, $0x0  }
0x1f: {  	s9 =	smul.u32 $0xF7A, s1;
	s8 =	simm.s32 @!p0 $0x1BF5;
	p2 =	por !p2, p0  }
0x20: {  	[sflag:s8] =	ssyncset.s32 @!p0 $0xFFFFF086;
	s6 =	sadd.s32 @!p0 s3, s7;
	s7 =	simm.s32 @!p0 $0x108  }
0x21: {  	s3 =	sadd.s32 s3, s9;
	s6 =	sadd.s32 @!p0 $0x88, s6;
	s7 =	simm.s32 @p2 $0x1082  }
0x22: {  	[simem:s7], [sflag:s8] =	dma.local @!p0 [hbm:s6], $0xF7A  }
0x23: {  	s9 =	sor.u32 $0xD0000000, s2;
	s6 =	simm.s32 $0x108;
	_ =	swait.ge @!p0 [sflag:s8], $0x0  }
0x24: {  	s3 =	sadd.s32 $0x88, s3;
	s6 =	simm.s32 @!p1 $0x1082;
	[sflag:s4] =	ssyncset.s32 $0xFFFFF086  }
0x25: {  	[simem:s6], [sflag:s4] =	dma.local [hbm:s3], $0xF7A  }
0x26: {  	[smem:$0x3F70] =	sst s1;
	(tag) =	ssettag s2;
	_ =	strace s9  }
0x27: {  	s1 =	sld [smem:$0x3F80]  }
0x28: {  	s2 =	sld [smem:$0x3F81]  }
0x29: {  	s4 =	sld [smem:$0x3F83]  }
0x2a: {  	p0 =	seq.s32 s5, $0x0;
	s5 =	sld [smem:$0x3F84]  }
0x2b: {  	s6 =	sld [smem:$0x3F85]  }
0x2c: {  	s7 =	sld [smem:$0x3F86]  }
0x2d: {  	s3 =	simm.s32 $0x108;
	s8 =	sld [smem:$0x3F87]  }
0x2e: {  	s3 =	simm.s32 @!p0 $0x1082;
	s9 =	sld [smem:$0x3F88]  }
0x2f: {  	lr =	sadd.s32 s0, s3;
	s0 =	sld [smem:$0x3F7F]  }
0x30: {  	s3 =	sld [smem:$0x3F82]  }
0x31: {  	[smem:$0x3F8B] =	sst s10  }
0x32: {  	s10 =	sld [smem:$0x3F89];
	_ =	sdelay $0x3  }
0x33: {  	p0 =	seq.s32 s10, $0x1;
	s10 =	sld [smem:$0x3F8B];
	_ =	sdelay $0x3  }
0x34: {  	[smem:$0x3F8B] =	sst s10  }
0x35: {  	s10 =	sld [smem:$0x3F8A];
	_ =	sdelay $0x3  }
0x36: {  	p1 =	seq.s32 s10, $0x1;
	s10 =	sld [smem:$0x3F8B];
	_ =	sdelay $0x3  }
0x37: {  	[smem:$0x3F8B] =	sst s10  }
0x38: {  	s10 =	sld [smem:$0x3F8C]  }
0x39: {  	_ = 	snop;
	(pc) =	sbr.ind lr, $3  }
0x3a: {  	_ = 	snop  }
0x3b: {  	_ = 	snop  }
0x3c: {  	p2 =	seq.s32 s10, $0x1;
	s10 =	sld [smem:$0x3F8B]  }
0x3d: {  	_ =	shalt  }
0x3e: {  	_ =	shalt  }
0x3f: {  	_ =	shalt  }
0x40: {  	_ =	shalt  }
0x41: {  	_ =	shalt  }
0x42: {  	_ =	shalt  }
0x43: {  	_ =	shalt  }
0x44: {  	_ =	shalt  }
0x45: {  	_ =	shalt  }
0x46: {  	_ =	shalt  }
0x47: {  	_ =	shalt  }
0x48: {  	_ =	shalt  }
0x49: {  	_ =	shalt  }
0x4a: {  	_ =	shalt  }
0x4b: {  	_ =	shalt  }
0x4c: {  	_ =	shalt  }
0x4d: {  	_ =	shalt  }
0x4e: {  	_ =	shalt  }
0x4f: {  	_ =	shalt  }
0x50: {  	_ =	shalt  }
0x51: {  	_ =	shalt  }
0x52: {  	_ =	shalt  }
0x53: {  	_ =	shalt  }
0x54: {  	_ =	shalt  }
0x55: {  	_ =	shalt  }
0x56: {  	_ =	shalt  }
0x57: {  	_ =	shalt  }
0x58: {  	_ =	shalt  }
0x59: {  	_ =	shalt  }
0x5a: {  	_ =	shalt  }
0x5b: {  	_ =	shalt  }
0x5c: {  	_ =	shalt  }
0x5d: {  	_ =	shalt  }
0x5e: {  	_ =	shalt  }
0x5f: {  	_ =	shalt  }
0x60: {  	_ =	shalt  }
0x61: {  	_ =	shalt  }
0x62: {  	_ =	shalt  }
0x63: {  	_ =	shalt  }
0x64: {  	_ =	shalt  }
0x65: {  	_ =	shalt  }
0x66: {  	_ =	shalt  }
0x67: {  	_ =	shalt  }
0x68: {  	_ =	shalt  }
0x69: {  	_ =	shalt  }
0x6a: {  	_ =	shalt  }
0x6b: {  	_ =	shalt  }
0x6c: {  	_ =	shalt  }
0x6d: {  	_ =	shalt  }
0x6e: {  	_ =	shalt  }
0x6f: {  	_ =	shalt  }
0x70: {  	_ =	shalt  }
0x71: {  	_ =	shalt  }
0x72: {  	_ =	shalt  }
0x73: {  	_ =	shalt  }
0x74: {  	_ =	shalt  }
0x75: {  	_ =	shalt  }
0x76: {  	_ =	shalt  }
0x77: {  	_ =	shalt  }
0x78: {  	_ =	shalt  }
0x79: {  	_ =	shalt  }
0x7a: {  	_ =	shalt  }
0x7b: {  	_ =	shalt  }
0x7c: {  	_ =	shalt  }
0x7d: {  	_ =	shalt  }
0x7e: {  	_ =	shalt  }
0x7f: {  	_ =	shalt  }
0x80: {  	_ =	shalt  }
0x81: {  	_ =	shalt  }
0x82: {  	_ =	shalt  }
0x83: {  	_ =	shalt  }
0x84: {  	_ =	shalt  }
0x85: {  	_ =	shalt  }
0x86: {  	_ =	shalt  }
0x87: {  	_ =	shalt  }
.Lfunc_end0:
.L_simem_size_0:
called_computation.10_lowered:
.L_overlay_start_0:
0x88: {  	s2 =	sld [smem:$0x3FD9]  }
0x89: {  	s3 =	sld [smem:$0x3FFE];
	_ =	sdelay $0x1  }
0x8a: {  	s1 =	srdreg.scid  }
0x8b: {  	s0 =	sand.u32 $0x1, s1  }
0x8c: {  	s16 =	sshll.u32 s0, $0xA;
	s2 =	sadd.s32 s3, s2  }
0x8d: {  	s2 =	sadd.s32 s2, s16  }
0x8e: {  	[smem:$0x3F97] =	sst s2  }
0x8f: {  	_ = 	snop  }
0x90: {  	(tm) =	ssettm $0x1  }
0x91: {  	s17 =	sld [smem:$0x3FFB];
	_ =	sdelay $0x3  }
0x92: {  	_ =	strace s17  }
0x93: {  	s2 =	sld [smem:$0x3FFC];
	_ =	sdelay $0x3  }
0x94: {  	_ =	strace s2  }
0x95: {  	s2 =	sld [smem:$0x3FFD];
	_ =	sdelay $0x3  }
0x96: {  	_ =	strace s2  }
0x97: {  	_ =	strace $0x8FFFFFFF  }
0x98: {  	s18 =	sld [smem:$0x3FDB];
	_ =	sdelay $0x1  }
0x99: {  	s19 =	simm.s32 $_scs_section_size  }
0x9a: {  	s4 =	simm.s32 $_size__tile_overlayer_lowered;
	s5 =	simm.s32 $_tile_overlayer_lowered  }
0x9b: {  	s22 =	simm.s32 $0x1BFF;
	s21 =	sshll.u32 s5, $0x1;
	s2 =	sadd.s32 s19, s18  }
0x9c: {  	s6 =	simm.s32 $0x0;
	s20 =	sshll.u32 s4, $0x1;
	s4 =	sadd.s32 s21, s2  }
0x9d: {  	[timem:s6], [sflag:s22] =	dma.local [hbm:s4], s20  }
0x9e: {  	_ =	swait.ge [sflag:s22], s20  }
0x9f: {  	s3 =	ssub.s32 $0x0, s20;
	[sflag:s22] =	ssyncset.done $0x0  }
0xa0: {  	[sflag:s22] =	ssyncadd.s32 s3;
	_ =	sdelay $0x1  }
0xa1: {  	s23 =	simm.s32 $0x1B8B  }
0xa2: {  	_ =	swait.ge [sflag:s23], $0x1  }
0xa3: {  	[sflag:s23] =	ssyncset.done $0x0  }
0xa4: {  	s25 =	simm.s32 $0x1B8E;
	s24 =	sld [smem:$0x3FFE];
	[sflag:s23] =	ssyncadd.s32 $0xFFFFFFFF  }
0xa5: {  	s26 =	simm.s32 $execute0_lowered;
	[smem:$0x3FD2] =	sst s25  }
0xa6: {  	s4 =	sshll.u32 s26, $0x1;
	_ =	strace $0x8000006A;
	[dreg:$0x1] =	wrdreg $0xFFFFFFFF  }
0xa7: {  	s28 =	simm.s32 $_size_execute0_lowered;
	s2 =	sadd.s32 s2, s4;
	[dreg:$0x0] =	wrdreg $0x0  }
0xa8: {  	s4 =	sshll.u32 s28, $0x1;
	[dreg:$0x2] =	wrdreg s2  }
0xa9: {  	[dreg:$0x3] =	wrdreg s4  }
0xaa: {  	[dreg:$0x4] =	wrdreg $0xC0  }
0xab: {  	_ =	task [dreg:s6], $0x5FFFF  }
0xac: {  	[dreg:$0x1] =	wrdreg $0xFFFFFFFF  }
0xad: {  	[dreg:$0x0] =	wrdreg $0x60  }
0xae: {  	[dreg:$0x2] =	wrdreg s24  }
0xaf: {  	[dreg:$0x3] =	wrdreg $0x9  }
0xb0: {  	_ =	task.clear_ibuf [dreg:s6], $0x4FFFF;
	_ =	strace $0x9000006A  }
0xb1: {  	s29 =	simm.s32 $0x9;
	_ =	strace $0x8000006C  }
0xb2: {  	_ =	swait.ge [sflag:s29], $0x1  }
0xb3: {  	[sflag:s29] =	ssyncadd.s32 $0xFFFFFFFF  }
0xb4: {  	_ =	strace $0x9000006C  }
0xb5: {  	_ =	sfence  }
0xb6: {  	s30 =	sld [smem:$0x0];
	_ =	sdelay $0x2  }
0xb7: {  	s31 =	sshll.u32 s1, $0xD;
	s1 =	sshrl.u32 s1, $0x2  }
0xb8: {  	s3 =	sand.u32 $0x4000, s31;
	s1 =	sadd.s32 s1, s30  }
0xb9: {  	s0 =	sor.u32 s3, s0;
	s1 =	sshll.u32 s1, $0x11  }
0xba: {  	s0 =	sor.u32 s1, s0  }
0xbb: {  	s0 =	sadd.s32 $0x8F2B, s0  }
0xbc: {  	[sflag:s0] =	ssyncadd.remote.s32 $0x1  }
0xbd: {  	_ =	sfence.sel $0xFFFF  }
0xbe: {  	[dreg:$0x0] =	wrdreg $0xFFFFFFFF;
	(pc) =	sbr.abs _section_cstart, $3  }
0xbf: {  	[dreg:$0x1] =	wrdreg $0xFFFFFFFF  }
0xc0: {  	_ =	task.clear_ibuf [dreg:s6], $0x2FFFF;
	_ =	strace $0x9FFFFFFF  }
0xc1: {  	(tm) =	ssettm $0x7FFFFFFF  }
tec
execute0_lowered:
.L_overlay_start_1:
0x0: {  	(tag) =	ssettag $0x1  }
0x1: {  	s1 =	srdreg.scid  }
0x2: {  	s0 =	stileid.u32;
	s5 =	rddreg [dreg:$0x0];
	s2 =	simm.s32 $0x0  }
0x3: {  	s15 =	simm.s32 $0xC000;
	s16 =	simm.s32 $0x1;
	s17 =	simm.s32 $0x2  }
0x4: {  	s18 =	simm.s32 $0x80;
	s19 =	simm.s32 $0x8000;
	s20 =	simm.s32 $0x10000  }
0x5: {  	s21 =	simm.s32 $0x0;
	s10 =	sand.u32 $0x1, s1;
	s1 =	rddreg [dreg:$0x1]  }
0x6: {  	s3 =	sshll.u32 s0, $0xE;
	[smem:$0x7FF] =	sst s2;
	s11 =	sadd.s32 $0x151600, s5  }
0x7: {  	s12 =	sadd.s32 $0x551600, s5;
	s13 =	sshll.u32 s0, $0x12;
	s4 =	sshll.u32 s10, $0xD  }
0x8: {  	_ =	strace $0x8000006B;
	s8 =	ssub.s32 $0x2, s10;
	s14 =	sshll.u32 s10, $0x11  }
0x9: {  	s6 =	sor.u32 s4, s3;
	s4 =	sadd.s32 $0x15C00, s5;
	s31 =	sshrl.u32 s8, $0x1  }
0xa: {  	s3 =	sshrl.u32 s6, $0x3;
	s8 =	ssub.s32 s8, s31;
	s9 =	sshll.u32 s6, $0x4  }
0xb: {  	s7 =	sadd.s32 s3, s5;
	s3 =	sadd.s32 $0x3CE00, s5;
	s9 =	sor.u32 $0x1F800, s9  }
0xc: {  	s5 =	sadd.s32 $0x141600, s7;
	s6 =	sadd.s32 $0x4000, s7;
	s7 =	smax.u32 s8, $0x1  }
0xd: {  	s8 =	sadd.s32 s11, s9;
	s9 =	sadd.s32 s12, s9;
	s12 =	sadd.s32 s13, s12  }
0xe: {  	s11 =	sadd.s32 s13, s11;
	s13 =	simm.s32 $0x2000;
	s10 =	sadd.s32 s14, s12  }
0xf: {  	s11 =	sadd.s32 s14, s11;
	s12 =	simm.s32 $0x3;
	s14 =	simm.s32 $0x4000  }
.LBB2_1:
0x10: {  	[tilespmem:s2], [sflag:$0x3] =	stream.linear.gather [hbm4b:s5+s2], $0x2000, $0x38;
	[tilespmem:$0x14000] =	vst v63  }
0x11: {  	_ =	swait.ge [sflag:s12], $0x2000  }
0x12: {  	[sflag:s12] =	ssyncset.done $0x0  }
0x13: {  	[sflag:s12] =	ssyncadd.s32 $0xFFFFE000  }
0x14: {  	[tilespmem:s13], [sflag:$0x3] =	stream.linear.gather [hbm4b:s6+s2], $0x2000, $0x38;
	[tilespmem:$0x14000] =	vst v63  }
0x15: {  	_ =	swait.ge [sflag:s12], $0x2000  }
0x16: {  	[sflag:s12] =	ssyncset.done $0x0  }
0x17: {  	[sflag:s12] =	ssyncadd.s32 $0xFFFFE000  }
0x18: {  	[tilespmem:s14], [sflag:$0x1] =	stream.indirect.gather [hbm4b:s3+s18], $0x80, s2, s18, $0xb8;
	[tilespmem:$0x14000] =	vst v63  }
0x19: {  	_ = 	snop  }
0x1a: {  	[tilespmem:s15], [sflag:$0x2] =	stream.indirect.gather [hbm4b:s4+s18], $0x80, s13, s18, $0xb8;
	[tilespmem:$0x14000] =	vst v63  }
0x1b: {  	_ =	swait.ge [sflag:s16], $0x4000  }
0x1c: {  	[sflag:s16] =	ssyncset.done $0x0  }
0x1d: {  	[sflag:s16] =	ssyncadd.s32 $0xFFFFC000  }
0x1e: {  	s22 =	sand.u32 $0x4000, s2;
	_ =	swait.ge [sflag:s17], $0x4000  }
0x1f: {  	s23 =	sxor.u32 $0x4000, s22;
	[sflag:s17] =	ssyncset.done $0x0  }
0x20: {  	s24 =	sadd.s32 $0x4000, s23;
	[sflag:s17] =	ssyncadd.s32 $0xFFFFC000  }
0x21: {  	[tilespmem:s24], [sflag:$0x1] =	stream.indirect.gather [hbm4b:s3+s18], $0x80, s18, s18, $0xb8;
	[tilespmem:$0x14000] =	vst v63  }
0x22: {  	s30 =	simm.s32 $0x2080;
	s23 =	sadd.s32 $0xC000, s23  }
0x23: {  	[tilespmem:s23], [sflag:$0x2] =	stream.indirect.gather [hbm4b:s4+s18], $0x80, s30, s18, $0xb8;
	[tilespmem:$0x14000] =	vst v63  }
0x24: {  	s31 =	sadd.s32 $0x4000, s22  }
0x25: {  	[hbm4b:s11+s2] =	stream.linear.scatter [tilespmem:s31], [sflag:$0x3], $0x4000, $0x38;
	[tilespmem:$0x14000] =	vst v63  }
0x26: {  	_ =	swait.ge [sflag:s12], $0x4000  }
0x27: {  	[sflag:s12] =	ssyncset.done $0x0  }
0x28: {  	s25 =	smov.u32 s10;
	s22 =	sadd.s32 $0xC000, s22;
	[sflag:s12] =	ssyncadd.s32 $0xFFFFC000  }
0x29: {  	[hbm4b:s10+s2] =	stream.linear.scatter [tilespmem:s22], [sflag:$0x3], $0x4000, $0x38;
	[tilespmem:$0x14000] =	vst v63  }
0x2a: {  	s26 =	smov.u32 s11;
	s24 =	simm.s32 $0x2100;
	_ =	swait.ge [sflag:s12], $0x4000  }
0x2b: {  	s23 =	simm.s32 $0x100;
	s22 =	simm.s32 $0x4000;
	[sflag:s12] =	ssyncset.done $0x0  }
.LBB2_2:
0x2c: {  	[sflag:s12] =	ssyncadd.s32 $0xFFFFC000  }
0x2d: {  	s25 =	sadd.s32 $0x800, s25;
	s26 =	sadd.s32 $0x800, s26;
	s28 =	smov.u32 s22  }
0x2e: {  	p0 =	sne.s32 s22, $0xF8000;
	s22 =	sadd.s32 $0x4000, s22;
	_ =	swait.ge [sflag:s16], $0x4000  }
0x2f: {  	[sflag:s16] =	ssyncset.done $0x0  }
0x30: {  	[sflag:s16] =	ssyncadd.s32 $0xFFFFC000  }
0x31: {  	s28 =	sand.u32 $0x4000, s28;
	_ =	swait.ge [sflag:s17], $0x4000  }
0x32: {  	s29 =	sxor.u32 $0x4000, s28;
	[sflag:s17] =	ssyncset.done $0x0  }
0x33: {  	s30 =	sadd.s32 $0x4000, s29;
	[sflag:s17] =	ssyncadd.s32 $0xFFFFC000  }
0x34: {  	[tilespmem:s30], [sflag:$0x1] =	stream.indirect.gather [hbm4b:s3+s18], $0x80, s23, s18, $0xb8;
	[tilespmem:$0x14000] =	vst v63  }
0x35: {  	s29 =	sadd.s32 $0xC000, s29  }
0x36: {  	[tilespmem:s29], [sflag:$0x2] =	stream.indirect.gather [hbm4b:s4+s18], $0x80, s24, s18, $0xb8;
	[tilespmem:$0x14000] =	vst v63  }
0x37: {  	s29 =	sadd.s32 $0x4000, s28  }
0x38: {  	[hbm4b:s26+s2] =	stream.linear.scatter [tilespmem:s29], [sflag:$0x3], $0x4000, $0x38;
	[tilespmem:$0x14000] =	vst v63  }
0x39: {  	_ =	swait.ge [sflag:s12], $0x4000  }
.Ltmp0:
0x3a: {  	[sflag:s12] =	ssyncset.done $0x0;
	(pc) =	sbr.rel @p0 .LBB2_2-.Ltmp0, $4  }
0x3b: {  	s28 =	sadd.s32 $0xC000, s28;
	[sflag:s12] =	ssyncadd.s32 $0xFFFFC000  }
0x3c: {  	[hbm4b:s25+s2] =	stream.linear.scatter [tilespmem:s28], [sflag:$0x3], $0x4000, $0x38;
	[tilespmem:$0x14000] =	vst v63  }
0x3d: {  	_ =	swait.ge [sflag:s12], $0x4000  }
0x3e: {  	s23 =	sadd.s32 $0x80, s23;
	s24 =	sadd.s32 $0x80, s24;
	[sflag:s12] =	ssyncset.done $0x0  }
0x3f: {  	[sflag:s12] =	ssyncadd.s32 $0xFFFFC000  }
0x40: {  	_ =	swait.ge [sflag:s16], $0x4000  }
0x41: {  	[sflag:s16] =	ssyncset.done $0x0  }
0x42: {  	[sflag:s16] =	ssyncadd.s32 $0xFFFFC000  }
0x43: {  	_ =	swait.ge [sflag:s17], $0x4000  }
0x44: {  	[sflag:s17] =	ssyncset.done $0x0  }
0x45: {  	[sflag:s17] =	ssyncadd.s32 $0xFFFFC000  }
0x46: {  	[hbm4b:s8+s2] =	stream.linear.scatter [tilespmem:s19], [sflag:$0x3], $0x4000, $0x38;
	[tilespmem:$0x14000] =	vst v63  }
0x47: {  	s21 =	sadd.s32 $0x1, s21;
	_ =	swait.ge [sflag:s12], $0x4000  }
0x48: {  	p0 =	sne.s32 s21, s7;
	[sflag:s12] =	ssyncset.done $0x0  }
.Ltmp1:
0x49: {  	[sflag:s12] =	ssyncadd.s32 $0xFFFFC000;
	(pc) =	sbr.rel @p0 .LBB2_1-.Ltmp1, $4  }
0x4a: {  	[hbm4b:s9+s2] =	stream.linear.scatter [tilespmem:s20], [sflag:$0x3], $0x4000, $0x38;
	[tilespmem:$0x14000] =	vst v63  }
0x4b: {  	_ =	swait.ge [sflag:s12], $0x4000  }
0x4c: {  	[sflag:s12] =	ssyncset.done $0x0  }
0x4d: {  	[sflag:s12] =	ssyncadd.s32 $0xFFFFC000  }
0x4e: {  	_ =	sfence.sel $0x180000  }
0x4f: {  	[bflag:$0x0] =	sbarrier.arrive $0xFFFF  }
0x50: {  	p0 =	sne.s32 s0, $0x0;
	_ =	strace $0x9000006B  }
0x51: {  	s0 =	sadd.s32 @!p0 $0x100000, s1;
	[bflag:$0x2] =	sbarrier.arrive $0xFFFF  }
0x52: {  	[sflag:s0] =	ssyncadd.tile.s32 @!p0 $0x1;
	_ =	shalt  }
.Lfunc_end2:
_tile_overlayer_lowered:
.L_overlay_start_2:
0x53: {  	(tag) =	ssettag $0x2  }
0x54: {  	s0 =	rddreg [dreg:$0x0];
	s2 =	stileid.u32  }
0x55: {  	s1 =	rddreg [dreg:$0x1];
	p0 =	sne.s32 s2, $0x0  }
0x56: {  	s3 =	rddreg [dreg:$0x2];
	[bflag:$0x3] =	sbarrier.arrive $0xFFFF;
	s2 =	simm.s32 @!p0 $0x1C03  }
0x57: {  	[timem:s3], [sflag:s2] =	dma.local @!p0 [hbm:s0], s1  }
0x58: {  	s0 =	simm.s32 @!p0 $0x3  }
0x59: {  	_ =	swait.ge @!p0 [sflag:s0], s1  }
0x5a: {  	s1 =	ssub.s32 @!p0 $0x0, s1;
	[sflag:s0] =	ssyncset.done @!p0 $0x0  }
0x5b: {  	[sflag:s0] =	ssyncadd.s32 @!p0 s1  }
0x5c: {  	[bflag:$0x3] =	sbarrier.arrive $0xFFFF  }
0x5d: {  	_ =	shalt  }

// kernel: kernel.9.cloned.1.call-start
scs
__scs_entry_jumppad:
0x0: {  	(pc) =	sbr.rel $0x88, $3  }
0x1: {  	(tag) =	ssettag $0x0;
	lr =	simm.s32 $0x1  }
0x2: {  	[smem:$0x3F70] =	sst lr;
	_ =	strace $0xD0000000  }
0x3: {  	_ = 	snop  }
0x4: {  	_ = 	snop  }
0x5: {  	_ = 	snop  }
0x6: {  	_ = 	snop  }
0x7: {  	_ = 	snop  }
__scs_overlays_trampoline_lowered:
0x8: {  	[smem:$0x3F7F] =	sst s0  }
0x9: {  	[smem:$0x3F80] =	sst s1  }
0xa: {  	[smem:$0x3F81] =	sst s2  }
0xb: {  	[smem:$0x3F82] =	sst s3  }
0xc: {  	[smem:$0x3F83] =	sst s4  }
0xd: {  	[smem:$0x3F84] =	sst s5  }
0xe: {  	[smem:$0x3F85] =	sst s6  }
0xf: {  	[smem:$0x3F86] =	sst s7  }
0x10: {  	[smem:$0x3F87] =	sst s8  }
0x11: {  	[smem:$0x3F88] =	sst s9;
	s0 =	simm.s32 @!p0 $0x0  }
0x12: {  	s1 =	sld [smem:$0x3F6E];
	s0 =	simm.s32 @p0 $0x1  }
0x13: {  	[smem:$0x3F89] =	sst s0;
	s0 =	simm.s32 @!p1 $0x0  }
0x14: {  	s2 =	sld [smem:$0x3F6D];
	s0 =	simm.s32 @p1 $0x1  }
0x15: {  	[smem:$0x3F8A] =	sst s0;
	s0 =	simm.s32 @!p2 $0x0  }
0x16: {  	s3 =	sld [smem:$0x3FDB];
	s0 =	simm.s32 @p2 $0x1  }
0x17: {  	s4 =	simm.s32 $0x1BF5;
	[smem:$0x3F8C] =	sst s0  }
0x18: {  	s0 =	sld [smem:$0x3F6F];
	_ =	swait.ge [sflag:s4], $0x0  }
0x19: {  	s7 =	sld [smem:$0x3F70]  }
0x1a: {  	s8 =	sadd.s32 $0xFFFFE003, lr  }
0x1b: {  	s9 =	sadd.s32 $0xFFFFFEF7, lr;
	s5 =	simm.s32 $0xFFFFFFFF;
	p2 =	slt.u32 s8, $0xFFFFF086  }
0x1c: {  	p1 =	slt.u32 s9, $0xF7A;
	s5 =	simm.s32 @!p2 $0x0  }
0x1d: {  	s5 =	simm.s32 @p1 $0x1;
	p0 =	seq.s32 s7, s2  }
0x1e: {  	s7 =	smul.u32 @!p0 $0xF7A, s2;
	p2 =	seq.s32 @!p0 s5, $0x0  }
0x1f: {  	s9 =	smul.u32 $0xF7A, s1;
	s8 =	simm.s32 @!p0 $0x1BF5;
	p2 =	por !p2, p0  }
0x20: {  	[sflag:s8] =	ssyncset.s32 @!p0 $0xFFFFF086;
	s6 =	sadd.s32 @!p0 s3, s7;
	s7 =	simm.s32 @!p0 $0x108  }
0x21: {  	s3 =	sadd.s32 s3, s9;
	s6 =	sadd.s32 @!p0 $0x88, s6;
	s7 =	simm.s32 @p2 $0x1082  }
0x22: {  	[simem:s7], [sflag:s8] =	dma.local @!p0 [hbm:s6], $0xF7A  }
0x23: {  	s9 =	sor.u32 $0xD0000000, s2;
	s6 =	simm.s32 $0x108;
	_ =	swait.ge @!p0 [sflag:s8], $0x0  }
0x24: {  	s3 =	sadd.s32 $0x88, s3;
	s6 =	simm.s32 @!p1 $0x1082;
	[sflag:s4] =	ssyncset.s32 $0xFFFFF086  }
0x25: {  	[simem:s6], [sflag:s4] =	dma.local [hbm:s3], $0xF7A  }
0x26: {  	[smem:$0x3F70] =	sst s1;
	(tag) =	ssettag s2;
	_ =	strace s9  }
0x27: {  	s1 =	sld [smem:$0x3F80]  }
0x28: {  	s2 =	sld [smem:$0x3F81]  }
0x29: {  	s4 =	sld [smem:$0x3F83]  }
0x2a: {  	p0 =	seq.s32 s5, $0x0;
	s5 =	sld [smem:$0x3F84]  }
0x2b: {  	s6 =	sld [smem:$0x3F85]  }
0x2c: {  	s7 =	sld [smem:$0x3F86]  }
0x2d: {  	s3 =	simm.s32 $0x108;
	s8 =	sld [smem:$0x3F87]  }
0x2e: {  	s3 =	simm.s32 @!p0 $0x1082;
	s9 =	sld [smem:$0x3F88]  }
0x2f: {  	lr =	sadd.s32 s0, s3;
	s0 =	sld [smem:$0x3F7F]  }
0x30: {  	s3 =	sld [smem:$0x3F82]  }
0x31: {  	[smem:$0x3F8B] =	sst s10  }
0x32: {  	s10 =	sld [smem:$0x3F89];
	_ =	sdelay $0x3  }
0x33: {  	p0 =	seq.s32 s10, $0x1;
	s10 =	sld [smem:$0x3F8B];
	_ =	sdelay $0x3  }
0x34: {  	[smem:$0x3F8B] =	sst s10  }
0x35: {  	s10 =	sld [smem:$0x3F8A];
	_ =	sdelay $0x3  }
0x36: {  	p1 =	seq.s32 s10, $0x1;
	s10 =	sld [smem:$0x3F8B];
	_ =	sdelay $0x3  }
0x37: {  	[smem:$0x3F8B] =	sst s10  }
0x38: {  	s10 =	sld [smem:$0x3F8C]  }
0x39: {  	_ = 	snop;
	(pc) =	sbr.ind lr, $3  }
0x3a: {  	_ = 	snop  }
0x3b: {  	_ = 	snop  }
0x3c: {  	p2 =	seq.s32 s10, $0x1;
	s10 =	sld [smem:$0x3F8B]  }
0x3d: {  	_ =	shalt  }
0x3e: {  	_ =	shalt  }
0x3f: {  	_ =	shalt  }
0x40: {  	_ =	shalt  }
0x41: {  	_ =	shalt  }
0x42: {  	_ =	shalt  }
0x43: {  	_ =	shalt  }
0x44: {  	_ =	shalt  }
0x45: {  	_ =	shalt  }
0x46: {  	_ =	shalt  }
0x47: {  	_ =	shalt  }
0x48: {  	_ =	shalt  }
0x49: {  	_ =	shalt  }
0x4a: {  	_ =	shalt  }
0x4b: {  	_ =	shalt  }
0x4c: {  	_ =	shalt  }
0x4d: {  	_ =	shalt  }
0x4e: {  	_ =	shalt  }
0x4f: {  	_ =	shalt  }
0x50: {  	_ =	shalt  }
0x51: {  	_ =	shalt  }
0x52: {  	_ =	shalt  }
0x53: {  	_ =	shalt  }
0x54: {  	_ =	shalt  }
0x55: {  	_ =	shalt  }
0x56: {  	_ =	shalt  }
0x57: {  	_ =	shalt  }
0x58: {  	_ =	shalt  }
0x59: {  	_ =	shalt  }
0x5a: {  	_ =	shalt  }
0x5b: {  	_ =	shalt  }
0x5c: {  	_ =	shalt  }
0x5d: {  	_ =	shalt  }
0x5e: {  	_ =	shalt  }
0x5f: {  	_ =	shalt  }
0x60: {  	_ =	shalt  }
0x61: {  	_ =	shalt  }
0x62: {  	_ =	shalt  }
0x63: {  	_ =	shalt  }
0x64: {  	_ =	shalt  }
0x65: {  	_ =	shalt  }
0x66: {  	_ =	shalt  }
0x67: {  	_ =	shalt  }
0x68: {  	_ =	shalt  }
0x69: {  	_ =	shalt  }
0x6a: {  	_ =	shalt  }
0x6b: {  	_ =	shalt  }
0x6c: {  	_ =	shalt  }
0x6d: {  	_ =	shalt  }
0x6e: {  	_ =	shalt  }
0x6f: {  	_ =	shalt  }
0x70: {  	_ =	shalt  }
0x71: {  	_ =	shalt  }
0x72: {  	_ =	shalt  }
0x73: {  	_ =	shalt  }
0x74: {  	_ =	shalt  }
0x75: {  	_ =	shalt  }
0x76: {  	_ =	shalt  }
0x77: {  	_ =	shalt  }
0x78: {  	_ =	shalt  }
0x79: {  	_ =	shalt  }
0x7a: {  	_ =	shalt  }
0x7b: {  	_ =	shalt  }
0x7c: {  	_ =	shalt  }
0x7d: {  	_ =	shalt  }
0x7e: {  	_ =	shalt  }
0x7f: {  	_ =	shalt  }
0x80: {  	_ =	shalt  }
0x81: {  	_ =	shalt  }
0x82: {  	_ =	shalt  }
0x83: {  	_ =	shalt  }
0x84: {  	_ =	shalt  }
0x85: {  	_ =	shalt  }
0x86: {  	_ =	shalt  }
0x87: {  	_ =	shalt  }
.Lfunc_end0:
.L_simem_size_0:
called_computation.8_lowered:
.L_overlay_start_0:
0x88: {  	s2 =	sld [smem:$0x3FD9]  }
0x89: {  	s3 =	sld [smem:$0x3FFE];
	_ =	sdelay $0x1  }
0x8a: {  	s1 =	srdreg.scid  }
0x8b: {  	s0 =	sand.u32 $0x1, s1  }
0x8c: {  	s16 =	sshll.u32 s0, $0xA;
	s2 =	sadd.s32 s3, s2  }
0x8d: {  	s2 =	sadd.s32 s2, s16  }
0x8e: {  	[smem:$0x3F97] =	sst s2  }
0x8f: {  	_ = 	snop  }
0x90: {  	(tm) =	ssettm $0x1  }
0x91: {  	s17 =	sld [smem:$0x3FFB];
	_ =	sdelay $0x3  }
0x92: {  	_ =	strace s17  }
0x93: {  	s2 =	sld [smem:$0x3FFC];
	_ =	sdelay $0x3  }
0x94: {  	_ =	strace s2  }
0x95: {  	s2 =	sld [smem:$0x3FFD];
	_ =	sdelay $0x3  }
0x96: {  	_ =	strace s2  }
0x97: {  	_ =	strace $0x8FFFFFFF  }
0x98: {  	s18 =	sld [smem:$0x3FDB];
	_ =	sdelay $0x1  }
0x99: {  	s19 =	simm.s32 $_scs_section_size  }
0x9a: {  	s4 =	simm.s32 $_size__tile_overlayer_lowered;
	s5 =	simm.s32 $_tile_overlayer_lowered  }
0x9b: {  	s22 =	simm.s32 $0x1BFF;
	s21 =	sshll.u32 s5, $0x1;
	s2 =	sadd.s32 s19, s18  }
0x9c: {  	s6 =	simm.s32 $0x0;
	s20 =	sshll.u32 s4, $0x1;
	s4 =	sadd.s32 s21, s2  }
0x9d: {  	[timem:s6], [sflag:s22] =	dma.local [hbm:s4], s20  }
0x9e: {  	_ =	swait.ge [sflag:s22], s20  }
0x9f: {  	s3 =	ssub.s32 $0x0, s20;
	[sflag:s22] =	ssyncset.done $0x0  }
0xa0: {  	[sflag:s22] =	ssyncadd.s32 s3;
	_ =	sdelay $0x1  }
0xa1: {  	s23 =	simm.s32 $0x1B8B  }
0xa2: {  	_ =	swait.ge [sflag:s23], $0x1  }
0xa3: {  	[sflag:s23] =	ssyncset.done $0x0  }
0xa4: {  	s25 =	simm.s32 $0x1B8E;
	s24 =	sld [smem:$0x3FFE];
	[sflag:s23] =	ssyncadd.s32 $0xFFFFFFFF  }
0xa5: {  	s26 =	simm.s32 $execute0_lowered;
	[smem:$0x3FD2] =	sst s25  }
0xa6: {  	s4 =	sshll.u32 s26, $0x1;
	_ =	strace $0x80000058;
	[dreg:$0x1] =	wrdreg $0xFFFFFFFF  }
0xa7: {  	s28 =	simm.s32 $_size_execute0_lowered;
	s2 =	sadd.s32 s2, s4;
	[dreg:$0x0] =	wrdreg $0x0  }
0xa8: {  	s4 =	sshll.u32 s28, $0x1;
	[dreg:$0x2] =	wrdreg s2  }
0xa9: {  	[dreg:$0x3] =	wrdreg s4  }
0xaa: {  	[dreg:$0x4] =	wrdreg $0xC0  }
0xab: {  	_ =	task [dreg:s6], $0x5FFFF  }
0xac: {  	[dreg:$0x1] =	wrdreg $0xFFFFFFFF  }
0xad: {  	[dreg:$0x0] =	wrdreg $0x60  }
0xae: {  	[dreg:$0x2] =	wrdreg s24  }
0xaf: {  	[dreg:$0x3] =	wrdreg $0x9  }
0xb0: {  	_ =	task.clear_ibuf [dreg:s6], $0x4FFFF;
	_ =	strace $0x90000058  }
0xb1: {  	s29 =	simm.s32 $0x9;
	_ =	strace $0x8000005A  }
0xb2: {  	_ =	swait.ge [sflag:s29], $0x1  }
0xb3: {  	[sflag:s29] =	ssyncadd.s32 $0xFFFFFFFF  }
0xb4: {  	_ =	strace $0x9000005A  }
0xb5: {  	_ =	sfence  }
0xb6: {  	s30 =	sld [smem:$0x0];
	_ =	sdelay $0x2  }
0xb7: {  	s31 =	sshll.u32 s1, $0xD;
	s1 =	sshrl.u32 s1, $0x2  }
0xb8: {  	s3 =	sand.u32 $0x4000, s31;
	s1 =	sadd.s32 s1, s30  }
0xb9: {  	s0 =	sor.u32 s3, s0;
	s1 =	sshll.u32 s1, $0x11  }
0xba: {  	s0 =	sor.u32 s1, s0  }
0xbb: {  	s0 =	sadd.s32 $0x8F2B, s0  }
0xbc: {  	[sflag:s0] =	ssyncadd.remote.s32 $0x1  }
0xbd: {  	_ =	sfence.sel $0xFFFF  }
0xbe: {  	[dreg:$0x0] =	wrdreg $0xFFFFFFFF;
	(pc) =	sbr.abs _section_cstart, $3  }
0xbf: {  	[dreg:$0x1] =	wrdreg $0xFFFFFFFF  }
0xc0: {  	_ =	task.clear_ibuf [dreg:s6], $0x2FFFF;
	_ =	strace $0x9FFFFFFF  }
0xc1: {  	(tm) =	ssettm $0x7FFFFFFF  }
tec
execute0_lowered:
.L_overlay_start_1:
0x0: {  	(tag) =	ssettag $0x1  }
0x1: {  	s1 =	srdreg.scid  }
0x2: {  	s0 =	stileid.u32;
	s5 =	rddreg [dreg:$0x0];
	s2 =	simm.s32 $0x0  }
0x3: {  	s15 =	simm.s32 $0xC000;
	s16 =	simm.s32 $0x1;
	s17 =	simm.s32 $0x2  }
0x4: {  	s18 =	simm.s32 $0x80;
	s19 =	simm.s32 $0x8000;
	s20 =	simm.s32 $0x10000  }
0x5: {  	s21 =	simm.s32 $0x0;
	s10 =	sand.u32 $0x1, s1;
	s1 =	rddreg [dreg:$0x1]  }
0x6: {  	s3 =	sshll.u32 s0, $0xE;
	[smem:$0x7FF] =	sst s2;
	s11 =	sadd.s32 $0x151800, s5  }
0x7: {  	s12 =	sadd.s32 $0x551800, s5;
	s13 =	sshll.u32 s0, $0x12;
	s4 =	sshll.u32 s10, $0xD  }
0x8: {  	_ =	strace $0x80000059;
	s8 =	ssub.s32 $0x2, s10;
	s14 =	sshll.u32 s10, $0x11  }
0x9: {  	s6 =	sor.u32 s4, s3;
	s4 =	sadd.s32 $0xF3200, s5;
	s31 =	sshrl.u32 s8, $0x1  }
0xa: {  	s3 =	sshrl.u32 s6, $0x3;
	s8 =	ssub.s32 s8, s31;
	s9 =	sshll.u32 s6, $0x4  }
0xb: {  	s7 =	sadd.s32 s3, s5;
	s3 =	sadd.s32 $0x11A400, s5;
	s9 =	sor.u32 $0x1F800, s9  }
0xc: {  	s5 =	sadd.s32 $0x141600, s7;
	s6 =	sadd.s32 $0x4000, s7;
	s7 =	smax.u32 s8, $0x1  }
0xd: {  	s8 =	sadd.s32 s11, s9;
	s9 =	sadd.s32 s12, s9;
	s12 =	sadd.s32 s13, s12  }
0xe: {  	s11 =	sadd.s32 s13, s11;
	s13 =	simm.s32 $0x2000;
	s10 =	sadd.s32 s14, s12  }
0xf: {  	s11 =	sadd.s32 s14, s11;
	s12 =	simm.s32 $0x3;
	s14 =	simm.s32 $0x4000  }
.LBB2_1:
0x10: {  	[tilespmem:s2], [sflag:$0x3] =	stream.linear.gather [hbm4b:s5+s2], $0x2000, $0x38;
	[tilespmem:$0x14000] =	vst v63  }
0x11: {  	_ =	swait.ge [sflag:s12], $0x2000  }
0x12: {  	[sflag:s12] =	ssyncset.done $0x0  }
0x13: {  	[sflag:s12] =	ssyncadd.s32 $0xFFFFE000  }
0x14: {  	[tilespmem:s13], [sflag:$0x3] =	stream.linear.gather [hbm4b:s6+s2], $0x2000, $0x38;
	[tilespmem:$0x14000] =	vst v63  }
0x15: {  	_ =	swait.ge [sflag:s12], $0x2000  }
0x16: {  	[sflag:s12] =	ssyncset.done $0x0  }
0x17: {  	[sflag:s12] =	ssyncadd.s32 $0xFFFFE000  }
0x18: {  	[tilespmem:s14], [sflag:$0x1] =	stream.indirect.gather [hbm4b:s3+s18], $0x80, s2, s18, $0xb8;
	[tilespmem:$0x14000] =	vst v63  }
0x19: {  	_ = 	snop  }
0x1a: {  	[tilespmem:s15], [sflag:$0x2] =	stream.indirect.gather [hbm4b:s4+s18], $0x80, s13, s18, $0xb8;
	[tilespmem:$0x14000] =	vst v63  }
0x1b: {  	_ =	swait.ge [sflag:s16], $0x4000  }
0x1c: {  	[sflag:s16] =	ssyncset.done $0x0  }
0x1d: {  	[sflag:s16] =	ssyncadd.s32 $0xFFFFC000  }
0x1e: {  	s22 =	sand.u32 $0x4000, s2;
	_ =	swait.ge [sflag:s17], $0x4000  }
0x1f: {  	s23 =	sxor.u32 $0x4000, s22;
	[sflag:s17] =	ssyncset.done $0x0  }
0x20: {  	s24 =	sadd.s32 $0x4000, s23;
	[sflag:s17] =	ssyncadd.s32 $0xFFFFC000  }
0x21: {  	[tilespmem:s24], [sflag:$0x1] =	stream.indirect.gather [hbm4b:s3+s18], $0x80, s18, s18, $0xb8;
	[tilespmem:$0x14000] =	vst v63  }
0x22: {  	s30 =	simm.s32 $0x2080;
	s23 =	sadd.s32 $0xC000, s23  }
0x23: {  	[tilespmem:s23], [sflag:$0x2] =	stream.indirect.gather [hbm4b:s4+s18], $0x80, s30, s18, $0xb8;
	[tilespmem:$0x14000] =	vst v63  }
0x24: {  	s31 =	sadd.s32 $0x4000, s22  }
0x25: {  	[hbm4b:s11+s2] =	stream.linear.scatter [tilespmem:s31], [sflag:$0x3], $0x4000, $0x38;
	[tilespmem:$0x14000] =	vst v63  }
0x26: {  	_ =	swait.ge [sflag:s12], $0x4000  }
0x27: {  	[sflag:s12] =	ssyncset.done $0x0  }
0x28: {  	s25 =	smov.u32 s10;
	s22 =	sadd.s32 $0xC000, s22;
	[sflag:s12] =	ssyncadd.s32 $0xFFFFC000  }
0x29: {  	[hbm4b:s10+s2] =	stream.linear.scatter [tilespmem:s22], [sflag:$0x3], $0x4000, $0x38;
	[tilespmem:$0x14000] =	vst v63  }
0x2a: {  	s26 =	smov.u32 s11;
	s24 =	simm.s32 $0x2100;
	_ =	swait.ge [sflag:s12], $0x4000  }
0x2b: {  	s23 =	simm.s32 $0x100;
	s22 =	simm.s32 $0x4000;
	[sflag:s12] =	ssyncset.done $0x0  }
.LBB2_2:
0x2c: {  	[sflag:s12] =	ssyncadd.s32 $0xFFFFC000  }
0x2d: {  	s25 =	sadd.s32 $0x800, s25;
	s26 =	sadd.s32 $0x800, s26;
	s28 =	smov.u32 s22  }
0x2e: {  	p0 =	sne.s32 s22, $0xF8000;
	s22 =	sadd.s32 $0x4000, s22;
	_ =	swait.ge [sflag:s16], $0x4000  }
0x2f: {  	[sflag:s16] =	ssyncset.done $0x0  }
0x30: {  	[sflag:s16] =	ssyncadd.s32 $0xFFFFC000  }
0x31: {  	s28 =	sand.u32 $0x4000, s28;
	_ =	swait.ge [sflag:s17], $0x4000  }
0x32: {  	s29 =	sxor.u32 $0x4000, s28;
	[sflag:s17] =	ssyncset.done $0x0  }
0x33: {  	s30 =	sadd.s32 $0x4000, s29;
	[sflag:s17] =	ssyncadd.s32 $0xFFFFC000  }
0x34: {  	[tilespmem:s30], [sflag:$0x1] =	stream.indirect.gather [hbm4b:s3+s18], $0x80, s23, s18, $0xb8;
	[tilespmem:$0x14000] =	vst v63  }
0x35: {  	s29 =	sadd.s32 $0xC000, s29  }
0x36: {  	[tilespmem:s29], [sflag:$0x2] =	stream.indirect.gather [hbm4b:s4+s18], $0x80, s24, s18, $0xb8;
	[tilespmem:$0x14000] =	vst v63  }
0x37: {  	s29 =	sadd.s32 $0x4000, s28  }
0x38: {  	[hbm4b:s26+s2] =	stream.linear.scatter [tilespmem:s29], [sflag:$0x3], $0x4000, $0x38;
	[tilespmem:$0x14000] =	vst v63  }
0x39: {  	_ =	swait.ge [sflag:s12], $0x4000  }
.Ltmp0:
0x3a: {  	[sflag:s12] =	ssyncset.done $0x0;
	(pc) =	sbr.rel @p0 .LBB2_2-.Ltmp0, $4  }
0x3b: {  	s28 =	sadd.s32 $0xC000, s28;
	[sflag:s12] =	ssyncadd.s32 $0xFFFFC000  }
0x3c: {  	[hbm4b:s25+s2] =	stream.linear.scatter [tilespmem:s28], [sflag:$0x3], $0x4000, $0x38;
	[tilespmem:$0x14000] =	vst v63  }
0x3d: {  	_ =	swait.ge [sflag:s12], $0x4000  }
0x3e: {  	s23 =	sadd.s32 $0x80, s23;
	s24 =	sadd.s32 $0x80, s24;
	[sflag:s12] =	ssyncset.done $0x0  }
0x3f: {  	[sflag:s12] =	ssyncadd.s32 $0xFFFFC000  }
0x40: {  	_ =	swait.ge [sflag:s16], $0x4000  }
0x41: {  	[sflag:s16] =	ssyncset.done $0x0  }
0x42: {  	[sflag:s16] =	ssyncadd.s32 $0xFFFFC000  }
0x43: {  	_ =	swait.ge [sflag:s17], $0x4000  }
0x44: {  	[sflag:s17] =	ssyncset.done $0x0  }
0x45: {  	[sflag:s17] =	ssyncadd.s32 $0xFFFFC000  }
0x46: {  	[hbm4b:s8+s2] =	stream.linear.scatter [tilespmem:s19], [sflag:$0x3], $0x4000, $0x38;
	[tilespmem:$0x14000] =	vst v63  }
0x47: {  	s21 =	sadd.s32 $0x1, s21;
	_ =	swait.ge [sflag:s12], $0x4000  }
0x48: {  	p0 =	sne.s32 s21, s7;
	[sflag:s12] =	ssyncset.done $0x0  }
.Ltmp1:
0x49: {  	[sflag:s12] =	ssyncadd.s32 $0xFFFFC000;
	(pc) =	sbr.rel @p0 .LBB2_1-.Ltmp1, $4  }
0x4a: {  	[hbm4b:s9+s2] =	stream.linear.scatter [tilespmem:s20], [sflag:$0x3], $0x4000, $0x38;
	[tilespmem:$0x14000] =	vst v63  }
0x4b: {  	_ =	swait.ge [sflag:s12], $0x4000  }
0x4c: {  	[sflag:s12] =	ssyncset.done $0x0  }
0x4d: {  	[sflag:s12] =	ssyncadd.s32 $0xFFFFC000  }
0x4e: {  	_ =	sfence.sel $0x180000  }
0x4f: {  	[bflag:$0x0] =	sbarrier.arrive $0xFFFF  }
0x50: {  	p0 =	sne.s32 s0, $0x0;
	_ =	strace $0x90000059  }
0x51: {  	s0 =	sadd.s32 @!p0 $0x100000, s1;
	[bflag:$0x2] =	sbarrier.arrive $0xFFFF  }
0x52: {  	[sflag:s0] =	ssyncadd.tile.s32 @!p0 $0x1;
	_ =	shalt  }
.Lfunc_end2:
_tile_overlayer_lowered:
.L_overlay_start_2:
0x53: {  	(tag) =	ssettag $0x2  }
0x54: {  	s0 =	rddreg [dreg:$0x0];
	s2 =	stileid.u32  }
0x55: {  	s1 =	rddreg [dreg:$0x1];
	p0 =	sne.s32 s2, $0x0  }
0x56: {  	s3 =	rddreg [dreg:$0x2];
	[bflag:$0x3] =	sbarrier.arrive $0xFFFF;
	s2 =	simm.s32 @!p0 $0x1C03  }
0x57: {  	[timem:s3], [sflag:s2] =	dma.local @!p0 [hbm:s0], s1  }
0x58: {  	s0 =	simm.s32 @!p0 $0x3  }
0x59: {  	_ =	swait.ge @!p0 [sflag:s0], s1  }
0x5a: {  	s1 =	ssub.s32 @!p0 $0x0, s1;
	[sflag:s0] =	ssyncset.done @!p0 $0x0  }
0x5b: {  	[sflag:s0] =	ssyncadd.s32 @!p0 s1  }
0x5c: {  	[bflag:$0x3] =	sbarrier.arrive $0xFFFF  }
0x5d: {  	_ =	shalt  }

// kernel: scatter_offload_async_start.1
scs
__scs_entry_jumppad:
0x0: {  	(pc) =	sbr.rel $0x88, $3  }
0x1: {  	(tag) =	ssettag $0x0;
	lr =	simm.s32 $0x1  }
0x2: {  	[smem:$0x3F70] =	sst lr;
	_ =	strace $0xD0000000  }
0x3: {  	_ = 	snop  }
0x4: {  	_ = 	snop  }
0x5: {  	_ = 	snop  }
0x6: {  	_ = 	snop  }
0x7: {  	_ = 	snop  }
__scs_overlays_trampoline_lowered:
0x8: {  	[smem:$0x3F7F] =	sst s0  }
0x9: {  	[smem:$0x3F80] =	sst s1  }
0xa: {  	[smem:$0x3F81] =	sst s2  }
0xb: {  	[smem:$0x3F82] =	sst s3  }
0xc: {  	[smem:$0x3F83] =	sst s4  }
0xd: {  	[smem:$0x3F84] =	sst s5  }
0xe: {  	[smem:$0x3F85] =	sst s6  }
0xf: {  	[smem:$0x3F86] =	sst s7  }
0x10: {  	[smem:$0x3F87] =	sst s8  }
0x11: {  	[smem:$0x3F88] =	sst s9;
	s0 =	simm.s32 @!p0 $0x0  }
0x12: {  	s1 =	sld [smem:$0x3F6E];
	s0 =	simm.s32 @p0 $0x1  }
0x13: {  	[smem:$0x3F89] =	sst s0;
	s0 =	simm.s32 @!p1 $0x0  }
0x14: {  	s2 =	sld [smem:$0x3F6D];
	s0 =	simm.s32 @p1 $0x1  }
0x15: {  	[smem:$0x3F8A] =	sst s0;
	s0 =	simm.s32 @!p2 $0x0  }
0x16: {  	s3 =	sld [smem:$0x3FDB];
	s0 =	simm.s32 @p2 $0x1  }
0x17: {  	s4 =	simm.s32 $0x1BF5;
	[smem:$0x3F8C] =	sst s0  }
0x18: {  	s0 =	sld [smem:$0x3F6F];
	_ =	swait.ge [sflag:s4], $0x0  }
0x19: {  	s7 =	sld [smem:$0x3F70]  }
0x1a: {  	s8 =	sadd.s32 $0xFFFFE003, lr  }
0x1b: {  	s9 =	sadd.s32 $0xFFFFFEF7, lr;
	s5 =	simm.s32 $0xFFFFFFFF;
	p2 =	slt.u32 s8, $0xFFFFF086  }
0x1c: {  	p1 =	slt.u32 s9, $0xF7A;
	s5 =	simm.s32 @!p2 $0x0  }
0x1d: {  	s5 =	simm.s32 @p1 $0x1;
	p0 =	seq.s32 s7, s2  }
0x1e: {  	s7 =	smul.u32 @!p0 $0xF7A, s2;
	p2 =	seq.s32 @!p0 s5, $0x0  }
0x1f: {  	s9 =	smul.u32 $0xF7A, s1;
	s8 =	simm.s32 @!p0 $0x1BF5;
	p2 =	por !p2, p0  }
0x20: {  	[sflag:s8] =	ssyncset.s32 @!p0 $0xFFFFF086;
	s6 =	sadd.s32 @!p0 s3, s7;
	s7 =	simm.s32 @!p0 $0x108  }
0x21: {  	s3 =	sadd.s32 s3, s9;
	s6 =	sadd.s32 @!p0 $0x88, s6;
	s7 =	simm.s32 @p2 $0x1082  }
0x22: {  	[simem:s7], [sflag:s8] =	dma.local @!p0 [hbm:s6], $0xF7A  }
0x23: {  	s9 =	sor.u32 $0xD0000000, s2;
	s6 =	simm.s32 $0x108;
	_ =	swait.ge @!p0 [sflag:s8], $0x0  }
0x24: {  	s3 =	sadd.s32 $0x88, s3;
	s6 =	simm.s32 @!p1 $0x1082;
	[sflag:s4] =	ssyncset.s32 $0xFFFFF086  }
0x25: {  	[simem:s6], [sflag:s4] =	dma.local [hbm:s3], $0xF7A  }
0x26: {  	[smem:$0x3F70] =	sst s1;
	(tag) =	ssettag s2;
	_ =	strace s9  }
0x27: {  	s1 =	sld [smem:$0x3F80]  }
0x28: {  	s2 =	sld [smem:$0x3F81]  }
0x29: {  	s4 =	sld [smem:$0x3F83]  }
0x2a: {  	p0 =	seq.s32 s5, $0x0;
	s5 =	sld [smem:$0x3F84]  }
0x2b: {  	s6 =	sld [smem:$0x3F85]  }
0x2c: {  	s7 =	sld [smem:$0x3F86]  }
0x2d: {  	s3 =	simm.s32 $0x108;
	s8 =	sld [smem:$0x3F87]  }
0x2e: {  	s3 =	simm.s32 @!p0 $0x1082;
	s9 =	sld [smem:$0x3F88]  }
0x2f: {  	lr =	sadd.s32 s0, s3;
	s0 =	sld [smem:$0x3F7F]  }
0x30: {  	s3 =	sld [smem:$0x3F82]  }
0x31: {  	[smem:$0x3F8B] =	sst s10  }
0x32: {  	s10 =	sld [smem:$0x3F89];
	_ =	sdelay $0x3  }
0x33: {  	p0 =	seq.s32 s10, $0x1;
	s10 =	sld [smem:$0x3F8B];
	_ =	sdelay $0x3  }
0x34: {  	[smem:$0x3F8B] =	sst s10  }
0x35: {  	s10 =	sld [smem:$0x3F8A];
	_ =	sdelay $0x3  }
0x36: {  	p1 =	seq.s32 s10, $0x1;
	s10 =	sld [smem:$0x3F8B];
	_ =	sdelay $0x3  }
0x37: {  	[smem:$0x3F8B] =	sst s10  }
0x38: {  	s10 =	sld [smem:$0x3F8C]  }
0x39: {  	_ = 	snop;
	(pc) =	sbr.ind lr, $3  }
0x3a: {  	_ = 	snop  }
0x3b: {  	_ = 	snop  }
0x3c: {  	p2 =	seq.s32 s10, $0x1;
	s10 =	sld [smem:$0x3F8B]  }
0x3d: {  	_ =	shalt  }
0x3e: {  	_ =	shalt  }
0x3f: {  	_ =	shalt  }
0x40: {  	_ =	shalt  }
0x41: {  	_ =	shalt  }
0x42: {  	_ =	shalt  }
0x43: {  	_ =	shalt  }
0x44: {  	_ =	shalt  }
0x45: {  	_ =	shalt  }
0x46: {  	_ =	shalt  }
0x47: {  	_ =	shalt  }
0x48: {  	_ =	shalt  }
0x49: {  	_ =	shalt  }
0x4a: {  	_ =	shalt  }
0x4b: {  	_ =	shalt  }
0x4c: {  	_ =	shalt  }
0x4d: {  	_ =	shalt  }
0x4e: {  	_ =	shalt  }
0x4f: {  	_ =	shalt  }
0x50: {  	_ =	shalt  }
0x51: {  	_ =	shalt  }
0x52: {  	_ =	shalt  }
0x53: {  	_ =	shalt  }
0x54: {  	_ =	shalt  }
0x55: {  	_ =	shalt  }
0x56: {  	_ =	shalt  }
0x57: {  	_ =	shalt  }
0x58: {  	_ =	shalt  }
0x59: {  	_ =	shalt  }
0x5a: {  	_ =	shalt  }
0x5b: {  	_ =	shalt  }
0x5c: {  	_ =	shalt  }
0x5d: {  	_ =	shalt  }
0x5e: {  	_ =	shalt  }
0x5f: {  	_ =	shalt  }
0x60: {  	_ =	shalt  }
0x61: {  	_ =	shalt  }
0x62: {  	_ =	shalt  }
0x63: {  	_ =	shalt  }
0x64: {  	_ =	shalt  }
0x65: {  	_ =	shalt  }
0x66: {  	_ =	shalt  }
0x67: {  	_ =	shalt  }
0x68: {  	_ =	shalt  }
0x69: {  	_ =	shalt  }
0x6a: {  	_ =	shalt  }
0x6b: {  	_ =	shalt  }
0x6c: {  	_ =	shalt  }
0x6d: {  	_ =	shalt  }
0x6e: {  	_ =	shalt  }
0x6f: {  	_ =	shalt  }
0x70: {  	_ =	shalt  }
0x71: {  	_ =	shalt  }
0x72: {  	_ =	shalt  }
0x73: {  	_ =	shalt  }
0x74: {  	_ =	shalt  }
0x75: {  	_ =	shalt  }
0x76: {  	_ =	shalt  }
0x77: {  	_ =	shalt  }
0x78: {  	_ =	shalt  }
0x79: {  	_ =	shalt  }
0x7a: {  	_ =	shalt  }
0x7b: {  	_ =	shalt  }
0x7c: {  	_ =	shalt  }
0x7d: {  	_ =	shalt  }
0x7e: {  	_ =	shalt  }
0x7f: {  	_ =	shalt  }
0x80: {  	_ =	shalt  }
0x81: {  	_ =	shalt  }
0x82: {  	_ =	shalt  }
0x83: {  	_ =	shalt  }
0x84: {  	_ =	shalt  }
0x85: {  	_ =	shalt  }
0x86: {  	_ =	shalt  }
0x87: {  	_ =	shalt  }
.Lfunc_end0:
.L_simem_size_0:
called_computation.1_lowered:
.L_overlay_start_0:
0x88: {  	s0 =	sld [smem:$0x3FD9]  }
0x89: {  	s1 =	sld [smem:$0x3FFE];
	_ =	sdelay $0x3  }
0x8a: {  	s0 =	sadd.s32 s1, s0  }
0x8b: {  	[smem:$0x3F97] =	sst s0  }
0x8c: {  	_ = 	snop  }
0x8d: {  	(tm) =	ssettm $0x1  }
0x8e: {  	s15 =	sld [smem:$0x3FFB];
	_ =	sdelay $0x3  }
0x8f: {  	_ =	strace s15  }
0x90: {  	s0 =	sld [smem:$0x3FFC];
	_ =	sdelay $0x3  }
0x91: {  	_ =	strace s0  }
0x92: {  	s0 =	sld [smem:$0x3FFD];
	_ =	sdelay $0x3  }
0x93: {  	_ =	strace s0  }
0x94: {  	_ =	strace $0x8FFFFFFF  }
0x95: {  	s16 =	sld [smem:$0x3FDB];
	_ =	sdelay $0x1  }
0x96: {  	s17 =	simm.s32 $_scs_section_size  }
0x97: {  	s2 =	simm.s32 $_size__tile_overlayer_lowered;
	s3 =	simm.s32 $_tile_overlayer_lowered  }
0x98: {  	s20 =	simm.s32 $0x1BFF;
	s19 =	sshll.u32 s3, $0x1;
	s0 =	sadd.s32 s17, s16  }
0x99: {  	s4 =	simm.s32 $0x0;
	s18 =	sshll.u32 s2, $0x1;
	s2 =	sadd.s32 s19, s0  }
0x9a: {  	[timem:s4], [sflag:s20] =	dma.local [hbm:s2], s18  }
0x9b: {  	_ =	swait.ge [sflag:s20], s18  }
0x9c: {  	s1 =	ssub.s32 $0x0, s18;
	[sflag:s20] =	ssyncset.done $0x0  }
0x9d: {  	[sflag:s20] =	ssyncadd.s32 s1;
	_ =	sdelay $0x1  }
0x9e: {  	s21 =	simm.s32 $0x1B8B  }
0x9f: {  	_ =	swait.ge [sflag:s21], $0x1  }
0xa0: {  	[sflag:s21] =	ssyncset.done $0x0  }
0xa1: {  	s23 =	simm.s32 $0x1B8E;
	s22 =	sld [smem:$0x3FFE];
	[sflag:s21] =	ssyncadd.s32 $0xFFFFFFFF  }
0xa2: {  	s24 =	simm.s32 $execute0_lowered;
	[smem:$0x3FD2] =	sst s23  }
0xa3: {  	s2 =	sshll.u32 s24, $0x1;
	_ =	strace $0x8000004F;
	[dreg:$0x1] =	wrdreg $0xFFFFFFFF  }
0xa4: {  	s25 =	simm.s32 $_size_execute0_lowered;
	s0 =	sadd.s32 s0, s2;
	[dreg:$0x0] =	wrdreg $0x0  }
0xa5: {  	s2 =	sshll.u32 s25, $0x1;
	[dreg:$0x2] =	wrdreg s0  }
0xa6: {  	[dreg:$0x3] =	wrdreg s2  }
0xa7: {  	[dreg:$0x4] =	wrdreg $0xC0  }
0xa8: {  	_ =	task [dreg:s4], $0x5FFFF  }
0xa9: {  	[dreg:$0x1] =	wrdreg $0xFFFFFFFF  }
0xaa: {  	[dreg:$0x0] =	wrdreg $0x60  }
0xab: {  	[dreg:$0x2] =	wrdreg s22  }
0xac: {  	[dreg:$0x3] =	wrdreg $0x9  }
0xad: {  	_ =	task.clear_ibuf [dreg:s4], $0x4FFFF;
	_ =	strace $0x9000004F  }
0xae: {  	s26 =	simm.s32 $0x9;
	_ =	strace $0x80000051  }
0xaf: {  	_ =	swait.ge [sflag:s26], $0x1  }
0xb0: {  	[sflag:s26] =	ssyncadd.s32 $0xFFFFFFFF  }
0xb1: {  	_ =	strace $0x90000051  }
0xb2: {  	_ =	sfence  }
0xb3: {  	s28 =	sld [smem:$0x0];
	_ =	sdelay $0x1  }
0xb4: {  	s29 =	srdreg.scid  }
0xb5: {  	s30 =	sshll.u32 s29, $0xD;
	s31 =	sshrl.u32 s29, $0x2  }
0xb6: {  	s1 =	sand.u32 $0x1, s29;
	s2 =	sand.u32 $0x4000, s30;
	s0 =	sadd.s32 s31, s28  }
0xb7: {  	s1 =	sor.u32 s2, s1;
	s0 =	sshll.u32 s0, $0x11  }
0xb8: {  	s0 =	sor.u32 s0, s1  }
0xb9: {  	s0 =	sadd.s32 $0x8F2B, s0  }
0xba: {  	[sflag:s0] =	ssyncadd.remote.s32 $0x1  }
0xbb: {  	_ =	sfence.sel $0xFFFF  }
0xbc: {  	[dreg:$0x0] =	wrdreg $0xFFFFFFFF;
	(pc) =	sbr.abs _section_cstart, $3  }
0xbd: {  	[dreg:$0x1] =	wrdreg $0xFFFFFFFF  }
0xbe: {  	_ =	task.clear_ibuf [dreg:s4], $0x2FFFF;
	_ =	strace $0x9FFFFFFF  }
0xbf: {  	(tm) =	ssettm $0x7FFFFFFF  }
tec
execute0_lowered:
.L_overlay_start_1:
0x0: {  	(tag) =	ssettag $0x1  }
0x1: {  	s4 =	rddreg [dreg:$0x0]  }
0x2: {  	s0 =	rddreg [dreg:$0x1];
	_ =	strace $0x80000050;
	s5 =	stileid.u32  }
0x3: {  	s3 =	simm.s32 $0x3E;
	s1 =	sadd.s32 $0x141600, s4;
	p0 =	sne.s32 s5, $0x0  }
0x4: {  	[sflag:s3] =	ssyncpa.u1 $0x0;
	s2 =	simm.s32 @!p0 $0x1C3E;
	s6 =	simm.s32 @!p0 $0x0  }
0x5: {  	[spmem:s6], [sflag:s2] =	dma.local @!p0 [hbm:s1], $0x8000  }
0x6: {  	s2 =	simm.s32 @!p0 $0x3E  }
0x7: {  	_ =	swait.ge @!p0 [sflag:s2], $0x8000  }
0x8: {  	s7 =	simm.s32 $0x2;
	[sflag:s2] =	ssyncset.done @!p0 $0x0  }
.Ltmp0:
0x9: {  	s8 =	simm.s32 $0x0;
	[sflag:s2] =	ssyncadd.s32 @!p0 $0xFFFF8000;
	(pc) =	sbr.rel .LBB2_1-.Ltmp0, $4  }
0xa: {  	s9 =	simm.s32 $0x0;
	s5 =	sshll.u32 s5, $0x12;
	[bflag:$0x0] =	sbarrier.arrive $0xFFFF  }
0xb: {  	s10 =	smov.u32 s5;
	[sflag:s3] =	ssyncpa.u1 $0x1;
	s3 =	simm.s32 $0x1  }
0xc: {  	s6 =	sadd.s32 $0x40000, s5;
	s2 =	sadd.s32 $0x169800, s4;
	[sflag:s3] =	ssyncpa.u1 $0x0  }
0xd: {  	vm0 =	vmmov $0xffff;
	s4 =	sadd.s32 $0x4000, s4;
	(ifvalue) =	ssetifvalue $0x40000;
	[sflag:s7] =	ssyncpa.u1 $0x0  }
.LBB2_5:
0xe: {  	s9 =	sadd.s32 $0x1, s9  }
0xf: {  	p2 =	sne.s32 s9, $0x21  }
.Ltmp1:
0x10: {  	_ = 	snop;
	(pc) =	sbr.rel @!p2 .LBB2_6-.Ltmp1, $4  }
0x11: {  	_ = 	snop  }
0x12: {  	s11 =	sadd.s32 $0x2000, s10  }
0x13: {  	s10 =	smov.u32 s5;
	p1 =	slt.s32 s11, s6  }
0x14: {  	s10 =	smov.u32 @p1 s11  }
.LBB2_1:
0x15: {  	p1 =	seq.s32 s9, $0x20  }
0x16: {  	s11 =	sshll.u32 @!p1 s9, $0xD;
	p2 =	seq.s32 @!p1 s9, $0x0  }
0x17: {  	s11 =	sand.u32 @!p1 $0x2000, s11;
	p2 =	por p1, !p2  }
.Ltmp2:
0x18: {  	s13 =	sshrl.u32 @!p1 s10, $0x3;
	s12 =	sxor.u32 @!p1 $0x2000, s11;
	(pc) =	sbr.rel @!p2 .LBB2_5-.Ltmp2, $4  }
0x19: {  	s16 =	sand.u32 @!p1 $0x7, s10;
	s14 =	sadd.s32 @!p1 s2, s13;
	s15 =	sor.u32 @!p1 $0x4000, s12  }
0x1a: {  	[tilespmem:s15], [sflag:$0x2] =	stream.linear.gather @!p1 [hbm4b:s14+s16], $0x2000, $0x38;
	[tilespmem:$0xC000] =	vst v63  }
0x1b: {  	s13 =	sadd.s32 @!p1 s4, s13;
	s12 =	sor.u32 @!p1 $0x8000, s12  }
0x1c: {  	[tilespmem:s12], [sflag:$0x2] =	stream.linear.gather @!p1 [hbm4b:s13+s16], $0x2000, $0x38;
	[tilespmem:$0xC000] =	vst v63  }
0x1d: {  	_ =	swait.ge [sflag:s7], $0x4000  }
0x1e: {  	s11 =	simm.s32 @p1 $0x0;
	[sflag:s7] =	ssyncset.done $0x0  }
0x1f: {  	s13 =	sor.u32 $0x4000, s11;
	[sflag:s7] =	ssyncadd.s32 $0xFFFFC000  }
0x20: {  	v0 =	vld.msk [tilespmem:s13+$0x0 ss:$0x1], $0xffff;
	_ =	sdelay $0x4  }
0x21: {  	v0 =	vmin.u32 v0, $0x40000;
	_ =	sdelay $0x3  }
0x22: {  	s12 =	simm.s32 $0x0;
	s11 =	sor.u32 $0x8000, s11;
	s13 =	sadd.s32 $0x10, s13  }
0x23: {  	[spmem:s8] =	stream.indirect_vreg.scatter.add.s32 [tilespmem:s11], [sflag:$0x1], $0x1, v0, vm0, $0x4038;
	[tilespmem:$0xC000] =	vst v63  }
.LBB2_3:
0x24: {  	v0 =	vld.msk [tilespmem:s13+$0x0 ss:$0x1], $0xffff;
	s12 =	sadd.s32 $0x10, s12  }
0x25: {  	p1 =	slt.u32 s12, $0x1FF0;
	_ =	sdelay $0x4  }
0x26: {  	v0 =	vmin.u32 v0, $0x40000  }
.Ltmp3:
0x27: {  	(pc) =	sbr.rel @p1 .LBB2_3-.Ltmp3, $3  }
0x28: {  	_ =	sdelay $0x1  }
0x29: {  	s13 =	sadd.s32 $0x10, s13;
	s11 =	sadd.s32 $0x10, s11  }
0x2a: {  	[spmem:s8] =	stream.indirect_vreg.scatter.add.s32 [tilespmem:s11], [sflag:$0x1], $0x1, v0, vm0, $0x4038;
	[tilespmem:$0xC000] =	vst v63  }
.Ltmp4:
0x2b: {  	(pc) =	sbr.rel .LBB2_5-.Ltmp4, $4  }
0x2c: {  	_ = 	snop  }
0x2d: {  	_ =	swait.ge [sflag:s3], $0x2000  }
0x2e: {  	[sflag:s3] =	ssyncset.done $0x0  }
0x2f: {  	[sflag:s3] =	ssyncadd.s32 $0xFFFFE000  }
.LBB2_6:
0x30: {  	_ =	sfence.sel $0x180000  }
0x31: {  	s2 =	simm.s32 $0x2;
	[bflag:$0x0] =	sbarrier.arrive $0xFFFF  }
0x32: {  	s30 =	simm.s32 $0x1;
	[sflag:s2] =	ssyncpa.u1 $0x1  }
0x33: {  	[sflag:s30] =	ssyncpa.u1 $0x1  }
0x34: {  	_ =	sfence.stream.spmem  }
0x35: {  	s31 =	simm.s32 $0x3D;
	[bflag:$0x0] =	sbarrier.arrive $0xFFFF  }
0x36: {  	s2 =	simm.s32 @p0 $0x3D;
	[sflag:s31] =	ssyncpa.u1 $0x0  }
0x37: {  	[sflag:s2] =	ssyncpa.u1 @p0 $0x1  }
0x38: {  	[bflag:$0x0] =	sbarrier.arrive @p0 $0xFFFF  }
0x39: {  	_ =	strace @p0 $0x90000050  }
0x3a: {  	s3 =	simm.s32 @!p0 $0x1C3D;
	s2 =	simm.s32 @!p0 $0x0;
	[bflag:$0x2] =	sbarrier.arrive @p0 $0xFFFF  }
0x3b: {  	[hbm:s1], [sflag:s3] =	dma.local @!p0 [spmem:s2], $0x8000  }
0x3c: {  	s1 =	simm.s32 @!p0 $0x3D  }
0x3d: {  	_ =	swait.ge @!p0 [sflag:s1], $0x8000  }
0x3e: {  	[sflag:s1] =	ssyncset.done @!p0 $0x0  }
0x3f: {  	[sflag:s1] =	ssyncadd.s32 @!p0 $0xFFFF8000  }
0x40: {  	[sflag:s1] =	ssyncpa.u1 @!p0 $0x1  }
0x41: {  	[bflag:$0x0] =	sbarrier.arrive @!p0 $0xFFFF  }
0x42: {  	_ =	strace @!p0 $0x90000050  }
0x43: {  	s0 =	sadd.s32 @!p0 $0x100000, s0;
	[bflag:$0x2] =	sbarrier.arrive @!p0 $0xFFFF  }
0x44: {  	[sflag:s0] =	ssyncadd.tile.s32 @!p0 $0x1;
	_ =	shalt  }
.Lfunc_end2:
_tile_overlayer_lowered:
.L_overlay_start_2:
0x45: {  	(tag) =	ssettag $0x2  }
0x46: {  	s0 =	rddreg [dreg:$0x0];
	s2 =	stileid.u32  }
0x47: {  	s1 =	rddreg [dreg:$0x1];
	p0 =	sne.s32 s2, $0x0  }
0x48: {  	s3 =	rddreg [dreg:$0x2];
	[bflag:$0x3] =	sbarrier.arrive $0xFFFF;
	s2 =	simm.s32 @!p0 $0x1C01  }
0x49: {  	[timem:s3], [sflag:s2] =	dma.local @!p0 [hbm:s0], s1  }
0x4a: {  	s0 =	simm.s32 @!p0 $0x1  }
0x4b: {  	_ =	swait.ge @!p0 [sflag:s0], s1  }
0x4c: {  	s1 =	ssub.s32 @!p0 $0x0, s1;
	[sflag:s0] =	ssyncset.done @!p0 $0x0  }
0x4d: {  	[sflag:s0] =	ssyncadd.s32 @!p0 s1  }
0x4e: {  	[bflag:$0x3] =	sbarrier.arrive $0xFFFF  }
0x4f: {  	_ =	shalt  }

// kernel: scatter_offload_async_start.2
scs
__scs_entry_jumppad:
0x0: {  	(pc) =	sbr.rel $0x88, $3  }
0x1: {  	(tag) =	ssettag $0x0;
	lr =	simm.s32 $0x1  }
0x2: {  	[smem:$0x3F70] =	sst lr;
	_ =	strace $0xD0000000  }
0x3: {  	_ = 	snop  }
0x4: {  	_ = 	snop  }
0x5: {  	_ = 	snop  }
0x6: {  	_ = 	snop  }
0x7: {  	_ = 	snop  }
__scs_overlays_trampoline_lowered:
0x8: {  	[smem:$0x3F7F] =	sst s0  }
0x9: {  	[smem:$0x3F80] =	sst s1  }
0xa: {  	[smem:$0x3F81] =	sst s2  }
0xb: {  	[smem:$0x3F82] =	sst s3  }
0xc: {  	[smem:$0x3F83] =	sst s4  }
0xd: {  	[smem:$0x3F84] =	sst s5  }
0xe: {  	[smem:$0x3F85] =	sst s6  }
0xf: {  	[smem:$0x3F86] =	sst s7  }
0x10: {  	[smem:$0x3F87] =	sst s8  }
0x11: {  	[smem:$0x3F88] =	sst s9;
	s0 =	simm.s32 @!p0 $0x0  }
0x12: {  	s1 =	sld [smem:$0x3F6E];
	s0 =	simm.s32 @p0 $0x1  }
0x13: {  	[smem:$0x3F89] =	sst s0;
	s0 =	simm.s32 @!p1 $0x0  }
0x14: {  	s2 =	sld [smem:$0x3F6D];
	s0 =	simm.s32 @p1 $0x1  }
0x15: {  	[smem:$0x3F8A] =	sst s0;
	s0 =	simm.s32 @!p2 $0x0  }
0x16: {  	s3 =	sld [smem:$0x3FDB];
	s0 =	simm.s32 @p2 $0x1  }
0x17: {  	s4 =	simm.s32 $0x1BF5;
	[smem:$0x3F8C] =	sst s0  }
0x18: {  	s0 =	sld [smem:$0x3F6F];
	_ =	swait.ge [sflag:s4], $0x0  }
0x19: {  	s7 =	sld [smem:$0x3F70]  }
0x1a: {  	s8 =	sadd.s32 $0xFFFFE003, lr  }
0x1b: {  	s9 =	sadd.s32 $0xFFFFFEF7, lr;
	s5 =	simm.s32 $0xFFFFFFFF;
	p2 =	slt.u32 s8, $0xFFFFF086  }
0x1c: {  	p1 =	slt.u32 s9, $0xF7A;
	s5 =	simm.s32 @!p2 $0x0  }
0x1d: {  	s5 =	simm.s32 @p1 $0x1;
	p0 =	seq.s32 s7, s2  }
0x1e: {  	s7 =	smul.u32 @!p0 $0xF7A, s2;
	p2 =	seq.s32 @!p0 s5, $0x0  }
0x1f: {  	s9 =	smul.u32 $0xF7A, s1;
	s8 =	simm.s32 @!p0 $0x1BF5;
	p2 =	por !p2, p0  }
0x20: {  	[sflag:s8] =	ssyncset.s32 @!p0 $0xFFFFF086;
	s6 =	sadd.s32 @!p0 s3, s7;
	s7 =	simm.s32 @!p0 $0x108  }
0x21: {  	s3 =	sadd.s32 s3, s9;
	s6 =	sadd.s32 @!p0 $0x88, s6;
	s7 =	simm.s32 @p2 $0x1082  }
0x22: {  	[simem:s7], [sflag:s8] =	dma.local @!p0 [hbm:s6], $0xF7A  }
0x23: {  	s9 =	sor.u32 $0xD0000000, s2;
	s6 =	simm.s32 $0x108;
	_ =	swait.ge @!p0 [sflag:s8], $0x0  }
0x24: {  	s3 =	sadd.s32 $0x88, s3;
	s6 =	simm.s32 @!p1 $0x1082;
	[sflag:s4] =	ssyncset.s32 $0xFFFFF086  }
0x25: {  	[simem:s6], [sflag:s4] =	dma.local [hbm:s3], $0xF7A  }
0x26: {  	[smem:$0x3F70] =	sst s1;
	(tag) =	ssettag s2;
	_ =	strace s9  }
0x27: {  	s1 =	sld [smem:$0x3F80]  }
0x28: {  	s2 =	sld [smem:$0x3F81]  }
0x29: {  	s4 =	sld [smem:$0x3F83]  }
0x2a: {  	p0 =	seq.s32 s5, $0x0;
	s5 =	sld [smem:$0x3F84]  }
0x2b: {  	s6 =	sld [smem:$0x3F85]  }
0x2c: {  	s7 =	sld [smem:$0x3F86]  }
0x2d: {  	s3 =	simm.s32 $0x108;
	s8 =	sld [smem:$0x3F87]  }
0x2e: {  	s3 =	simm.s32 @!p0 $0x1082;
	s9 =	sld [smem:$0x3F88]  }
0x2f: {  	lr =	sadd.s32 s0, s3;
	s0 =	sld [smem:$0x3F7F]  }
0x30: {  	s3 =	sld [smem:$0x3F82]  }
0x31: {  	[smem:$0x3F8B] =	sst s10  }
0x32: {  	s10 =	sld [smem:$0x3F89];
	_ =	sdelay $0x3  }
0x33: {  	p0 =	seq.s32 s10, $0x1;
	s10 =	sld [smem:$0x3F8B];
	_ =	sdelay $0x3  }
0x34: {  	[smem:$0x3F8B] =	sst s10  }
0x35: {  	s10 =	sld [smem:$0x3F8A];
	_ =	sdelay $0x3  }
0x36: {  	p1 =	seq.s32 s10, $0x1;
	s10 =	sld [smem:$0x3F8B];
	_ =	sdelay $0x3  }
0x37: {  	[smem:$0x3F8B] =	sst s10  }
0x38: {  	s10 =	sld [smem:$0x3F8C]  }
0x39: {  	_ = 	snop;
	(pc) =	sbr.ind lr, $3  }
0x3a: {  	_ = 	snop  }
0x3b: {  	_ = 	snop  }
0x3c: {  	p2 =	seq.s32 s10, $0x1;
	s10 =	sld [smem:$0x3F8B]  }
0x3d: {  	_ =	shalt  }
0x3e: {  	_ =	shalt  }
0x3f: {  	_ =	shalt  }
0x40: {  	_ =	shalt  }
0x41: {  	_ =	shalt  }
0x42: {  	_ =	shalt  }
0x43: {  	_ =	shalt  }
0x44: {  	_ =	shalt  }
0x45: {  	_ =	shalt  }
0x46: {  	_ =	shalt  }
0x47: {  	_ =	shalt  }
0x48: {  	_ =	shalt  }
0x49: {  	_ =	shalt  }
0x4a: {  	_ =	shalt  }
0x4b: {  	_ =	shalt  }
0x4c: {  	_ =	shalt  }
0x4d: {  	_ =	shalt  }
0x4e: {  	_ =	shalt  }
0x4f: {  	_ =	shalt  }
0x50: {  	_ =	shalt  }
0x51: {  	_ =	shalt  }
0x52: {  	_ =	shalt  }
0x53: {  	_ =	shalt  }
0x54: {  	_ =	shalt  }
0x55: {  	_ =	shalt  }
0x56: {  	_ =	shalt  }
0x57: {  	_ =	shalt  }
0x58: {  	_ =	shalt  }
0x59: {  	_ =	shalt  }
0x5a: {  	_ =	shalt  }
0x5b: {  	_ =	shalt  }
0x5c: {  	_ =	shalt  }
0x5d: {  	_ =	shalt  }
0x5e: {  	_ =	shalt  }
0x5f: {  	_ =	shalt  }
0x60: {  	_ =	shalt  }
0x61: {  	_ =	shalt  }
0x62: {  	_ =	shalt  }
0x63: {  	_ =	shalt  }
0x64: {  	_ =	shalt  }
0x65: {  	_ =	shalt  }
0x66: {  	_ =	shalt  }
0x67: {  	_ =	shalt  }
0x68: {  	_ =	shalt  }
0x69: {  	_ =	shalt  }
0x6a: {  	_ =	shalt  }
0x6b: {  	_ =	shalt  }
0x6c: {  	_ =	shalt  }
0x6d: {  	_ =	shalt  }
0x6e: {  	_ =	shalt  }
0x6f: {  	_ =	shalt  }
0x70: {  	_ =	shalt  }
0x71: {  	_ =	shalt  }
0x72: {  	_ =	shalt  }
0x73: {  	_ =	shalt  }
0x74: {  	_ =	shalt  }
0x75: {  	_ =	shalt  }
0x76: {  	_ =	shalt  }
0x77: {  	_ =	shalt  }
0x78: {  	_ =	shalt  }
0x79: {  	_ =	shalt  }
0x7a: {  	_ =	shalt  }
0x7b: {  	_ =	shalt  }
0x7c: {  	_ =	shalt  }
0x7d: {  	_ =	shalt  }
0x7e: {  	_ =	shalt  }
0x7f: {  	_ =	shalt  }
0x80: {  	_ =	shalt  }
0x81: {  	_ =	shalt  }
0x82: {  	_ =	shalt  }
0x83: {  	_ =	shalt  }
0x84: {  	_ =	shalt  }
0x85: {  	_ =	shalt  }
0x86: {  	_ =	shalt  }
0x87: {  	_ =	shalt  }
.Lfunc_end0:
.L_simem_size_0:
called_computation.2_lowered:
.L_overlay_start_0:
0x88: {  	s2 =	sld [smem:$0x3FD9]  }
0x89: {  	s3 =	sld [smem:$0x3FFE];
	_ =	sdelay $0x1  }
0x8a: {  	s1 =	srdreg.scid  }
0x8b: {  	s0 =	sand.u32 $0x1, s1  }
0x8c: {  	s15 =	sshll.u32 s0, $0xA;
	s2 =	sadd.s32 s3, s2  }
0x8d: {  	s2 =	sadd.s32 s2, s15  }
0x8e: {  	[smem:$0x3F97] =	sst s2  }
0x8f: {  	_ = 	snop  }
0x90: {  	(tm) =	ssettm $0x1  }
0x91: {  	s16 =	sld [smem:$0x3FFB];
	_ =	sdelay $0x3  }
0x92: {  	_ =	strace s16  }
0x93: {  	s2 =	sld [smem:$0x3FFC];
	_ =	sdelay $0x3  }
0x94: {  	_ =	strace s2  }
0x95: {  	s2 =	sld [smem:$0x3FFD];
	_ =	sdelay $0x3  }
0x96: {  	_ =	strace s2  }
0x97: {  	_ =	strace $0x8FFFFFFF  }
0x98: {  	s17 =	sld [smem:$0x3FDB];
	_ =	sdelay $0x1  }
0x99: {  	s18 =	simm.s32 $_scs_section_size  }
0x9a: {  	s4 =	simm.s32 $_size__tile_overlayer_lowered;
	s5 =	simm.s32 $_tile_overlayer_lowered  }
0x9b: {  	s6 =	simm.s32 $0x1BFF;
	s19 =	sshll.u32 s5, $0x1;
	s3 =	sadd.s32 s18, s17  }
0x9c: {  	s20 =	simm.s32 $0x0;
	s4 =	sshll.u32 s4, $0x1;
	s5 =	sadd.s32 s19, s3  }
0x9d: {  	[timem:s20], [sflag:s6] =	dma.local [hbm:s5], s4  }
0x9e: {  	_ =	swait.ge [sflag:s6], s4  }
0x9f: {  	s4 =	ssub.s32 $0x0, s4;
	[sflag:s6] =	ssyncset.done $0x0  }
0xa0: {  	[sflag:s6] =	ssyncadd.s32 s4;
	_ =	sdelay $0x1  }
0xa1: {  	s21 =	simm.s32 $0x1B8B  }
0xa2: {  	_ =	swait.ge [sflag:s21], $0x1  }
0xa3: {  	[sflag:s21] =	ssyncset.done $0x0  }
0xa4: {  	s22 =	sld [smem:$0x3FFE];
	[sflag:s21] =	ssyncadd.s32 $0xFFFFFFFF  }
0xa5: {  	s24 =	simm.s32 $0x1B8E;
	s23 =	sld [smem:$0x0]  }
0xa6: {  	s25 =	simm.s32 $execute0_lowered;
	[smem:$0x3FD2] =	sst s24  }
0xa7: {  	s6 =	sshll.u32 s25, $0x1;
	_ =	strace $0x8000005B;
	[dreg:$0x1] =	wrdreg $0xFFFFFFFF  }
0xa8: {  	s7 =	simm.s32 $_size_execute0_lowered;
	s6 =	sadd.s32 s3, s6;
	[dreg:$0x0] =	wrdreg $0x0  }
0xa9: {  	s7 =	sshll.u32 s7, $0x1;
	[dreg:$0x2] =	wrdreg s6  }
0xaa: {  	[dreg:$0x3] =	wrdreg s7  }
0xab: {  	[dreg:$0x4] =	wrdreg $0xC0  }
0xac: {  	s26 =	simm.s32 $execute1_lowered;
	_ =	task [dreg:s20], $0x5FFFF  }
0xad: {  	s6 =	sshll.u32 s26, $0x1;
	[dreg:$0x1] =	wrdreg $0xFFFFFFFF  }
0xae: {  	s3 =	sadd.s32 s3, s6;
	[dreg:$0x0] =	wrdreg $0x60  }
0xaf: {  	[dreg:$0x2] =	wrdreg s3  }
0xb0: {  	[dreg:$0x3] =	wrdreg s22  }
0xb1: {  	[dreg:$0x4] =	wrdreg $0x9  }
0xb2: {  	_ =	task.clear_ibuf [dreg:s20], $0x5FFFF;
	_ =	strace $0x9000005B  }
0xb3: {  	s28 =	simm.s32 $0x9;
	_ =	strace $0x8000005D  }
0xb4: {  	_ =	swait.ge [sflag:s28], $0x1  }
0xb5: {  	[sflag:s28] =	ssyncadd.s32 $0xFFFFFFFF  }
0xb6: {  	_ =	strace $0x9000005D  }
0xb7: {  	s3 =	sld [smem:$0x0]  }
0xb8: {  	s6 =	sand.u32 $0xFFFFFFFE, s1  }
0xb9: {  	p0 =	sne.s32 s1, s6  }
0xba: {  	s6 =	sshll.u32 @p0 s6, $0xE  }
0xbb: {  	s6 =	sadd.s32 @p0 $0x11BF3, s6;
	s7 =	sshll.u32 @p0 s3, $0x11  }
0xbc: {  	s6 =	sor.u32 @p0 s7, s6  }
0xbd: {  	[sflag:s6] =	ssyncadd.remote.s32 @p0 $0x1;
	_ =	sdelay $0x1  }
0xbe: {  	s6 =	simm.s32 @p0 $0x1BF3  }
0xbf: {  	_ =	swait.eq @p0 [sflag:s6], $0x1  }
0xc0: {  	[sflag:s6] =	ssyncadd.s32 @p0 $0xFFFFFFFF  }
0xc1: {  	s7 =	sshll.u32 @!p0 s1, $0xE  }
0xc2: {  	s7 =	sor.u32 @!p0 $0x4000, s7;
	s6 =	simm.s32 @!p0 $0x1BF3  }
0xc3: {  	s3 =	sshll.u32 @!p0 s3, $0x11;
	s7 =	sadd.s32 @!p0 $0x11BF3, s7;
	_ =	swait.eq @!p0 [sflag:s6], $0x1  }
0xc4: {  	s3 =	sor.u32 @!p0 s3, s7;
	[sflag:s6] =	ssyncadd.s32 @!p0 $0xFFFFFFFF  }
0xc5: {  	[sflag:s3] =	ssyncadd.remote.s32 @!p0 $0x1  }
0xc6: {  	_ =	strace $0x8000005E;
	[dreg:$0x1] =	wrdreg $0xFFFFFFFF  }
0xc7: {  	[dreg:$0x0] =	wrdreg $0x2030  }
0xc8: {  	[dreg:$0x2] =	wrdreg s22  }
0xc9: {  	[dreg:$0x3] =	wrdreg s1  }
0xca: {  	[dreg:$0x4] =	wrdreg s23  }
0xcb: {  	[dreg:$0x5] =	wrdreg $0xA  }
0xcc: {  	_ =	task.clear_ibuf [dreg:s20], $0x6FFFF;
	_ =	strace $0x9000005E  }
0xcd: {  	s29 =	simm.s32 $0xA;
	_ =	strace $0x80000060  }
0xce: {  	_ =	swait.ge [sflag:s29], $0x1  }
0xcf: {  	[sflag:s29] =	ssyncadd.s32 $0xFFFFFFFF  }
0xd0: {  	_ =	strace $0x90000060  }
0xd1: {  	_ =	sfence  }
0xd2: {  	s30 =	sld [smem:$0x0];
	_ =	sdelay $0x2  }
0xd3: {  	s31 =	sshll.u32 s1, $0xD;
	s1 =	sshrl.u32 s1, $0x2  }
0xd4: {  	s4 =	sand.u32 $0x4000, s31;
	s1 =	sadd.s32 s1, s30  }
0xd5: {  	s0 =	sor.u32 s4, s0;
	s1 =	sshll.u32 s1, $0x11  }
0xd6: {  	s0 =	sor.u32 s1, s0  }
0xd7: {  	s0 =	sadd.s32 $0x8F2B, s0  }
0xd8: {  	[sflag:s0] =	ssyncadd.remote.s32 $0x1  }
0xd9: {  	_ =	sfence.sel $0xFFFF  }
0xda: {  	[dreg:$0x0] =	wrdreg $0xFFFFFFFF;
	(pc) =	sbr.abs _section_cstart, $3  }
0xdb: {  	[dreg:$0x1] =	wrdreg $0xFFFFFFFF  }
0xdc: {  	_ =	task.clear_ibuf [dreg:s20], $0x2FFFF;
	_ =	strace $0x9FFFFFFF  }
0xdd: {  	(tm) =	ssettm $0x7FFFFFFF  }
tec
execute0_lowered:
.L_overlay_start_1:
0x0: {  	(tag) =	ssettag $0x1  }
0x1: {  	s2 =	rddreg [dreg:$0x0]  }
0x2: {  	s5 =	rddreg [dreg:$0x1]  }
0x3: {  	s0 =	rddreg [dreg:$0x2];
	s3 =	stileid.u32;
	[bflag:$0x3] =	sbarrier.arrive $0xFFFF  }
0x4: {  	s1 =	simm.s32 $_size_execute1_lowered;
	s29 =	srdreg.scid;
	s31 =	simm.s32 $0x2  }
0x5: {  	s13 =	simm.s32 $0x0;
	s8 =	simm.s32 $0x40;
	p0 =	sne.s32 s3, $0x0  }
0x6: {  	s1 =	sshll.u32 s1, $0x1;
	s4 =	simm.s32 @!p0 $0x1C3F;
	s6 =	simm.s32 @!p0 $0x4060  }
0x7: {  	[timem:s6], [sflag:s4] =	dma.local @!p0 [hbm:s2], s1  }
0x8: {  	s9 =	simm.s32 $0x80;
	s11 =	simm.s32 $0x0;
	s2 =	sshll.u32 s29, $0x8  }
.Ltmp0:
0x9: {  	s3 =	sshll.u32 s3, $0x9;
	s30 =	sand.u32 $0x100, s2;
	(pc) =	sbr.rel .LBB2_1-.Ltmp0, $4  }
0xa: {  	s12 =	simm.s32 $0x0;
	s4 =	simm.s32 $0x1;
	s3 =	sor.u32 s3, s30  }
0xb: {  	_ =	strace $0x8000005C;
	s2 =	sadd.s32 $0xF3200, s5;
	s7 =	ssub.s32 $0x2700, s3  }
0xc: {  	s5 =	sadd.s32 $0x11A400, s5;
	[sflag:s4] =	ssyncpa.u1 $0x0;
	s6 =	sshrl.u32 s7, $0xD  }
0xd: {  	[sflag:s31] =	ssyncpa.u1 $0x0;
	s10 =	smov.u32 s3;
	s7 =	sor.u32 $0x2, s6  }
.LBB2_5:
0xe: {  	_ =	sdelay $0x3  }
0xf: {  	[tilespmem:v3+s18+$0x0 ss:$0x1] =	vst.idx.msk $0xffff, v1  }
0x10: {  	[tilespmem:v3+s17+$0x0 ss:$0x1] =	vst.idx.msk $0xffff, v2  }
0x11: {  	[tilespmem:v3+s16+$0x0 ss:$0x1] =	vst.idx.msk $0xffff, v4  }
0x12: {  	[tilespmem:v3+s19+$0x0 ss:$0x1] =	vst.idx.msk $0xffff, v5  }
.LBB2_6:
0x13: {  	s16 =	sand.u32 $0x1FFFFFF, s11  }
0x14: {  	s17 =	smulhi.u32 $0x1A36E2F, s16;
	_ =	sdelay $0x1  }
0x15: {  	s17 =	sshrl.u32 s17, $0x6  }
0x16: {  	s17 =	smul.u32 $0x2710, s17;
	_ =	sdelay $0x1  }
0x17: {  	s16 =	ssub.s32 s16, s17  }
0x18: {  	s16 =	sshll.u32 s16, $0x4  }
0x19: {  	s16 =	sadd.s32 s5, s16  }
0x1a: {  	[hbm4b:s16+s8] =	stream.strided.scatter [tilespmem:s15], [sflag:$0x2], s14, s9, s8, $0x38;
	[tilespmem:$0x10000] =	vst v63  }
.LBB2_7:
0x1b: {  	p1 =	slt.u32 s12, $0x2  }
0x1c: {  	p2 =	sgt.s32 @!p1 s13, $0x2610  }
0x1d: {  	s14 =	smov.u32 s13;
	s15 =	sshra.s32 @!p1 s13, $0x1F;
	p2 =	por !p2, p1  }
0x1e: {  	s13 =	sand.u32 @!p1 s15, s13;
	s14 =	simm.s32 @p2 $0x2610  }
0x1f: {  	s13 =	ssub.s32 @!p1 s14, s13  }
0x20: {  	s13 =	sadd.s32 @!p1 $0xFFFFD9F0, s13  }
0x21: {  	s14 =	sshll.u32 @!p1 s13, $0x8  }
0x22: {  	p2 =	sgt.s32 @!p1 s13, $0xFF;
	s13 =	ssub.s32 @!p1 $0x10000, s14  }
0x23: {  	s15 =	sadd.s32 $0x2000, s10;
	p2 =	por !p2, p1;
	s13 =	sshrl.u32 @!p1 s13, $0x2  }
0x24: {  	s13 =	simm.s32 @!p2 $0x0;
	p2 =	sgt.s32 s15, $0x270F  }
0x25: {  	s15 =	smov.u32 @p2 s3;
	p2 =	sne.s32 s12, s7  }
.Ltmp1:
0x26: {  	_ = 	snop;
	(pc) =	sbr.rel @!p2 .LBB2_8-.Ltmp1, $4  }
0x27: {  	s14 =	simm.s32 @!p1 $0x2  }
0x28: {  	_ =	swait.ge @!p1 [sflag:s14], s13;
	s16 =	ssub.s32 @!p1 $0x0, s13  }
0x29: {  	s13 =	smov.u32 s11;
	s12 =	sadd.s32 $0x1, s12;
	[sflag:s14] =	ssyncset.done @!p1 $0x0  }
0x2a: {  	s11 =	smov.u32 s10;
	s10 =	smov.u32 s15;
	[sflag:s14] =	ssyncadd.s32 @!p1 s16  }
.LBB2_1:
0x2b: {  	p1 =	sgt.u32 s12, s6  }
0x2c: {  	s15 =	smov.u32 s10;
	p2 =	sgt.s32 @!p1 s10, $0x2610  }
0x2d: {  	s14 =	sand.u32 @!p1 $0x1FFFFFF, s10;
	s16 =	sshra.s32 @!p1 s10, $0x1F;
	p2 =	por !p2, p1  }
0x2e: {  	s17 =	smulhi.u32 @!p1 $0x1A36E2F, s14;
	s16 =	sand.u32 @!p1 s16, s10;
	s15 =	simm.s32 @p2 $0x2610  }
0x2f: {  	s15 =	ssub.s32 @!p1 s15, s16  }
0x30: {  	s16 =	sshrl.u32 @!p1 s17, $0x6;
	s15 =	sadd.s32 @!p1 $0xFFFFD9F0, s15  }
0x31: {  	s17 =	sxor.u32 @!p1 $0xFFFFFFFF, s12;
	s16 =	smul.u32 @!p1 $0x2710, s16;
	s18 =	sshll.u32 @!p1 s15, $0x8  }
0x32: {  	s17 =	sshll.u32 @!p1 s17, $0xE;
	p2 =	sgt.s32 @!p1 s15, $0xFF;
	s15 =	ssub.s32 @!p1 $0x10000, s18  }
0x33: {  	s14 =	ssub.s32 @!p1 s14, s16;
	p2 =	por !p2, p1;
	s16 =	sand.u32 @!p1 $0x4000, s17  }
0x34: {  	s17 =	simm.s32 @!p1 $0x40;
	s15 =	sshrl.u32 @!p1 s15, $0x2;
	s14 =	sshll.u32 @!p1 s14, $0x4  }
0x35: {  	s18 =	simm.s32 @!p1 $0x80;
	s15 =	simm.s32 @!p2 $0x0;
	s14 =	sadd.s32 @!p1 s2, s14  }
0x36: {  	[tilespmem:s16], [sflag:$0x1] =	stream.strided.gather @!p1 [hbm4b:s14+s17], s15, s18, s17, $0x38;
	[tilespmem:$0x10000] =	vst v63  }
0x37: {  	p1 =	seq.s32 s12, $0x0  }
0x38: {  	p2 =	sge.u32 @!p1 s12, s7  }
0x39: {  	p1 =	por p1, p2  }
.Ltmp2:
0x3a: {  	_ = 	snop;
	(pc) =	sbr.rel @p1 .LBB2_7-.Ltmp2, $1  }
0x3b: {  	_ =	sdelay $0x3  }
0x3c: {  	p1 =	sgt.s32 s11, $0x2610;
	s14 =	smov.u32 s11;
	s15 =	sshra.s32 s11, $0x1F  }
0x3d: {  	s14 =	simm.s32 @!p1 $0x2610;
	s15 =	sand.u32 s15, s11  }
0x3e: {  	s14 =	ssub.s32 s14, s15  }
0x3f: {  	s14 =	sadd.s32 $0xFFFFD9F0, s14  }
0x40: {  	s31 =	sshll.u32 s14, $0x8  }
0x41: {  	s15 =	ssub.s32 $0x10000, s31  }
0x42: {  	p1 =	sgt.s32 s14, $0xFF;
	s14 =	sshrl.u32 s15, $0x2;
	s15 =	sadd.s32 $0x100, s11  }
0x43: {  	s14 =	simm.s32 @p1 $0x0;
	p1 =	slt.s32 s15, $0x2710  }
0x44: {  	s15 =	simm.s32 @!p1 $0x2710  }
0x45: {  	s20 =	ssub.s32 s15, s11  }
0x46: {  	p1 =	slt.s32 s20, $0x1  }
.Ltmp3:
0x47: {  	_ = 	snop;
	(pc) =	sbr.rel @p1 .LBB2_6-.Ltmp3, $4  }
0x48: {  	_ = 	snop  }
0x49: {  	s16 =	sshll.u32 s12, $0xE;
	_ =	swait.ge [sflag:s4], s14  }
0x4a: {  	s16 =	sand.u32 $0x4000, s16;
	s17 =	ssub.s32 $0x0, s14;
	[sflag:s4] =	ssyncset.done $0x0  }
0x4b: {  	s15 =	sor.u32 $0x8000, s16;
	[sflag:s4] =	ssyncadd.s32 s17  }
0x4c: {  	v0 =	vmov s16;
	_ =	sdelay $0x2  }
0x4d: {  	s31 =	simm.s32 $0x0;
	p1 =	sne.s32 s20, $0x1  }
.Ltmp4:
0x4e: {  	s18 =	sand.u32 $0x3FC0, s31;
	(pc) =	sbr.rel @!p1 .LBB2_5-.Ltmp4, $4  }
0x4f: {  	s17 =	sor.u32 $0x30, s18;
	v1 =	vld.idx.msk [tilespmem:v0+s18+$0x0 ss:$0x1], $0xffff  }
0x50: {  	v3 =	vmov s15;
	s16 =	sor.u32 $0x10, s18;
	v2 =	vld.idx.msk [tilespmem:v0+s17+$0x0 ss:$0x1], $0xffff  }
0x51: {  	s19 =	sor.u32 $0x20, s18;
	v4 =	vld.idx.msk [tilespmem:v0+s16+$0x0 ss:$0x1], $0xffff  }
0x52: {  	s20 =	sadd.s32 $0xFFFFFFFF, s20;
	s21 =	simm.s32 $0x40;
	v5 =	vld.idx.msk [tilespmem:v0+s19+$0x0 ss:$0x1], $0xffff  }
.LBB2_4:
0x53: {  	s22 =	sand.u32 $0x3FC0, s21  }
0x54: {  	p1 =	sne.s32 s20, $0x1;
	s20 =	sadd.s32 $0xFFFFFFFF, s20;
	s23 =	sor.u32 $0x10, s22  }
.Ltmp5:
0x55: {  	s24 =	sor.u32 $0x20, s22;
	s25 =	sor.u32 $0x30, s22;
	[tilespmem:v3+s18+$0x0 ss:$0x1] =	vst.idx.msk $0xffff, v1;
	v1 =	vld.idx.msk [tilespmem:v0+s22+$0x0 ss:$0x1], $0xffff;
	(pc) =	sbr.rel @p1 .LBB2_4-.Ltmp5, $4  }
0x56: {  	s18 =	smov.u32 s22;
	[tilespmem:v3+s17+$0x0 ss:$0x1] =	vst.idx.msk $0xffff, v2;
	v2 =	vld.idx.msk [tilespmem:v0+s25+$0x0 ss:$0x1], $0xffff;
	s17 =	smov.u32 s25  }
0x57: {  	[tilespmem:v3+s16+$0x0 ss:$0x1] =	vst.idx.msk $0xffff, v4;
	v4 =	vld.idx.msk [tilespmem:v0+s23+$0x0 ss:$0x1], $0xffff;
	s16 =	smov.u32 s23  }
0x58: {  	[tilespmem:v3+s19+$0x0 ss:$0x1] =	vst.idx.msk $0xffff, v5;
	v5 =	vld.idx.msk [tilespmem:v0+s24+$0x0 ss:$0x1], $0xffff;
	s19 =	smov.u32 s24  }
0x59: {  	s21 =	sadd.s32 $0x40, s21  }
.Ltmp6:
0x5a: {  	_ = 	snop;
	(pc) =	sbr.rel .LBB2_5-.Ltmp6, $1  }
0x5b: {  	_ =	sdelay $0x3  }
.LBB2_8:
0x5c: {  	_ =	sfence.sel $0x180000  }
0x5d: {  	s2 =	simm.s32 $0x1;
	[bflag:$0x0] =	sbarrier.arrive $0xFFFF  }
0x5e: {  	s31 =	simm.s32 $0x2;
	[sflag:s2] =	ssyncpa.u1 $0x1  }
0x5f: {  	[sflag:s31] =	ssyncpa.u1 $0x1  }
0x60: {  	_ =	strace $0x9000005C  }
0x61: {  	s0 =	sadd.s32 @!p0 $0x100000, s0;
	[bflag:$0x2] =	sbarrier.arrive $0xFFFF  }
0x62: {  	[sflag:s0] =	ssyncadd.tile.s32 @!p0 $0x1;
	s0 =	simm.s32 @!p0 $0x3F  }
0x63: {  	_ =	swait.ge @!p0 [sflag:s0], s1  }
0x64: {  	s1 =	ssub.s32 @!p0 $0x0, s1;
	[sflag:s0] =	ssyncset.done @!p0 $0x0  }
0x65: {  	[sflag:s0] =	ssyncadd.s32 @!p0 s1  }
0x66: {  	[bflag:$0x3] =	sbarrier.arrive $0xFFFF  }
0x67: {  	_ =	shalt  }
.Lfunc_end2:
execute1_lowered:
.L_overlay_start_2:
0x68: {  	(tag) =	ssettag $0x2  }
0x69: {  	s2 =	rddreg [dreg:$0x0]  }
0x6a: {  	s3 =	rddreg [dreg:$0x1];
	_ =	strace $0x8000005F;
	s0 =	simm.s32 $0x1  }
0x6b: {  	s4 =	simm.s32 $0x88;
	v0 =	vimm.s32 $0x0;
	[sflag:s0] =	ssyncpa.u1 $0x0  }
0x6c: {  	s1 =	sadd.s32 $0x11A400, s2;
	s0 =	sadd.s32 $0x149600, s2;
	[tilespmem:s4+$0x30] =	vst v0  }
0x6d: {  	s6 =	sadd.s32 $0x151600, s2;
	s3 =	sand.u32 $0x1, s3;
	s14 =	sadd.s32 $0xDC00, s2;
	[tilespmem:s4+$0x20] =	vst v0  }
0x6e: {  	s2 =	simm.s32 $0x40;
	[dreg:$0x4] =	wrdreg s3;
	s15 =	sshll.u32 s3, $0xE;
	[tilespmem:s4+$0x10] =	vst v0  }
.LBB3_1:
0x6f: {  	s2 =	sadd.s32 $0x40, s2  }
0x70: {  	[tilespmem:s4+$0x0] =	vst v0;
	s4 =	sadd.s32 $0x40, s4;
	p0 =	slt.u32 s2, $0x5040  }
.Ltmp7:
0x71: {  	(pc) =	sbr.rel @p0 .LBB3_1-.Ltmp7, $4  }
0x72: {  	_ = 	snop  }
0x73: {  	[tilespmem:s4+$0x30] =	vst v0  }
0x74: {  	[tilespmem:s4+$0x20] =	vst v0  }
0x75: {  	[tilespmem:s4+$0x10] =	vst v0  }
0x76: {  	s9 =	stileid.u32  }
0x77: {  	s2 =	smul.u32 $0x19, s9  }
0x78: {  	s3 =	smin.u32 s9, $0xA  }
0x79: {  	s2 =	sadd.s32 s3, s2  }
0x7a: {  	p0 =	slt.u32 s9, $0xA;
	s7 =	smul.u32 $0x140, s2;
	s2 =	simm.s32 $0x2080  }
0x7b: {  	s2 =	simm.s32 @!p0 $0x1F40  }
0x7c: {  	s2 =	sadd.s32 s2, s7  }
0x7d: {  	s8 =	smin.u32 s2, $0x20000  }
0x7e: {  	s2 =	ssub.s32 s8, s7  }
0x7f: {  	p0 =	sgt.s32 s2, $0x0  }
0x80: {  	s28 =	simm.s32 $0x2;
	s30 =	simm.s32 $0x9;
	s2 =	simm.s32 @!p0 $0x0  }
0x81: {  	s31 =	simm.s32 $0xA;
	s11 =	simm.s32 $0xB;
	s29 =	smulhi.u32 $0x66666667, s2  }
0x82: {  	s12 =	simm.s32 $0x1;
	s14 =	sadd.s32 s15, s14;
	s15 =	sadd.s32 s15, s0  }
0x83: {  	s18 =	simm.s32 $0x0;
	p1 =	por $0x0, $0x0;
	s3 =	sshrl.u32 s29, $0x7  }
0x84: {  	s19 =	simm.s32 $0xC;
	s23 =	simm.s32 $0x0;
	s5 =	smul.u32 $0x140, s3  }
.Ltmp8:
0x85: {  	[tilespmem:s4+$0x0] =	vst v0;
	v0 =	vimm.s32 $0xFFFFFFFF;
	s20 =	simm.s32 $0x0;
	[sflag:s28] =	ssyncpa.u1 $0x0;
	(pc) =	sbr.rel .LBB3_3-.Ltmp8, $4  }
0x86: {  	[tilespmem:$0xA108] =	vst v0;
	[sflag:s30] =	ssyncpa.u1 $0x0;
	p0 =	sne.s32 s2, s5;
	s2 =	simm.s32 $0x1  }
0x87: {  	s22 =	simm.s32 $0x0;
	[sflag:s31] =	ssyncpa.u1 $0x0;
	s2 =	simm.s32 @!p0 $0x0  }
0x88: {  	s16 =	sshll.u32 s9, $0x7;
	[sflag:s11] =	ssyncpa.u1 $0x0;
	s13 =	sadd.s32 s2, s3  }
0x89: {  	v0 =	vlaneseq.u32;
	s21 =	smov.u32 s7;
	p0 =	por $0x1, $0x1;
	s17 =	sadd.s32 $0x1, s13  }
.LBB3_24:
0x8a: {  	s0 =	sshrl.u32 s0, $0x2  }
.LBB3_26:
0x8b: {  	_ =	swait.ge [sflag:s19], s0  }
0x8c: {  	s30 =	ssub.s32 $0x0, s0;
	v1 =	vmov s25;
	vm0 =	veq.s32 v0, $0x0;
	[sflag:s19] =	ssyncset.done $0x0  }
0x8d: {  	vm15 =	veq.s32 v0, $0x2;
	v1 =	vsel vm0, s31, v1;
	[sflag:s19] =	ssyncadd.s32 s30  }
0x8e: {  	v1 =	vsel vm15, s23, v1;
	[sflag:s19] =	ssyncpa.u1 $0x1  }
0x8f: {  	[tilespmem:$0xA108] =	vst v1  }
.LBB3_27:
0x90: {  	s0 =	sadd.s32 $0x140, s21  }
0x91: {  	s2 =	smov.u32 s7;
	p2 =	slt.s32 s0, s8  }
0x92: {  	s2 =	smov.u32 @p2 s0;
	p2 =	sne.s32 s22, s17  }
.Ltmp9:
0x93: {  	_ = 	snop;
	(pc) =	sbr.rel @!p2 .LBB3_28-.Ltmp9, $4  }
0x94: {  	_ = 	snop  }
0x95: {  	s23 =	smov.u32 s20  }
0x96: {  	s31 =	sadd.s32 $0x1, s22;
	s20 =	smov.u32 s21;
	p0 =	por !p0, !p0  }
0x97: {  	p1 =	por !p1, !p1;
	s22 =	smov.u32 s31;
	s21 =	smov.u32 s2  }
.LBB3_3:
0x98: {  	p2 =	sge.u32 s22, s13  }
0x99: {  	s0 =	smulhi.u32 @!p2 $0xAAAAAAAB, s22  }
0x9a: {  	s2 =	smov.u32 s21;
	p3 =	sgt.s32 @!p2 s21, $0x1FEC0  }
0x9b: {  	s3 =	sshra.s32 @!p2 s21, $0x1F;
	p3 =	por !p3, p2;
	s0 =	sshrl.u32 @!p2 s0, $0x1  }
0x9c: {  	s3 =	sand.u32 @!p2 s3, s21;
	s2 =	simm.s32 @p3 $0x1FEC0;
	s0 =	smul.u32 @!p2 $0x3, s0  }
0x9d: {  	s2 =	ssub.s32 @!p2 s2, s3  }
0x9e: {  	s2 =	sadd.s32 @!p2 $0xFFFE0140, s2;
	s0 =	ssub.s32 @!p2 s22, s0  }
0x9f: {  	s3 =	sshll.u32 @!p2 s2, $0x2;
	p3 =	sgt.s32 @!p2 s2, $0x13F;
	s0 =	smul.u32 @!p2 $0x500, s0  }
0xa0: {  	s4 =	sand.u32 @!p2 $0x7, s21;
	s2 =	ssub.s32 @!p2 $0x500, s3;
	p3 =	por !p3, p2  }
0xa1: {  	s3 =	sshrl.u32 @!p2 s21, $0x3;
	s2 =	sshrl.u32 @!p2 s2, $0x2;
	s0 =	sshrl.u32 @!p2 s0, $0x2  }
0xa2: {  	s3 =	sadd.s32 @!p2 s3, s14;
	s2 =	simm.s32 @!p3 $0x0;
	s0 =	sadd.s32 @!p2 $0xA948, s0  }
0xa3: {  	[tilespmem:s0], [sflag:$0xA] =	stream.linear.gather @!p2 [hbm4b:s3+s4], s2, $0x38;
	[tilespmem:$0x1EF88] =	vst v63  }
0xa4: {  	s4 =	sadd.s32 $0xFFFFFFFF, s22  }
0xa5: {  	p2 =	sge.u32 s4, s13  }
0xa6: {  	p3 =	sgt.s32 @!p2 s20, $0x1FEC0  }
0xa7: {  	s0 =	smov.u32 s20;
	s2 =	sshra.s32 @!p2 s20, $0x1F;
	p3 =	por !p3, p2  }
0xa8: {  	s2 =	sand.u32 @!p2 s2, s20;
	s0 =	simm.s32 @p3 $0x1FEC0  }
0xa9: {  	s0 =	ssub.s32 @!p2 s0, s2  }
0xaa: {  	s0 =	sadd.s32 @!p2 $0xFFFE0140, s0  }
0xab: {  	s2 =	sshll.u32 @!p2 s0, $0x2  }
0xac: {  	p3 =	sgt.s32 @!p2 s0, $0x13F;
	s0 =	ssub.s32 @!p2 $0x500, s2  }
0xad: {  	p3 =	por !p3, p2;
	s0 =	sshrl.u32 @!p2 s0, $0x2  }
0xae: {  	s3 =	simm.s32 @!p2 $0xA;
	s2 =	sand.u32 @!p2 $0x1, s4;
	s0 =	simm.s32 @!p3 $0x0  }
0xaf: {  	s2 =	smul.u32 @!p2 $0x500, s2;
	_ =	swait.ge @!p2 [sflag:s3], s0  }
0xb0: {  	s5 =	ssub.s32 @!p2 $0x0, s0;
	[sflag:s3] =	ssyncset.done @!p2 $0x0  }
0xb1: {  	s2 =	sshrl.u32 @!p2 s2, $0x2;
	[sflag:s3] =	ssyncadd.s32 @!p2 s5;
	s3 =	sshrl.u32 @!p2 s20, $0x3  }
0xb2: {  	s2 =	sadd.s32 @!p2 $0xAD08, s2;
	s5 =	sand.u32 @!p2 $0x7, s20;
	s3 =	sadd.s32 @!p2 s3, s15  }
0xb3: {  	[tilespmem:s2], [sflag:$0xB] =	stream.linear.gather @!p2 [hbm4b:s3+s5], s0, $0x38;
	[tilespmem:$0x1EF88] =	vst v63  }
0xb4: {  	s0 =	ssub.s32 @!p2 $0x20000, s20  }
0xb5: {  	p3 =	slt.s32 @!p2 s0, $0x1  }
0xb6: {  	p3 =	por p2, p3  }
.Ltmp10:
0xb7: {  	_ = 	snop;
	(pc) =	sbr.rel @p3 .LBB3_9-.Ltmp10, $1  }
0xb8: {  	_ =	sdelay $0x3  }
0xb9: {  	s2 =	smulhi.u32 $0xAAAAAAAB, s4;
	_ =	sdelay $0x1  }
0xba: {  	s2 =	sshrl.u32 s2, $0x1  }
0xbb: {  	s2 =	smul.u32 $0x3, s2;
	_ =	sdelay $0x1  }
0xbc: {  	s2 =	ssub.s32 s4, s2  }
0xbd: {  	s3 =	simm.s32 $0x1;
	s2 =	smul.u32 $0x500, s2  }
.Ltmp11:
0xbe: {  	s3 =	simm.s32 @!p0 $0x0;
	(pc) =	sbr.rel .LBB3_6-.Ltmp11, $4  }
0xbf: {  	s3 =	smul.u32 $0x28000, s3  }
0xc0: {  	p3 =	slt.s32 @!p2 s0, $0x140;
	s2 =	sshrl.u32 s2, $0x2  }
0xc1: {  	p2 =	por !p3, p2;
	s3 =	sshrl.u32 s3, $0x2;
	s2 =	sadd.s32 $0xA948, s2  }
0xc2: {  	s24 =	simm.s32 $0x0;
	s0 =	simm.s32 @p2 $0x140;
	s4 =	sadd.s32 $0xAF88, s3;
	v1 =	vmov s2  }
.LBB3_5:
0xc3: {  	p2 =	sge.s32 s24, s0  }
.Ltmp12:
0xc4: {  	_ = 	snop;
	(pc) =	sbr.rel @p2 .LBB3_9-.Ltmp12, $2  }
0xc5: {  	_ =	sdelay $0x2  }
0xc6: {  	s4 =	sadd.s32 $0x800, s4  }
.LBB3_6:
0xc7: {  	p2 =	sle.s32 s0, s24  }
.Ltmp13:
0xc8: {  	_ = 	snop;
	(pc) =	sbr.rel @p2 .LBB3_5-.Ltmp13, $2  }
0xc9: {  	_ =	sdelay $0x2  }
0xca: {  	s5 =	smov.u32 s24;
	s24 =	sadd.s32 $0x10, s24  }
0xcb: {  	s2 =	ssub.s32 s0, s5  }
0xcc: {  	p2 =	slt.s32 s2, $0x10  }
0xcd: {  	s2 =	simm.s32 @!p2 $0x10  }
0xce: {  	v2 =	vmov s2  }
0xcf: {  	vm0 =	vgt.s32 v2, v0;
	_ =	sdelay $0x5  }
0xd0: {  	v2 =	vld.idx.msk [tilespmem:v1+s5+$0x0 ss:$0x1], vm0;
	_ =	sdelay $0x2  }
0xd1: {  	p2 =	slt.s32 s24, s0;
	s2 =	smov.u32 s0  }
0xd2: {  	s3 =	smov.u32 s4;
	s25 =	simm.s32 $0x0;
	s2 =	smov.u32 @p2 s24  }
.LBB3_8:
0xd3: {  	(v2sf) =	vpush v2, s25;
	_ =	sdelay $0xc  }
0xd4: {  	s25 =	sadd.s32 $0x1, s25  }
0xd5: {  	s31 =	sadd.s32 s25, s5  }
0xd6: {  	p2 =	slt.s32 s31, s2;
	s9 =	spop (v2sf)  }
.Ltmp14:
0xd7: {  	s9 =	sshll.u32 s9, $0x4;
	(pc) =	sbr.rel @p2 .LBB3_8-.Ltmp14, $4  }
0xd8: {  	s9 =	sand.u32 $0x1FFFFFF0, s9  }
0xd9: {  	s9 =	sadd.s32 s6, s9  }
0xda: {  	[tilespmem:s3], [sflag:$0x9] =	stream.linear.gather [hbm4b:s9+s18], $0x40, $0x38;
	[tilespmem:$0x1EF88] =	vst v63  }
0xdb: {  	s3 =	sadd.s32 $0x80, s3  }
.Ltmp15:
0xdc: {  	_ = 	snop;
	(pc) =	sbr.rel .LBB3_5-.Ltmp15, $1  }
0xdd: {  	_ =	sdelay $0x3  }
.LBB3_9:
0xde: {  	p2 =	slt.u32 s22, $0x2  }
.Ltmp16:
0xdf: {  	_ = 	snop;
	(pc) =	sbr.rel @p2 .LBB3_27-.Ltmp16, $1  }
0xe0: {  	_ =	sdelay $0x3  }
0xe1: {  	p2 =	sgt.s32 s23, $0x1FEC0  }
0xe2: {  	s0 =	smov.u32 s23;
	s2 =	sshra.s32 s23, $0x1F;
	s3 =	ssub.s32 $0x20000, s23  }
0xe3: {  	s0 =	simm.s32 @!p2 $0x1FEC0;
	s2 =	sand.u32 s2, s23;
	p2 =	slt.s32 s3, $0x140  }
0xe4: {  	s0 =	ssub.s32 s0, s2;
	s3 =	simm.s32 @!p2 $0x140  }
0xe5: {  	s0 =	sadd.s32 $0xFFFE0140, s0;
	s10 =	sshll.u32 s3, $0x6  }
0xe6: {  	s26 =	simm.s32 $0x9;
	s24 =	sshll.u32 s0, $0x2;
	s2 =	sand.u32 $0x3FFFFFC0, s10  }
0xe7: {  	p2 =	sgt.s32 s0, $0x13F;
	s25 =	ssub.s32 $0x500, s24;
	_ =	swait.ge [sflag:s26], s2  }
0xe8: {  	s2 =	ssub.s32 $0x0, s2;
	[sflag:s26] =	ssyncset.done $0x0;
	s0 =	sshrl.u32 s25, $0x2  }
0xe9: {  	[sflag:s26] =	ssyncadd.s32 s2;
	s0 =	simm.s32 @p2 $0x0  }
0xea: {  	_ =	swait.ge [sflag:s11], s0  }
0xeb: {  	s0 =	ssub.s32 $0x0, s0;
	[sflag:s11] =	ssyncset.done $0x0  }
0xec: {  	[sflag:s11] =	ssyncadd.s32 s0  }
0xed: {  	v1 =	vld [tilespmem:$0xA108];
	_ =	sdelay $0x4  }
0xee: {  	(v2sf) =	vpush v1, $0x0  }
0xef: {  	(v2sf) =	vpush v1, $0x1  }
0xf0: {  	(v2sf) =	vpush v1, $0x2;
	_ =	sdelay $0x3  }
0xf1: {  	s0 =	sadd.s32 $0x140, s23  }
0xf2: {  	s2 =	ssub.s32 $0x40000, s23;
	p2 =	slt.s32 s8, s0  }
0xf3: {  	s0 =	smov.u32 @p2 s8;
	p2 =	sgt.s32 s2, $0x0  }
0xf4: {  	s0 =	ssub.s32 s0, s23;
	s2 =	simm.s32 @!p2 $0x0  }
0xf5: {  	p2 =	slt.s32 s2, s0  }
0xf6: {  	s0 =	smov.u32 @p2 s2  }
0xf7: {  	s26 =	simm.s32 $0x1;
	p2 =	slt.s32 s0, $0x1  }
.Ltmp17:
0xf8: {  	s26 =	simm.s32 @!p1 $0x0;
	(pc) =	sbr.rel @p2 .LBB3_14-.Ltmp17, $4  }
0xf9: {  	s30 =	smul.u32 $0x500, s26  }
0xfa: {  	s28 =	spop (v2sf)  }
0xfb: {  	s31 =	sshrl.u32 s30, $0x2;
	s29 =	spop (v2sf)  }
0xfc: {  	s24 =	sadd.s32 $0xAD08, s31;
	s23 =	spop (v2sf)  }
0xfd: {  	s2 =	smin.u32 s0, $0x10  }
0xfe: {  	v1 =	vmov s2  }
0xff: {  	p3 =	sgt.s32 s0, $0x10;
	vm1 =	vgt.u32 v1, v0  }
.Ltmp18:
0x100: {  	_ = 	snop;
	(pc) =	sbr.rel @!p3 .LBB3_13-.Ltmp18, $2  }
0x101: {  	_ =	sdelay $0x2  }
0x102: {  	s5 =	simm.s32 $0x10;
	s25 =	sadd.s32 $0xFFFFFFF0, s0;
	s4 =	smov.u32 s24;
	vm0 =	vmmov vm1  }
.LBB3_12:
0x103: {  	s2 =	smin.u32 s25, $0x10;
	s5 =	sadd.s32 $0x10, s5;
	v1 =	vld.msk [tilespmem:s4+$0x0 ss:$0x1], vm1  }
0x104: {  	v2 =	vmov s2;
	p3 =	slt.s32 s5, s0  }
0x105: {  	vm1 =	vgt.u32 v2, v0  }
.Ltmp19:
0x106: {  	(pc) =	sbr.rel @p3 .LBB3_12-.Ltmp19, $3  }
0x107: {  	_ =	sdelay $0x1  }
0x108: {  	v1 =	vshll.u32 v1, $0x4  }
0x109: {  	s25 =	sadd.s32 $0xFFFFFFF0, s25;
	[tilespmem:s4+$0x0] =	vst.msk vm0, v1;
	s4 =	sadd.s32 $0x10, s4;
	vm0 =	vmmov vm1  }
.LBB3_13:
0x10a: {  	_ =	sdelay $0x4  }
0x10b: {  	v1 =	vld.msk [tilespmem:s4+$0x0 ss:$0x1], vm1;
	_ =	sdelay $0x4  }
0x10c: {  	v1 =	vshll.u32 v1, $0x4  }
0x10d: {  	[tilespmem:s4+$0x0] =	vst.msk vm0, v1  }
.LBB3_14:
0x10e: {  	s2 =	sand.u32 $0x1, s22  }
0x10f: {  	s2 =	smul.u32 $0x140, s2  }
0x110: {  	p3 =	sne.s32 s29, $0xFFFFFFFF  }
0x111: {  	v1 =	vld.msk @!p3 [tilespmem:s2+$0xAD08], $0x1;
	_ =	sdelay $0x4  }
0x112: {  	(v2sf) =	vpush @!p3 v1, $0x0;
	_ =	sdelay $0xc  }
.Ltmp20:
0x113: {  	_ = 	snop;
	(pc) =	sbr.rel @p2 .LBB3_25-.Ltmp20, $4  }
0x114: {  	_ = 	snop  }
0x115: {  	s30 =	spop @!p3 (v2sf)  }
0x116: {  	s23 =	simm.s32 @!p3 $0x0;
	s25 =	smov.u32 s30  }
0x117: {  	[sflag:s19] =	ssyncpa.u1 $0x0;
	s30 =	smov.u32 @p3 s28;
	s25 =	smov.u32 @p3 s29  }
0x118: {  	v1 =	vld.msk [tilespmem:s24+$0x0], $0x1;
	_ =	sdelay $0x4  }
0x119: {  	(v2sf) =	vpush v1, $0x0;
	_ =	sdelay $0xe  }
0x11a: {  	s2 =	smul.u32 $0x28000, s26;
	s4 =	spop (v2sf)  }
0x11b: {  	s28 =	ssub.s32 $0x0, s0;
	p2 =	seq.s32 s30, s4  }
0x11c: {  	s0 =	sadd.s32 $0x1, s28;
	s2 =	sshrl.u32 s2, $0x2;
	p3 =	sgt.s32 @!p2 s30, $0x0  }
0x11d: {  	s26 =	sadd.s32 $0xAFA8, s2;
	s2 =	smov.u32 s30;
	p3 =	por !p3, p2  }
0x11e: {  	s2 =	simm.s32 @p3 $0x0;
	p3 =	seq.s32 s0, $0x0  }
.Ltmp21:
0x11f: {  	_ = 	snop;
	(pc) =	sbr.rel @p3 .LBB3_17-.Ltmp21, $4  }
0x120: {  	_ = 	snop  }
0x121: {  	s29 =	simm.s32 $0x0;
	s5 =	simm.s32 @!p2 $0x1;
	s3 =	smin.u32 @!p2 s2, $0x270F8  }
0x122: {  	s31 =	sadd.s32 $0x1, s24;
	s5 =	smov.u32 @p2 s29;
	s9 =	sand.u32 @!p2 $0x3FFF8, s3  }
0x123: {  	s2 =	simm.s32 @!p2 $0x50C8;
	s3 =	sand.u32 @!p2 $0x7, s3;
	s9 =	sadd.s32 @!p2 s1, s9  }
.LBB3_16:
0x124: {  	s10 =	smov.u32 s5  }
0x125: {  	[tilespmem:s2], [sflag:$0x2] =	stream.linear.gather @!p2 [hbm4b:s9+s3], $0x40, $0x38;
	[tilespmem:$0x1EF88] =	vst v63  }
0x126: {  	s0 =	sadd.s32 $0x1, s0;
	s3 =	smov.u32 s4;
	v1 =	vld.msk [tilespmem:s31+$0x0], $0x1  }
0x127: {  	p3 =	seq.s32 s0, $0x0;
	_ =	sdelay $0x3  }
0x128: {  	(v2sf) =	vpush v1, $0x0;
	_ =	sdelay $0xe  }
0x129: {  	s4 =	spop (v2sf)  }
0x12a: {  	p2 =	seq.s32 s3, s4  }
0x12b: {  	p4 =	sgt.s32 @!p2 s3, $0x0;
	s2 =	sshll.u32 @!p2 s5, $0x8;
	s5 =	sadd.s32 @!p2 $0x1, s5  }
.Ltmp22:
0x12c: {  	p4 =	por !p4, p2;
	s2 =	sshra.s32 @!p2 s2, $0x2;
	(pc) =	sbr.rel @!p3 .LBB3_16-.Ltmp22, $4  }
0x12d: {  	s5 =	smov.u32 @p2 s10;
	s3 =	simm.s32 @p4 $0x0;
	s2 =	sadd.s32 @!p2 $0x50C8, s2  }
0x12e: {  	s3 =	smin.u32 @!p2 s3, $0x270F8  }
0x12f: {  	s9 =	sand.u32 @!p2 $0x3FFF8, s3;
	s3 =	sand.u32 @!p2 $0x7, s3  }
0x130: {  	s31 =	sadd.s32 $0x1, s31;
	s9 =	sadd.s32 @!p2 s1, s9  }
.LBB3_17:
0x131: {  	[tilespmem:s2], [sflag:$0x2] =	stream.linear.gather @!p2 [hbm4b:s9+s3], $0x40, $0x38;
	[tilespmem:$0x1EF88] =	vst v63  }
.Ltmp23:
0x132: {  	s0 =	sshll.u32 s5, $0x6;
	(pc) =	sbr.rel .LBB3_18-.Ltmp23, $4  }
0x133: {  	s31 =	simm.s32 $0x2;
	s0 =	sand.u32 $0x3FFFFFC0, s0  }
0x134: {  	_ =	swait.ge [sflag:s31], s0  }
0x135: {  	s0 =	ssub.s32 $0x0, s0;
	[sflag:s31] =	ssyncset.done $0x0  }
0x136: {  	[sflag:s31] =	ssyncadd.s32 s0;
	s0 =	simm.s32 $0x0  }
.LBB3_19:
0x137: {  	v1 =	vld [tilespmem:s26+$0xFFFFFFE0];
	_ =	sdelay $0x4  }
0x138: {  	[tilespmem:s4+$0x88] =	vst.add.f32.msk $0xffff, v1  }
0x139: {  	v1 =	vld [tilespmem:s26+$0xFFFFFFF0];
	_ =	sdelay $0x4  }
0x13a: {  	[tilespmem:s4+$0x98] =	vst.add.f32.msk $0xffff, v1  }
0x13b: {  	v1 =	vld [tilespmem:s26+$0x0];
	_ =	sdelay $0x4  }
0x13c: {  	[tilespmem:s4+$0xA8] =	vst.add.f32.msk $0xffff, v1  }
0x13d: {  	v1 =	vld [tilespmem:s26+$0x10];
	_ =	sdelay $0x4  }
0x13e: {  	[tilespmem:s4+$0xB8] =	vst.add.f32.msk $0xffff, v1  }
.LBB3_23:
0x13f: {  	s28 =	sadd.s32 $0x1, s28  }
0x140: {  	p2 =	seq.s32 s28, $0x0  }
.Ltmp24:
0x141: {  	_ = 	snop;
	(pc) =	sbr.rel @p2 .LBB3_24-.Ltmp24, $2  }
0x142: {  	_ =	sdelay $0x2  }
0x143: {  	s26 =	sadd.s32 $0x80, s26;
	s24 =	sadd.s32 $0x1, s24;
	s30 =	smov.u32 s31  }
.LBB3_18:
0x144: {  	v1 =	vld.msk [tilespmem:s24+$0x0], $0x1;
	_ =	sdelay $0x4  }
0x145: {  	(v2sf) =	vpush v1, $0x0;
	_ =	sdelay $0xe  }
0x146: {  	s31 =	spop (v2sf)  }
0x147: {  	p2 =	sne.s32 s30, s31  }
.Ltmp25:
0x148: {  	_ = 	snop;
	(pc) =	sbr.rel @!p2 .LBB3_19-.Ltmp25, $3  }
0x149: {  	_ =	sdelay $0x1  }
0x14a: {  	s2 =	sshll.u32 s23, $0x8  }
0x14b: {  	s4 =	sshra.s32 s2, $0x2  }
0x14c: {  	p2 =	seq.s32 s30, s25  }
.Ltmp26:
0x14d: {  	_ = 	snop;
	(pc) =	sbr.rel @!p2 .LBB3_21-.Ltmp26, $1  }
0x14e: {  	_ =	sdelay $0x3  }
.Ltmp27:
0x14f: {  	s2 =	sadd.s32 $0x88, s4;
	(pc) =	sbr.rel .LBB3_22-.Ltmp27, $4  }
0x150: {  	[spmem:s16] =	stream.linear.scatter [tilespmem:s2], [sflag:$0x1], $0x40, $0x38;
	[tilespmem:$0x1EF88] =	vst v63  }
0x151: {  	_ =	swait.ge [sflag:s12], $0x40  }
0x152: {  	[sflag:s12] =	ssyncset.done $0x0  }
0x153: {  	[sflag:s12] =	ssyncadd.s32 $0xFFFFFFC0  }
.LBB3_21:
0x154: {  	s2 =	sshll.u32 s29, $0x8  }
0x155: {  	s2 =	sshra.s32 s2, $0x2  }
0x156: {  	v1 =	vld [tilespmem:s2+$0x50C8];
	_ =	sdelay $0x4  }
0x157: {  	[tilespmem:s4+$0x88] =	vst.add.f32.msk $0xffff, v1  }
0x158: {  	v1 =	vld [tilespmem:s2+$0x50D8];
	_ =	sdelay $0x4  }
0x159: {  	[tilespmem:s4+$0x98] =	vst.add.f32.msk $0xffff, v1  }
0x15a: {  	v1 =	vld [tilespmem:s2+$0x50E8];
	_ =	sdelay $0x4  }
0x15b: {  	[tilespmem:s4+$0xA8] =	vst.add.f32.msk $0xffff, v1  }
0x15c: {  	v1 =	vld [tilespmem:s2+$0x50F8];
	_ =	sdelay $0x2  }
0x15d: {  	p2 =	sgt.u32 s30, $0x270F8  }
0x15e: {  	s2 =	sand.u32 @!p2 $0x3FFF8, s30  }
0x15f: {  	s3 =	sadd.s32 $0x88, s4;
	s2 =	sadd.s32 @!p2 s1, s2;
	[tilespmem:s4+$0xB8] =	vst.add.f32.msk $0xffff, v1;
	s4 =	sand.u32 @!p2 $0x7, s30  }
0x160: {  	[hbm4b:s2+s4] =	stream.linear.scatter @!p2 [tilespmem:s3], [sflag:$0xC], $0x40, $0x38;
	[tilespmem:$0x1EF88] =	vst v63  }
0x161: {  	s2 =	simm.s32 $0x0  }
0x162: {  	s2 =	simm.s32 @!p2 $0x100  }
0x163: {  	s0 =	sadd.s32 s2, s0  }
.LBB3_22:
0x164: {  	s2 =	sadd.s32 $0x1, s23  }
0x165: {  	s3 =	smulhi.u32 $0xCCCCCCCD, s2;
	_ =	sdelay $0x1  }
0x166: {  	v1 =	vld [tilespmem:s26+$0xFFFFFFE0];
	s3 =	sshrl.u32 s3, $0x8  }
0x167: {  	s3 =	smul.u32 $0x140, s3;
	_ =	sdelay $0x1  }
0x168: {  	s23 =	ssub.s32 s2, s3  }
0x169: {  	s2 =	sshll.u32 s23, $0x6  }
0x16a: {  	[tilespmem:s2+$0x88] =	vst v1  }
0x16b: {  	v1 =	vld [tilespmem:s26+$0xFFFFFFF0];
	_ =	sdelay $0x4  }
0x16c: {  	[tilespmem:s2+$0x98] =	vst v1  }
0x16d: {  	v1 =	vld [tilespmem:s26+$0x0];
	_ =	sdelay $0x4  }
0x16e: {  	[tilespmem:s2+$0xA8] =	vst v1  }
0x16f: {  	v1 =	vld [tilespmem:s26+$0x10]  }
.Ltmp28:
0x170: {  	_ = 	snop;
	(pc) =	sbr.rel .LBB3_23-.Ltmp28, $2  }
0x171: {  	_ =	sdelay $0x2  }
0x172: {  	s29 =	sadd.s32 $0x1, s29;
	[tilespmem:s2+$0xB8] =	vst v1  }
.LBB3_25:
.Ltmp29:
0x173: {  	(pc) =	sbr.rel .LBB3_26-.Ltmp29, $4  }
0x174: {  	_ = 	snop  }
0x175: {  	s0 =	simm.s32 $0x2  }
0x176: {  	_ =	swait.ge [sflag:s0], $0x0  }
0x177: {  	s31 =	smov.u32 s30;
	[sflag:s0] =	ssyncset.done $0x0;
	s0 =	simm.s32 $0x0  }
.LBB3_28:
0x178: {  	_ =	sfence.sel $0x180000  }
0x179: {  	s0 =	simm.s32 $0x9;
	[bflag:$0x0] =	sbarrier.arrive $0xFFFF  }
0x17a: {  	s24 =	simm.s32 $0xA;
	[sflag:s0] =	ssyncpa.u1 $0x1  }
0x17b: {  	s25 =	simm.s32 $0xB;
	[sflag:s24] =	ssyncpa.u1 $0x1  }
0x17c: {  	s26 =	simm.s32 $0x2;
	[sflag:s25] =	ssyncpa.u1 $0x1  }
0x17d: {  	[sflag:s26] =	ssyncpa.u1 $0x1  }
0x17e: {  	v0 =	vld [tilespmem:$0xA108];
	_ =	sdelay $0x4  }
0x17f: {  	(v2sf) =	vpush v0, $0x0  }
0x180: {  	(v2sf) =	vpush v0, $0x1;
	_ =	sdelay $0x1  }
0x181: {  	(v2sf) =	vpush v0, $0x2;
	_ =	sdelay $0xb  }
0x182: {  	s0 =	spop (v2sf)  }
0x183: {  	s2 =	spop (v2sf)  }
0x184: {  	s3 =	smov.u32 s0;
	p0 =	sne.s32 s0, s2  }
0x185: {  	s4 =	spop (v2sf);
	s3 =	simm.s32 @!p0 $0xFFFFFFFF  }
0x186: {  	v2 =	vimm.s32 $0x1;
	v3 =	vlaneseq.u32;
	p0 =	seq.s32 s4, $0xFFFFFFFF;
	v1 =	vmov s3  }
0x187: {  	s15 =	stileid.u32;
	v0 =	vperm.xlane v0, v2;
	p1 =	sne.s32 @!p0 s0, s2;
	v1 =	vperm.xlane v1, v3  }
0x188: {  	vm0 =	vcmask $0x3F04;
	s6 =	simm.s32 $0xA108;
	s0 =	simm.s32 @!p0 $0x1;
	p1 =	por !p1, p0  }
0x189: {  	s3 =	sshll.u32 s15, $0x1;
	s2 =	sshll.u32 @!p0 s4, $0x8;
	s0 =	simm.s32 @p1 $0x0;
	v0 =	vsel vm0, v1, v0  }
0x18a: {  	s5 =	sor.u32 $0x800, s3;
	s2 =	sshra.s32 @!p0 s2, $0x2;
	s0 =	sor.u32 @!p0 s0, s3;
	[tilespmem:$0xA108] =	vst v0  }
0x18b: {  	[spmem:s5] =	stream.linear.scatter [tilespmem:s6], [sflag:$0x1], $0x2, $0x38;
	[tilespmem:$0x1EF88] =	vst v63  }
0x18c: {  	s2 =	sadd.s32 @!p0 $0x88, s2;
	s0 =	sshll.u32 @!p0 s0, $0x6  }
0x18d: {  	[spmem:s0] =	stream.linear.scatter @!p0 [tilespmem:s2], [sflag:$0x1], $0x40, $0x38;
	[tilespmem:$0x1EF88] =	vst v63  }
0x18e: {  	s0 =	simm.s32 @!p0 $0x42  }
0x18f: {  	s28 =	simm.s32 $0x1;
	s0 =	simm.s32 @p0 $0x2  }
0x190: {  	_ =	swait.ge [sflag:s28], s0  }
0x191: {  	s0 =	ssub.s32 $0x0, s0;
	[sflag:s28] =	ssyncset.done $0x0  }
0x192: {  	p0 =	sne.s32 s15, $0x0;
	[sflag:s28] =	ssyncadd.s32 s0  }
.Ltmp30:
0x193: {  	_ =	sfence.stream.spmem;
	(pc) =	sbr.rel @p0 .LBB3_45-.Ltmp30, $4  }
0x194: {  	s29 =	simm.s32 $0x3;
	[bflag:$0x0] =	sbarrier.arrive $0xFFFF  }
0x195: {  	s30 =	simm.s32 $0x4;
	[sflag:s29] =	ssyncpa.u1 $0x1  }
0x196: {  	s31 =	simm.s32 $0x3C;
	[sflag:s30] =	ssyncpa.u1 $0x1  }
0x197: {  	s14 =	rddreg [dreg:$0x4];
	[sflag:s31] =	ssyncpa.u1 $0x1  }
0x198: {  	_ =	sfence.stream.spmem;
	s0 =	simm.s32 $0x5  }
0x199: {  	s2 =	simm.s32 $0x800;
	s3 =	simm.s32 $0xA118;
	[sflag:s0] =	ssyncpa.u1 $0x0  }
0x19a: {  	[tilespmem:s3], [sflag:$0x5] =	stream.linear.gather [spmem:s2], $0x20, $0x38;
	[tilespmem:$0x1EF88] =	vst v63  }
0x19b: {  	s26 =	simm.s32 $0x0;
	s28 =	simm.s32 $0xA138  }
0x19c: {  	[tilespmem:s28], [sflag:$0x5] =	stream.linear.gather [spmem:s26], $0x800, $0x38;
	[tilespmem:$0x1EF88] =	vst v63  }
0x19d: {  	_ =	swait.ge [sflag:s0], $0x820  }
0x19e: {  	[sflag:s0] =	ssyncset.done $0x0  }
0x19f: {  	s29 =	simm.s32 $0x0;
	[sflag:s0] =	ssyncadd.s32 $0xFFFFF7E0  }
0x1a0: {  	v0 =	vld.msk [tilespmem:s29+$0xA118], $0x1;
	_ =	sdelay $0x1  }
0x1a1: {  	s30 =	simm.s32 $0x1  }
0x1a2: {  	v1 =	vld.msk [tilespmem:s30+$0xA118], $0x1;
	_ =	sdelay $0x1  }
0x1a3: {  	(v2sf) =	vpush v0, $0x0;
	_ =	sdelay $0x2  }
0x1a4: {  	(v2sf) =	vpush v1, $0x0;
	_ =	sdelay $0x2  }
0x1a5: {  	s31 =	simm.s32 $0x2  }
0x1a6: {  	v0 =	vld.msk [tilespmem:s31+$0xA118], $0x1;
	_ =	sdelay $0x2  }
0x1a7: {  	s4 =	simm.s32 $0xFFFFFFFF;
	s2 =	simm.s32 $0xFFFFFFFF;
	s0 =	simm.s32 $0xC  }
.LBB3_30:
0x1a8: {  	s3 =	smov.u32 s4;
	s5 =	smov.u32 s2  }
0x1a9: {  	s2 =	sshra.s32 s0, $0x2;
	p1 =	sne.s32 s0, $0x7C;
	s0 =	sadd.s32 $0x4, s0;
	(v2sf) =	vpush v0, $0x0  }
0x1aa: {  	v0 =	vld.msk [tilespmem:s2+$0xA118], $0x1  }
.Ltmp31:
0x1ab: {  	(pc) =	sbr.rel @p1 .LBB3_30-.Ltmp31, $4  }
0x1ac: {  	s4 =	spop (v2sf)  }
0x1ad: {  	p2 =	sne.s32 s5, $0xFFFFFFFF;
	s2 =	smov.u32 s4  }
0x1ae: {  	p3 =	seq.s32 s4, $0xFFFFFFFF;
	s2 =	smov.u32 @p2 s5  }
0x1af: {  	s4 =	smov.u32 @p3 s3;
	s2 =	smov.u32 @p3 s5  }
0x1b0: {  	(v2sf) =	vpush v0, $0x0;
	_ =	sdelay $0x8  }
0x1b1: {  	s0 =	spop (v2sf)  }
0x1b2: {  	p1 =	sne.s32 s2, $0xFFFFFFFF;
	s3 =	smov.u32 s0  }
0x1b3: {  	s9 =	simm.s32 $0x6;
	p2 =	seq.s32 s0, $0xFFFFFFFF;
	s3 =	smov.u32 @p1 s2  }
0x1b4: {  	s6 =	simm.s32 $0x0;
	s3 =	smov.u32 @p2 s2;
	s2 =	spop (v2sf)  }
0x1b5: {  	s0 =	smov.u32 @p2 s4;
	p1 =	sne.s32 s3, $0xFFFFFFFF;
	s5 =	smov.u32 s2  }
.Ltmp32:
0x1b6: {  	p2 =	seq.s32 s2, $0xFFFFFFFF;
	s5 =	smov.u32 @p1 s3;
	(pc) =	sbr.rel .LBB3_32-.Ltmp32, $4  }
0x1b7: {  	s10 =	simm.s32 $0xA0C8;
	s5 =	smov.u32 @p2 s3;
	s7 =	spop (v2sf)  }
0x1b8: {  	s11 =	simm.s32 $0x0;
	p1 =	sne.s32 s5, $0xFFFFFFFF;
	s8 =	smov.u32 s7  }
0x1b9: {  	s2 =	smov.u32 @p2 s0;
	p2 =	seq.s32 s7, $0xFFFFFFFF;
	s8 =	smov.u32 @p1 s5  }
0x1ba: {  	[sflag:s9] =	ssyncpa.u1 $0x0;
	s7 =	smov.u32 @p2 s2;
	s8 =	smov.u32 @p2 s5  }
.LBB3_38:
0x1bb: {  	p1 =	sgt.u32 s12, $0x270F8  }
0x1bc: {  	p2 =	seq.s32 @!p1 s12, s8  }
0x1bd: {  	p1 =	por p1, p2  }
0x1be: {  	p2 =	sne.s32 @!p1 s12, s7  }
0x1bf: {  	p1 =	por p1, !p2  }
0x1c0: {  	s0 =	sshll.u32 @p1 s11, $0x8  }
0x1c1: {  	s0 =	sand.u32 @!p1 $0x3FFF8, s12  }
0x1c2: {  	s2 =	sand.u32 @!p1 $0x7, s12;
	s0 =	sadd.s32 @!p1 s1, s0  }
0x1c3: {  	[tilespmem:s10], [sflag:$0x6] =	stream.linear.gather @!p1 [hbm4b:s0+s2], $0x40, $0x38;
	[tilespmem:$0x1EF88] =	vst v63  }
0x1c4: {  	_ =	swait.ge @!p1 [sflag:s9], $0x40  }
0x1c5: {  	[sflag:s9] =	ssyncset.done @!p1 $0x0  }
0x1c6: {  	[sflag:s9] =	ssyncadd.s32 @!p1 $0xFFFFFFC0  }
0x1c7: {  	v1 =	vld @!p1 [tilespmem:$0xA0C8];
	_ =	sdelay $0x2  }
0x1c8: {  	s0 =	sshll.u32 @!p1 s11, $0x8  }
0x1c9: {  	s2 =	sshrl.u32 @!p1 s0, $0x2  }
0x1ca: {  	[tilespmem:s2+$0xA138] =	vst.add.f32.msk @!p1 $0xffff, v1  }
0x1cb: {  	v1 =	vld @!p1 [tilespmem:$0xA0D8];
	_ =	sdelay $0x4  }
0x1cc: {  	[tilespmem:s2+$0xA148] =	vst.add.f32.msk @!p1 $0xffff, v1  }
0x1cd: {  	v1 =	vld @!p1 [tilespmem:$0xA0E8];
	_ =	sdelay $0x4  }
0x1ce: {  	[tilespmem:s2+$0xA158] =	vst.add.f32.msk @!p1 $0xffff, v1  }
0x1cf: {  	v1 =	vld @!p1 [tilespmem:$0xA0F8];
	_ =	sdelay $0x4  }
0x1d0: {  	[tilespmem:s2+$0xA168] =	vst.add.f32.msk @!p1 $0xffff, v1  }
0x1d1: {  	s0 =	sshrl.u32 s0, $0x2;
	[tilespmem:s6+$0xA118] =	vst.msk $0x1, v0  }
0x1d2: {  	v0 =	vld [tilespmem:s0+$0xA138];
	_ =	sdelay $0x2  }
0x1d3: {  	s31 =	sshll.u32 s6, $0x8  }
0x1d4: {  	s2 =	sshra.s32 s31, $0x2  }
0x1d5: {  	[tilespmem:s2+$0xA138] =	vst v0  }
0x1d6: {  	v0 =	vld [tilespmem:s0+$0xA148];
	_ =	sdelay $0x4  }
0x1d7: {  	[tilespmem:s2+$0xA148] =	vst v0  }
0x1d8: {  	v0 =	vld [tilespmem:s0+$0xA158];
	_ =	sdelay $0x4  }
0x1d9: {  	[tilespmem:s2+$0xA158] =	vst v0  }
0x1da: {  	v0 =	vld [tilespmem:s0+$0xA168];
	_ =	sdelay $0x4  }
0x1db: {  	s6 =	sadd.s32 $0x1, s6;
	[tilespmem:s2+$0xA168] =	vst v0  }
.LBB3_39:
0x1dc: {  	s11 =	sadd.s32 $0x1, s11  }
0x1dd: {  	p1 =	sne.s32 s11, $0x20  }
.Ltmp33:
0x1de: {  	_ = 	snop;
	(pc) =	sbr.rel @!p1 .LBB3_40-.Ltmp33, $1  }
0x1df: {  	_ =	sdelay $0x3  }
.LBB3_32:
0x1e0: {  	v0 =	vld.msk [tilespmem:s11+$0xA118], $0x1;
	_ =	sdelay $0x4  }
0x1e1: {  	(v2sf) =	vpush v0, $0x0;
	_ =	sdelay $0xe  }
0x1e2: {  	s12 =	spop (v2sf)  }
0x1e3: {  	p1 =	seq.s32 s12, $0xFFFFFFFF  }
.Ltmp34:
0x1e4: {  	_ = 	snop;
	(pc) =	sbr.rel @p1 .LBB3_39-.Ltmp34, $1  }
0x1e5: {  	_ =	sdelay $0x3  }
0x1e6: {  	p1 =	slt.s32 s6, $0x1  }
.Ltmp35:
0x1e7: {  	_ = 	snop;
	(pc) =	sbr.rel @p1 .LBB3_38-.Ltmp35, $1  }
0x1e8: {  	_ =	sdelay $0x3  }
0x1e9: {  	s0 =	simm.s32 $0xA118;
	p1 =	por $0x0, $0x0  }
0x1ea: {  	v1 =	vld.msk @!p1 [tilespmem:s0+$0x0], $0x1;
	_ =	sdelay $0x4  }
0x1eb: {  	(v2sf) =	vpush @!p1 v1, $0x0;
	_ =	sdelay $0xd  }
0x1ec: {  	p3 =	sne.s32 s6, $0x1  }
.Ltmp36:
0x1ed: {  	s2 =	spop @!p1 (v2sf);
	(pc) =	sbr.rel @!p3 .LBB3_36-.Ltmp36, $4  }
0x1ee: {  	p2 =	seq.s32 @!p1 s12, s2  }
0x1ef: {  	s13 =	simm.s32 $0x0;
	p2 =	por !p2, p1  }
0x1f0: {  	s2 =	simm.s32 $0xFFFFFFFF;
	s13 =	simm.s32 @p2 $0xFFFFFFFF  }
0x1f1: {  	s4 =	simm.s32 $0x1;
	s13 =	smov.u32 @p1 s2  }
.LBB3_35:
0x1f2: {  	s2 =	smov.u32 s13;
	p1 =	sne.s32 s13, $0xFFFFFFFF  }
0x1f3: {  	s0 =	sadd.s32 $0x1, s0;
	s13 =	smov.u32 s4;
	s4 =	sadd.s32 $0x1, s4  }
0x1f4: {  	p2 =	sne.s32 s6, s4;
	v1 =	vld.msk @!p1 [tilespmem:s0+$0x0], $0x1;
	_ =	sdelay $0x4  }
0x1f5: {  	(v2sf) =	vpush @!p1 v1, $0x0;
	_ =	sdelay $0xe  }
.Ltmp37:
0x1f6: {  	s3 =	spop @!p1 (v2sf);
	(pc) =	sbr.rel @p2 .LBB3_35-.Ltmp37, $4  }
0x1f7: {  	p3 =	seq.s32 @!p1 s12, s3  }
0x1f8: {  	p3 =	por !p3, p1  }
0x1f9: {  	s13 =	simm.s32 @p3 $0xFFFFFFFF  }
0x1fa: {  	s13 =	smov.u32 @p1 s2  }
.LBB3_36:
0x1fb: {  	p1 =	seq.s32 s13, $0xFFFFFFFF  }
.Ltmp38:
0x1fc: {  	_ = 	snop;
	(pc) =	sbr.rel @p1 .LBB3_38-.Ltmp38, $1  }
0x1fd: {  	_ =	sdelay $0x3  }
0x1fe: {  	s0 =	sshll.u32 s11, $0x6  }
0x1ff: {  	s0 =	sand.u32 $0x3FFFFFC0, s0  }
0x200: {  	v0 =	vld [tilespmem:s0+$0xA138];
	_ =	sdelay $0x2  }
0x201: {  	s2 =	sshll.u32 s13, $0x8  }
0x202: {  	s2 =	sshra.s32 s2, $0x2  }
0x203: {  	[tilespmem:s2+$0xA138] =	vst.add.f32.msk $0xffff, v0  }
0x204: {  	v0 =	vld [tilespmem:s0+$0xA148];
	_ =	sdelay $0x4  }
0x205: {  	[tilespmem:s2+$0xA148] =	vst.add.f32.msk $0xffff, v0  }
0x206: {  	v0 =	vld [tilespmem:s0+$0xA158];
	_ =	sdelay $0x4  }
0x207: {  	[tilespmem:s2+$0xA158] =	vst.add.f32.msk $0xffff, v0  }
0x208: {  	v0 =	vld [tilespmem:s0+$0xA168]  }
.Ltmp39:
0x209: {  	_ = 	snop;
	(pc) =	sbr.rel .LBB3_39-.Ltmp39, $2  }
0x20a: {  	_ =	sdelay $0x2  }
0x20b: {  	[tilespmem:s2+$0xA168] =	vst.add.f32.msk $0xffff, v0  }
.LBB3_40:
0x20c: {  	s0 =	simm.s32 $0x6;
	p1 =	seq.s32 s6, $0x0  }
0x20d: {  	[sflag:s0] =	ssyncpa.u1 $0x1;
	v0 =	vimm.s32 @p1 $0xFFFFFFFF  }
0x20e: {  	s0 =	sadd.s32 $0xFFFFFFFF, s6;
	[tilespmem:$0xA938] =	vst @p1 v0  }
0x20f: {  	v0 =	vld.msk @!p1 [tilespmem:s0+$0xA118], $0x1;
	_ =	sdelay $0x1  }
0x210: {  	v1 =	vld.msk @!p1 [tilespmem:$0xA118], $0x1;
	_ =	sdelay $0x2  }
0x211: {  	p2 =	seq.s32 @!p1 s0, $0x0;
	v0 =	vbroadcast @!p1 v0, $0x0  }
0x212: {  	vm0 =	vmmov @!p1 $0x1;
	p2 =	por !p2, p1  }
0x213: {  	v1 =	vnsel @!p1 vm0, $0xFFFFFFFF, v1;
	vm0 =	vcmask @!p1 $0x308;
	v0 =	vpsel !p2, $0xFFFFFFFF, v0  }
0x214: {  	p2 =	sne.s32 @!p1 s8, s7;
	v0 =	vsel @!p1 vm0, v1, v0  }
0x215: {  	s2 =	simm.s32 @!p1 $0xA138;
	s3 =	simm.s32 @!p1 $0x0;
	p3 =	por !p2, p1;
	[tilespmem:$0xA938] =	vst @!p1 v0  }
0x216: {  	[spmem:s3] =	stream.linear.scatter @!p1 [tilespmem:s2], [sflag:$0x1], $0x40, $0x38;
	[tilespmem:$0x1EF88] =	vst v63  }
0x217: {  	s2 =	sshll.u32 @!p3 s0, $0x8  }
0x218: {  	s2 =	sshra.s32 @!p3 s2, $0x2  }
0x219: {  	s3 =	simm.s32 @!p3 $0x40;
	s2 =	sadd.s32 @!p3 $0xA138, s2  }
0x21a: {  	[spmem:s3] =	stream.linear.scatter @!p3 [tilespmem:s2], [sflag:$0x1], $0x40, $0x38;
	[tilespmem:$0x1EF88] =	vst v63  }
0x21b: {  	s2 =	simm.s32 @!p3 $0x1  }
0x21c: {  	_ =	swait.ge @!p3 [sflag:s2], $0x80  }
0x21d: {  	p1 =	por p2, p1;
	[sflag:s2] =	ssyncset.done @!p3 $0x0  }
0x21e: {  	[sflag:s2] =	ssyncadd.s32 @!p3 $0xFFFFFF80;
	s2 =	simm.s32 @!p1 $0x1  }
0x21f: {  	_ =	swait.ge @!p1 [sflag:s2], $0x40  }
0x220: {  	s29 =	simm.s32 $0xA938;
	[sflag:s2] =	ssyncset.done @!p1 $0x0  }
0x221: {  	s30 =	simm.s32 $0x800;
	s31 =	simm.s32 $0x1;
	[sflag:s2] =	ssyncadd.s32 @!p1 $0xFFFFFFC0  }
0x222: {  	[spmem:s30] =	stream.linear.scatter [tilespmem:s29], [sflag:$0x1], $0x10, $0x38;
	[tilespmem:$0x1EF88] =	vst v63  }
0x223: {  	_ =	swait.ge [sflag:s31], $0x10  }
0x224: {  	[sflag:s31] =	ssyncset.done $0x0  }
0x225: {  	p1 =	seq.s32 s14, $0x0;
	s9 =	rddreg [dreg:$0x1];
	[sflag:s31] =	ssyncadd.s32 $0xFFFFFFF0  }
0x226: {  	s3 =	sshll.u32 @p1 s9, $0xE;
	s8 =	rddreg [dreg:$0x2]  }
0x227: {  	s2 =	sadd.s32 @p1 $0x15C3C, s3;
	s3 =	sshll.u32 @p1 s8, $0x11  }
0x228: {  	_ =	sfence.stream.spmem;
	s2 =	sor.u32 @p1 s3, s2  }
0x229: {  	[sflag:s2] =	ssyncadd.remote.s32 @p1 $0x1;
	s2 =	simm.s32 @p1 $0x4  }
0x22a: {  	s4 =	simm.s32 @!p1 $0x3C;
	s3 =	sand.u32 $0xFFFFFFFE, s9;
	_ =	swait.ge @p1 [sflag:s2], $0x12  }
0x22b: {  	s5 =	simm.s32 @!p1 $0x0;
	s3 =	sadd.s32 @!p1 $0x4, s3;
	[sflag:s2] =	ssyncset.done @p1 $0x0  }
0x22c: {  	s7 =	simm.s32 @!p1 $0x80;
	[sflag:s2] =	ssyncadd.s32 @p1 $0xFFFFFFEE;
	s2 =	sshll.u32 @!p1 s3, $0x1A  }
0x22d: {  	s3 =	sshll.u32 @!p1 s3, $0xD;
	s2 =	sor.u32 @!p1 s2, s8;
	_ =	swait.eq @!p1 [sflag:s4], $0x1  }
0x22e: {  	s3 =	sor.u32 @!p1 $0x1C04, s3;
	s4 =	simm.s32 @!p1 $0x1C03;
	s2 =	sor.u32 @!p1 $0x80004000, s2  }
0x22f: {  	[spmem:s7], [sflag:s3] =	dma.general @!p1 [spmem:s5], [sflag:s4], length:$0x10, [dreg:$0x0], stride_count:$0x0, ici_dest:s2, dma_misc:DstOpCode:WRITE  }
0x230: {  	p2 =	slt.s32 s0, $0x2;
	s5 =	simm.s32 @!p1 $0x100;
	s7 =	simm.s32 @!p1 $0x102  }
0x231: {  	[spmem:s7], [sflag:s3] =	dma.general @!p1 [spmem:s5], [sflag:s4], length:$0x2, [dreg:$0x0], stride_count:$0x0, ici_dest:s2, dma_misc:DstOpCode:WRITE  }
.Ltmp40:
0x232: {  	s2 =	simm.s32 @!p1 $0x3;
	(pc) =	sbr.rel @p2 .LBB3_44-.Ltmp40, $4  }
0x233: {  	s3 =	sshll.u32 @!p1 s9, $0xE;
	_ =	swait.ge @!p1 [sflag:s2], $0x12  }
0x234: {  	s4 =	sshll.u32 @!p1 s8, $0x11;
	s3 =	sadd.s32 @!p1 $0x11C3C, s3;
	[sflag:s2] =	ssyncset.done @!p1 $0x0  }
0x235: {  	[sflag:s2] =	ssyncadd.s32 @!p1 $0xFFFFFFEE;
	s2 =	sor.u32 @!p1 s4, s3  }
0x236: {  	s0 =	simm.s32 $0x0;
	[sflag:s2] =	ssyncadd.remote.s32 @!p1 $0xFFFFFFFF  }
0x237: {  	s0 =	simm.s32 $0xA119  }
0x238: {  	v0 =	vld.msk [tilespmem:s0+$0x0], $0x1;
	_ =	sdelay $0x4  }
0x239: {  	(v2sf) =	vpush v0, $0x0;
	_ =	sdelay $0xd  }
0x23a: {  	s3 =	sadd.s32 $0xFFFFFFFE, s6  }
0x23b: {  	s4 =	sadd.s32 $0xFFFFFFFF, s3;
	s2 =	spop (v2sf)  }
0x23c: {  	p2 =	sne.s32 s4, $0x0;
	p1 =	sgt.u32 s2, $0x270F8  }
.Ltmp41:
0x23d: {  	s5 =	sand.u32 @!p1 $0x3FFF8, s2;
	(pc) =	sbr.rel @!p2 .LBB3_43-.Ltmp41, $4  }
0x23e: {  	s0 =	simm.s32 $0xA178;
	s2 =	sand.u32 @!p1 $0x7, s2;
	s3 =	sadd.s32 @!p1 s1, s5  }
0x23f: {  	[hbm4b:s3+s2] =	stream.linear.scatter @!p1 [tilespmem:s0], [sflag:$0x5], $0x40, $0x38;
	[tilespmem:$0x1EF88] =	vst v63  }
0x240: {  	s2 =	simm.s32 $0x0  }
0x241: {  	s6 =	simm.s32 $0xA11A;
	s5 =	simm.s32 $0x0;
	s2 =	simm.s32 @!p1 $0x100  }
.LBB3_42:
0x242: {  	v0 =	vld.msk [tilespmem:s6+$0x0], $0x1;
	s4 =	sadd.s32 $0xFFFFFFFF, s4;
	s5 =	sadd.s32 s5, s2  }
0x243: {  	p1 =	sne.s32 s4, $0x0;
	_ =	sdelay $0x3  }
0x244: {  	(v2sf) =	vpush v0, $0x0;
	_ =	sdelay $0xe  }
.Ltmp42:
0x245: {  	s3 =	spop (v2sf);
	(pc) =	sbr.rel @p1 .LBB3_42-.Ltmp42, $4  }
0x246: {  	s2 =	simm.s32 $0x0;
	p2 =	sgt.u32 s3, $0x270F8  }
0x247: {  	s0 =	sadd.s32 $0x40, s0;
	s2 =	simm.s32 @!p2 $0x100;
	s7 =	sand.u32 @!p2 $0x3FFF8, s3  }
0x248: {  	s6 =	sadd.s32 $0x1, s6;
	s3 =	sand.u32 @!p2 $0x7, s3;
	s7 =	sadd.s32 @!p2 s1, s7  }
0x249: {  	[hbm4b:s7+s3] =	stream.linear.scatter @!p2 [tilespmem:s0], [sflag:$0x5], $0x40, $0x38;
	[tilespmem:$0x1EF88] =	vst v63  }
.LBB3_43:
0x24a: {  	s0 =	sadd.s32 s5, s2  }
0x24b: {  	s0 =	sshrl.u32 s0, $0x2  }
.LBB3_44:
0x24c: {  	s2 =	simm.s32 $0x5  }
0x24d: {  	_ =	swait.ge [sflag:s2], s0  }
0x24e: {  	s31 =	ssub.s32 $0x0, s0;
	[sflag:s2] =	ssyncset.done $0x0  }
0x24f: {  	[sflag:s2] =	ssyncadd.s32 s31  }
0x250: {  	[sflag:s2] =	ssyncpa.u1 $0x1  }
.LBB3_45:
0x251: {  	s0 =	sor.u32 s14, s15  }
0x252: {  	p1 =	sne.s32 s0, $0x0  }
.Ltmp43:
0x253: {  	_ = 	snop;
	(pc) =	sbr.rel @p1 .LBB3_60-.Ltmp43, $3  }
0x254: {  	_ =	sdelay $0x1  }
0x255: {  	[bflag:$0x0] =	sbarrier.arrive $0xFFFF  }
0x256: {  	_ =	sfence  }
0x257: {  	s0 =	simm.s32 $0x7  }
0x258: {  	s2 =	simm.s32 $0x800;
	s3 =	simm.s32 $0xA118;
	[sflag:s0] =	ssyncpa.u1 $0x0  }
0x259: {  	[tilespmem:s3], [sflag:$0x7] =	stream.linear.gather [spmem:s2], $0x20, $0x38;
	[tilespmem:$0x1EF88] =	vst v63  }
0x25a: {  	s30 =	simm.s32 $0xA138;
	s2 =	simm.s32 $0x0  }
0x25b: {  	[tilespmem:s30], [sflag:$0x7] =	stream.linear.gather [spmem:s2], $0x800, $0x38;
	[tilespmem:$0x1EF88] =	vst v63  }
.Ltmp44:
0x25c: {  	_ = 	snop;
	(pc) =	sbr.rel .LBB3_47-.Ltmp44, $4  }
0x25d: {  	_ =	swait.ge [sflag:s0], $0x820  }
0x25e: {  	[sflag:s0] =	ssyncset.done $0x0  }
0x25f: {  	s31 =	simm.s32 $0x8;
	[sflag:s0] =	ssyncadd.s32 $0xFFFFF7E0  }
0x260: {  	s3 =	simm.s32 $0x0;
	[sflag:s31] =	ssyncpa.u1 $0x0  }
.LBB3_53:
0x261: {  	p1 =	slt.u32 s0, $0x270F9  }
0x262: {  	s4 =	sand.u32 @p1 $0x3FFF8, s0  }
0x263: {  	s0 =	sand.u32 @p1 $0x7, s0;
	s5 =	simm.s32 @p1 $0xA0C8;
	s4 =	sadd.s32 @p1 s1, s4  }
0x264: {  	[tilespmem:s5], [sflag:$0x8] =	stream.linear.gather @p1 [hbm4b:s4+s0], $0x40, $0x38;
	[tilespmem:$0x1EF88] =	vst v63  }
0x265: {  	s0 =	simm.s32 @p1 $0x8  }
0x266: {  	_ =	swait.ge @p1 [sflag:s0], $0x40  }
0x267: {  	[sflag:s0] =	ssyncset.done @p1 $0x0  }
0x268: {  	[sflag:s0] =	ssyncadd.s32 @p1 $0xFFFFFFC0  }
0x269: {  	v1 =	vld @p1 [tilespmem:$0xA0C8];
	_ =	sdelay $0x2  }
0x26a: {  	s0 =	sshll.u32 @p1 s3, $0x8  }
0x26b: {  	s4 =	sshrl.u32 @p1 s0, $0x2  }
0x26c: {  	[tilespmem:s4+$0xA138] =	vst.add.f32.msk @p1 $0xffff, v1  }
0x26d: {  	v1 =	vld @p1 [tilespmem:$0xA0D8];
	_ =	sdelay $0x4  }
0x26e: {  	[tilespmem:s4+$0xA148] =	vst.add.f32.msk @p1 $0xffff, v1  }
0x26f: {  	v1 =	vld @p1 [tilespmem:$0xA0E8];
	_ =	sdelay $0x4  }
0x270: {  	[tilespmem:s4+$0xA158] =	vst.add.f32.msk @p1 $0xffff, v1  }
0x271: {  	v1 =	vld @p1 [tilespmem:$0xA0F8];
	_ =	sdelay $0x3  }
0x272: {  	s5 =	sshll.u32 @!p1 s3, $0x8  }
0x273: {  	s5 =	smov.u32 @p1 s0;
	[tilespmem:s4+$0xA168] =	vst.add.f32.msk @p1 $0xffff, v1  }
0x274: {  	s0 =	sshrl.u32 s5, $0x2;
	[tilespmem:s2+$0xA118] =	vst.msk $0x1, v0  }
0x275: {  	v0 =	vld [tilespmem:s0+$0xA138];
	_ =	sdelay $0x2  }
0x276: {  	s31 =	sshll.u32 s2, $0x8  }
0x277: {  	s4 =	sshra.s32 s31, $0x2  }
0x278: {  	[tilespmem:s4+$0xA138] =	vst v0  }
0x279: {  	v0 =	vld [tilespmem:s0+$0xA148];
	_ =	sdelay $0x4  }
0x27a: {  	[tilespmem:s4+$0xA148] =	vst v0  }
0x27b: {  	v0 =	vld [tilespmem:s0+$0xA158];
	_ =	sdelay $0x4  }
0x27c: {  	[tilespmem:s4+$0xA158] =	vst v0  }
0x27d: {  	v0 =	vld [tilespmem:s0+$0xA168];
	_ =	sdelay $0x4  }
0x27e: {  	s2 =	sadd.s32 $0x1, s2;
	[tilespmem:s4+$0xA168] =	vst v0  }
.LBB3_54:
0x27f: {  	s3 =	sadd.s32 $0x1, s3  }
0x280: {  	p1 =	sne.s32 s3, $0x20  }
.Ltmp45:
0x281: {  	_ = 	snop;
	(pc) =	sbr.rel @!p1 .LBB3_55-.Ltmp45, $1  }
0x282: {  	_ =	sdelay $0x3  }
.LBB3_47:
0x283: {  	v0 =	vld.msk [tilespmem:s3+$0xA118], $0x1;
	_ =	sdelay $0x4  }
0x284: {  	(v2sf) =	vpush v0, $0x0;
	_ =	sdelay $0xe  }
0x285: {  	s0 =	spop (v2sf)  }
0x286: {  	p1 =	seq.s32 s0, $0xFFFFFFFF  }
.Ltmp46:
0x287: {  	_ = 	snop;
	(pc) =	sbr.rel @p1 .LBB3_54-.Ltmp46, $1  }
0x288: {  	_ =	sdelay $0x3  }
0x289: {  	p1 =	slt.s32 s2, $0x1  }
.Ltmp47:
0x28a: {  	_ = 	snop;
	(pc) =	sbr.rel @p1 .LBB3_53-.Ltmp47, $1  }
0x28b: {  	_ =	sdelay $0x3  }
0x28c: {  	s4 =	simm.s32 $0xA118;
	p1 =	por $0x0, $0x0  }
0x28d: {  	v1 =	vld.msk @!p1 [tilespmem:s4+$0x0], $0x1;
	_ =	sdelay $0x4  }
0x28e: {  	(v2sf) =	vpush @!p1 v1, $0x0;
	_ =	sdelay $0xd  }
0x28f: {  	p3 =	sne.s32 s2, $0x1  }
.Ltmp48:
0x290: {  	s5 =	spop @!p1 (v2sf);
	(pc) =	sbr.rel @!p3 .LBB3_51-.Ltmp48, $4  }
0x291: {  	p2 =	seq.s32 @!p1 s0, s5  }
0x292: {  	s5 =	simm.s32 $0x0;
	p2 =	por !p2, p1  }
0x293: {  	s7 =	simm.s32 $0xFFFFFFFF;
	s5 =	simm.s32 @p2 $0xFFFFFFFF  }
0x294: {  	s6 =	simm.s32 $0x1;
	s5 =	smov.u32 @p1 s7  }
.LBB3_50:
0x295: {  	s7 =	smov.u32 s5;
	p1 =	sne.s32 s5, $0xFFFFFFFF  }
0x296: {  	s4 =	sadd.s32 $0x1, s4;
	s5 =	smov.u32 s6;
	s6 =	sadd.s32 $0x1, s6  }
0x297: {  	p2 =	sne.s32 s2, s6;
	v1 =	vld.msk @!p1 [tilespmem:s4+$0x0], $0x1;
	_ =	sdelay $0x4  }
0x298: {  	(v2sf) =	vpush @!p1 v1, $0x0;
	_ =	sdelay $0xe  }
.Ltmp49:
0x299: {  	s8 =	spop @!p1 (v2sf);
	(pc) =	sbr.rel @p2 .LBB3_50-.Ltmp49, $4  }
0x29a: {  	p3 =	seq.s32 @!p1 s0, s8  }
0x29b: {  	p3 =	por !p3, p1  }
0x29c: {  	s5 =	simm.s32 @p3 $0xFFFFFFFF  }
0x29d: {  	s5 =	smov.u32 @p1 s7  }
.LBB3_51:
0x29e: {  	p1 =	seq.s32 s5, $0xFFFFFFFF  }
.Ltmp50:
0x29f: {  	_ = 	snop;
	(pc) =	sbr.rel @p1 .LBB3_53-.Ltmp50, $1  }
0x2a0: {  	_ =	sdelay $0x3  }
0x2a1: {  	s0 =	sshll.u32 s3, $0x6  }
0x2a2: {  	s0 =	sand.u32 $0x3FFFFFC0, s0  }
0x2a3: {  	v0 =	vld [tilespmem:s0+$0xA138];
	_ =	sdelay $0x2  }
0x2a4: {  	s4 =	sshll.u32 s5, $0x8  }
0x2a5: {  	s4 =	sshra.s32 s4, $0x2  }
0x2a6: {  	[tilespmem:s4+$0xA138] =	vst.add.f32.msk $0xffff, v0  }
0x2a7: {  	v0 =	vld [tilespmem:s0+$0xA148];
	_ =	sdelay $0x4  }
0x2a8: {  	[tilespmem:s4+$0xA148] =	vst.add.f32.msk $0xffff, v0  }
0x2a9: {  	v0 =	vld [tilespmem:s0+$0xA158];
	_ =	sdelay $0x4  }
0x2aa: {  	[tilespmem:s4+$0xA158] =	vst.add.f32.msk $0xffff, v0  }
0x2ab: {  	v0 =	vld [tilespmem:s0+$0xA168]  }
.Ltmp51:
0x2ac: {  	_ = 	snop;
	(pc) =	sbr.rel .LBB3_54-.Ltmp51, $2  }
0x2ad: {  	_ =	sdelay $0x2  }
0x2ae: {  	[tilespmem:s4+$0xA168] =	vst.add.f32.msk $0xffff, v0  }
.LBB3_55:
0x2af: {  	p1 =	slt.s32 s2, $0x1  }
.Ltmp52:
0x2b0: {  	_ = 	snop;
	(pc) =	sbr.rel @p1 .LBB3_59-.Ltmp52, $3  }
0x2b1: {  	_ =	sdelay $0x1  }
0x2b2: {  	s0 =	simm.s32 $0x8  }
0x2b3: {  	[sflag:s0] =	ssyncpa.u1 $0x1;
	s0 =	simm.s32 $0x0  }
0x2b4: {  	s3 =	simm.s32 $0xA118  }
0x2b5: {  	v0 =	vld.msk [tilespmem:s3+$0x0], $0x1;
	_ =	sdelay $0x4  }
0x2b6: {  	(v2sf) =	vpush v0, $0x0;
	_ =	sdelay $0xe  }
0x2b7: {  	s2 =	sadd.s32 $0xFFFFFFFF, s2;
	s4 =	spop (v2sf)  }
0x2b8: {  	p2 =	sne.s32 s2, $0x0;
	p1 =	sgt.u32 s4, $0x270F8  }
.Ltmp53:
0x2b9: {  	s5 =	sand.u32 @!p1 $0x3FFF8, s4;
	(pc) =	sbr.rel @!p2 .LBB3_58-.Ltmp53, $4  }
0x2ba: {  	s3 =	simm.s32 $0xA138;
	s4 =	sand.u32 @!p1 $0x7, s4;
	s5 =	sadd.s32 @!p1 s1, s5  }
0x2bb: {  	[hbm4b:s5+s4] =	stream.linear.scatter @!p1 [tilespmem:s3], [sflag:$0x7], $0x40, $0x38;
	[tilespmem:$0x1EF88] =	vst v63  }
0x2bc: {  	s5 =	simm.s32 $0x0  }
0x2bd: {  	s4 =	simm.s32 $0xA119;
	s5 =	simm.s32 @!p1 $0x100  }
.LBB3_57:
0x2be: {  	v0 =	vld.msk [tilespmem:s4+$0x0], $0x1;
	s2 =	sadd.s32 $0xFFFFFFFF, s2;
	s0 =	sadd.s32 s0, s5  }
0x2bf: {  	p1 =	sne.s32 s2, $0x0;
	_ =	sdelay $0x3  }
0x2c0: {  	(v2sf) =	vpush v0, $0x0;
	_ =	sdelay $0xe  }
.Ltmp54:
0x2c1: {  	s6 =	spop (v2sf);
	(pc) =	sbr.rel @p1 .LBB3_57-.Ltmp54, $4  }
0x2c2: {  	s5 =	simm.s32 $0x0;
	p2 =	sgt.u32 s6, $0x270F8  }
0x2c3: {  	s3 =	sadd.s32 $0x40, s3;
	s5 =	simm.s32 @!p2 $0x100;
	s7 =	sand.u32 @!p2 $0x3FFF8, s6  }
0x2c4: {  	s4 =	sadd.s32 $0x1, s4;
	s6 =	sand.u32 @!p2 $0x7, s6;
	s7 =	sadd.s32 @!p2 s1, s7  }
0x2c5: {  	[hbm4b:s7+s6] =	stream.linear.scatter @!p2 [tilespmem:s3], [sflag:$0x7], $0x40, $0x38;
	[tilespmem:$0x1EF88] =	vst v63  }
.LBB3_58:
0x2c6: {  	s0 =	sadd.s32 s0, s5  }
0x2c7: {  	s0 =	sshrl.u32 s0, $0x2  }
.LBB3_59:
0x2c8: {  	s1 =	simm.s32 $0x7  }
0x2c9: {  	_ =	swait.ge [sflag:s1], s0  }
0x2ca: {  	s31 =	ssub.s32 $0x0, s0;
	[sflag:s1] =	ssyncset.done $0x0  }
0x2cb: {  	[sflag:s1] =	ssyncadd.s32 s31  }
0x2cc: {  	[sflag:s1] =	ssyncpa.u1 $0x1  }
.LBB3_60:
0x2cd: {  	_ =	sfence;
	s0 =	simm.s32 $0x1  }
0x2ce: {  	[sflag:s0] =	ssyncpa.u1 $0x1  }
0x2cf: {  	_ =	strace $0x9000005F  }
0x2d0: {  	[bflag:$0x2] =	sbarrier.arrive $0xFFFF  }
0x2d1: {  	s0 =	rddreg [dreg:$0x3]  }
0x2d2: {  	s0 =	sadd.s32 @!p0 $0x100000, s0  }
0x2d3: {  	[sflag:s0] =	ssyncadd.tile.s32 @!p0 $0x1;
	_ =	shalt  }
.Lfunc_end3:
_tile_overlayer_lowered:
.L_overlay_start_3:
0x2d4: {  	(tag) =	ssettag $0x3  }
0x2d5: {  	s0 =	rddreg [dreg:$0x0];
	s2 =	stileid.u32  }
0x2d6: {  	s1 =	rddreg [dreg:$0x1];
	p0 =	sne.s32 s2, $0x0  }
0x2d7: {  	s3 =	rddreg [dreg:$0x2];
	[bflag:$0x3] =	sbarrier.arrive $0xFFFF;
	s2 =	simm.s32 @!p0 $0x1C01  }
0x2d8: {  	[timem:s3], [sflag:s2] =	dma.local @!p0 [hbm:s0], s1  }
0x2d9: {  	s0 =	simm.s32 @!p0 $0x1  }
0x2da: {  	_ =	swait.ge @!p0 [sflag:s0], s1  }
0x2db: {  	s1 =	ssub.s32 @!p0 $0x0, s1;
	[sflag:s0] =	ssyncset.done @!p0 $0x0  }
0x2dc: {  	[sflag:s0] =	ssyncadd.s32 @!p0 s1  }
0x2dd: {  	[bflag:$0x3] =	sbarrier.arrive $0xFFFF  }
0x2de: {  	_ =	shalt  }

// kernel: scatter_offload_async_start.3
scs
__scs_entry_jumppad:
0x0: {  	(pc) =	sbr.rel $0x88, $3  }
0x1: {  	(tag) =	ssettag $0x0;
	lr =	simm.s32 $0x1  }
0x2: {  	[smem:$0x3F70] =	sst lr;
	_ =	strace $0xD0000000  }
0x3: {  	_ = 	snop  }
0x4: {  	_ = 	snop  }
0x5: {  	_ = 	snop  }
0x6: {  	_ = 	snop  }
0x7: {  	_ = 	snop  }
__scs_overlays_trampoline_lowered:
0x8: {  	[smem:$0x3F7F] =	sst s0  }
0x9: {  	[smem:$0x3F80] =	sst s1  }
0xa: {  	[smem:$0x3F81] =	sst s2  }
0xb: {  	[smem:$0x3F82] =	sst s3  }
0xc: {  	[smem:$0x3F83] =	sst s4  }
0xd: {  	[smem:$0x3F84] =	sst s5  }
0xe: {  	[smem:$0x3F85] =	sst s6  }
0xf: {  	[smem:$0x3F86] =	sst s7  }
0x10: {  	[smem:$0x3F87] =	sst s8  }
0x11: {  	[smem:$0x3F88] =	sst s9;
	s0 =	simm.s32 @!p0 $0x0  }
0x12: {  	s1 =	sld [smem:$0x3F6E];
	s0 =	simm.s32 @p0 $0x1  }
0x13: {  	[smem:$0x3F89] =	sst s0;
	s0 =	simm.s32 @!p1 $0x0  }
0x14: {  	s2 =	sld [smem:$0x3F6D];
	s0 =	simm.s32 @p1 $0x1  }
0x15: {  	[smem:$0x3F8A] =	sst s0;
	s0 =	simm.s32 @!p2 $0x0  }
0x16: {  	s3 =	sld [smem:$0x3FDB];
	s0 =	simm.s32 @p2 $0x1  }
0x17: {  	s4 =	simm.s32 $0x1BF5;
	[smem:$0x3F8C] =	sst s0  }
0x18: {  	s0 =	sld [smem:$0x3F6F];
	_ =	swait.ge [sflag:s4], $0x0  }
0x19: {  	s7 =	sld [smem:$0x3F70]  }
0x1a: {  	s8 =	sadd.s32 $0xFFFFE003, lr  }
0x1b: {  	s9 =	sadd.s32 $0xFFFFFEF7, lr;
	s5 =	simm.s32 $0xFFFFFFFF;
	p2 =	slt.u32 s8, $0xFFFFF086  }
0x1c: {  	p1 =	slt.u32 s9, $0xF7A;
	s5 =	simm.s32 @!p2 $0x0  }
0x1d: {  	s5 =	simm.s32 @p1 $0x1;
	p0 =	seq.s32 s7, s2  }
0x1e: {  	s7 =	smul.u32 @!p0 $0xF7A, s2;
	p2 =	seq.s32 @!p0 s5, $0x0  }
0x1f: {  	s9 =	smul.u32 $0xF7A, s1;
	s8 =	simm.s32 @!p0 $0x1BF5;
	p2 =	por !p2, p0  }
0x20: {  	[sflag:s8] =	ssyncset.s32 @!p0 $0xFFFFF086;
	s6 =	sadd.s32 @!p0 s3, s7;
	s7 =	simm.s32 @!p0 $0x108  }
0x21: {  	s3 =	sadd.s32 s3, s9;
	s6 =	sadd.s32 @!p0 $0x88, s6;
	s7 =	simm.s32 @p2 $0x1082  }
0x22: {  	[simem:s7], [sflag:s8] =	dma.local @!p0 [hbm:s6], $0xF7A  }
0x23: {  	s9 =	sor.u32 $0xD0000000, s2;
	s6 =	simm.s32 $0x108;
	_ =	swait.ge @!p0 [sflag:s8], $0x0  }
0x24: {  	s3 =	sadd.s32 $0x88, s3;
	s6 =	simm.s32 @!p1 $0x1082;
	[sflag:s4] =	ssyncset.s32 $0xFFFFF086  }
0x25: {  	[simem:s6], [sflag:s4] =	dma.local [hbm:s3], $0xF7A  }
0x26: {  	[smem:$0x3F70] =	sst s1;
	(tag) =	ssettag s2;
	_ =	strace s9  }
0x27: {  	s1 =	sld [smem:$0x3F80]  }
0x28: {  	s2 =	sld [smem:$0x3F81]  }
0x29: {  	s4 =	sld [smem:$0x3F83]  }
0x2a: {  	p0 =	seq.s32 s5, $0x0;
	s5 =	sld [smem:$0x3F84]  }
0x2b: {  	s6 =	sld [smem:$0x3F85]  }
0x2c: {  	s7 =	sld [smem:$0x3F86]  }
0x2d: {  	s3 =	simm.s32 $0x108;
	s8 =	sld [smem:$0x3F87]  }
0x2e: {  	s3 =	simm.s32 @!p0 $0x1082;
	s9 =	sld [smem:$0x3F88]  }
0x2f: {  	lr =	sadd.s32 s0, s3;
	s0 =	sld [smem:$0x3F7F]  }
0x30: {  	s3 =	sld [smem:$0x3F82]  }
0x31: {  	[smem:$0x3F8B] =	sst s10  }
0x32: {  	s10 =	sld [smem:$0x3F89];
	_ =	sdelay $0x3  }
0x33: {  	p0 =	seq.s32 s10, $0x1;
	s10 =	sld [smem:$0x3F8B];
	_ =	sdelay $0x3  }
0x34: {  	[smem:$0x3F8B] =	sst s10  }
0x35: {  	s10 =	sld [smem:$0x3F8A];
	_ =	sdelay $0x3  }
0x36: {  	p1 =	seq.s32 s10, $0x1;
	s10 =	sld [smem:$0x3F8B];
	_ =	sdelay $0x3  }
0x37: {  	[smem:$0x3F8B] =	sst s10  }
0x38: {  	s10 =	sld [smem:$0x3F8C]  }
0x39: {  	_ = 	snop;
	(pc) =	sbr.ind lr, $3  }
0x3a: {  	_ = 	snop  }
0x3b: {  	_ = 	snop  }
0x3c: {  	p2 =	seq.s32 s10, $0x1;
	s10 =	sld [smem:$0x3F8B]  }
0x3d: {  	_ =	shalt  }
0x3e: {  	_ =	shalt  }
0x3f: {  	_ =	shalt  }
0x40: {  	_ =	shalt  }
0x41: {  	_ =	shalt  }
0x42: {  	_ =	shalt  }
0x43: {  	_ =	shalt  }
0x44: {  	_ =	shalt  }
0x45: {  	_ =	shalt  }
0x46: {  	_ =	shalt  }
0x47: {  	_ =	shalt  }
0x48: {  	_ =	shalt  }
0x49: {  	_ =	shalt  }
0x4a: {  	_ =	shalt  }
0x4b: {  	_ =	shalt  }
0x4c: {  	_ =	shalt  }
0x4d: {  	_ =	shalt  }
0x4e: {  	_ =	shalt  }
0x4f: {  	_ =	shalt  }
0x50: {  	_ =	shalt  }
0x51: {  	_ =	shalt  }
0x52: {  	_ =	shalt  }
0x53: {  	_ =	shalt  }
0x54: {  	_ =	shalt  }
0x55: {  	_ =	shalt  }
0x56: {  	_ =	shalt  }
0x57: {  	_ =	shalt  }
0x58: {  	_ =	shalt  }
0x59: {  	_ =	shalt  }
0x5a: {  	_ =	shalt  }
0x5b: {  	_ =	shalt  }
0x5c: {  	_ =	shalt  }
0x5d: {  	_ =	shalt  }
0x5e: {  	_ =	shalt  }
0x5f: {  	_ =	shalt  }
0x60: {  	_ =	shalt  }
0x61: {  	_ =	shalt  }
0x62: {  	_ =	shalt  }
0x63: {  	_ =	shalt  }
0x64: {  	_ =	shalt  }
0x65: {  	_ =	shalt  }
0x66: {  	_ =	shalt  }
0x67: {  	_ =	shalt  }
0x68: {  	_ =	shalt  }
0x69: {  	_ =	shalt  }
0x6a: {  	_ =	shalt  }
0x6b: {  	_ =	shalt  }
0x6c: {  	_ =	shalt  }
0x6d: {  	_ =	shalt  }
0x6e: {  	_ =	shalt  }
0x6f: {  	_ =	shalt  }
0x70: {  	_ =	shalt  }
0x71: {  	_ =	shalt  }
0x72: {  	_ =	shalt  }
0x73: {  	_ =	shalt  }
0x74: {  	_ =	shalt  }
0x75: {  	_ =	shalt  }
0x76: {  	_ =	shalt  }
0x77: {  	_ =	shalt  }
0x78: {  	_ =	shalt  }
0x79: {  	_ =	shalt  }
0x7a: {  	_ =	shalt  }
0x7b: {  	_ =	shalt  }
0x7c: {  	_ =	shalt  }
0x7d: {  	_ =	shalt  }
0x7e: {  	_ =	shalt  }
0x7f: {  	_ =	shalt  }
0x80: {  	_ =	shalt  }
0x81: {  	_ =	shalt  }
0x82: {  	_ =	shalt  }
0x83: {  	_ =	shalt  }
0x84: {  	_ =	shalt  }
0x85: {  	_ =	shalt  }
0x86: {  	_ =	shalt  }
0x87: {  	_ =	shalt  }
.Lfunc_end0:
.L_simem_size_0:
called_computation.3_lowered:
.L_overlay_start_0:
0x88: {  	s2 =	sld [smem:$0x3FD9]  }
0x89: {  	s3 =	sld [smem:$0x3FFE];
	_ =	sdelay $0x1  }
0x8a: {  	s1 =	srdreg.scid  }
0x8b: {  	s0 =	sand.u32 $0x1, s1  }
0x8c: {  	s15 =	sshll.u32 s0, $0xA;
	s2 =	sadd.s32 s3, s2  }
0x8d: {  	s2 =	sadd.s32 s2, s15  }
0x8e: {  	[smem:$0x3F97] =	sst s2  }
0x8f: {  	_ = 	snop  }
0x90: {  	(tm) =	ssettm $0x1  }
0x91: {  	s16 =	sld [smem:$0x3FFB];
	_ =	sdelay $0x3  }
0x92: {  	_ =	strace s16  }
0x93: {  	s2 =	sld [smem:$0x3FFC];
	_ =	sdelay $0x3  }
0x94: {  	_ =	strace s2  }
0x95: {  	s2 =	sld [smem:$0x3FFD];
	_ =	sdelay $0x3  }
0x96: {  	_ =	strace s2  }
0x97: {  	_ =	strace $0x8FFFFFFF  }
0x98: {  	s17 =	sld [smem:$0x3FDB];
	_ =	sdelay $0x1  }
0x99: {  	s18 =	simm.s32 $_scs_section_size  }
0x9a: {  	s4 =	simm.s32 $_size__tile_overlayer_lowered;
	s5 =	simm.s32 $_tile_overlayer_lowered  }
0x9b: {  	s6 =	simm.s32 $0x1BFF;
	s19 =	sshll.u32 s5, $0x1;
	s3 =	sadd.s32 s18, s17  }
0x9c: {  	s20 =	simm.s32 $0x0;
	s4 =	sshll.u32 s4, $0x1;
	s5 =	sadd.s32 s19, s3  }
0x9d: {  	[timem:s20], [sflag:s6] =	dma.local [hbm:s5], s4  }
0x9e: {  	_ =	swait.ge [sflag:s6], s4  }
0x9f: {  	s4 =	ssub.s32 $0x0, s4;
	[sflag:s6] =	ssyncset.done $0x0  }
0xa0: {  	[sflag:s6] =	ssyncadd.s32 s4;
	_ =	sdelay $0x1  }
0xa1: {  	s21 =	simm.s32 $0x1B8B  }
0xa2: {  	_ =	swait.ge [sflag:s21], $0x1  }
0xa3: {  	[sflag:s21] =	ssyncset.done $0x0  }
0xa4: {  	s22 =	sld [smem:$0x3FFE];
	[sflag:s21] =	ssyncadd.s32 $0xFFFFFFFF  }
0xa5: {  	s24 =	simm.s32 $0x1B8E;
	s23 =	sld [smem:$0x0]  }
0xa6: {  	s25 =	simm.s32 $execute0_lowered;
	[smem:$0x3FD2] =	sst s24  }
0xa7: {  	s6 =	sshll.u32 s25, $0x1;
	_ =	strace $0x80000064;
	[dreg:$0x1] =	wrdreg $0xFFFFFFFF  }
0xa8: {  	s7 =	simm.s32 $_size_execute0_lowered;
	s6 =	sadd.s32 s3, s6;
	[dreg:$0x0] =	wrdreg $0x0  }
0xa9: {  	s7 =	sshll.u32 s7, $0x1;
	[dreg:$0x2] =	wrdreg s6  }
0xaa: {  	[dreg:$0x3] =	wrdreg s7  }
0xab: {  	[dreg:$0x4] =	wrdreg $0xC0  }
0xac: {  	s26 =	simm.s32 $execute1_lowered;
	_ =	task [dreg:s20], $0x5FFFF  }
0xad: {  	s6 =	sshll.u32 s26, $0x1;
	[dreg:$0x1] =	wrdreg $0xFFFFFFFF  }
0xae: {  	s3 =	sadd.s32 s3, s6;
	[dreg:$0x0] =	wrdreg $0x60  }
0xaf: {  	[dreg:$0x2] =	wrdreg s3  }
0xb0: {  	[dreg:$0x3] =	wrdreg s22  }
0xb1: {  	[dreg:$0x4] =	wrdreg $0x9  }
0xb2: {  	_ =	task.clear_ibuf [dreg:s20], $0x5FFFF;
	_ =	strace $0x90000064  }
0xb3: {  	s28 =	simm.s32 $0x9;
	_ =	strace $0x80000066  }
0xb4: {  	_ =	swait.ge [sflag:s28], $0x1  }
0xb5: {  	[sflag:s28] =	ssyncadd.s32 $0xFFFFFFFF  }
0xb6: {  	_ =	strace $0x90000066  }
0xb7: {  	s3 =	sld [smem:$0x0]  }
0xb8: {  	s6 =	sand.u32 $0xFFFFFFFE, s1  }
0xb9: {  	p0 =	sne.s32 s1, s6  }
0xba: {  	s6 =	sshll.u32 @p0 s6, $0xE  }
0xbb: {  	s6 =	sadd.s32 @p0 $0x11BF3, s6;
	s7 =	sshll.u32 @p0 s3, $0x11  }
0xbc: {  	s6 =	sor.u32 @p0 s7, s6  }
0xbd: {  	[sflag:s6] =	ssyncadd.remote.s32 @p0 $0x1;
	_ =	sdelay $0x1  }
0xbe: {  	s6 =	simm.s32 @p0 $0x1BF3  }
0xbf: {  	_ =	swait.eq @p0 [sflag:s6], $0x1  }
0xc0: {  	[sflag:s6] =	ssyncadd.s32 @p0 $0xFFFFFFFF  }
0xc1: {  	s7 =	sshll.u32 @!p0 s1, $0xE  }
0xc2: {  	s7 =	sor.u32 @!p0 $0x4000, s7;
	s6 =	simm.s32 @!p0 $0x1BF3  }
0xc3: {  	s3 =	sshll.u32 @!p0 s3, $0x11;
	s7 =	sadd.s32 @!p0 $0x11BF3, s7;
	_ =	swait.eq @!p0 [sflag:s6], $0x1  }
0xc4: {  	s3 =	sor.u32 @!p0 s3, s7;
	[sflag:s6] =	ssyncadd.s32 @!p0 $0xFFFFFFFF  }
0xc5: {  	[sflag:s3] =	ssyncadd.remote.s32 @!p0 $0x1  }
0xc6: {  	_ =	strace $0x80000067;
	[dreg:$0x1] =	wrdreg $0xFFFFFFFF  }
0xc7: {  	[dreg:$0x0] =	wrdreg $0x2030  }
0xc8: {  	[dreg:$0x2] =	wrdreg s22  }
0xc9: {  	[dreg:$0x3] =	wrdreg s1  }
0xca: {  	[dreg:$0x4] =	wrdreg s23  }
0xcb: {  	[dreg:$0x5] =	wrdreg $0xA  }
0xcc: {  	_ =	task.clear_ibuf [dreg:s20], $0x6FFFF;
	_ =	strace $0x90000067  }
0xcd: {  	s29 =	simm.s32 $0xA;
	_ =	strace $0x80000069  }
0xce: {  	_ =	swait.ge [sflag:s29], $0x1  }
0xcf: {  	[sflag:s29] =	ssyncadd.s32 $0xFFFFFFFF  }
0xd0: {  	_ =	strace $0x90000069  }
0xd1: {  	_ =	sfence  }
0xd2: {  	s30 =	sld [smem:$0x0];
	_ =	sdelay $0x2  }
0xd3: {  	s31 =	sshll.u32 s1, $0xD;
	s1 =	sshrl.u32 s1, $0x2  }
0xd4: {  	s4 =	sand.u32 $0x4000, s31;
	s1 =	sadd.s32 s1, s30  }
0xd5: {  	s0 =	sor.u32 s4, s0;
	s1 =	sshll.u32 s1, $0x11  }
0xd6: {  	s0 =	sor.u32 s1, s0  }
0xd7: {  	s0 =	sadd.s32 $0x8F2B, s0  }
0xd8: {  	[sflag:s0] =	ssyncadd.remote.s32 $0x1  }
0xd9: {  	_ =	sfence.sel $0xFFFF  }
0xda: {  	[dreg:$0x0] =	wrdreg $0xFFFFFFFF;
	(pc) =	sbr.abs _section_cstart, $3  }
0xdb: {  	[dreg:$0x1] =	wrdreg $0xFFFFFFFF  }
0xdc: {  	_ =	task.clear_ibuf [dreg:s20], $0x2FFFF;
	_ =	strace $0x9FFFFFFF  }
0xdd: {  	(tm) =	ssettm $0x7FFFFFFF  }
tec
execute0_lowered:
.L_overlay_start_1:
0x0: {  	(tag) =	ssettag $0x1  }
0x1: {  	s2 =	rddreg [dreg:$0x0]  }
0x2: {  	s5 =	rddreg [dreg:$0x1]  }
0x3: {  	s0 =	rddreg [dreg:$0x2];
	s3 =	stileid.u32;
	[bflag:$0x3] =	sbarrier.arrive $0xFFFF  }
0x4: {  	s1 =	simm.s32 $_size_execute1_lowered;
	s29 =	srdreg.scid;
	s31 =	simm.s32 $0x2  }
0x5: {  	s13 =	simm.s32 $0x0;
	s8 =	simm.s32 $0x40;
	p0 =	sne.s32 s3, $0x0  }
0x6: {  	s1 =	sshll.u32 s1, $0x1;
	s4 =	simm.s32 @!p0 $0x1C3F;
	s6 =	simm.s32 @!p0 $0x4060  }
0x7: {  	[timem:s6], [sflag:s4] =	dma.local @!p0 [hbm:s2], s1  }
0x8: {  	s9 =	simm.s32 $0x80;
	s11 =	simm.s32 $0x0;
	s2 =	sshll.u32 s29, $0x8  }
.Ltmp0:
0x9: {  	s3 =	sshll.u32 s3, $0x9;
	s30 =	sand.u32 $0x100, s2;
	(pc) =	sbr.rel .LBB2_1-.Ltmp0, $4  }
0xa: {  	s12 =	simm.s32 $0x0;
	s4 =	simm.s32 $0x1;
	s3 =	sor.u32 s3, s30  }
0xb: {  	_ =	strace $0x80000065;
	s2 =	sadd.s32 $0xF3200, s5;
	s7 =	ssub.s32 $0x2700, s3  }
0xc: {  	s5 =	sadd.s32 $0x15C00, s5;
	[sflag:s4] =	ssyncpa.u1 $0x0;
	s6 =	sshrl.u32 s7, $0xD  }
0xd: {  	[sflag:s31] =	ssyncpa.u1 $0x0;
	s10 =	smov.u32 s3;
	s7 =	sor.u32 $0x2, s6  }
.LBB2_5:
0xe: {  	_ =	sdelay $0x3  }
0xf: {  	[tilespmem:v3+s18+$0x0 ss:$0x1] =	vst.idx.msk $0xffff, v1  }
0x10: {  	[tilespmem:v3+s17+$0x0 ss:$0x1] =	vst.idx.msk $0xffff, v2  }
0x11: {  	[tilespmem:v3+s16+$0x0 ss:$0x1] =	vst.idx.msk $0xffff, v4  }
0x12: {  	[tilespmem:v3+s19+$0x0 ss:$0x1] =	vst.idx.msk $0xffff, v5  }
.LBB2_6:
0x13: {  	s16 =	sand.u32 $0x1FFFFFF, s11  }
0x14: {  	s17 =	smulhi.u32 $0x1A36E2F, s16;
	_ =	sdelay $0x1  }
0x15: {  	s17 =	sshrl.u32 s17, $0x6  }
0x16: {  	s17 =	smul.u32 $0x2710, s17;
	_ =	sdelay $0x1  }
0x17: {  	s16 =	ssub.s32 s16, s17  }
0x18: {  	s16 =	sshll.u32 s16, $0x4  }
0x19: {  	s16 =	sadd.s32 s5, s16  }
0x1a: {  	[hbm4b:s16+s8] =	stream.strided.scatter [tilespmem:s15], [sflag:$0x2], s14, s9, s8, $0x38;
	[tilespmem:$0x10000] =	vst v63  }
.LBB2_7:
0x1b: {  	p1 =	slt.u32 s12, $0x2  }
0x1c: {  	p2 =	sgt.s32 @!p1 s13, $0x2610  }
0x1d: {  	s14 =	smov.u32 s13;
	s15 =	sshra.s32 @!p1 s13, $0x1F;
	p2 =	por !p2, p1  }
0x1e: {  	s13 =	sand.u32 @!p1 s15, s13;
	s14 =	simm.s32 @p2 $0x2610  }
0x1f: {  	s13 =	ssub.s32 @!p1 s14, s13  }
0x20: {  	s13 =	sadd.s32 @!p1 $0xFFFFD9F0, s13  }
0x21: {  	s14 =	sshll.u32 @!p1 s13, $0x8  }
0x22: {  	p2 =	sgt.s32 @!p1 s13, $0xFF;
	s13 =	ssub.s32 @!p1 $0x10000, s14  }
0x23: {  	s15 =	sadd.s32 $0x2000, s10;
	p2 =	por !p2, p1;
	s13 =	sshrl.u32 @!p1 s13, $0x2  }
0x24: {  	s13 =	simm.s32 @!p2 $0x0;
	p2 =	sgt.s32 s15, $0x270F  }
0x25: {  	s15 =	smov.u32 @p2 s3;
	p2 =	sne.s32 s12, s7  }
.Ltmp1:
0x26: {  	_ = 	snop;
	(pc) =	sbr.rel @!p2 .LBB2_8-.Ltmp1, $4  }
0x27: {  	s14 =	simm.s32 @!p1 $0x2  }
0x28: {  	_ =	swait.ge @!p1 [sflag:s14], s13;
	s16 =	ssub.s32 @!p1 $0x0, s13  }
0x29: {  	s13 =	smov.u32 s11;
	s12 =	sadd.s32 $0x1, s12;
	[sflag:s14] =	ssyncset.done @!p1 $0x0  }
0x2a: {  	s11 =	smov.u32 s10;
	s10 =	smov.u32 s15;
	[sflag:s14] =	ssyncadd.s32 @!p1 s16  }
.LBB2_1:
0x2b: {  	p1 =	sgt.u32 s12, s6  }
0x2c: {  	s15 =	smov.u32 s10;
	p2 =	sgt.s32 @!p1 s10, $0x2610  }
0x2d: {  	s14 =	sand.u32 @!p1 $0x1FFFFFF, s10;
	s16 =	sshra.s32 @!p1 s10, $0x1F;
	p2 =	por !p2, p1  }
0x2e: {  	s17 =	smulhi.u32 @!p1 $0x1A36E2F, s14;
	s16 =	sand.u32 @!p1 s16, s10;
	s15 =	simm.s32 @p2 $0x2610  }
0x2f: {  	s15 =	ssub.s32 @!p1 s15, s16  }
0x30: {  	s16 =	sshrl.u32 @!p1 s17, $0x6;
	s15 =	sadd.s32 @!p1 $0xFFFFD9F0, s15  }
0x31: {  	s17 =	sxor.u32 @!p1 $0xFFFFFFFF, s12;
	s16 =	smul.u32 @!p1 $0x2710, s16;
	s18 =	sshll.u32 @!p1 s15, $0x8  }
0x32: {  	s17 =	sshll.u32 @!p1 s17, $0xE;
	p2 =	sgt.s32 @!p1 s15, $0xFF;
	s15 =	ssub.s32 @!p1 $0x10000, s18  }
0x33: {  	s14 =	ssub.s32 @!p1 s14, s16;
	p2 =	por !p2, p1;
	s16 =	sand.u32 @!p1 $0x4000, s17  }
0x34: {  	s17 =	simm.s32 @!p1 $0x40;
	s15 =	sshrl.u32 @!p1 s15, $0x2;
	s14 =	sshll.u32 @!p1 s14, $0x4  }
0x35: {  	s18 =	simm.s32 @!p1 $0x80;
	s15 =	simm.s32 @!p2 $0x0;
	s14 =	sadd.s32 @!p1 s2, s14  }
0x36: {  	[tilespmem:s16], [sflag:$0x1] =	stream.strided.gather @!p1 [hbm4b:s14+s17], s15, s18, s17, $0x38;
	[tilespmem:$0x10000] =	vst v63  }
0x37: {  	p1 =	seq.s32 s12, $0x0  }
0x38: {  	p2 =	sge.u32 @!p1 s12, s7  }
0x39: {  	p1 =	por p1, p2  }
.Ltmp2:
0x3a: {  	_ = 	snop;
	(pc) =	sbr.rel @p1 .LBB2_7-.Ltmp2, $1  }
0x3b: {  	_ =	sdelay $0x3  }
0x3c: {  	p1 =	sgt.s32 s11, $0x2610;
	s14 =	smov.u32 s11;
	s15 =	sshra.s32 s11, $0x1F  }
0x3d: {  	s14 =	simm.s32 @!p1 $0x2610;
	s15 =	sand.u32 s15, s11  }
0x3e: {  	s14 =	ssub.s32 s14, s15  }
0x3f: {  	s14 =	sadd.s32 $0xFFFFD9F0, s14  }
0x40: {  	s31 =	sshll.u32 s14, $0x8  }
0x41: {  	s15 =	ssub.s32 $0x10000, s31  }
0x42: {  	p1 =	sgt.s32 s14, $0xFF;
	s14 =	sshrl.u32 s15, $0x2;
	s15 =	sadd.s32 $0x100, s11  }
0x43: {  	s14 =	simm.s32 @p1 $0x0;
	p1 =	slt.s32 s15, $0x2710  }
0x44: {  	s15 =	simm.s32 @!p1 $0x2710  }
0x45: {  	s20 =	ssub.s32 s15, s11  }
0x46: {  	p1 =	slt.s32 s20, $0x1  }
.Ltmp3:
0x47: {  	_ = 	snop;
	(pc) =	sbr.rel @p1 .LBB2_6-.Ltmp3, $4  }
0x48: {  	_ = 	snop  }
0x49: {  	s16 =	sshll.u32 s12, $0xE;
	_ =	swait.ge [sflag:s4], s14  }
0x4a: {  	s16 =	sand.u32 $0x4000, s16;
	s17 =	ssub.s32 $0x0, s14;
	[sflag:s4] =	ssyncset.done $0x0  }
0x4b: {  	s15 =	sor.u32 $0x8000, s16;
	[sflag:s4] =	ssyncadd.s32 s17  }
0x4c: {  	v0 =	vmov s16;
	_ =	sdelay $0x2  }
0x4d: {  	s31 =	simm.s32 $0x0;
	p1 =	sne.s32 s20, $0x1  }
.Ltmp4:
0x4e: {  	s18 =	sand.u32 $0x3FC0, s31;
	(pc) =	sbr.rel @!p1 .LBB2_5-.Ltmp4, $4  }
0x4f: {  	s17 =	sor.u32 $0x30, s18;
	v1 =	vld.idx.msk [tilespmem:v0+s18+$0x0 ss:$0x1], $0xffff  }
0x50: {  	v3 =	vmov s15;
	s16 =	sor.u32 $0x10, s18;
	v2 =	vld.idx.msk [tilespmem:v0+s17+$0x0 ss:$0x1], $0xffff  }
0x51: {  	s19 =	sor.u32 $0x20, s18;
	v4 =	vld.idx.msk [tilespmem:v0+s16+$0x0 ss:$0x1], $0xffff  }
0x52: {  	s20 =	sadd.s32 $0xFFFFFFFF, s20;
	s21 =	simm.s32 $0x40;
	v5 =	vld.idx.msk [tilespmem:v0+s19+$0x0 ss:$0x1], $0xffff  }
.LBB2_4:
0x53: {  	s22 =	sand.u32 $0x3FC0, s21  }
0x54: {  	p1 =	sne.s32 s20, $0x1;
	s20 =	sadd.s32 $0xFFFFFFFF, s20;
	s23 =	sor.u32 $0x10, s22  }
.Ltmp5:
0x55: {  	s24 =	sor.u32 $0x20, s22;
	s25 =	sor.u32 $0x30, s22;
	[tilespmem:v3+s18+$0x0 ss:$0x1] =	vst.idx.msk $0xffff, v1;
	v1 =	vld.idx.msk [tilespmem:v0+s22+$0x0 ss:$0x1], $0xffff;
	(pc) =	sbr.rel @p1 .LBB2_4-.Ltmp5, $4  }
0x56: {  	s18 =	smov.u32 s22;
	[tilespmem:v3+s17+$0x0 ss:$0x1] =	vst.idx.msk $0xffff, v2;
	v2 =	vld.idx.msk [tilespmem:v0+s25+$0x0 ss:$0x1], $0xffff;
	s17 =	smov.u32 s25  }
0x57: {  	[tilespmem:v3+s16+$0x0 ss:$0x1] =	vst.idx.msk $0xffff, v4;
	v4 =	vld.idx.msk [tilespmem:v0+s23+$0x0 ss:$0x1], $0xffff;
	s16 =	smov.u32 s23  }
0x58: {  	[tilespmem:v3+s19+$0x0 ss:$0x1] =	vst.idx.msk $0xffff, v5;
	v5 =	vld.idx.msk [tilespmem:v0+s24+$0x0 ss:$0x1], $0xffff;
	s19 =	smov.u32 s24  }
0x59: {  	s21 =	sadd.s32 $0x40, s21  }
.Ltmp6:
0x5a: {  	_ = 	snop;
	(pc) =	sbr.rel .LBB2_5-.Ltmp6, $1  }
0x5b: {  	_ =	sdelay $0x3  }
.LBB2_8:
0x5c: {  	_ =	sfence.sel $0x180000  }
0x5d: {  	s2 =	simm.s32 $0x1;
	[bflag:$0x0] =	sbarrier.arrive $0xFFFF  }
0x5e: {  	s31 =	simm.s32 $0x2;
	[sflag:s2] =	ssyncpa.u1 $0x1  }
0x5f: {  	[sflag:s31] =	ssyncpa.u1 $0x1  }
0x60: {  	_ =	strace $0x90000065  }
0x61: {  	s0 =	sadd.s32 @!p0 $0x100000, s0;
	[bflag:$0x2] =	sbarrier.arrive $0xFFFF  }
0x62: {  	[sflag:s0] =	ssyncadd.tile.s32 @!p0 $0x1;
	s0 =	simm.s32 @!p0 $0x3F  }
0x63: {  	_ =	swait.ge @!p0 [sflag:s0], s1  }
0x64: {  	s1 =	ssub.s32 @!p0 $0x0, s1;
	[sflag:s0] =	ssyncset.done @!p0 $0x0  }
0x65: {  	[sflag:s0] =	ssyncadd.s32 @!p0 s1  }
0x66: {  	[bflag:$0x3] =	sbarrier.arrive $0xFFFF  }
0x67: {  	_ =	shalt  }
.Lfunc_end2:
execute1_lowered:
.L_overlay_start_2:
0x68: {  	(tag) =	ssettag $0x2  }
0x69: {  	s2 =	rddreg [dreg:$0x0]  }
0x6a: {  	s3 =	rddreg [dreg:$0x1];
	_ =	strace $0x80000068;
	s0 =	simm.s32 $0x1  }
0x6b: {  	s4 =	simm.s32 $0x88;
	v0 =	vimm.s32 $0x0;
	[sflag:s0] =	ssyncpa.u1 $0x0  }
0x6c: {  	s1 =	sadd.s32 $0x15C00, s2;
	s0 =	sadd.s32 $0x149600, s2;
	[tilespmem:s4+$0x30] =	vst v0  }
0x6d: {  	s6 =	sadd.s32 $0x151600, s2;
	s3 =	sand.u32 $0x1, s3;
	s14 =	sadd.s32 $0xDC00, s2;
	[tilespmem:s4+$0x20] =	vst v0  }
0x6e: {  	s2 =	simm.s32 $0x40;
	[dreg:$0x4] =	wrdreg s3;
	s15 =	sshll.u32 s3, $0xE;
	[tilespmem:s4+$0x10] =	vst v0  }
.LBB3_1:
0x6f: {  	s2 =	sadd.s32 $0x40, s2  }
0x70: {  	[tilespmem:s4+$0x0] =	vst v0;
	s4 =	sadd.s32 $0x40, s4;
	p0 =	slt.u32 s2, $0x5040  }
.Ltmp7:
0x71: {  	(pc) =	sbr.rel @p0 .LBB3_1-.Ltmp7, $4  }
0x72: {  	_ = 	snop  }
0x73: {  	[tilespmem:s4+$0x30] =	vst v0  }
0x74: {  	[tilespmem:s4+$0x20] =	vst v0  }
0x75: {  	[tilespmem:s4+$0x10] =	vst v0  }
0x76: {  	s9 =	stileid.u32  }
0x77: {  	s2 =	smul.u32 $0x19, s9  }
0x78: {  	s3 =	smin.u32 s9, $0xA  }
0x79: {  	s2 =	sadd.s32 s3, s2  }
0x7a: {  	p0 =	slt.u32 s9, $0xA;
	s7 =	smul.u32 $0x140, s2;
	s2 =	simm.s32 $0x2080  }
0x7b: {  	s2 =	simm.s32 @!p0 $0x1F40  }
0x7c: {  	s2 =	sadd.s32 s2, s7  }
0x7d: {  	s8 =	smin.u32 s2, $0x20000  }
0x7e: {  	s2 =	ssub.s32 s8, s7  }
0x7f: {  	p0 =	sgt.s32 s2, $0x0  }
0x80: {  	s28 =	simm.s32 $0x2;
	s30 =	simm.s32 $0x9;
	s2 =	simm.s32 @!p0 $0x0  }
0x81: {  	s31 =	simm.s32 $0xA;
	s11 =	simm.s32 $0xB;
	s29 =	smulhi.u32 $0x66666667, s2  }
0x82: {  	s12 =	simm.s32 $0x1;
	s14 =	sadd.s32 s15, s14;
	s15 =	sadd.s32 s15, s0  }
0x83: {  	s18 =	simm.s32 $0x0;
	p1 =	por $0x0, $0x0;
	s3 =	sshrl.u32 s29, $0x7  }
0x84: {  	s19 =	simm.s32 $0xC;
	s23 =	simm.s32 $0x0;
	s5 =	smul.u32 $0x140, s3  }
.Ltmp8:
0x85: {  	[tilespmem:s4+$0x0] =	vst v0;
	v0 =	vimm.s32 $0xFFFFFFFF;
	s20 =	simm.s32 $0x0;
	[sflag:s28] =	ssyncpa.u1 $0x0;
	(pc) =	sbr.rel .LBB3_3-.Ltmp8, $4  }
0x86: {  	[tilespmem:$0xA108] =	vst v0;
	[sflag:s30] =	ssyncpa.u1 $0x0;
	p0 =	sne.s32 s2, s5;
	s2 =	simm.s32 $0x1  }
0x87: {  	s22 =	simm.s32 $0x0;
	[sflag:s31] =	ssyncpa.u1 $0x0;
	s2 =	simm.s32 @!p0 $0x0  }
0x88: {  	s16 =	sshll.u32 s9, $0x7;
	[sflag:s11] =	ssyncpa.u1 $0x0;
	s13 =	sadd.s32 s2, s3  }
0x89: {  	v0 =	vlaneseq.u32;
	s21 =	smov.u32 s7;
	p0 =	por $0x1, $0x1;
	s17 =	sadd.s32 $0x1, s13  }
.LBB3_24:
0x8a: {  	s0 =	sshrl.u32 s0, $0x2  }
.LBB3_26:
0x8b: {  	_ =	swait.ge [sflag:s19], s0  }
0x8c: {  	s30 =	ssub.s32 $0x0, s0;
	v1 =	vmov s25;
	vm0 =	veq.s32 v0, $0x0;
	[sflag:s19] =	ssyncset.done $0x0  }
0x8d: {  	vm15 =	veq.s32 v0, $0x2;
	v1 =	vsel vm0, s31, v1;
	[sflag:s19] =	ssyncadd.s32 s30  }
0x8e: {  	v1 =	vsel vm15, s23, v1;
	[sflag:s19] =	ssyncpa.u1 $0x1  }
0x8f: {  	[tilespmem:$0xA108] =	vst v1  }
.LBB3_27:
0x90: {  	s0 =	sadd.s32 $0x140, s21  }
0x91: {  	s2 =	smov.u32 s7;
	p2 =	slt.s32 s0, s8  }
0x92: {  	s2 =	smov.u32 @p2 s0;
	p2 =	sne.s32 s22, s17  }
.Ltmp9:
0x93: {  	_ = 	snop;
	(pc) =	sbr.rel @!p2 .LBB3_28-.Ltmp9, $4  }
0x94: {  	_ = 	snop  }
0x95: {  	s23 =	smov.u32 s20  }
0x96: {  	s31 =	sadd.s32 $0x1, s22;
	s20 =	smov.u32 s21;
	p0 =	por !p0, !p0  }
0x97: {  	p1 =	por !p1, !p1;
	s22 =	smov.u32 s31;
	s21 =	smov.u32 s2  }
.LBB3_3:
0x98: {  	p2 =	sge.u32 s22, s13  }
0x99: {  	s0 =	smulhi.u32 @!p2 $0xAAAAAAAB, s22  }
0x9a: {  	s2 =	smov.u32 s21;
	p3 =	sgt.s32 @!p2 s21, $0x1FEC0  }
0x9b: {  	s3 =	sshra.s32 @!p2 s21, $0x1F;
	p3 =	por !p3, p2;
	s0 =	sshrl.u32 @!p2 s0, $0x1  }
0x9c: {  	s3 =	sand.u32 @!p2 s3, s21;
	s2 =	simm.s32 @p3 $0x1FEC0;
	s0 =	smul.u32 @!p2 $0x3, s0  }
0x9d: {  	s2 =	ssub.s32 @!p2 s2, s3  }
0x9e: {  	s2 =	sadd.s32 @!p2 $0xFFFE0140, s2;
	s0 =	ssub.s32 @!p2 s22, s0  }
0x9f: {  	s3 =	sshll.u32 @!p2 s2, $0x2;
	p3 =	sgt.s32 @!p2 s2, $0x13F;
	s0 =	smul.u32 @!p2 $0x500, s0  }
0xa0: {  	s4 =	sand.u32 @!p2 $0x7, s21;
	s2 =	ssub.s32 @!p2 $0x500, s3;
	p3 =	por !p3, p2  }
0xa1: {  	s3 =	sshrl.u32 @!p2 s21, $0x3;
	s2 =	sshrl.u32 @!p2 s2, $0x2;
	s0 =	sshrl.u32 @!p2 s0, $0x2  }
0xa2: {  	s3 =	sadd.s32 @!p2 s3, s14;
	s2 =	simm.s32 @!p3 $0x0;
	s0 =	sadd.s32 @!p2 $0xA948, s0  }
0xa3: {  	[tilespmem:s0], [sflag:$0xA] =	stream.linear.gather @!p2 [hbm4b:s3+s4], s2, $0x38;
	[tilespmem:$0x1EF88] =	vst v63  }
0xa4: {  	s4 =	sadd.s32 $0xFFFFFFFF, s22  }
0xa5: {  	p2 =	sge.u32 s4, s13  }
0xa6: {  	p3 =	sgt.s32 @!p2 s20, $0x1FEC0  }
0xa7: {  	s0 =	smov.u32 s20;
	s2 =	sshra.s32 @!p2 s20, $0x1F;
	p3 =	por !p3, p2  }
0xa8: {  	s2 =	sand.u32 @!p2 s2, s20;
	s0 =	simm.s32 @p3 $0x1FEC0  }
0xa9: {  	s0 =	ssub.s32 @!p2 s0, s2  }
0xaa: {  	s0 =	sadd.s32 @!p2 $0xFFFE0140, s0  }
0xab: {  	s2 =	sshll.u32 @!p2 s0, $0x2  }
0xac: {  	p3 =	sgt.s32 @!p2 s0, $0x13F;
	s0 =	ssub.s32 @!p2 $0x500, s2  }
0xad: {  	p3 =	por !p3, p2;
	s0 =	sshrl.u32 @!p2 s0, $0x2  }
0xae: {  	s3 =	simm.s32 @!p2 $0xA;
	s2 =	sand.u32 @!p2 $0x1, s4;
	s0 =	simm.s32 @!p3 $0x0  }
0xaf: {  	s2 =	smul.u32 @!p2 $0x500, s2;
	_ =	swait.ge @!p2 [sflag:s3], s0  }
0xb0: {  	s5 =	ssub.s32 @!p2 $0x0, s0;
	[sflag:s3] =	ssyncset.done @!p2 $0x0  }
0xb1: {  	s2 =	sshrl.u32 @!p2 s2, $0x2;
	[sflag:s3] =	ssyncadd.s32 @!p2 s5;
	s3 =	sshrl.u32 @!p2 s20, $0x3  }
0xb2: {  	s2 =	sadd.s32 @!p2 $0xAD08, s2;
	s5 =	sand.u32 @!p2 $0x7, s20;
	s3 =	sadd.s32 @!p2 s3, s15  }
0xb3: {  	[tilespmem:s2], [sflag:$0xB] =	stream.linear.gather @!p2 [hbm4b:s3+s5], s0, $0x38;
	[tilespmem:$0x1EF88] =	vst v63  }
0xb4: {  	s0 =	ssub.s32 @!p2 $0x20000, s20  }
0xb5: {  	p3 =	slt.s32 @!p2 s0, $0x1  }
0xb6: {  	p3 =	por p2, p3  }
.Ltmp10:
0xb7: {  	_ = 	snop;
	(pc) =	sbr.rel @p3 .LBB3_9-.Ltmp10, $1  }
0xb8: {  	_ =	sdelay $0x3  }
0xb9: {  	s2 =	smulhi.u32 $0xAAAAAAAB, s4;
	_ =	sdelay $0x1  }
0xba: {  	s2 =	sshrl.u32 s2, $0x1  }
0xbb: {  	s2 =	smul.u32 $0x3, s2;
	_ =	sdelay $0x1  }
0xbc: {  	s2 =	ssub.s32 s4, s2  }
0xbd: {  	s3 =	simm.s32 $0x1;
	s2 =	smul.u32 $0x500, s2  }
.Ltmp11:
0xbe: {  	s3 =	simm.s32 @!p0 $0x0;
	(pc) =	sbr.rel .LBB3_6-.Ltmp11, $4  }
0xbf: {  	s3 =	smul.u32 $0x28000, s3  }
0xc0: {  	p3 =	slt.s32 @!p2 s0, $0x140;
	s2 =	sshrl.u32 s2, $0x2  }
0xc1: {  	p2 =	por !p3, p2;
	s3 =	sshrl.u32 s3, $0x2;
	s2 =	sadd.s32 $0xA948, s2  }
0xc2: {  	s24 =	simm.s32 $0x0;
	s0 =	simm.s32 @p2 $0x140;
	s4 =	sadd.s32 $0xAF88, s3;
	v1 =	vmov s2  }
.LBB3_5:
0xc3: {  	p2 =	sge.s32 s24, s0  }
.Ltmp12:
0xc4: {  	_ = 	snop;
	(pc) =	sbr.rel @p2 .LBB3_9-.Ltmp12, $2  }
0xc5: {  	_ =	sdelay $0x2  }
0xc6: {  	s4 =	sadd.s32 $0x800, s4  }
.LBB3_6:
0xc7: {  	p2 =	sle.s32 s0, s24  }
.Ltmp13:
0xc8: {  	_ = 	snop;
	(pc) =	sbr.rel @p2 .LBB3_5-.Ltmp13, $2  }
0xc9: {  	_ =	sdelay $0x2  }
0xca: {  	s5 =	smov.u32 s24;
	s24 =	sadd.s32 $0x10, s24  }
0xcb: {  	s2 =	ssub.s32 s0, s5  }
0xcc: {  	p2 =	slt.s32 s2, $0x10  }
0xcd: {  	s2 =	simm.s32 @!p2 $0x10  }
0xce: {  	v2 =	vmov s2  }
0xcf: {  	vm0 =	vgt.s32 v2, v0;
	_ =	sdelay $0x5  }
0xd0: {  	v2 =	vld.idx.msk [tilespmem:v1+s5+$0x0 ss:$0x1], vm0;
	_ =	sdelay $0x2  }
0xd1: {  	p2 =	slt.s32 s24, s0;
	s2 =	smov.u32 s0  }
0xd2: {  	s3 =	smov.u32 s4;
	s25 =	simm.s32 $0x0;
	s2 =	smov.u32 @p2 s24  }
.LBB3_8:
0xd3: {  	(v2sf) =	vpush v2, s25;
	_ =	sdelay $0xc  }
0xd4: {  	s25 =	sadd.s32 $0x1, s25  }
0xd5: {  	s31 =	sadd.s32 s25, s5  }
0xd6: {  	p2 =	slt.s32 s31, s2;
	s9 =	spop (v2sf)  }
.Ltmp14:
0xd7: {  	s9 =	sshll.u32 s9, $0x4;
	(pc) =	sbr.rel @p2 .LBB3_8-.Ltmp14, $4  }
0xd8: {  	s9 =	sand.u32 $0x1FFFFFF0, s9  }
0xd9: {  	s9 =	sadd.s32 s6, s9  }
0xda: {  	[tilespmem:s3], [sflag:$0x9] =	stream.linear.gather [hbm4b:s9+s18], $0x40, $0x38;
	[tilespmem:$0x1EF88] =	vst v63  }
0xdb: {  	s3 =	sadd.s32 $0x80, s3  }
.Ltmp15:
0xdc: {  	_ = 	snop;
	(pc) =	sbr.rel .LBB3_5-.Ltmp15, $1  }
0xdd: {  	_ =	sdelay $0x3  }
.LBB3_9:
0xde: {  	p2 =	slt.u32 s22, $0x2  }
.Ltmp16:
0xdf: {  	_ = 	snop;
	(pc) =	sbr.rel @p2 .LBB3_27-.Ltmp16, $1  }
0xe0: {  	_ =	sdelay $0x3  }
0xe1: {  	p2 =	sgt.s32 s23, $0x1FEC0  }
0xe2: {  	s0 =	smov.u32 s23;
	s2 =	sshra.s32 s23, $0x1F;
	s3 =	ssub.s32 $0x20000, s23  }
0xe3: {  	s0 =	simm.s32 @!p2 $0x1FEC0;
	s2 =	sand.u32 s2, s23;
	p2 =	slt.s32 s3, $0x140  }
0xe4: {  	s0 =	ssub.s32 s0, s2;
	s3 =	simm.s32 @!p2 $0x140  }
0xe5: {  	s0 =	sadd.s32 $0xFFFE0140, s0;
	s10 =	sshll.u32 s3, $0x6  }
0xe6: {  	s26 =	simm.s32 $0x9;
	s24 =	sshll.u32 s0, $0x2;
	s2 =	sand.u32 $0x3FFFFFC0, s10  }
0xe7: {  	p2 =	sgt.s32 s0, $0x13F;
	s25 =	ssub.s32 $0x500, s24;
	_ =	swait.ge [sflag:s26], s2  }
0xe8: {  	s2 =	ssub.s32 $0x0, s2;
	[sflag:s26] =	ssyncset.done $0x0;
	s0 =	sshrl.u32 s25, $0x2  }
0xe9: {  	[sflag:s26] =	ssyncadd.s32 s2;
	s0 =	simm.s32 @p2 $0x0  }
0xea: {  	_ =	swait.ge [sflag:s11], s0  }
0xeb: {  	s0 =	ssub.s32 $0x0, s0;
	[sflag:s11] =	ssyncset.done $0x0  }
0xec: {  	[sflag:s11] =	ssyncadd.s32 s0  }
0xed: {  	v1 =	vld [tilespmem:$0xA108];
	_ =	sdelay $0x4  }
0xee: {  	(v2sf) =	vpush v1, $0x0  }
0xef: {  	(v2sf) =	vpush v1, $0x1  }
0xf0: {  	(v2sf) =	vpush v1, $0x2;
	_ =	sdelay $0x3  }
0xf1: {  	s0 =	sadd.s32 $0x140, s23  }
0xf2: {  	s2 =	ssub.s32 $0x40000, s23;
	p2 =	slt.s32 s8, s0  }
0xf3: {  	s0 =	smov.u32 @p2 s8;
	p2 =	sgt.s32 s2, $0x0  }
0xf4: {  	s0 =	ssub.s32 s0, s23;
	s2 =	simm.s32 @!p2 $0x0  }
0xf5: {  	p2 =	slt.s32 s2, s0  }
0xf6: {  	s0 =	smov.u32 @p2 s2  }
0xf7: {  	s26 =	simm.s32 $0x1;
	p2 =	slt.s32 s0, $0x1  }
.Ltmp17:
0xf8: {  	s26 =	simm.s32 @!p1 $0x0;
	(pc) =	sbr.rel @p2 .LBB3_14-.Ltmp17, $4  }
0xf9: {  	s30 =	smul.u32 $0x500, s26  }
0xfa: {  	s28 =	spop (v2sf)  }
0xfb: {  	s31 =	sshrl.u32 s30, $0x2;
	s29 =	spop (v2sf)  }
0xfc: {  	s24 =	sadd.s32 $0xAD08, s31;
	s23 =	spop (v2sf)  }
0xfd: {  	s2 =	smin.u32 s0, $0x10  }
0xfe: {  	v1 =	vmov s2  }
0xff: {  	p3 =	sgt.s32 s0, $0x10;
	vm1 =	vgt.u32 v1, v0  }
.Ltmp18:
0x100: {  	_ = 	snop;
	(pc) =	sbr.rel @!p3 .LBB3_13-.Ltmp18, $2  }
0x101: {  	_ =	sdelay $0x2  }
0x102: {  	s5 =	simm.s32 $0x10;
	s25 =	sadd.s32 $0xFFFFFFF0, s0;
	s4 =	smov.u32 s24;
	vm0 =	vmmov vm1  }
.LBB3_12:
0x103: {  	s2 =	smin.u32 s25, $0x10;
	s5 =	sadd.s32 $0x10, s5;
	v1 =	vld.msk [tilespmem:s4+$0x0 ss:$0x1], vm1  }
0x104: {  	v2 =	vmov s2;
	p3 =	slt.s32 s5, s0  }
0x105: {  	vm1 =	vgt.u32 v2, v0  }
.Ltmp19:
0x106: {  	(pc) =	sbr.rel @p3 .LBB3_12-.Ltmp19, $3  }
0x107: {  	_ =	sdelay $0x1  }
0x108: {  	v1 =	vshll.u32 v1, $0x4  }
0x109: {  	s25 =	sadd.s32 $0xFFFFFFF0, s25;
	[tilespmem:s4+$0x0] =	vst.msk vm0, v1;
	s4 =	sadd.s32 $0x10, s4;
	vm0 =	vmmov vm1  }
.LBB3_13:
0x10a: {  	_ =	sdelay $0x4  }
0x10b: {  	v1 =	vld.msk [tilespmem:s4+$0x0 ss:$0x1], vm1;
	_ =	sdelay $0x4  }
0x10c: {  	v1 =	vshll.u32 v1, $0x4  }
0x10d: {  	[tilespmem:s4+$0x0] =	vst.msk vm0, v1  }
.LBB3_14:
0x10e: {  	s2 =	sand.u32 $0x1, s22  }
0x10f: {  	s2 =	smul.u32 $0x140, s2  }
0x110: {  	p3 =	sne.s32 s29, $0xFFFFFFFF  }
0x111: {  	v1 =	vld.msk @!p3 [tilespmem:s2+$0xAD08], $0x1;
	_ =	sdelay $0x4  }
0x112: {  	(v2sf) =	vpush @!p3 v1, $0x0;
	_ =	sdelay $0xc  }
.Ltmp20:
0x113: {  	_ = 	snop;
	(pc) =	sbr.rel @p2 .LBB3_25-.Ltmp20, $4  }
0x114: {  	_ = 	snop  }
0x115: {  	s30 =	spop @!p3 (v2sf)  }
0x116: {  	s23 =	simm.s32 @!p3 $0x0;
	s25 =	smov.u32 s30  }
0x117: {  	[sflag:s19] =	ssyncpa.u1 $0x0;
	s30 =	smov.u32 @p3 s28;
	s25 =	smov.u32 @p3 s29  }
0x118: {  	v1 =	vld.msk [tilespmem:s24+$0x0], $0x1;
	_ =	sdelay $0x4  }
0x119: {  	(v2sf) =	vpush v1, $0x0;
	_ =	sdelay $0xe  }
0x11a: {  	s2 =	smul.u32 $0x28000, s26;
	s4 =	spop (v2sf)  }
0x11b: {  	s28 =	ssub.s32 $0x0, s0;
	p2 =	seq.s32 s30, s4  }
0x11c: {  	s0 =	sadd.s32 $0x1, s28;
	s2 =	sshrl.u32 s2, $0x2;
	p3 =	sgt.s32 @!p2 s30, $0x0  }
0x11d: {  	s26 =	sadd.s32 $0xAFA8, s2;
	s2 =	smov.u32 s30;
	p3 =	por !p3, p2  }
0x11e: {  	s2 =	simm.s32 @p3 $0x0;
	p3 =	seq.s32 s0, $0x0  }
.Ltmp21:
0x11f: {  	_ = 	snop;
	(pc) =	sbr.rel @p3 .LBB3_17-.Ltmp21, $4  }
0x120: {  	_ = 	snop  }
0x121: {  	s29 =	simm.s32 $0x0;
	s5 =	simm.s32 @!p2 $0x1;
	s3 =	smin.u32 @!p2 s2, $0x270F8  }
0x122: {  	s31 =	sadd.s32 $0x1, s24;
	s5 =	smov.u32 @p2 s29;
	s9 =	sand.u32 @!p2 $0x3FFF8, s3  }
0x123: {  	s2 =	simm.s32 @!p2 $0x50C8;
	s3 =	sand.u32 @!p2 $0x7, s3;
	s9 =	sadd.s32 @!p2 s1, s9  }
.LBB3_16:
0x124: {  	s10 =	smov.u32 s5  }
0x125: {  	[tilespmem:s2], [sflag:$0x2] =	stream.linear.gather @!p2 [hbm4b:s9+s3], $0x40, $0x38;
	[tilespmem:$0x1EF88] =	vst v63  }
0x126: {  	s0 =	sadd.s32 $0x1, s0;
	s3 =	smov.u32 s4;
	v1 =	vld.msk [tilespmem:s31+$0x0], $0x1  }
0x127: {  	p3 =	seq.s32 s0, $0x0;
	_ =	sdelay $0x3  }
0x128: {  	(v2sf) =	vpush v1, $0x0;
	_ =	sdelay $0xe  }
0x129: {  	s4 =	spop (v2sf)  }
0x12a: {  	p2 =	seq.s32 s3, s4  }
0x12b: {  	p4 =	sgt.s32 @!p2 s3, $0x0;
	s2 =	sshll.u32 @!p2 s5, $0x8;
	s5 =	sadd.s32 @!p2 $0x1, s5  }
.Ltmp22:
0x12c: {  	p4 =	por !p4, p2;
	s2 =	sshra.s32 @!p2 s2, $0x2;
	(pc) =	sbr.rel @!p3 .LBB3_16-.Ltmp22, $4  }
0x12d: {  	s5 =	smov.u32 @p2 s10;
	s3 =	simm.s32 @p4 $0x0;
	s2 =	sadd.s32 @!p2 $0x50C8, s2  }
0x12e: {  	s3 =	smin.u32 @!p2 s3, $0x270F8  }
0x12f: {  	s9 =	sand.u32 @!p2 $0x3FFF8, s3;
	s3 =	sand.u32 @!p2 $0x7, s3  }
0x130: {  	s31 =	sadd.s32 $0x1, s31;
	s9 =	sadd.s32 @!p2 s1, s9  }
.LBB3_17:
0x131: {  	[tilespmem:s2], [sflag:$0x2] =	stream.linear.gather @!p2 [hbm4b:s9+s3], $0x40, $0x38;
	[tilespmem:$0x1EF88] =	vst v63  }
.Ltmp23:
0x132: {  	s0 =	sshll.u32 s5, $0x6;
	(pc) =	sbr.rel .LBB3_18-.Ltmp23, $4  }
0x133: {  	s31 =	simm.s32 $0x2;
	s0 =	sand.u32 $0x3FFFFFC0, s0  }
0x134: {  	_ =	swait.ge [sflag:s31], s0  }
0x135: {  	s0 =	ssub.s32 $0x0, s0;
	[sflag:s31] =	ssyncset.done $0x0  }
0x136: {  	[sflag:s31] =	ssyncadd.s32 s0;
	s0 =	simm.s32 $0x0  }
.LBB3_19:
0x137: {  	v1 =	vld [tilespmem:s26+$0xFFFFFFE0];
	_ =	sdelay $0x4  }
0x138: {  	[tilespmem:s4+$0x88] =	vst.add.f32.msk $0xffff, v1  }
0x139: {  	v1 =	vld [tilespmem:s26+$0xFFFFFFF0];
	_ =	sdelay $0x4  }
0x13a: {  	[tilespmem:s4+$0x98] =	vst.add.f32.msk $0xffff, v1  }
0x13b: {  	v1 =	vld [tilespmem:s26+$0x0];
	_ =	sdelay $0x4  }
0x13c: {  	[tilespmem:s4+$0xA8] =	vst.add.f32.msk $0xffff, v1  }
0x13d: {  	v1 =	vld [tilespmem:s26+$0x10];
	_ =	sdelay $0x4  }
0x13e: {  	[tilespmem:s4+$0xB8] =	vst.add.f32.msk $0xffff, v1  }
.LBB3_23:
0x13f: {  	s28 =	sadd.s32 $0x1, s28  }
0x140: {  	p2 =	seq.s32 s28, $0x0  }
.Ltmp24:
0x141: {  	_ = 	snop;
	(pc) =	sbr.rel @p2 .LBB3_24-.Ltmp24, $2  }
0x142: {  	_ =	sdelay $0x2  }
0x143: {  	s26 =	sadd.s32 $0x80, s26;
	s24 =	sadd.s32 $0x1, s24;
	s30 =	smov.u32 s31  }
.LBB3_18:
0x144: {  	v1 =	vld.msk [tilespmem:s24+$0x0], $0x1;
	_ =	sdelay $0x4  }
0x145: {  	(v2sf) =	vpush v1, $0x0;
	_ =	sdelay $0xe  }
0x146: {  	s31 =	spop (v2sf)  }
0x147: {  	p2 =	sne.s32 s30, s31  }
.Ltmp25:
0x148: {  	_ = 	snop;
	(pc) =	sbr.rel @!p2 .LBB3_19-.Ltmp25, $3  }
0x149: {  	_ =	sdelay $0x1  }
0x14a: {  	s2 =	sshll.u32 s23, $0x8  }
0x14b: {  	s4 =	sshra.s32 s2, $0x2  }
0x14c: {  	p2 =	seq.s32 s30, s25  }
.Ltmp26:
0x14d: {  	_ = 	snop;
	(pc) =	sbr.rel @!p2 .LBB3_21-.Ltmp26, $1  }
0x14e: {  	_ =	sdelay $0x3  }
.Ltmp27:
0x14f: {  	s2 =	sadd.s32 $0x88, s4;
	(pc) =	sbr.rel .LBB3_22-.Ltmp27, $4  }
0x150: {  	[spmem:s16] =	stream.linear.scatter [tilespmem:s2], [sflag:$0x1], $0x40, $0x38;
	[tilespmem:$0x1EF88] =	vst v63  }
0x151: {  	_ =	swait.ge [sflag:s12], $0x40  }
0x152: {  	[sflag:s12] =	ssyncset.done $0x0  }
0x153: {  	[sflag:s12] =	ssyncadd.s32 $0xFFFFFFC0  }
.LBB3_21:
0x154: {  	s2 =	sshll.u32 s29, $0x8  }
0x155: {  	s2 =	sshra.s32 s2, $0x2  }
0x156: {  	v1 =	vld [tilespmem:s2+$0x50C8];
	_ =	sdelay $0x4  }
0x157: {  	[tilespmem:s4+$0x88] =	vst.add.f32.msk $0xffff, v1  }
0x158: {  	v1 =	vld [tilespmem:s2+$0x50D8];
	_ =	sdelay $0x4  }
0x159: {  	[tilespmem:s4+$0x98] =	vst.add.f32.msk $0xffff, v1  }
0x15a: {  	v1 =	vld [tilespmem:s2+$0x50E8];
	_ =	sdelay $0x4  }
0x15b: {  	[tilespmem:s4+$0xA8] =	vst.add.f32.msk $0xffff, v1  }
0x15c: {  	v1 =	vld [tilespmem:s2+$0x50F8];
	_ =	sdelay $0x2  }
0x15d: {  	p2 =	sgt.u32 s30, $0x270F8  }
0x15e: {  	s2 =	sand.u32 @!p2 $0x3FFF8, s30  }
0x15f: {  	s3 =	sadd.s32 $0x88, s4;
	s2 =	sadd.s32 @!p2 s1, s2;
	[tilespmem:s4+$0xB8] =	vst.add.f32.msk $0xffff, v1;
	s4 =	sand.u32 @!p2 $0x7, s30  }
0x160: {  	[hbm4b:s2+s4] =	stream.linear.scatter @!p2 [tilespmem:s3], [sflag:$0xC], $0x40, $0x38;
	[tilespmem:$0x1EF88] =	vst v63  }
0x161: {  	s2 =	simm.s32 $0x0  }
0x162: {  	s2 =	simm.s32 @!p2 $0x100  }
0x163: {  	s0 =	sadd.s32 s2, s0  }
.LBB3_22:
0x164: {  	s2 =	sadd.s32 $0x1, s23  }
0x165: {  	s3 =	smulhi.u32 $0xCCCCCCCD, s2;
	_ =	sdelay $0x1  }
0x166: {  	v1 =	vld [tilespmem:s26+$0xFFFFFFE0];
	s3 =	sshrl.u32 s3, $0x8  }
0x167: {  	s3 =	smul.u32 $0x140, s3;
	_ =	sdelay $0x1  }
0x168: {  	s23 =	ssub.s32 s2, s3  }
0x169: {  	s2 =	sshll.u32 s23, $0x6  }
0x16a: {  	[tilespmem:s2+$0x88] =	vst v1  }
0x16b: {  	v1 =	vld [tilespmem:s26+$0xFFFFFFF0];
	_ =	sdelay $0x4  }
0x16c: {  	[tilespmem:s2+$0x98] =	vst v1  }
0x16d: {  	v1 =	vld [tilespmem:s26+$0x0];
	_ =	sdelay $0x4  }
0x16e: {  	[tilespmem:s2+$0xA8] =	vst v1  }
0x16f: {  	v1 =	vld [tilespmem:s26+$0x10]  }
.Ltmp28:
0x170: {  	_ = 	snop;
	(pc) =	sbr.rel .LBB3_23-.Ltmp28, $2  }
0x171: {  	_ =	sdelay $0x2  }
0x172: {  	s29 =	sadd.s32 $0x1, s29;
	[tilespmem:s2+$0xB8] =	vst v1  }
.LBB3_25:
.Ltmp29:
0x173: {  	(pc) =	sbr.rel .LBB3_26-.Ltmp29, $4  }
0x174: {  	_ = 	snop  }
0x175: {  	s0 =	simm.s32 $0x2  }
0x176: {  	_ =	swait.ge [sflag:s0], $0x0  }
0x177: {  	s31 =	smov.u32 s30;
	[sflag:s0] =	ssyncset.done $0x0;
	s0 =	simm.s32 $0x0  }
.LBB3_28:
0x178: {  	_ =	sfence.sel $0x180000  }
0x179: {  	s0 =	simm.s32 $0x9;
	[bflag:$0x0] =	sbarrier.arrive $0xFFFF  }
0x17a: {  	s24 =	simm.s32 $0xA;
	[sflag:s0] =	ssyncpa.u1 $0x1  }
0x17b: {  	s25 =	simm.s32 $0xB;
	[sflag:s24] =	ssyncpa.u1 $0x1  }
0x17c: {  	s26 =	simm.s32 $0x2;
	[sflag:s25] =	ssyncpa.u1 $0x1  }
0x17d: {  	[sflag:s26] =	ssyncpa.u1 $0x1  }
0x17e: {  	v0 =	vld [tilespmem:$0xA108];
	_ =	sdelay $0x4  }
0x17f: {  	(v2sf) =	vpush v0, $0x0  }
0x180: {  	(v2sf) =	vpush v0, $0x1;
	_ =	sdelay $0x1  }
0x181: {  	(v2sf) =	vpush v0, $0x2;
	_ =	sdelay $0xb  }
0x182: {  	s0 =	spop (v2sf)  }
0x183: {  	s2 =	spop (v2sf)  }
0x184: {  	s3 =	smov.u32 s0;
	p0 =	sne.s32 s0, s2  }
0x185: {  	s4 =	spop (v2sf);
	s3 =	simm.s32 @!p0 $0xFFFFFFFF  }
0x186: {  	v2 =	vimm.s32 $0x1;
	v3 =	vlaneseq.u32;
	p0 =	seq.s32 s4, $0xFFFFFFFF;
	v1 =	vmov s3  }
0x187: {  	s15 =	stileid.u32;
	v0 =	vperm.xlane v0, v2;
	p1 =	sne.s32 @!p0 s0, s2;
	v1 =	vperm.xlane v1, v3  }
0x188: {  	vm0 =	vcmask $0x3F04;
	s6 =	simm.s32 $0xA108;
	s0 =	simm.s32 @!p0 $0x1;
	p1 =	por !p1, p0  }
0x189: {  	s3 =	sshll.u32 s15, $0x1;
	s2 =	sshll.u32 @!p0 s4, $0x8;
	s0 =	simm.s32 @p1 $0x0;
	v0 =	vsel vm0, v1, v0  }
0x18a: {  	s5 =	sor.u32 $0x800, s3;
	s2 =	sshra.s32 @!p0 s2, $0x2;
	s0 =	sor.u32 @!p0 s0, s3;
	[tilespmem:$0xA108] =	vst v0  }
0x18b: {  	[spmem:s5] =	stream.linear.scatter [tilespmem:s6], [sflag:$0x1], $0x2, $0x38;
	[tilespmem:$0x1EF88] =	vst v63  }
0x18c: {  	s2 =	sadd.s32 @!p0 $0x88, s2;
	s0 =	sshll.u32 @!p0 s0, $0x6  }
0x18d: {  	[spmem:s0] =	stream.linear.scatter @!p0 [tilespmem:s2], [sflag:$0x1], $0x40, $0x38;
	[tilespmem:$0x1EF88] =	vst v63  }
0x18e: {  	s0 =	simm.s32 @!p0 $0x42  }
0x18f: {  	s28 =	simm.s32 $0x1;
	s0 =	simm.s32 @p0 $0x2  }
0x190: {  	_ =	swait.ge [sflag:s28], s0  }
0x191: {  	s0 =	ssub.s32 $0x0, s0;
	[sflag:s28] =	ssyncset.done $0x0  }
0x192: {  	p0 =	sne.s32 s15, $0x0;
	[sflag:s28] =	ssyncadd.s32 s0  }
.Ltmp30:
0x193: {  	_ =	sfence.stream.spmem;
	(pc) =	sbr.rel @p0 .LBB3_45-.Ltmp30, $4  }
0x194: {  	s29 =	simm.s32 $0x3;
	[bflag:$0x0] =	sbarrier.arrive $0xFFFF  }
0x195: {  	s30 =	simm.s32 $0x4;
	[sflag:s29] =	ssyncpa.u1 $0x1  }
0x196: {  	s31 =	simm.s32 $0x3C;
	[sflag:s30] =	ssyncpa.u1 $0x1  }
0x197: {  	s14 =	rddreg [dreg:$0x4];
	[sflag:s31] =	ssyncpa.u1 $0x1  }
0x198: {  	_ =	sfence.stream.spmem;
	s0 =	simm.s32 $0x5  }
0x199: {  	s2 =	simm.s32 $0x800;
	s3 =	simm.s32 $0xA118;
	[sflag:s0] =	ssyncpa.u1 $0x0  }
0x19a: {  	[tilespmem:s3], [sflag:$0x5] =	stream.linear.gather [spmem:s2], $0x20, $0x38;
	[tilespmem:$0x1EF88] =	vst v63  }
0x19b: {  	s26 =	simm.s32 $0x0;
	s28 =	simm.s32 $0xA138  }
0x19c: {  	[tilespmem:s28], [sflag:$0x5] =	stream.linear.gather [spmem:s26], $0x800, $0x38;
	[tilespmem:$0x1EF88] =	vst v63  }
0x19d: {  	_ =	swait.ge [sflag:s0], $0x820  }
0x19e: {  	[sflag:s0] =	ssyncset.done $0x0  }
0x19f: {  	s29 =	simm.s32 $0x0;
	[sflag:s0] =	ssyncadd.s32 $0xFFFFF7E0  }
0x1a0: {  	v0 =	vld.msk [tilespmem:s29+$0xA118], $0x1;
	_ =	sdelay $0x1  }
0x1a1: {  	s30 =	simm.s32 $0x1  }
0x1a2: {  	v1 =	vld.msk [tilespmem:s30+$0xA118], $0x1;
	_ =	sdelay $0x1  }
0x1a3: {  	(v2sf) =	vpush v0, $0x0;
	_ =	sdelay $0x2  }
0x1a4: {  	(v2sf) =	vpush v1, $0x0;
	_ =	sdelay $0x2  }
0x1a5: {  	s31 =	simm.s32 $0x2  }
0x1a6: {  	v0 =	vld.msk [tilespmem:s31+$0xA118], $0x1;
	_ =	sdelay $0x2  }
0x1a7: {  	s4 =	simm.s32 $0xFFFFFFFF;
	s2 =	simm.s32 $0xFFFFFFFF;
	s0 =	simm.s32 $0xC  }
.LBB3_30:
0x1a8: {  	s3 =	smov.u32 s4;
	s5 =	smov.u32 s2  }
0x1a9: {  	s2 =	sshra.s32 s0, $0x2;
	p1 =	sne.s32 s0, $0x7C;
	s0 =	sadd.s32 $0x4, s0;
	(v2sf) =	vpush v0, $0x0  }
0x1aa: {  	v0 =	vld.msk [tilespmem:s2+$0xA118], $0x1  }
.Ltmp31:
0x1ab: {  	(pc) =	sbr.rel @p1 .LBB3_30-.Ltmp31, $4  }
0x1ac: {  	s4 =	spop (v2sf)  }
0x1ad: {  	p2 =	sne.s32 s5, $0xFFFFFFFF;
	s2 =	smov.u32 s4  }
0x1ae: {  	p3 =	seq.s32 s4, $0xFFFFFFFF;
	s2 =	smov.u32 @p2 s5  }
0x1af: {  	s4 =	smov.u32 @p3 s3;
	s2 =	smov.u32 @p3 s5  }
0x1b0: {  	(v2sf) =	vpush v0, $0x0;
	_ =	sdelay $0x8  }
0x1b1: {  	s0 =	spop (v2sf)  }
0x1b2: {  	p1 =	sne.s32 s2, $0xFFFFFFFF;
	s3 =	smov.u32 s0  }
0x1b3: {  	s9 =	simm.s32 $0x6;
	p2 =	seq.s32 s0, $0xFFFFFFFF;
	s3 =	smov.u32 @p1 s2  }
0x1b4: {  	s6 =	simm.s32 $0x0;
	s3 =	smov.u32 @p2 s2;
	s2 =	spop (v2sf)  }
0x1b5: {  	s0 =	smov.u32 @p2 s4;
	p1 =	sne.s32 s3, $0xFFFFFFFF;
	s5 =	smov.u32 s2  }
.Ltmp32:
0x1b6: {  	p2 =	seq.s32 s2, $0xFFFFFFFF;
	s5 =	smov.u32 @p1 s3;
	(pc) =	sbr.rel .LBB3_32-.Ltmp32, $4  }
0x1b7: {  	s10 =	simm.s32 $0xA0C8;
	s5 =	smov.u32 @p2 s3;
	s7 =	spop (v2sf)  }
0x1b8: {  	s11 =	simm.s32 $0x0;
	p1 =	sne.s32 s5, $0xFFFFFFFF;
	s8 =	smov.u32 s7  }
0x1b9: {  	s2 =	smov.u32 @p2 s0;
	p2 =	seq.s32 s7, $0xFFFFFFFF;
	s8 =	smov.u32 @p1 s5  }
0x1ba: {  	[sflag:s9] =	ssyncpa.u1 $0x0;
	s7 =	smov.u32 @p2 s2;
	s8 =	smov.u32 @p2 s5  }
.LBB3_38:
0x1bb: {  	p1 =	sgt.u32 s12, $0x270F8  }
0x1bc: {  	p2 =	seq.s32 @!p1 s12, s8  }
0x1bd: {  	p1 =	por p1, p2  }
0x1be: {  	p2 =	sne.s32 @!p1 s12, s7  }
0x1bf: {  	p1 =	por p1, !p2  }
0x1c0: {  	s0 =	sshll.u32 @p1 s11, $0x8  }
0x1c1: {  	s0 =	sand.u32 @!p1 $0x3FFF8, s12  }
0x1c2: {  	s2 =	sand.u32 @!p1 $0x7, s12;
	s0 =	sadd.s32 @!p1 s1, s0  }
0x1c3: {  	[tilespmem:s10], [sflag:$0x6] =	stream.linear.gather @!p1 [hbm4b:s0+s2], $0x40, $0x38;
	[tilespmem:$0x1EF88] =	vst v63  }
0x1c4: {  	_ =	swait.ge @!p1 [sflag:s9], $0x40  }
0x1c5: {  	[sflag:s9] =	ssyncset.done @!p1 $0x0  }
0x1c6: {  	[sflag:s9] =	ssyncadd.s32 @!p1 $0xFFFFFFC0  }
0x1c7: {  	v1 =	vld @!p1 [tilespmem:$0xA0C8];
	_ =	sdelay $0x2  }
0x1c8: {  	s0 =	sshll.u32 @!p1 s11, $0x8  }
0x1c9: {  	s2 =	sshrl.u32 @!p1 s0, $0x2  }
0x1ca: {  	[tilespmem:s2+$0xA138] =	vst.add.f32.msk @!p1 $0xffff, v1  }
0x1cb: {  	v1 =	vld @!p1 [tilespmem:$0xA0D8];
	_ =	sdelay $0x4  }
0x1cc: {  	[tilespmem:s2+$0xA148] =	vst.add.f32.msk @!p1 $0xffff, v1  }
0x1cd: {  	v1 =	vld @!p1 [tilespmem:$0xA0E8];
	_ =	sdelay $0x4  }
0x1ce: {  	[tilespmem:s2+$0xA158] =	vst.add.f32.msk @!p1 $0xffff, v1  }
0x1cf: {  	v1 =	vld @!p1 [tilespmem:$0xA0F8];
	_ =	sdelay $0x4  }
0x1d0: {  	[tilespmem:s2+$0xA168] =	vst.add.f32.msk @!p1 $0xffff, v1  }
0x1d1: {  	s0 =	sshrl.u32 s0, $0x2;
	[tilespmem:s6+$0xA118] =	vst.msk $0x1, v0  }
0x1d2: {  	v0 =	vld [tilespmem:s0+$0xA138];
	_ =	sdelay $0x2  }
0x1d3: {  	s31 =	sshll.u32 s6, $0x8  }
0x1d4: {  	s2 =	sshra.s32 s31, $0x2  }
0x1d5: {  	[tilespmem:s2+$0xA138] =	vst v0  }
0x1d6: {  	v0 =	vld [tilespmem:s0+$0xA148];
	_ =	sdelay $0x4  }
0x1d7: {  	[tilespmem:s2+$0xA148] =	vst v0  }
0x1d8: {  	v0 =	vld [tilespmem:s0+$0xA158];
	_ =	sdelay $0x4  }
0x1d9: {  	[tilespmem:s2+$0xA158] =	vst v0  }
0x1da: {  	v0 =	vld [tilespmem:s0+$0xA168];
	_ =	sdelay $0x4  }
0x1db: {  	s6 =	sadd.s32 $0x1, s6;
	[tilespmem:s2+$0xA168] =	vst v0  }
.LBB3_39:
0x1dc: {  	s11 =	sadd.s32 $0x1, s11  }
0x1dd: {  	p1 =	sne.s32 s11, $0x20  }
.Ltmp33:
0x1de: {  	_ = 	snop;
	(pc) =	sbr.rel @!p1 .LBB3_40-.Ltmp33, $1  }
0x1df: {  	_ =	sdelay $0x3  }
.LBB3_32:
0x1e0: {  	v0 =	vld.msk [tilespmem:s11+$0xA118], $0x1;
	_ =	sdelay $0x4  }
0x1e1: {  	(v2sf) =	vpush v0, $0x0;
	_ =	sdelay $0xe  }
0x1e2: {  	s12 =	spop (v2sf)  }
0x1e3: {  	p1 =	seq.s32 s12, $0xFFFFFFFF  }
.Ltmp34:
0x1e4: {  	_ = 	snop;
	(pc) =	sbr.rel @p1 .LBB3_39-.Ltmp34, $1  }
0x1e5: {  	_ =	sdelay $0x3  }
0x1e6: {  	p1 =	slt.s32 s6, $0x1  }
.Ltmp35:
0x1e7: {  	_ = 	snop;
	(pc) =	sbr.rel @p1 .LBB3_38-.Ltmp35, $1  }
0x1e8: {  	_ =	sdelay $0x3  }
0x1e9: {  	s0 =	simm.s32 $0xA118;
	p1 =	por $0x0, $0x0  }
0x1ea: {  	v1 =	vld.msk @!p1 [tilespmem:s0+$0x0], $0x1;
	_ =	sdelay $0x4  }
0x1eb: {  	(v2sf) =	vpush @!p1 v1, $0x0;
	_ =	sdelay $0xd  }
0x1ec: {  	p3 =	sne.s32 s6, $0x1  }
.Ltmp36:
0x1ed: {  	s2 =	spop @!p1 (v2sf);
	(pc) =	sbr.rel @!p3 .LBB3_36-.Ltmp36, $4  }
0x1ee: {  	p2 =	seq.s32 @!p1 s12, s2  }
0x1ef: {  	s13 =	simm.s32 $0x0;
	p2 =	por !p2, p1  }
0x1f0: {  	s2 =	simm.s32 $0xFFFFFFFF;
	s13 =	simm.s32 @p2 $0xFFFFFFFF  }
0x1f1: {  	s4 =	simm.s32 $0x1;
	s13 =	smov.u32 @p1 s2  }
.LBB3_35:
0x1f2: {  	s2 =	smov.u32 s13;
	p1 =	sne.s32 s13, $0xFFFFFFFF  }
0x1f3: {  	s0 =	sadd.s32 $0x1, s0;
	s13 =	smov.u32 s4;
	s4 =	sadd.s32 $0x1, s4  }
0x1f4: {  	p2 =	sne.s32 s6, s4;
	v1 =	vld.msk @!p1 [tilespmem:s0+$0x0], $0x1;
	_ =	sdelay $0x4  }
0x1f5: {  	(v2sf) =	vpush @!p1 v1, $0x0;
	_ =	sdelay $0xe  }
.Ltmp37:
0x1f6: {  	s3 =	spop @!p1 (v2sf);
	(pc) =	sbr.rel @p2 .LBB3_35-.Ltmp37, $4  }
0x1f7: {  	p3 =	seq.s32 @!p1 s12, s3  }
0x1f8: {  	p3 =	por !p3, p1  }
0x1f9: {  	s13 =	simm.s32 @p3 $0xFFFFFFFF  }
0x1fa: {  	s13 =	smov.u32 @p1 s2  }
.LBB3_36:
0x1fb: {  	p1 =	seq.s32 s13, $0xFFFFFFFF  }
.Ltmp38:
0x1fc: {  	_ = 	snop;
	(pc) =	sbr.rel @p1 .LBB3_38-.Ltmp38, $1  }
0x1fd: {  	_ =	sdelay $0x3  }
0x1fe: {  	s0 =	sshll.u32 s11, $0x6  }
0x1ff: {  	s0 =	sand.u32 $0x3FFFFFC0, s0  }
0x200: {  	v0 =	vld [tilespmem:s0+$0xA138];
	_ =	sdelay $0x2  }
0x201: {  	s2 =	sshll.u32 s13, $0x8  }
0x202: {  	s2 =	sshra.s32 s2, $0x2  }
0x203: {  	[tilespmem:s2+$0xA138] =	vst.add.f32.msk $0xffff, v0  }
0x204: {  	v0 =	vld [tilespmem:s0+$0xA148];
	_ =	sdelay $0x4  }
0x205: {  	[tilespmem:s2+$0xA148] =	vst.add.f32.msk $0xffff, v0  }
0x206: {  	v0 =	vld [tilespmem:s0+$0xA158];
	_ =	sdelay $0x4  }
0x207: {  	[tilespmem:s2+$0xA158] =	vst.add.f32.msk $0xffff, v0  }
0x208: {  	v0 =	vld [tilespmem:s0+$0xA168]  }
.Ltmp39:
0x209: {  	_ = 	snop;
	(pc) =	sbr.rel .LBB3_39-.Ltmp39, $2  }
0x20a: {  	_ =	sdelay $0x2  }
0x20b: {  	[tilespmem:s2+$0xA168] =	vst.add.f32.msk $0xffff, v0  }
.LBB3_40:
0x20c: {  	s0 =	simm.s32 $0x6;
	p1 =	seq.s32 s6, $0x0  }
0x20d: {  	[sflag:s0] =	ssyncpa.u1 $0x1;
	v0 =	vimm.s32 @p1 $0xFFFFFFFF  }
0x20e: {  	s0 =	sadd.s32 $0xFFFFFFFF, s6;
	[tilespmem:$0xA938] =	vst @p1 v0  }
0x20f: {  	v0 =	vld.msk @!p1 [tilespmem:s0+$0xA118], $0x1;
	_ =	sdelay $0x1  }
0x210: {  	v1 =	vld.msk @!p1 [tilespmem:$0xA118], $0x1;
	_ =	sdelay $0x2  }
0x211: {  	p2 =	seq.s32 @!p1 s0, $0x0;
	v0 =	vbroadcast @!p1 v0, $0x0  }
0x212: {  	vm0 =	vmmov @!p1 $0x1;
	p2 =	por !p2, p1  }
0x213: {  	v1 =	vnsel @!p1 vm0, $0xFFFFFFFF, v1;
	vm0 =	vcmask @!p1 $0x308;
	v0 =	vpsel !p2, $0xFFFFFFFF, v0  }
0x214: {  	p2 =	sne.s32 @!p1 s8, s7;
	v0 =	vsel @!p1 vm0, v1, v0  }
0x215: {  	s2 =	simm.s32 @!p1 $0xA138;
	s3 =	simm.s32 @!p1 $0x0;
	p3 =	por !p2, p1;
	[tilespmem:$0xA938] =	vst @!p1 v0  }
0x216: {  	[spmem:s3] =	stream.linear.scatter @!p1 [tilespmem:s2], [sflag:$0x1], $0x40, $0x38;
	[tilespmem:$0x1EF88] =	vst v63  }
0x217: {  	s2 =	sshll.u32 @!p3 s0, $0x8  }
0x218: {  	s2 =	sshra.s32 @!p3 s2, $0x2  }
0x219: {  	s3 =	simm.s32 @!p3 $0x40;
	s2 =	sadd.s32 @!p3 $0xA138, s2  }
0x21a: {  	[spmem:s3] =	stream.linear.scatter @!p3 [tilespmem:s2], [sflag:$0x1], $0x40, $0x38;
	[tilespmem:$0x1EF88] =	vst v63  }
0x21b: {  	s2 =	simm.s32 @!p3 $0x1  }
0x21c: {  	_ =	swait.ge @!p3 [sflag:s2], $0x80  }
0x21d: {  	p1 =	por p2, p1;
	[sflag:s2] =	ssyncset.done @!p3 $0x0  }
0x21e: {  	[sflag:s2] =	ssyncadd.s32 @!p3 $0xFFFFFF80;
	s2 =	simm.s32 @!p1 $0x1  }
0x21f: {  	_ =	swait.ge @!p1 [sflag:s2], $0x40  }
0x220: {  	s29 =	simm.s32 $0xA938;
	[sflag:s2] =	ssyncset.done @!p1 $0x0  }
0x221: {  	s30 =	simm.s32 $0x800;
	s31 =	simm.s32 $0x1;
	[sflag:s2] =	ssyncadd.s32 @!p1 $0xFFFFFFC0  }
0x222: {  	[spmem:s30] =	stream.linear.scatter [tilespmem:s29], [sflag:$0x1], $0x10, $0x38;
	[tilespmem:$0x1EF88] =	vst v63  }
0x223: {  	_ =	swait.ge [sflag:s31], $0x10  }
0x224: {  	[sflag:s31] =	ssyncset.done $0x0  }
0x225: {  	p1 =	seq.s32 s14, $0x0;
	s9 =	rddreg [dreg:$0x1];
	[sflag:s31] =	ssyncadd.s32 $0xFFFFFFF0  }
0x226: {  	s3 =	sshll.u32 @p1 s9, $0xE;
	s8 =	rddreg [dreg:$0x2]  }
0x227: {  	s2 =	sadd.s32 @p1 $0x15C3C, s3;
	s3 =	sshll.u32 @p1 s8, $0x11  }
0x228: {  	_ =	sfence.stream.spmem;
	s2 =	sor.u32 @p1 s3, s2  }
0x229: {  	[sflag:s2] =	ssyncadd.remote.s32 @p1 $0x1;
	s2 =	simm.s32 @p1 $0x4  }
0x22a: {  	s4 =	simm.s32 @!p1 $0x3C;
	s3 =	sand.u32 $0xFFFFFFFE, s9;
	_ =	swait.ge @p1 [sflag:s2], $0x12  }
0x22b: {  	s5 =	simm.s32 @!p1 $0x0;
	s3 =	sadd.s32 @!p1 $0x4, s3;
	[sflag:s2] =	ssyncset.done @p1 $0x0  }
0x22c: {  	s7 =	simm.s32 @!p1 $0x80;
	[sflag:s2] =	ssyncadd.s32 @p1 $0xFFFFFFEE;
	s2 =	sshll.u32 @!p1 s3, $0x1A  }
0x22d: {  	s3 =	sshll.u32 @!p1 s3, $0xD;
	s2 =	sor.u32 @!p1 s2, s8;
	_ =	swait.eq @!p1 [sflag:s4], $0x1  }
0x22e: {  	s3 =	sor.u32 @!p1 $0x1C04, s3;
	s4 =	simm.s32 @!p1 $0x1C03;
	s2 =	sor.u32 @!p1 $0x80004000, s2  }
0x22f: {  	[spmem:s7], [sflag:s3] =	dma.general @!p1 [spmem:s5], [sflag:s4], length:$0x10, [dreg:$0x0], stride_count:$0x0, ici_dest:s2, dma_misc:DstOpCode:WRITE  }
0x230: {  	p2 =	slt.s32 s0, $0x2;
	s5 =	simm.s32 @!p1 $0x100;
	s7 =	simm.s32 @!p1 $0x102  }
0x231: {  	[spmem:s7], [sflag:s3] =	dma.general @!p1 [spmem:s5], [sflag:s4], length:$0x2, [dreg:$0x0], stride_count:$0x0, ici_dest:s2, dma_misc:DstOpCode:WRITE  }
.Ltmp40:
0x232: {  	s2 =	simm.s32 @!p1 $0x3;
	(pc) =	sbr.rel @p2 .LBB3_44-.Ltmp40, $4  }
0x233: {  	s3 =	sshll.u32 @!p1 s9, $0xE;
	_ =	swait.ge @!p1 [sflag:s2], $0x12  }
0x234: {  	s4 =	sshll.u32 @!p1 s8, $0x11;
	s3 =	sadd.s32 @!p1 $0x11C3C, s3;
	[sflag:s2] =	ssyncset.done @!p1 $0x0  }
0x235: {  	[sflag:s2] =	ssyncadd.s32 @!p1 $0xFFFFFFEE;
	s2 =	sor.u32 @!p1 s4, s3  }
0x236: {  	s0 =	simm.s32 $0x0;
	[sflag:s2] =	ssyncadd.remote.s32 @!p1 $0xFFFFFFFF  }
0x237: {  	s0 =	simm.s32 $0xA119  }
0x238: {  	v0 =	vld.msk [tilespmem:s0+$0x0], $0x1;
	_ =	sdelay $0x4  }
0x239: {  	(v2sf) =	vpush v0, $0x0;
	_ =	sdelay $0xd  }
0x23a: {  	s3 =	sadd.s32 $0xFFFFFFFE, s6  }
0x23b: {  	s4 =	sadd.s32 $0xFFFFFFFF, s3;
	s2 =	spop (v2sf)  }
0x23c: {  	p2 =	sne.s32 s4, $0x0;
	p1 =	sgt.u32 s2, $0x270F8  }
.Ltmp41:
0x23d: {  	s5 =	sand.u32 @!p1 $0x3FFF8, s2;
	(pc) =	sbr.rel @!p2 .LBB3_43-.Ltmp41, $4  }
0x23e: {  	s0 =	simm.s32 $0xA178;
	s2 =	sand.u32 @!p1 $0x7, s2;
	s3 =	sadd.s32 @!p1 s1, s5  }
0x23f: {  	[hbm4b:s3+s2] =	stream.linear.scatter @!p1 [tilespmem:s0], [sflag:$0x5], $0x40, $0x38;
	[tilespmem:$0x1EF88] =	vst v63  }
0x240: {  	s2 =	simm.s32 $0x0  }
0x241: {  	s6 =	simm.s32 $0xA11A;
	s5 =	simm.s32 $0x0;
	s2 =	simm.s32 @!p1 $0x100  }
.LBB3_42:
0x242: {  	v0 =	vld.msk [tilespmem:s6+$0x0], $0x1;
	s4 =	sadd.s32 $0xFFFFFFFF, s4;
	s5 =	sadd.s32 s5, s2  }
0x243: {  	p1 =	sne.s32 s4, $0x0;
	_ =	sdelay $0x3  }
0x244: {  	(v2sf) =	vpush v0, $0x0;
	_ =	sdelay $0xe  }
.Ltmp42:
0x245: {  	s3 =	spop (v2sf);
	(pc) =	sbr.rel @p1 .LBB3_42-.Ltmp42, $4  }
0x246: {  	s2 =	simm.s32 $0x0;
	p2 =	sgt.u32 s3, $0x270F8  }
0x247: {  	s0 =	sadd.s32 $0x40, s0;
	s2 =	simm.s32 @!p2 $0x100;
	s7 =	sand.u32 @!p2 $0x3FFF8, s3  }
0x248: {  	s6 =	sadd.s32 $0x1, s6;
	s3 =	sand.u32 @!p2 $0x7, s3;
	s7 =	sadd.s32 @!p2 s1, s7  }
0x249: {  	[hbm4b:s7+s3] =	stream.linear.scatter @!p2 [tilespmem:s0], [sflag:$0x5], $0x40, $0x38;
	[tilespmem:$0x1EF88] =	vst v63  }
.LBB3_43:
0x24a: {  	s0 =	sadd.s32 s5, s2  }
0x24b: {  	s0 =	sshrl.u32 s0, $0x2  }
.LBB3_44:
0x24c: {  	s2 =	simm.s32 $0x5  }
0x24d: {  	_ =	swait.ge [sflag:s2], s0  }
0x24e: {  	s31 =	ssub.s32 $0x0, s0;
	[sflag:s2] =	ssyncset.done $0x0  }
0x24f: {  	[sflag:s2] =	ssyncadd.s32 s31  }
0x250: {  	[sflag:s2] =	ssyncpa.u1 $0x1  }
.LBB3_45:
0x251: {  	s0 =	sor.u32 s14, s15  }
0x252: {  	p1 =	sne.s32 s0, $0x0  }
.Ltmp43:
0x253: {  	_ = 	snop;
	(pc) =	sbr.rel @p1 .LBB3_60-.Ltmp43, $3  }
0x254: {  	_ =	sdelay $0x1  }
0x255: {  	[bflag:$0x0] =	sbarrier.arrive $0xFFFF  }
0x256: {  	_ =	sfence  }
0x257: {  	s0 =	simm.s32 $0x7  }
0x258: {  	s2 =	simm.s32 $0x800;
	s3 =	simm.s32 $0xA118;
	[sflag:s0] =	ssyncpa.u1 $0x0  }
0x259: {  	[tilespmem:s3], [sflag:$0x7] =	stream.linear.gather [spmem:s2], $0x20, $0x38;
	[tilespmem:$0x1EF88] =	vst v63  }
0x25a: {  	s30 =	simm.s32 $0xA138;
	s2 =	simm.s32 $0x0  }
0x25b: {  	[tilespmem:s30], [sflag:$0x7] =	stream.linear.gather [spmem:s2], $0x800, $0x38;
	[tilespmem:$0x1EF88] =	vst v63  }
.Ltmp44:
0x25c: {  	_ = 	snop;
	(pc) =	sbr.rel .LBB3_47-.Ltmp44, $4  }
0x25d: {  	_ =	swait.ge [sflag:s0], $0x820  }
0x25e: {  	[sflag:s0] =	ssyncset.done $0x0  }
0x25f: {  	s31 =	simm.s32 $0x8;
	[sflag:s0] =	ssyncadd.s32 $0xFFFFF7E0  }
0x260: {  	s3 =	simm.s32 $0x0;
	[sflag:s31] =	ssyncpa.u1 $0x0  }
.LBB3_53:
0x261: {  	p1 =	slt.u32 s0, $0x270F9  }
0x262: {  	s4 =	sand.u32 @p1 $0x3FFF8, s0  }
0x263: {  	s0 =	sand.u32 @p1 $0x7, s0;
	s5 =	simm.s32 @p1 $0xA0C8;
	s4 =	sadd.s32 @p1 s1, s4  }
0x264: {  	[tilespmem:s5], [sflag:$0x8] =	stream.linear.gather @p1 [hbm4b:s4+s0], $0x40, $0x38;
	[tilespmem:$0x1EF88] =	vst v63  }
0x265: {  	s0 =	simm.s32 @p1 $0x8  }
0x266: {  	_ =	swait.ge @p1 [sflag:s0], $0x40  }
0x267: {  	[sflag:s0] =	ssyncset.done @p1 $0x0  }
0x268: {  	[sflag:s0] =	ssyncadd.s32 @p1 $0xFFFFFFC0  }
0x269: {  	v1 =	vld @p1 [tilespmem:$0xA0C8];
	_ =	sdelay $0x2  }
0x26a: {  	s0 =	sshll.u32 @p1 s3, $0x8  }
0x26b: {  	s4 =	sshrl.u32 @p1 s0, $0x2  }
0x26c: {  	[tilespmem:s4+$0xA138] =	vst.add.f32.msk @p1 $0xffff, v1  }
0x26d: {  	v1 =	vld @p1 [tilespmem:$0xA0D8];
	_ =	sdelay $0x4  }
0x26e: {  	[tilespmem:s4+$0xA148] =	vst.add.f32.msk @p1 $0xffff, v1  }
0x26f: {  	v1 =	vld @p1 [tilespmem:$0xA0E8];
	_ =	sdelay $0x4  }
0x270: {  	[tilespmem:s4+$0xA158] =	vst.add.f32.msk @p1 $0xffff, v1  }
0x271: {  	v1 =	vld @p1 [tilespmem:$0xA0F8];
	_ =	sdelay $0x3  }
0x272: {  	s5 =	sshll.u32 @!p1 s3, $0x8  }
0x273: {  	s5 =	smov.u32 @p1 s0;
	[tilespmem:s4+$0xA168] =	vst.add.f32.msk @p1 $0xffff, v1  }
0x274: {  	s0 =	sshrl.u32 s5, $0x2;
	[tilespmem:s2+$0xA118] =	vst.msk $0x1, v0  }
0x275: {  	v0 =	vld [tilespmem:s0+$0xA138];
	_ =	sdelay $0x2  }
0x276: {  	s31 =	sshll.u32 s2, $0x8  }
0x277: {  	s4 =	sshra.s32 s31, $0x2  }
0x278: {  	[tilespmem:s4+$0xA138] =	vst v0  }
0x279: {  	v0 =	vld [tilespmem:s0+$0xA148];
	_ =	sdelay $0x4  }
0x27a: {  	[tilespmem:s4+$0xA148] =	vst v0  }
0x27b: {  	v0 =	vld [tilespmem:s0+$0xA158];
	_ =	sdelay $0x4  }
0x27c: {  	[tilespmem:s4+$0xA158] =	vst v0  }
0x27d: {  	v0 =	vld [tilespmem:s0+$0xA168];
	_ =	sdelay $0x4  }
0x27e: {  	s2 =	sadd.s32 $0x1, s2;
	[tilespmem:s4+$0xA168] =	vst v0  }
.LBB3_54:
0x27f: {  	s3 =	sadd.s32 $0x1, s3  }
0x280: {  	p1 =	sne.s32 s3, $0x20  }
.Ltmp45:
0x281: {  	_ = 	snop;
	(pc) =	sbr.rel @!p1 .LBB3_55-.Ltmp45, $1  }
0x282: {  	_ =	sdelay $0x3  }
.LBB3_47:
0x283: {  	v0 =	vld.msk [tilespmem:s3+$0xA118], $0x1;
	_ =	sdelay $0x4  }
0x284: {  	(v2sf) =	vpush v0, $0x0;
	_ =	sdelay $0xe  }
0x285: {  	s0 =	spop (v2sf)  }
0x286: {  	p1 =	seq.s32 s0, $0xFFFFFFFF  }
.Ltmp46:
0x287: {  	_ = 	snop;
	(pc) =	sbr.rel @p1 .LBB3_54-.Ltmp46, $1  }
0x288: {  	_ =	sdelay $0x3  }
0x289: {  	p1 =	slt.s32 s2, $0x1  }
.Ltmp47:
0x28a: {  	_ = 	snop;
	(pc) =	sbr.rel @p1 .LBB3_53-.Ltmp47, $1  }
0x28b: {  	_ =	sdelay $0x3  }
0x28c: {  	s4 =	simm.s32 $0xA118;
	p1 =	por $0x0, $0x0  }
0x28d: {  	v1 =	vld.msk @!p1 [tilespmem:s4+$0x0], $0x1;
	_ =	sdelay $0x4  }
0x28e: {  	(v2sf) =	vpush @!p1 v1, $0x0;
	_ =	sdelay $0xd  }
0x28f: {  	p3 =	sne.s32 s2, $0x1  }
.Ltmp48:
0x290: {  	s5 =	spop @!p1 (v2sf);
	(pc) =	sbr.rel @!p3 .LBB3_51-.Ltmp48, $4  }
0x291: {  	p2 =	seq.s32 @!p1 s0, s5  }
0x292: {  	s5 =	simm.s32 $0x0;
	p2 =	por !p2, p1  }
0x293: {  	s7 =	simm.s32 $0xFFFFFFFF;
	s5 =	simm.s32 @p2 $0xFFFFFFFF  }
0x294: {  	s6 =	simm.s32 $0x1;
	s5 =	smov.u32 @p1 s7  }
.LBB3_50:
0x295: {  	s7 =	smov.u32 s5;
	p1 =	sne.s32 s5, $0xFFFFFFFF  }
0x296: {  	s4 =	sadd.s32 $0x1, s4;
	s5 =	smov.u32 s6;
	s6 =	sadd.s32 $0x1, s6  }
0x297: {  	p2 =	sne.s32 s2, s6;
	v1 =	vld.msk @!p1 [tilespmem:s4+$0x0], $0x1;
	_ =	sdelay $0x4  }
0x298: {  	(v2sf) =	vpush @!p1 v1, $0x0;
	_ =	sdelay $0xe  }
.Ltmp49:
0x299: {  	s8 =	spop @!p1 (v2sf);
	(pc) =	sbr.rel @p2 .LBB3_50-.Ltmp49, $4  }
0x29a: {  	p3 =	seq.s32 @!p1 s0, s8  }
0x29b: {  	p3 =	por !p3, p1  }
0x29c: {  	s5 =	simm.s32 @p3 $0xFFFFFFFF  }
0x29d: {  	s5 =	smov.u32 @p1 s7  }
.LBB3_51:
0x29e: {  	p1 =	seq.s32 s5, $0xFFFFFFFF  }
.Ltmp50:
0x29f: {  	_ = 	snop;
	(pc) =	sbr.rel @p1 .LBB3_53-.Ltmp50, $1  }
0x2a0: {  	_ =	sdelay $0x3  }
0x2a1: {  	s0 =	sshll.u32 s3, $0x6  }
0x2a2: {  	s0 =	sand.u32 $0x3FFFFFC0, s0  }
0x2a3: {  	v0 =	vld [tilespmem:s0+$0xA138];
	_ =	sdelay $0x2  }
0x2a4: {  	s4 =	sshll.u32 s5, $0x8  }
0x2a5: {  	s4 =	sshra.s32 s4, $0x2  }
0x2a6: {  	[tilespmem:s4+$0xA138] =	vst.add.f32.msk $0xffff, v0  }
0x2a7: {  	v0 =	vld [tilespmem:s0+$0xA148];
	_ =	sdelay $0x4  }
0x2a8: {  	[tilespmem:s4+$0xA148] =	vst.add.f32.msk $0xffff, v0  }
0x2a9: {  	v0 =	vld [tilespmem:s0+$0xA158];
	_ =	sdelay $0x4  }
0x2aa: {  	[tilespmem:s4+$0xA158] =	vst.add.f32.msk $0xffff, v0  }
0x2ab: {  	v0 =	vld [tilespmem:s0+$0xA168]  }
.Ltmp51:
0x2ac: {  	_ = 	snop;
	(pc) =	sbr.rel .LBB3_54-.Ltmp51, $2  }
0x2ad: {  	_ =	sdelay $0x2  }
0x2ae: {  	[tilespmem:s4+$0xA168] =	vst.add.f32.msk $0xffff, v0  }
.LBB3_55:
0x2af: {  	p1 =	slt.s32 s2, $0x1  }
.Ltmp52:
0x2b0: {  	_ = 	snop;
	(pc) =	sbr.rel @p1 .LBB3_59-.Ltmp52, $3  }
0x2b1: {  	_ =	sdelay $0x1  }
0x2b2: {  	s0 =	simm.s32 $0x8  }
0x2b3: {  	[sflag:s0] =	ssyncpa.u1 $0x1;
	s0 =	simm.s32 $0x0  }
0x2b4: {  	s3 =	simm.s32 $0xA118  }
0x2b5: {  	v0 =	vld.msk [tilespmem:s3+$0x0], $0x1;
	_ =	sdelay $0x4  }
0x2b6: {  	(v2sf) =	vpush v0, $0x0;
	_ =	sdelay $0xe  }
0x2b7: {  	s2 =	sadd.s32 $0xFFFFFFFF, s2;
	s4 =	spop (v2sf)  }
0x2b8: {  	p2 =	sne.s32 s2, $0x0;
	p1 =	sgt.u32 s4, $0x270F8  }
.Ltmp53:
0x2b9: {  	s5 =	sand.u32 @!p1 $0x3FFF8, s4;
	(pc) =	sbr.rel @!p2 .LBB3_58-.Ltmp53, $4  }
0x2ba: {  	s3 =	simm.s32 $0xA138;
	s4 =	sand.u32 @!p1 $0x7, s4;
	s5 =	sadd.s32 @!p1 s1, s5  }
0x2bb: {  	[hbm4b:s5+s4] =	stream.linear.scatter @!p1 [tilespmem:s3], [sflag:$0x7], $0x40, $0x38;
	[tilespmem:$0x1EF88] =	vst v63  }
0x2bc: {  	s5 =	simm.s32 $0x0  }
0x2bd: {  	s4 =	simm.s32 $0xA119;
	s5 =	simm.s32 @!p1 $0x100  }
.LBB3_57:
0x2be: {  	v0 =	vld.msk [tilespmem:s4+$0x0], $0x1;
	s2 =	sadd.s32 $0xFFFFFFFF, s2;
	s0 =	sadd.s32 s0, s5  }
0x2bf: {  	p1 =	sne.s32 s2, $0x0;
	_ =	sdelay $0x3  }
0x2c0: {  	(v2sf) =	vpush v0, $0x0;
	_ =	sdelay $0xe  }
.Ltmp54:
0x2c1: {  	s6 =	spop (v2sf);
	(pc) =	sbr.rel @p1 .LBB3_57-.Ltmp54, $4  }
0x2c2: {  	s5 =	simm.s32 $0x0;
	p2 =	sgt.u32 s6, $0x270F8  }
0x2c3: {  	s3 =	sadd.s32 $0x40, s3;
	s5 =	simm.s32 @!p2 $0x100;
	s7 =	sand.u32 @!p2 $0x3FFF8, s6  }
0x2c4: {  	s4 =	sadd.s32 $0x1, s4;
	s6 =	sand.u32 @!p2 $0x7, s6;
	s7 =	sadd.s32 @!p2 s1, s7  }
0x2c5: {  	[hbm4b:s7+s6] =	stream.linear.scatter @!p2 [tilespmem:s3], [sflag:$0x7], $0x40, $0x38;
	[tilespmem:$0x1EF88] =	vst v63  }
.LBB3_58:
0x2c6: {  	s0 =	sadd.s32 s0, s5  }
0x2c7: {  	s0 =	sshrl.u32 s0, $0x2  }
.LBB3_59:
0x2c8: {  	s1 =	simm.s32 $0x7  }
0x2c9: {  	_ =	swait.ge [sflag:s1], s0  }
0x2ca: {  	s31 =	ssub.s32 $0x0, s0;
	[sflag:s1] =	ssyncset.done $0x0  }
0x2cb: {  	[sflag:s1] =	ssyncadd.s32 s31  }
0x2cc: {  	[sflag:s1] =	ssyncpa.u1 $0x1  }
.LBB3_60:
0x2cd: {  	_ =	sfence;
	s0 =	simm.s32 $0x1  }
0x2ce: {  	[sflag:s0] =	ssyncpa.u1 $0x1  }
0x2cf: {  	_ =	strace $0x90000068  }
0x2d0: {  	[bflag:$0x2] =	sbarrier.arrive $0xFFFF  }
0x2d1: {  	s0 =	rddreg [dreg:$0x3]  }
0x2d2: {  	s0 =	sadd.s32 @!p0 $0x100000, s0  }
0x2d3: {  	[sflag:s0] =	ssyncadd.tile.s32 @!p0 $0x1;
	_ =	shalt  }
.Lfunc_end3:
_tile_overlayer_lowered:
.L_overlay_start_3:
0x2d4: {  	(tag) =	ssettag $0x3  }
0x2d5: {  	s0 =	rddreg [dreg:$0x0];
	s2 =	stileid.u32  }
0x2d6: {  	s1 =	rddreg [dreg:$0x1];
	p0 =	sne.s32 s2, $0x0  }
0x2d7: {  	s3 =	rddreg [dreg:$0x2];
	[bflag:$0x3] =	sbarrier.arrive $0xFFFF;
	s2 =	simm.s32 @!p0 $0x1C01  }
0x2d8: {  	[timem:s3], [sflag:s2] =	dma.local @!p0 [hbm:s0], s1  }
0x2d9: {  	s0 =	simm.s32 @!p0 $0x1  }
0x2da: {  	_ =	swait.ge @!p0 [sflag:s0], s1  }
0x2db: {  	s1 =	ssub.s32 @!p0 $0x0, s1;
	[sflag:s0] =	ssyncset.done @!p0 $0x0  }
0x2dc: {  	[sflag:s0] =	ssyncadd.s32 @!p0 s1  }
0x2dd: {  	[bflag:$0x3] =	sbarrier.arrive $0xFFFF  }
0x2de: {  	_ =	shalt  }

// kernel: scatter_offload_async_start.4
scs
__scs_entry_jumppad:
0x0: {  	(pc) =	sbr.rel $0x88, $3  }
0x1: {  	(tag) =	ssettag $0x0;
	lr =	simm.s32 $0x1  }
0x2: {  	[smem:$0x3F70] =	sst lr;
	_ =	strace $0xD0000000  }
0x3: {  	_ = 	snop  }
0x4: {  	_ = 	snop  }
0x5: {  	_ = 	snop  }
0x6: {  	_ = 	snop  }
0x7: {  	_ = 	snop  }
__scs_overlays_trampoline_lowered:
0x8: {  	[smem:$0x3F7F] =	sst s0  }
0x9: {  	[smem:$0x3F80] =	sst s1  }
0xa: {  	[smem:$0x3F81] =	sst s2  }
0xb: {  	[smem:$0x3F82] =	sst s3  }
0xc: {  	[smem:$0x3F83] =	sst s4  }
0xd: {  	[smem:$0x3F84] =	sst s5  }
0xe: {  	[smem:$0x3F85] =	sst s6  }
0xf: {  	[smem:$0x3F86] =	sst s7  }
0x10: {  	[smem:$0x3F87] =	sst s8  }
0x11: {  	[smem:$0x3F88] =	sst s9;
	s0 =	simm.s32 @!p0 $0x0  }
0x12: {  	s1 =	sld [smem:$0x3F6E];
	s0 =	simm.s32 @p0 $0x1  }
0x13: {  	[smem:$0x3F89] =	sst s0;
	s0 =	simm.s32 @!p1 $0x0  }
0x14: {  	s2 =	sld [smem:$0x3F6D];
	s0 =	simm.s32 @p1 $0x1  }
0x15: {  	[smem:$0x3F8A] =	sst s0;
	s0 =	simm.s32 @!p2 $0x0  }
0x16: {  	s3 =	sld [smem:$0x3FDB];
	s0 =	simm.s32 @p2 $0x1  }
0x17: {  	s4 =	simm.s32 $0x1BF5;
	[smem:$0x3F8C] =	sst s0  }
0x18: {  	s0 =	sld [smem:$0x3F6F];
	_ =	swait.ge [sflag:s4], $0x0  }
0x19: {  	s7 =	sld [smem:$0x3F70]  }
0x1a: {  	s8 =	sadd.s32 $0xFFFFE003, lr  }
0x1b: {  	s9 =	sadd.s32 $0xFFFFFEF7, lr;
	s5 =	simm.s32 $0xFFFFFFFF;
	p2 =	slt.u32 s8, $0xFFFFF086  }
0x1c: {  	p1 =	slt.u32 s9, $0xF7A;
	s5 =	simm.s32 @!p2 $0x0  }
0x1d: {  	s5 =	simm.s32 @p1 $0x1;
	p0 =	seq.s32 s7, s2  }
0x1e: {  	s7 =	smul.u32 @!p0 $0xF7A, s2;
	p2 =	seq.s32 @!p0 s5, $0x0  }
0x1f: {  	s9 =	smul.u32 $0xF7A, s1;
	s8 =	simm.s32 @!p0 $0x1BF5;
	p2 =	por !p2, p0  }
0x20: {  	[sflag:s8] =	ssyncset.s32 @!p0 $0xFFFFF086;
	s6 =	sadd.s32 @!p0 s3, s7;
	s7 =	simm.s32 @!p0 $0x108  }
0x21: {  	s3 =	sadd.s32 s3, s9;
	s6 =	sadd.s32 @!p0 $0x88, s6;
	s7 =	simm.s32 @p2 $0x1082  }
0x22: {  	[simem:s7], [sflag:s8] =	dma.local @!p0 [hbm:s6], $0xF7A  }
0x23: {  	s9 =	sor.u32 $0xD0000000, s2;
	s6 =	simm.s32 $0x108;
	_ =	swait.ge @!p0 [sflag:s8], $0x0  }
0x24: {  	s3 =	sadd.s32 $0x88, s3;
	s6 =	simm.s32 @!p1 $0x1082;
	[sflag:s4] =	ssyncset.s32 $0xFFFFF086  }
0x25: {  	[simem:s6], [sflag:s4] =	dma.local [hbm:s3], $0xF7A  }
0x26: {  	[smem:$0x3F70] =	sst s1;
	(tag) =	ssettag s2;
	_ =	strace s9  }
0x27: {  	s1 =	sld [smem:$0x3F80]  }
0x28: {  	s2 =	sld [smem:$0x3F81]  }
0x29: {  	s4 =	sld [smem:$0x3F83]  }
0x2a: {  	p0 =	seq.s32 s5, $0x0;
	s5 =	sld [smem:$0x3F84]  }
0x2b: {  	s6 =	sld [smem:$0x3F85]  }
0x2c: {  	s7 =	sld [smem:$0x3F86]  }
0x2d: {  	s3 =	simm.s32 $0x108;
	s8 =	sld [smem:$0x3F87]  }
0x2e: {  	s3 =	simm.s32 @!p0 $0x1082;
	s9 =	sld [smem:$0x3F88]  }
0x2f: {  	lr =	sadd.s32 s0, s3;
	s0 =	sld [smem:$0x3F7F]  }
0x30: {  	s3 =	sld [smem:$0x3F82]  }
0x31: {  	[smem:$0x3F8B] =	sst s10  }
0x32: {  	s10 =	sld [smem:$0x3F89];
	_ =	sdelay $0x3  }
0x33: {  	p0 =	seq.s32 s10, $0x1;
	s10 =	sld [smem:$0x3F8B];
	_ =	sdelay $0x3  }
0x34: {  	[smem:$0x3F8B] =	sst s10  }
0x35: {  	s10 =	sld [smem:$0x3F8A];
	_ =	sdelay $0x3  }
0x36: {  	p1 =	seq.s32 s10, $0x1;
	s10 =	sld [smem:$0x3F8B];
	_ =	sdelay $0x3  }
0x37: {  	[smem:$0x3F8B] =	sst s10  }
0x38: {  	s10 =	sld [smem:$0x3F8C]  }
0x39: {  	_ = 	snop;
	(pc) =	sbr.ind lr, $3  }
0x3a: {  	_ = 	snop  }
0x3b: {  	_ = 	snop  }
0x3c: {  	p2 =	seq.s32 s10, $0x1;
	s10 =	sld [smem:$0x3F8B]  }
0x3d: {  	_ =	shalt  }
0x3e: {  	_ =	shalt  }
0x3f: {  	_ =	shalt  }
0x40: {  	_ =	shalt  }
0x41: {  	_ =	shalt  }
0x42: {  	_ =	shalt  }
0x43: {  	_ =	shalt  }
0x44: {  	_ =	shalt  }
0x45: {  	_ =	shalt  }
0x46: {  	_ =	shalt  }
0x47: {  	_ =	shalt  }
0x48: {  	_ =	shalt  }
0x49: {  	_ =	shalt  }
0x4a: {  	_ =	shalt  }
0x4b: {  	_ =	shalt  }
0x4c: {  	_ =	shalt  }
0x4d: {  	_ =	shalt  }
0x4e: {  	_ =	shalt  }
0x4f: {  	_ =	shalt  }
0x50: {  	_ =	shalt  }
0x51: {  	_ =	shalt  }
0x52: {  	_ =	shalt  }
0x53: {  	_ =	shalt  }
0x54: {  	_ =	shalt  }
0x55: {  	_ =	shalt  }
0x56: {  	_ =	shalt  }
0x57: {  	_ =	shalt  }
0x58: {  	_ =	shalt  }
0x59: {  	_ =	shalt  }
0x5a: {  	_ =	shalt  }
0x5b: {  	_ =	shalt  }
0x5c: {  	_ =	shalt  }
0x5d: {  	_ =	shalt  }
0x5e: {  	_ =	shalt  }
0x5f: {  	_ =	shalt  }
0x60: {  	_ =	shalt  }
0x61: {  	_ =	shalt  }
0x62: {  	_ =	shalt  }
0x63: {  	_ =	shalt  }
0x64: {  	_ =	shalt  }
0x65: {  	_ =	shalt  }
0x66: {  	_ =	shalt  }
0x67: {  	_ =	shalt  }
0x68: {  	_ =	shalt  }
0x69: {  	_ =	shalt  }
0x6a: {  	_ =	shalt  }
0x6b: {  	_ =	shalt  }
0x6c: {  	_ =	shalt  }
0x6d: {  	_ =	shalt  }
0x6e: {  	_ =	shalt  }
0x6f: {  	_ =	shalt  }
0x70: {  	_ =	shalt  }
0x71: {  	_ =	shalt  }
0x72: {  	_ =	shalt  }
0x73: {  	_ =	shalt  }
0x74: {  	_ =	shalt  }
0x75: {  	_ =	shalt  }
0x76: {  	_ =	shalt  }
0x77: {  	_ =	shalt  }
0x78: {  	_ =	shalt  }
0x79: {  	_ =	shalt  }
0x7a: {  	_ =	shalt  }
0x7b: {  	_ =	shalt  }
0x7c: {  	_ =	shalt  }
0x7d: {  	_ =	shalt  }
0x7e: {  	_ =	shalt  }
0x7f: {  	_ =	shalt  }
0x80: {  	_ =	shalt  }
0x81: {  	_ =	shalt  }
0x82: {  	_ =	shalt  }
0x83: {  	_ =	shalt  }
0x84: {  	_ =	shalt  }
0x85: {  	_ =	shalt  }
0x86: {  	_ =	shalt  }
0x87: {  	_ =	shalt  }
.Lfunc_end0:
.L_simem_size_0:
called_computation.4_lowered:
.L_overlay_start_0:
0x88: {  	s2 =	sld [smem:$0x3FD9]  }
0x89: {  	s3 =	sld [smem:$0x3FFE];
	_ =	sdelay $0x1  }
0x8a: {  	s1 =	srdreg.scid  }
0x8b: {  	s0 =	sand.u32 $0x1, s1  }
0x8c: {  	s15 =	sshll.u32 s0, $0xA;
	s2 =	sadd.s32 s3, s2  }
0x8d: {  	s2 =	sadd.s32 s2, s15  }
0x8e: {  	[smem:$0x3F97] =	sst s2  }
0x8f: {  	_ = 	snop  }
0x90: {  	(tm) =	ssettm $0x1  }
0x91: {  	s16 =	sld [smem:$0x3FFB];
	_ =	sdelay $0x3  }
0x92: {  	_ =	strace s16  }
0x93: {  	s2 =	sld [smem:$0x3FFC];
	_ =	sdelay $0x3  }
0x94: {  	_ =	strace s2  }
0x95: {  	s2 =	sld [smem:$0x3FFD];
	_ =	sdelay $0x3  }
0x96: {  	_ =	strace s2  }
0x97: {  	_ =	strace $0x8FFFFFFF  }
0x98: {  	s17 =	sld [smem:$0x3FDB];
	_ =	sdelay $0x1  }
0x99: {  	s18 =	simm.s32 $_scs_section_size  }
0x9a: {  	s4 =	simm.s32 $_size__tile_overlayer_lowered;
	s5 =	simm.s32 $_tile_overlayer_lowered  }
0x9b: {  	s21 =	simm.s32 $0x1BFF;
	s20 =	sshll.u32 s5, $0x1;
	s2 =	sadd.s32 s18, s17  }
0x9c: {  	s6 =	simm.s32 $0x0;
	s19 =	sshll.u32 s4, $0x1;
	s4 =	sadd.s32 s20, s2  }
0x9d: {  	[timem:s6], [sflag:s21] =	dma.local [hbm:s4], s19  }
0x9e: {  	_ =	swait.ge [sflag:s21], s19  }
0x9f: {  	s3 =	ssub.s32 $0x0, s19;
	[sflag:s21] =	ssyncset.done $0x0  }
0xa0: {  	[sflag:s21] =	ssyncadd.s32 s3;
	_ =	sdelay $0x1  }
0xa1: {  	s22 =	simm.s32 $0x1B8B  }
0xa2: {  	_ =	swait.ge [sflag:s22], $0x1  }
0xa3: {  	[sflag:s22] =	ssyncset.done $0x0  }
0xa4: {  	s23 =	sld [smem:$0x3FFE];
	[sflag:s22] =	ssyncadd.s32 $0xFFFFFFFF  }
0xa5: {  	s25 =	simm.s32 $0x1B8E;
	s24 =	sld [smem:$0x0]  }
0xa6: {  	s26 =	simm.s32 $execute0_lowered;
	[smem:$0x3FD2] =	sst s25  }
0xa7: {  	s5 =	sshll.u32 s26, $0x1;
	_ =	strace $0x8000006D;
	[dreg:$0x1] =	wrdreg $0xFFFFFFFF  }
0xa8: {  	s28 =	simm.s32 $_size_execute0_lowered;
	s2 =	sadd.s32 s2, s5;
	[dreg:$0x0] =	wrdreg $0x0  }
0xa9: {  	s5 =	sshll.u32 s28, $0x1;
	[dreg:$0x2] =	wrdreg s2  }
0xaa: {  	[dreg:$0x3] =	wrdreg s5  }
0xab: {  	[dreg:$0x4] =	wrdreg $0xC0  }
0xac: {  	_ =	task [dreg:s6], $0x5FFFF  }
0xad: {  	[dreg:$0x1] =	wrdreg $0xFFFFFFFF  }
0xae: {  	[dreg:$0x0] =	wrdreg $0x60  }
0xaf: {  	[dreg:$0x2] =	wrdreg s23  }
0xb0: {  	[dreg:$0x3] =	wrdreg s1  }
0xb1: {  	[dreg:$0x4] =	wrdreg s24  }
0xb2: {  	[dreg:$0x5] =	wrdreg $0x9  }
0xb3: {  	_ =	task.clear_ibuf [dreg:s6], $0x6FFFF;
	_ =	strace $0x9000006D  }
0xb4: {  	s29 =	simm.s32 $0x9;
	_ =	strace $0x8000006F  }
0xb5: {  	_ =	swait.ge [sflag:s29], $0x1  }
0xb6: {  	[sflag:s29] =	ssyncadd.s32 $0xFFFFFFFF  }
0xb7: {  	_ =	strace $0x9000006F  }
0xb8: {  	_ =	sfence  }
0xb9: {  	s30 =	sld [smem:$0x0];
	_ =	sdelay $0x2  }
0xba: {  	s31 =	sshll.u32 s1, $0xD;
	s1 =	sshrl.u32 s1, $0x2  }
0xbb: {  	s3 =	sand.u32 $0x4000, s31;
	s1 =	sadd.s32 s1, s30  }
0xbc: {  	s0 =	sor.u32 s3, s0;
	s1 =	sshll.u32 s1, $0x11  }
0xbd: {  	s0 =	sor.u32 s1, s0  }
0xbe: {  	s0 =	sadd.s32 $0x8F2B, s0  }
0xbf: {  	[sflag:s0] =	ssyncadd.remote.s32 $0x1  }
0xc0: {  	_ =	sfence.sel $0xFFFF  }
0xc1: {  	[dreg:$0x0] =	wrdreg $0xFFFFFFFF;
	(pc) =	sbr.abs _section_cstart, $3  }
0xc2: {  	[dreg:$0x1] =	wrdreg $0xFFFFFFFF  }
0xc3: {  	_ =	task.clear_ibuf [dreg:s6], $0x2FFFF;
	_ =	strace $0x9FFFFFFF  }
0xc4: {  	(tm) =	ssettm $0x7FFFFFFF  }
0xc5: {  	_ =	shalt  }
tec
execute0_lowered:
.L_overlay_start_1:
0x0: {  	(tag) =	ssettag $0x1  }
0x1: {  	s2 =	rddreg [dreg:$0x0]  }
0x2: {  	s3 =	rddreg [dreg:$0x1];
	_ =	strace $0x8000006E;
	s0 =	simm.s32 $0x1  }
0x3: {  	s4 =	simm.s32 $0x88;
	v0 =	vimm.s32 $0x0;
	[sflag:s0] =	ssyncpa.u1 $0x0  }
0x4: {  	s1 =	sadd.s32 $0xF3200, s2;
	s0 =	sadd.s32 $0x149600, s2;
	[tilespmem:s4+$0x30] =	vst v0  }
0x5: {  	s6 =	sadd.s32 $0x1551600, s2;
	s3 =	sand.u32 $0x1, s3;
	s14 =	sadd.s32 $0xDC00, s2;
	[tilespmem:s4+$0x20] =	vst v0  }
0x6: {  	s2 =	simm.s32 $0x40;
	[dreg:$0x4] =	wrdreg s3;
	s15 =	sshll.u32 s3, $0xE;
	[tilespmem:s4+$0x10] =	vst v0  }
.LBB2_1:
0x7: {  	s2 =	sadd.s32 $0x40, s2  }
0x8: {  	[tilespmem:s4+$0x0] =	vst v0;
	s4 =	sadd.s32 $0x40, s4;
	p0 =	slt.u32 s2, $0x5040  }
.Ltmp0:
0x9: {  	(pc) =	sbr.rel @p0 .LBB2_1-.Ltmp0, $4  }
0xa: {  	_ = 	snop  }
0xb: {  	[tilespmem:s4+$0x30] =	vst v0  }
0xc: {  	[tilespmem:s4+$0x20] =	vst v0  }
0xd: {  	[tilespmem:s4+$0x10] =	vst v0  }
0xe: {  	s9 =	stileid.u32  }
0xf: {  	s2 =	smul.u32 $0x19, s9  }
0x10: {  	s3 =	smin.u32 s9, $0xA  }
0x11: {  	s2 =	sadd.s32 s3, s2  }
0x12: {  	p0 =	slt.u32 s9, $0xA;
	s7 =	smul.u32 $0x140, s2;
	s2 =	simm.s32 $0x2080  }
0x13: {  	s2 =	simm.s32 @!p0 $0x1F40  }
0x14: {  	s2 =	sadd.s32 s2, s7  }
0x15: {  	s8 =	smin.u32 s2, $0x20000  }
0x16: {  	s2 =	ssub.s32 s8, s7  }
0x17: {  	p0 =	sgt.s32 s2, $0x0  }
0x18: {  	s28 =	simm.s32 $0x2;
	s30 =	simm.s32 $0x9;
	s2 =	simm.s32 @!p0 $0x0  }
0x19: {  	s31 =	simm.s32 $0xA;
	s11 =	simm.s32 $0xB;
	s29 =	smulhi.u32 $0x66666667, s2  }
0x1a: {  	s12 =	simm.s32 $0x1;
	s14 =	sadd.s32 s15, s14;
	s15 =	sadd.s32 s15, s0  }
0x1b: {  	s18 =	simm.s32 $0x0;
	p1 =	por $0x0, $0x0;
	s3 =	sshrl.u32 s29, $0x7  }
0x1c: {  	s19 =	simm.s32 $0xC;
	s23 =	simm.s32 $0x0;
	s5 =	smul.u32 $0x140, s3  }
.Ltmp1:
0x1d: {  	[tilespmem:s4+$0x0] =	vst v0;
	v0 =	vimm.s32 $0xFFFFFFFF;
	s20 =	simm.s32 $0x0;
	[sflag:s28] =	ssyncpa.u1 $0x0;
	(pc) =	sbr.rel .LBB2_3-.Ltmp1, $4  }
0x1e: {  	[tilespmem:$0xA108] =	vst v0;
	[sflag:s30] =	ssyncpa.u1 $0x0;
	p0 =	sne.s32 s2, s5;
	s2 =	simm.s32 $0x1  }
0x1f: {  	s22 =	simm.s32 $0x0;
	[sflag:s31] =	ssyncpa.u1 $0x0;
	s2 =	simm.s32 @!p0 $0x0  }
0x20: {  	s16 =	sshll.u32 s9, $0x7;
	[sflag:s11] =	ssyncpa.u1 $0x0;
	s13 =	sadd.s32 s2, s3  }
0x21: {  	v0 =	vlaneseq.u32;
	s21 =	smov.u32 s7;
	p0 =	por $0x1, $0x1;
	s17 =	sadd.s32 $0x1, s13  }
.LBB2_24:
0x22: {  	s0 =	sshrl.u32 s0, $0x2  }
.LBB2_26:
0x23: {  	_ =	swait.ge [sflag:s19], s0  }
0x24: {  	s30 =	ssub.s32 $0x0, s0;
	v1 =	vmov s25;
	vm0 =	veq.s32 v0, $0x0;
	[sflag:s19] =	ssyncset.done $0x0  }
0x25: {  	vm15 =	veq.s32 v0, $0x2;
	v1 =	vsel vm0, s31, v1;
	[sflag:s19] =	ssyncadd.s32 s30  }
0x26: {  	v1 =	vsel vm15, s23, v1;
	[sflag:s19] =	ssyncpa.u1 $0x1  }
0x27: {  	[tilespmem:$0xA108] =	vst v1  }
.LBB2_27:
0x28: {  	s0 =	sadd.s32 $0x140, s21  }
0x29: {  	s2 =	smov.u32 s7;
	p2 =	slt.s32 s0, s8  }
0x2a: {  	s2 =	smov.u32 @p2 s0;
	p2 =	sne.s32 s22, s17  }
.Ltmp2:
0x2b: {  	_ = 	snop;
	(pc) =	sbr.rel @!p2 .LBB2_28-.Ltmp2, $4  }
0x2c: {  	_ = 	snop  }
0x2d: {  	s23 =	smov.u32 s20  }
0x2e: {  	s31 =	sadd.s32 $0x1, s22;
	s20 =	smov.u32 s21;
	p0 =	por !p0, !p0  }
0x2f: {  	p1 =	por !p1, !p1;
	s22 =	smov.u32 s31;
	s21 =	smov.u32 s2  }
.LBB2_3:
0x30: {  	p2 =	sge.u32 s22, s13  }
0x31: {  	s0 =	smulhi.u32 @!p2 $0xAAAAAAAB, s22  }
0x32: {  	s2 =	smov.u32 s21;
	p3 =	sgt.s32 @!p2 s21, $0x1FEC0  }
0x33: {  	s3 =	sshra.s32 @!p2 s21, $0x1F;
	p3 =	por !p3, p2;
	s0 =	sshrl.u32 @!p2 s0, $0x1  }
0x34: {  	s3 =	sand.u32 @!p2 s3, s21;
	s2 =	simm.s32 @p3 $0x1FEC0;
	s0 =	smul.u32 @!p2 $0x3, s0  }
0x35: {  	s2 =	ssub.s32 @!p2 s2, s3  }
0x36: {  	s2 =	sadd.s32 @!p2 $0xFFFE0140, s2;
	s0 =	ssub.s32 @!p2 s22, s0  }
0x37: {  	s3 =	sshll.u32 @!p2 s2, $0x2;
	p3 =	sgt.s32 @!p2 s2, $0x13F;
	s0 =	smul.u32 @!p2 $0x500, s0  }
0x38: {  	s4 =	sand.u32 @!p2 $0x7, s21;
	s2 =	ssub.s32 @!p2 $0x500, s3;
	p3 =	por !p3, p2  }
0x39: {  	s3 =	sshrl.u32 @!p2 s21, $0x3;
	s2 =	sshrl.u32 @!p2 s2, $0x2;
	s0 =	sshrl.u32 @!p2 s0, $0x2  }
0x3a: {  	s3 =	sadd.s32 @!p2 s3, s14;
	s2 =	simm.s32 @!p3 $0x0;
	s0 =	sadd.s32 @!p2 $0xA948, s0  }
0x3b: {  	[tilespmem:s0], [sflag:$0xA] =	stream.linear.gather @!p2 [hbm4b:s3+s4], s2, $0x38;
	[tilespmem:$0x1EF88] =	vst v63  }
0x3c: {  	s4 =	sadd.s32 $0xFFFFFFFF, s22  }
0x3d: {  	p2 =	sge.u32 s4, s13  }
0x3e: {  	p3 =	sgt.s32 @!p2 s20, $0x1FEC0  }
0x3f: {  	s0 =	smov.u32 s20;
	s2 =	sshra.s32 @!p2 s20, $0x1F;
	p3 =	por !p3, p2  }
0x40: {  	s2 =	sand.u32 @!p2 s2, s20;
	s0 =	simm.s32 @p3 $0x1FEC0  }
0x41: {  	s0 =	ssub.s32 @!p2 s0, s2  }
0x42: {  	s0 =	sadd.s32 @!p2 $0xFFFE0140, s0  }
0x43: {  	s2 =	sshll.u32 @!p2 s0, $0x2  }
0x44: {  	p3 =	sgt.s32 @!p2 s0, $0x13F;
	s0 =	ssub.s32 @!p2 $0x500, s2  }
0x45: {  	p3 =	por !p3, p2;
	s0 =	sshrl.u32 @!p2 s0, $0x2  }
0x46: {  	s3 =	simm.s32 @!p2 $0xA;
	s2 =	sand.u32 @!p2 $0x1, s4;
	s0 =	simm.s32 @!p3 $0x0  }
0x47: {  	s2 =	smul.u32 @!p2 $0x500, s2;
	_ =	swait.ge @!p2 [sflag:s3], s0  }
0x48: {  	s5 =	ssub.s32 @!p2 $0x0, s0;
	[sflag:s3] =	ssyncset.done @!p2 $0x0  }
0x49: {  	s2 =	sshrl.u32 @!p2 s2, $0x2;
	[sflag:s3] =	ssyncadd.s32 @!p2 s5;
	s3 =	sshrl.u32 @!p2 s20, $0x3  }
0x4a: {  	s2 =	sadd.s32 @!p2 $0xAD08, s2;
	s5 =	sand.u32 @!p2 $0x7, s20;
	s3 =	sadd.s32 @!p2 s3, s15  }
0x4b: {  	[tilespmem:s2], [sflag:$0xB] =	stream.linear.gather @!p2 [hbm4b:s3+s5], s0, $0x38;
	[tilespmem:$0x1EF88] =	vst v63  }
0x4c: {  	s0 =	ssub.s32 @!p2 $0x20000, s20  }
0x4d: {  	p3 =	slt.s32 @!p2 s0, $0x1  }
0x4e: {  	p3 =	por p2, p3  }
.Ltmp3:
0x4f: {  	_ = 	snop;
	(pc) =	sbr.rel @p3 .LBB2_9-.Ltmp3, $1  }
0x50: {  	_ =	sdelay $0x3  }
0x51: {  	s2 =	smulhi.u32 $0xAAAAAAAB, s4;
	_ =	sdelay $0x1  }
0x52: {  	s2 =	sshrl.u32 s2, $0x1  }
0x53: {  	s2 =	smul.u32 $0x3, s2;
	_ =	sdelay $0x1  }
0x54: {  	s2 =	ssub.s32 s4, s2  }
0x55: {  	s3 =	simm.s32 $0x1;
	s2 =	smul.u32 $0x500, s2  }
.Ltmp4:
0x56: {  	s3 =	simm.s32 @!p0 $0x0;
	(pc) =	sbr.rel .LBB2_6-.Ltmp4, $4  }
0x57: {  	s3 =	smul.u32 $0x28000, s3  }
0x58: {  	p3 =	slt.s32 @!p2 s0, $0x140;
	s2 =	sshrl.u32 s2, $0x2  }
0x59: {  	p2 =	por !p3, p2;
	s3 =	sshrl.u32 s3, $0x2;
	s2 =	sadd.s32 $0xA948, s2  }
0x5a: {  	s24 =	simm.s32 $0x0;
	s0 =	simm.s32 @p2 $0x140;
	s4 =	sadd.s32 $0xAF88, s3;
	v1 =	vmov s2  }
.LBB2_5:
0x5b: {  	p2 =	sge.s32 s24, s0  }
.Ltmp5:
0x5c: {  	_ = 	snop;
	(pc) =	sbr.rel @p2 .LBB2_9-.Ltmp5, $2  }
0x5d: {  	_ =	sdelay $0x2  }
0x5e: {  	s4 =	sadd.s32 $0x800, s4  }
.LBB2_6:
0x5f: {  	p2 =	sle.s32 s0, s24  }
.Ltmp6:
0x60: {  	_ = 	snop;
	(pc) =	sbr.rel @p2 .LBB2_5-.Ltmp6, $2  }
0x61: {  	_ =	sdelay $0x2  }
0x62: {  	s5 =	smov.u32 s24;
	s24 =	sadd.s32 $0x10, s24  }
0x63: {  	s2 =	ssub.s32 s0, s5  }
0x64: {  	p2 =	slt.s32 s2, $0x10  }
0x65: {  	s2 =	simm.s32 @!p2 $0x10  }
0x66: {  	v2 =	vmov s2  }
0x67: {  	vm0 =	vgt.s32 v2, v0;
	_ =	sdelay $0x5  }
0x68: {  	v2 =	vld.idx.msk [tilespmem:v1+s5+$0x0 ss:$0x1], vm0;
	_ =	sdelay $0x2  }
0x69: {  	p2 =	slt.s32 s24, s0;
	s2 =	smov.u32 s0  }
0x6a: {  	s3 =	smov.u32 s4;
	s25 =	simm.s32 $0x0;
	s2 =	smov.u32 @p2 s24  }
.LBB2_8:
0x6b: {  	(v2sf) =	vpush v2, s25;
	_ =	sdelay $0xc  }
0x6c: {  	s25 =	sadd.s32 $0x1, s25  }
0x6d: {  	s31 =	sadd.s32 s25, s5  }
0x6e: {  	p2 =	slt.s32 s31, s2;
	s9 =	spop (v2sf)  }
.Ltmp7:
0x6f: {  	s9 =	sshll.u32 s9, $0x4;
	(pc) =	sbr.rel @p2 .LBB2_8-.Ltmp7, $4  }
0x70: {  	s9 =	sand.u32 $0x1FFFFFF0, s9  }
0x71: {  	s9 =	sadd.s32 s6, s9  }
0x72: {  	[tilespmem:s3], [sflag:$0x9] =	stream.linear.gather [hbm4b:s9+s18], $0x40, $0x38;
	[tilespmem:$0x1EF88] =	vst v63  }
0x73: {  	s3 =	sadd.s32 $0x80, s3  }
.Ltmp8:
0x74: {  	_ = 	snop;
	(pc) =	sbr.rel .LBB2_5-.Ltmp8, $1  }
0x75: {  	_ =	sdelay $0x3  }
.LBB2_9:
0x76: {  	p2 =	slt.u32 s22, $0x2  }
.Ltmp9:
0x77: {  	_ = 	snop;
	(pc) =	sbr.rel @p2 .LBB2_27-.Ltmp9, $1  }
0x78: {  	_ =	sdelay $0x3  }
0x79: {  	p2 =	sgt.s32 s23, $0x1FEC0  }
0x7a: {  	s0 =	smov.u32 s23;
	s2 =	sshra.s32 s23, $0x1F;
	s3 =	ssub.s32 $0x20000, s23  }
0x7b: {  	s0 =	simm.s32 @!p2 $0x1FEC0;
	s2 =	sand.u32 s2, s23;
	p2 =	slt.s32 s3, $0x140  }
0x7c: {  	s0 =	ssub.s32 s0, s2;
	s3 =	simm.s32 @!p2 $0x140  }
0x7d: {  	s0 =	sadd.s32 $0xFFFE0140, s0;
	s10 =	sshll.u32 s3, $0x6  }
0x7e: {  	s26 =	simm.s32 $0x9;
	s24 =	sshll.u32 s0, $0x2;
	s2 =	sand.u32 $0x3FFFFFC0, s10  }
0x7f: {  	p2 =	sgt.s32 s0, $0x13F;
	s25 =	ssub.s32 $0x500, s24;
	_ =	swait.ge [sflag:s26], s2  }
0x80: {  	s2 =	ssub.s32 $0x0, s2;
	[sflag:s26] =	ssyncset.done $0x0;
	s0 =	sshrl.u32 s25, $0x2  }
0x81: {  	[sflag:s26] =	ssyncadd.s32 s2;
	s0 =	simm.s32 @p2 $0x0  }
0x82: {  	_ =	swait.ge [sflag:s11], s0  }
0x83: {  	s0 =	ssub.s32 $0x0, s0;
	[sflag:s11] =	ssyncset.done $0x0  }
0x84: {  	[sflag:s11] =	ssyncadd.s32 s0  }
0x85: {  	v1 =	vld [tilespmem:$0xA108];
	_ =	sdelay $0x4  }
0x86: {  	(v2sf) =	vpush v1, $0x0  }
0x87: {  	(v2sf) =	vpush v1, $0x1  }
0x88: {  	(v2sf) =	vpush v1, $0x2;
	_ =	sdelay $0x3  }
0x89: {  	s0 =	sadd.s32 $0x140, s23  }
0x8a: {  	s2 =	ssub.s32 $0x40000, s23;
	p2 =	slt.s32 s8, s0  }
0x8b: {  	s0 =	smov.u32 @p2 s8;
	p2 =	sgt.s32 s2, $0x0  }
0x8c: {  	s0 =	ssub.s32 s0, s23;
	s2 =	simm.s32 @!p2 $0x0  }
0x8d: {  	p2 =	slt.s32 s2, s0  }
0x8e: {  	s0 =	smov.u32 @p2 s2  }
0x8f: {  	s26 =	simm.s32 $0x1;
	p2 =	slt.s32 s0, $0x1  }
.Ltmp10:
0x90: {  	s26 =	simm.s32 @!p1 $0x0;
	(pc) =	sbr.rel @p2 .LBB2_14-.Ltmp10, $4  }
0x91: {  	s30 =	smul.u32 $0x500, s26  }
0x92: {  	s28 =	spop (v2sf)  }
0x93: {  	s31 =	sshrl.u32 s30, $0x2;
	s29 =	spop (v2sf)  }
0x94: {  	s24 =	sadd.s32 $0xAD08, s31;
	s23 =	spop (v2sf)  }
0x95: {  	s2 =	smin.u32 s0, $0x10  }
0x96: {  	v1 =	vmov s2  }
0x97: {  	p3 =	sgt.s32 s0, $0x10;
	vm1 =	vgt.u32 v1, v0  }
.Ltmp11:
0x98: {  	_ = 	snop;
	(pc) =	sbr.rel @!p3 .LBB2_13-.Ltmp11, $2  }
0x99: {  	_ =	sdelay $0x2  }
0x9a: {  	s5 =	simm.s32 $0x10;
	s25 =	sadd.s32 $0xFFFFFFF0, s0;
	s4 =	smov.u32 s24;
	vm0 =	vmmov vm1  }
.LBB2_12:
0x9b: {  	s2 =	smin.u32 s25, $0x10;
	s5 =	sadd.s32 $0x10, s5;
	v1 =	vld.msk [tilespmem:s4+$0x0 ss:$0x1], vm1  }
0x9c: {  	v2 =	vmov s2;
	p3 =	slt.s32 s5, s0  }
0x9d: {  	vm1 =	vgt.u32 v2, v0  }
.Ltmp12:
0x9e: {  	(pc) =	sbr.rel @p3 .LBB2_12-.Ltmp12, $3  }
0x9f: {  	_ =	sdelay $0x1  }
0xa0: {  	v1 =	vshll.u32 v1, $0x4  }
0xa1: {  	s25 =	sadd.s32 $0xFFFFFFF0, s25;
	[tilespmem:s4+$0x0] =	vst.msk vm0, v1;
	s4 =	sadd.s32 $0x10, s4;
	vm0 =	vmmov vm1  }
.LBB2_13:
0xa2: {  	_ =	sdelay $0x4  }
0xa3: {  	v1 =	vld.msk [tilespmem:s4+$0x0 ss:$0x1], vm1;
	_ =	sdelay $0x4  }
0xa4: {  	v1 =	vshll.u32 v1, $0x4  }
0xa5: {  	[tilespmem:s4+$0x0] =	vst.msk vm0, v1  }
.LBB2_14:
0xa6: {  	s2 =	sand.u32 $0x1, s22  }
0xa7: {  	s2 =	smul.u32 $0x140, s2  }
0xa8: {  	p3 =	sne.s32 s29, $0xFFFFFFFF  }
0xa9: {  	v1 =	vld.msk @!p3 [tilespmem:s2+$0xAD08], $0x1;
	_ =	sdelay $0x4  }
0xaa: {  	(v2sf) =	vpush @!p3 v1, $0x0;
	_ =	sdelay $0xc  }
.Ltmp13:
0xab: {  	_ = 	snop;
	(pc) =	sbr.rel @p2 .LBB2_25-.Ltmp13, $4  }
0xac: {  	_ = 	snop  }
0xad: {  	s30 =	spop @!p3 (v2sf)  }
0xae: {  	s23 =	simm.s32 @!p3 $0x0;
	s25 =	smov.u32 s30  }
0xaf: {  	[sflag:s19] =	ssyncpa.u1 $0x0;
	s30 =	smov.u32 @p3 s28;
	s25 =	smov.u32 @p3 s29  }
0xb0: {  	v1 =	vld.msk [tilespmem:s24+$0x0], $0x1;
	_ =	sdelay $0x4  }
0xb1: {  	(v2sf) =	vpush v1, $0x0;
	_ =	sdelay $0xe  }
0xb2: {  	s2 =	smul.u32 $0x28000, s26;
	s4 =	spop (v2sf)  }
0xb3: {  	s28 =	ssub.s32 $0x0, s0;
	p2 =	seq.s32 s30, s4  }
0xb4: {  	s0 =	sadd.s32 $0x1, s28;
	s2 =	sshrl.u32 s2, $0x2;
	p3 =	sgt.s32 @!p2 s30, $0x0  }
0xb5: {  	s26 =	sadd.s32 $0xAFA8, s2;
	s2 =	smov.u32 s30;
	p3 =	por !p3, p2  }
0xb6: {  	s2 =	simm.s32 @p3 $0x0;
	p3 =	seq.s32 s0, $0x0  }
.Ltmp14:
0xb7: {  	_ = 	snop;
	(pc) =	sbr.rel @p3 .LBB2_17-.Ltmp14, $4  }
0xb8: {  	_ = 	snop  }
0xb9: {  	s29 =	simm.s32 $0x0;
	s5 =	simm.s32 @!p2 $0x1;
	s3 =	smin.u32 @!p2 s2, $0x270F8  }
0xba: {  	s31 =	sadd.s32 $0x1, s24;
	s5 =	smov.u32 @p2 s29;
	s9 =	sand.u32 @!p2 $0x3FFF8, s3  }
0xbb: {  	s2 =	simm.s32 @!p2 $0x50C8;
	s3 =	sand.u32 @!p2 $0x7, s3;
	s9 =	sadd.s32 @!p2 s1, s9  }
.LBB2_16:
0xbc: {  	s10 =	smov.u32 s5  }
0xbd: {  	[tilespmem:s2], [sflag:$0x2] =	stream.linear.gather @!p2 [hbm4b:s9+s3], $0x40, $0x38;
	[tilespmem:$0x1EF88] =	vst v63  }
0xbe: {  	s0 =	sadd.s32 $0x1, s0;
	s3 =	smov.u32 s4;
	v1 =	vld.msk [tilespmem:s31+$0x0], $0x1  }
0xbf: {  	p3 =	seq.s32 s0, $0x0;
	_ =	sdelay $0x3  }
0xc0: {  	(v2sf) =	vpush v1, $0x0;
	_ =	sdelay $0xe  }
0xc1: {  	s4 =	spop (v2sf)  }
0xc2: {  	p2 =	seq.s32 s3, s4  }
0xc3: {  	p4 =	sgt.s32 @!p2 s3, $0x0;
	s2 =	sshll.u32 @!p2 s5, $0x8;
	s5 =	sadd.s32 @!p2 $0x1, s5  }
.Ltmp15:
0xc4: {  	p4 =	por !p4, p2;
	s2 =	sshra.s32 @!p2 s2, $0x2;
	(pc) =	sbr.rel @!p3 .LBB2_16-.Ltmp15, $4  }
0xc5: {  	s5 =	smov.u32 @p2 s10;
	s3 =	simm.s32 @p4 $0x0;
	s2 =	sadd.s32 @!p2 $0x50C8, s2  }
0xc6: {  	s3 =	smin.u32 @!p2 s3, $0x270F8  }
0xc7: {  	s9 =	sand.u32 @!p2 $0x3FFF8, s3;
	s3 =	sand.u32 @!p2 $0x7, s3  }
0xc8: {  	s31 =	sadd.s32 $0x1, s31;
	s9 =	sadd.s32 @!p2 s1, s9  }
.LBB2_17:
0xc9: {  	[tilespmem:s2], [sflag:$0x2] =	stream.linear.gather @!p2 [hbm4b:s9+s3], $0x40, $0x38;
	[tilespmem:$0x1EF88] =	vst v63  }
.Ltmp16:
0xca: {  	s0 =	sshll.u32 s5, $0x6;
	(pc) =	sbr.rel .LBB2_18-.Ltmp16, $4  }
0xcb: {  	s31 =	simm.s32 $0x2;
	s0 =	sand.u32 $0x3FFFFFC0, s0  }
0xcc: {  	_ =	swait.ge [sflag:s31], s0  }
0xcd: {  	s0 =	ssub.s32 $0x0, s0;
	[sflag:s31] =	ssyncset.done $0x0  }
0xce: {  	[sflag:s31] =	ssyncadd.s32 s0;
	s0 =	simm.s32 $0x0  }
.LBB2_19:
0xcf: {  	v1 =	vld [tilespmem:s26+$0xFFFFFFE0];
	_ =	sdelay $0x4  }
0xd0: {  	[tilespmem:s4+$0x88] =	vst.add.f32.msk $0xffff, v1  }
0xd1: {  	v1 =	vld [tilespmem:s26+$0xFFFFFFF0];
	_ =	sdelay $0x4  }
0xd2: {  	[tilespmem:s4+$0x98] =	vst.add.f32.msk $0xffff, v1  }
0xd3: {  	v1 =	vld [tilespmem:s26+$0x0];
	_ =	sdelay $0x4  }
0xd4: {  	[tilespmem:s4+$0xA8] =	vst.add.f32.msk $0xffff, v1  }
0xd5: {  	v1 =	vld [tilespmem:s26+$0x10];
	_ =	sdelay $0x4  }
0xd6: {  	[tilespmem:s4+$0xB8] =	vst.add.f32.msk $0xffff, v1  }
.LBB2_23:
0xd7: {  	s28 =	sadd.s32 $0x1, s28  }
0xd8: {  	p2 =	seq.s32 s28, $0x0  }
.Ltmp17:
0xd9: {  	_ = 	snop;
	(pc) =	sbr.rel @p2 .LBB2_24-.Ltmp17, $2  }
0xda: {  	_ =	sdelay $0x2  }
0xdb: {  	s26 =	sadd.s32 $0x80, s26;
	s24 =	sadd.s32 $0x1, s24;
	s30 =	smov.u32 s31  }
.LBB2_18:
0xdc: {  	v1 =	vld.msk [tilespmem:s24+$0x0], $0x1;
	_ =	sdelay $0x4  }
0xdd: {  	(v2sf) =	vpush v1, $0x0;
	_ =	sdelay $0xe  }
0xde: {  	s31 =	spop (v2sf)  }
0xdf: {  	p2 =	sne.s32 s30, s31  }
.Ltmp18:
0xe0: {  	_ = 	snop;
	(pc) =	sbr.rel @!p2 .LBB2_19-.Ltmp18, $3  }
0xe1: {  	_ =	sdelay $0x1  }
0xe2: {  	s2 =	sshll.u32 s23, $0x8  }
0xe3: {  	s4 =	sshra.s32 s2, $0x2  }
0xe4: {  	p2 =	seq.s32 s30, s25  }
.Ltmp19:
0xe5: {  	_ = 	snop;
	(pc) =	sbr.rel @!p2 .LBB2_21-.Ltmp19, $1  }
0xe6: {  	_ =	sdelay $0x3  }
.Ltmp20:
0xe7: {  	s2 =	sadd.s32 $0x88, s4;
	(pc) =	sbr.rel .LBB2_22-.Ltmp20, $4  }
0xe8: {  	[spmem:s16] =	stream.linear.scatter [tilespmem:s2], [sflag:$0x1], $0x40, $0x38;
	[tilespmem:$0x1EF88] =	vst v63  }
0xe9: {  	_ =	swait.ge [sflag:s12], $0x40  }
0xea: {  	[sflag:s12] =	ssyncset.done $0x0  }
0xeb: {  	[sflag:s12] =	ssyncadd.s32 $0xFFFFFFC0  }
.LBB2_21:
0xec: {  	s2 =	sshll.u32 s29, $0x8  }
0xed: {  	s2 =	sshra.s32 s2, $0x2  }
0xee: {  	v1 =	vld [tilespmem:s2+$0x50C8];
	_ =	sdelay $0x4  }
0xef: {  	[tilespmem:s4+$0x88] =	vst.add.f32.msk $0xffff, v1  }
0xf0: {  	v1 =	vld [tilespmem:s2+$0x50D8];
	_ =	sdelay $0x4  }
0xf1: {  	[tilespmem:s4+$0x98] =	vst.add.f32.msk $0xffff, v1  }
0xf2: {  	v1 =	vld [tilespmem:s2+$0x50E8];
	_ =	sdelay $0x4  }
0xf3: {  	[tilespmem:s4+$0xA8] =	vst.add.f32.msk $0xffff, v1  }
0xf4: {  	v1 =	vld [tilespmem:s2+$0x50F8];
	_ =	sdelay $0x2  }
0xf5: {  	p2 =	sgt.u32 s30, $0x270F8  }
0xf6: {  	s2 =	sand.u32 @!p2 $0x3FFF8, s30  }
0xf7: {  	s3 =	sadd.s32 $0x88, s4;
	s2 =	sadd.s32 @!p2 s1, s2;
	[tilespmem:s4+$0xB8] =	vst.add.f32.msk $0xffff, v1;
	s4 =	sand.u32 @!p2 $0x7, s30  }
0xf8: {  	[hbm4b:s2+s4] =	stream.linear.scatter @!p2 [tilespmem:s3], [sflag:$0xC], $0x40, $0x38;
	[tilespmem:$0x1EF88] =	vst v63  }
0xf9: {  	s2 =	simm.s32 $0x0  }
0xfa: {  	s2 =	simm.s32 @!p2 $0x100  }
0xfb: {  	s0 =	sadd.s32 s2, s0  }
.LBB2_22:
0xfc: {  	s2 =	sadd.s32 $0x1, s23  }
0xfd: {  	s3 =	smulhi.u32 $0xCCCCCCCD, s2;
	_ =	sdelay $0x1  }
0xfe: {  	v1 =	vld [tilespmem:s26+$0xFFFFFFE0];
	s3 =	sshrl.u32 s3, $0x8  }
0xff: {  	s3 =	smul.u32 $0x140, s3;
	_ =	sdelay $0x1  }
0x100: {  	s23 =	ssub.s32 s2, s3  }
0x101: {  	s2 =	sshll.u32 s23, $0x6  }
0x102: {  	[tilespmem:s2+$0x88] =	vst v1  }
0x103: {  	v1 =	vld [tilespmem:s26+$0xFFFFFFF0];
	_ =	sdelay $0x4  }
0x104: {  	[tilespmem:s2+$0x98] =	vst v1  }
0x105: {  	v1 =	vld [tilespmem:s26+$0x0];
	_ =	sdelay $0x4  }
0x106: {  	[tilespmem:s2+$0xA8] =	vst v1  }
0x107: {  	v1 =	vld [tilespmem:s26+$0x10]  }
.Ltmp21:
0x108: {  	_ = 	snop;
	(pc) =	sbr.rel .LBB2_23-.Ltmp21, $2  }
0x109: {  	_ =	sdelay $0x2  }
0x10a: {  	s29 =	sadd.s32 $0x1, s29;
	[tilespmem:s2+$0xB8] =	vst v1  }
.LBB2_25:
.Ltmp22:
0x10b: {  	(pc) =	sbr.rel .LBB2_26-.Ltmp22, $4  }
0x10c: {  	_ = 	snop  }
0x10d: {  	s0 =	simm.s32 $0x2  }
0x10e: {  	_ =	swait.ge [sflag:s0], $0x0  }
0x10f: {  	s31 =	smov.u32 s30;
	[sflag:s0] =	ssyncset.done $0x0;
	s0 =	simm.s32 $0x0  }
.LBB2_28:
0x110: {  	_ =	sfence.sel $0x180000  }
0x111: {  	s0 =	simm.s32 $0x9;
	[bflag:$0x0] =	sbarrier.arrive $0xFFFF  }
0x112: {  	s24 =	simm.s32 $0xA;
	[sflag:s0] =	ssyncpa.u1 $0x1  }
0x113: {  	s25 =	simm.s32 $0xB;
	[sflag:s24] =	ssyncpa.u1 $0x1  }
0x114: {  	s26 =	simm.s32 $0x2;
	[sflag:s25] =	ssyncpa.u1 $0x1  }
0x115: {  	[sflag:s26] =	ssyncpa.u1 $0x1  }
0x116: {  	v0 =	vld [tilespmem:$0xA108];
	_ =	sdelay $0x4  }
0x117: {  	(v2sf) =	vpush v0, $0x0  }
0x118: {  	(v2sf) =	vpush v0, $0x1;
	_ =	sdelay $0x1  }
0x119: {  	(v2sf) =	vpush v0, $0x2;
	_ =	sdelay $0xb  }
0x11a: {  	s0 =	spop (v2sf)  }
0x11b: {  	s2 =	spop (v2sf)  }
0x11c: {  	s3 =	smov.u32 s0;
	p0 =	sne.s32 s0, s2  }
0x11d: {  	s4 =	spop (v2sf);
	s3 =	simm.s32 @!p0 $0xFFFFFFFF  }
0x11e: {  	v2 =	vimm.s32 $0x1;
	v3 =	vlaneseq.u32;
	p0 =	seq.s32 s4, $0xFFFFFFFF;
	v1 =	vmov s3  }
0x11f: {  	s15 =	stileid.u32;
	v0 =	vperm.xlane v0, v2;
	p1 =	sne.s32 @!p0 s0, s2;
	v1 =	vperm.xlane v1, v3  }
0x120: {  	vm0 =	vcmask $0x3F04;
	s6 =	simm.s32 $0xA108;
	s0 =	simm.s32 @!p0 $0x1;
	p1 =	por !p1, p0  }
0x121: {  	s3 =	sshll.u32 s15, $0x1;
	s2 =	sshll.u32 @!p0 s4, $0x8;
	s0 =	simm.s32 @p1 $0x0;
	v0 =	vsel vm0, v1, v0  }
0x122: {  	s5 =	sor.u32 $0x800, s3;
	s2 =	sshra.s32 @!p0 s2, $0x2;
	s0 =	sor.u32 @!p0 s0, s3;
	[tilespmem:$0xA108] =	vst v0  }
0x123: {  	[spmem:s5] =	stream.linear.scatter [tilespmem:s6], [sflag:$0x1], $0x2, $0x38;
	[tilespmem:$0x1EF88] =	vst v63  }
0x124: {  	s2 =	sadd.s32 @!p0 $0x88, s2;
	s0 =	sshll.u32 @!p0 s0, $0x6  }
0x125: {  	[spmem:s0] =	stream.linear.scatter @!p0 [tilespmem:s2], [sflag:$0x1], $0x40, $0x38;
	[tilespmem:$0x1EF88] =	vst v63  }
0x126: {  	s0 =	simm.s32 @!p0 $0x42  }
0x127: {  	s28 =	simm.s32 $0x1;
	s0 =	simm.s32 @p0 $0x2  }
0x128: {  	_ =	swait.ge [sflag:s28], s0  }
0x129: {  	s0 =	ssub.s32 $0x0, s0;
	[sflag:s28] =	ssyncset.done $0x0  }
0x12a: {  	p0 =	sne.s32 s15, $0x0;
	[sflag:s28] =	ssyncadd.s32 s0  }
.Ltmp23:
0x12b: {  	_ =	sfence.stream.spmem;
	(pc) =	sbr.rel @p0 .LBB2_45-.Ltmp23, $4  }
0x12c: {  	s29 =	simm.s32 $0x3;
	[bflag:$0x0] =	sbarrier.arrive $0xFFFF  }
0x12d: {  	s30 =	simm.s32 $0x4;
	[sflag:s29] =	ssyncpa.u1 $0x1  }
0x12e: {  	s31 =	simm.s32 $0x3C;
	[sflag:s30] =	ssyncpa.u1 $0x1  }
0x12f: {  	s14 =	rddreg [dreg:$0x4];
	[sflag:s31] =	ssyncpa.u1 $0x1  }
0x130: {  	_ =	sfence.stream.spmem;
	s0 =	simm.s32 $0x5  }
0x131: {  	s2 =	simm.s32 $0x800;
	s3 =	simm.s32 $0xA118;
	[sflag:s0] =	ssyncpa.u1 $0x0  }
0x132: {  	[tilespmem:s3], [sflag:$0x5] =	stream.linear.gather [spmem:s2], $0x20, $0x38;
	[tilespmem:$0x1EF88] =	vst v63  }
0x133: {  	s26 =	simm.s32 $0x0;
	s28 =	simm.s32 $0xA138  }
0x134: {  	[tilespmem:s28], [sflag:$0x5] =	stream.linear.gather [spmem:s26], $0x800, $0x38;
	[tilespmem:$0x1EF88] =	vst v63  }
0x135: {  	_ =	swait.ge [sflag:s0], $0x820  }
0x136: {  	[sflag:s0] =	ssyncset.done $0x0  }
0x137: {  	s29 =	simm.s32 $0x0;
	[sflag:s0] =	ssyncadd.s32 $0xFFFFF7E0  }
0x138: {  	v0 =	vld.msk [tilespmem:s29+$0xA118], $0x1;
	_ =	sdelay $0x1  }
0x139: {  	s30 =	simm.s32 $0x1  }
0x13a: {  	v1 =	vld.msk [tilespmem:s30+$0xA118], $0x1;
	_ =	sdelay $0x1  }
0x13b: {  	(v2sf) =	vpush v0, $0x0;
	_ =	sdelay $0x2  }
0x13c: {  	(v2sf) =	vpush v1, $0x0;
	_ =	sdelay $0x2  }
0x13d: {  	s31 =	simm.s32 $0x2  }
0x13e: {  	v0 =	vld.msk [tilespmem:s31+$0xA118], $0x1;
	_ =	sdelay $0x2  }
0x13f: {  	s4 =	simm.s32 $0xFFFFFFFF;
	s2 =	simm.s32 $0xFFFFFFFF;
	s0 =	simm.s32 $0xC  }
.LBB2_30:
0x140: {  	s3 =	smov.u32 s4;
	s5 =	smov.u32 s2  }
0x141: {  	s2 =	sshra.s32 s0, $0x2;
	p1 =	sne.s32 s0, $0x7C;
	s0 =	sadd.s32 $0x4, s0;
	(v2sf) =	vpush v0, $0x0  }
0x142: {  	v0 =	vld.msk [tilespmem:s2+$0xA118], $0x1  }
.Ltmp24:
0x143: {  	(pc) =	sbr.rel @p1 .LBB2_30-.Ltmp24, $4  }
0x144: {  	s4 =	spop (v2sf)  }
0x145: {  	p2 =	sne.s32 s5, $0xFFFFFFFF;
	s2 =	smov.u32 s4  }
0x146: {  	p3 =	seq.s32 s4, $0xFFFFFFFF;
	s2 =	smov.u32 @p2 s5  }
0x147: {  	s4 =	smov.u32 @p3 s3;
	s2 =	smov.u32 @p3 s5  }
0x148: {  	(v2sf) =	vpush v0, $0x0;
	_ =	sdelay $0x8  }
0x149: {  	s0 =	spop (v2sf)  }
0x14a: {  	p1 =	sne.s32 s2, $0xFFFFFFFF;
	s3 =	smov.u32 s0  }
0x14b: {  	s9 =	simm.s32 $0x6;
	p2 =	seq.s32 s0, $0xFFFFFFFF;
	s3 =	smov.u32 @p1 s2  }
0x14c: {  	s6 =	simm.s32 $0x0;
	s3 =	smov.u32 @p2 s2;
	s2 =	spop (v2sf)  }
0x14d: {  	s0 =	smov.u32 @p2 s4;
	p1 =	sne.s32 s3, $0xFFFFFFFF;
	s5 =	smov.u32 s2  }
.Ltmp25:
0x14e: {  	p2 =	seq.s32 s2, $0xFFFFFFFF;
	s5 =	smov.u32 @p1 s3;
	(pc) =	sbr.rel .LBB2_32-.Ltmp25, $4  }
0x14f: {  	s10 =	simm.s32 $0xA0C8;
	s5 =	smov.u32 @p2 s3;
	s7 =	spop (v2sf)  }
0x150: {  	s11 =	simm.s32 $0x0;
	p1 =	sne.s32 s5, $0xFFFFFFFF;
	s8 =	smov.u32 s7  }
0x151: {  	s2 =	smov.u32 @p2 s0;
	p2 =	seq.s32 s7, $0xFFFFFFFF;
	s8 =	smov.u32 @p1 s5  }
0x152: {  	[sflag:s9] =	ssyncpa.u1 $0x0;
	s7 =	smov.u32 @p2 s2;
	s8 =	smov.u32 @p2 s5  }
.LBB2_38:
0x153: {  	p1 =	sgt.u32 s12, $0x270F8  }
0x154: {  	p2 =	seq.s32 @!p1 s12, s8  }
0x155: {  	p1 =	por p1, p2  }
0x156: {  	p2 =	sne.s32 @!p1 s12, s7  }
0x157: {  	p1 =	por p1, !p2  }
0x158: {  	s0 =	sshll.u32 @p1 s11, $0x8  }
0x159: {  	s0 =	sand.u32 @!p1 $0x3FFF8, s12  }
0x15a: {  	s2 =	sand.u32 @!p1 $0x7, s12;
	s0 =	sadd.s32 @!p1 s1, s0  }
0x15b: {  	[tilespmem:s10], [sflag:$0x6] =	stream.linear.gather @!p1 [hbm4b:s0+s2], $0x40, $0x38;
	[tilespmem:$0x1EF88] =	vst v63  }
0x15c: {  	_ =	swait.ge @!p1 [sflag:s9], $0x40  }
0x15d: {  	[sflag:s9] =	ssyncset.done @!p1 $0x0  }
0x15e: {  	[sflag:s9] =	ssyncadd.s32 @!p1 $0xFFFFFFC0  }
0x15f: {  	v1 =	vld @!p1 [tilespmem:$0xA0C8];
	_ =	sdelay $0x2  }
0x160: {  	s0 =	sshll.u32 @!p1 s11, $0x8  }
0x161: {  	s2 =	sshrl.u32 @!p1 s0, $0x2  }
0x162: {  	[tilespmem:s2+$0xA138] =	vst.add.f32.msk @!p1 $0xffff, v1  }
0x163: {  	v1 =	vld @!p1 [tilespmem:$0xA0D8];
	_ =	sdelay $0x4  }
0x164: {  	[tilespmem:s2+$0xA148] =	vst.add.f32.msk @!p1 $0xffff, v1  }
0x165: {  	v1 =	vld @!p1 [tilespmem:$0xA0E8];
	_ =	sdelay $0x4  }
0x166: {  	[tilespmem:s2+$0xA158] =	vst.add.f32.msk @!p1 $0xffff, v1  }
0x167: {  	v1 =	vld @!p1 [tilespmem:$0xA0F8];
	_ =	sdelay $0x4  }
0x168: {  	[tilespmem:s2+$0xA168] =	vst.add.f32.msk @!p1 $0xffff, v1  }
0x169: {  	s0 =	sshrl.u32 s0, $0x2;
	[tilespmem:s6+$0xA118] =	vst.msk $0x1, v0  }
0x16a: {  	v0 =	vld [tilespmem:s0+$0xA138];
	_ =	sdelay $0x2  }
0x16b: {  	s31 =	sshll.u32 s6, $0x8  }
0x16c: {  	s2 =	sshra.s32 s31, $0x2  }
0x16d: {  	[tilespmem:s2+$0xA138] =	vst v0  }
0x16e: {  	v0 =	vld [tilespmem:s0+$0xA148];
	_ =	sdelay $0x4  }
0x16f: {  	[tilespmem:s2+$0xA148] =	vst v0  }
0x170: {  	v0 =	vld [tilespmem:s0+$0xA158];
	_ =	sdelay $0x4  }
0x171: {  	[tilespmem:s2+$0xA158] =	vst v0  }
0x172: {  	v0 =	vld [tilespmem:s0+$0xA168];
	_ =	sdelay $0x4  }
0x173: {  	s6 =	sadd.s32 $0x1, s6;
	[tilespmem:s2+$0xA168] =	vst v0  }
.LBB2_39:
0x174: {  	s11 =	sadd.s32 $0x1, s11  }
0x175: {  	p1 =	sne.s32 s11, $0x20  }
.Ltmp26:
0x176: {  	_ = 	snop;
	(pc) =	sbr.rel @!p1 .LBB2_40-.Ltmp26, $1  }
0x177: {  	_ =	sdelay $0x3  }
.LBB2_32:
0x178: {  	v0 =	vld.msk [tilespmem:s11+$0xA118], $0x1;
	_ =	sdelay $0x4  }
0x179: {  	(v2sf) =	vpush v0, $0x0;
	_ =	sdelay $0xe  }
0x17a: {  	s12 =	spop (v2sf)  }
0x17b: {  	p1 =	seq.s32 s12, $0xFFFFFFFF  }
.Ltmp27:
0x17c: {  	_ = 	snop;
	(pc) =	sbr.rel @p1 .LBB2_39-.Ltmp27, $1  }
0x17d: {  	_ =	sdelay $0x3  }
0x17e: {  	p1 =	slt.s32 s6, $0x1  }
.Ltmp28:
0x17f: {  	_ = 	snop;
	(pc) =	sbr.rel @p1 .LBB2_38-.Ltmp28, $1  }
0x180: {  	_ =	sdelay $0x3  }
0x181: {  	s0 =	simm.s32 $0xA118;
	p1 =	por $0x0, $0x0  }
0x182: {  	v1 =	vld.msk @!p1 [tilespmem:s0+$0x0], $0x1;
	_ =	sdelay $0x4  }
0x183: {  	(v2sf) =	vpush @!p1 v1, $0x0;
	_ =	sdelay $0xd  }
0x184: {  	p3 =	sne.s32 s6, $0x1  }
.Ltmp29:
0x185: {  	s2 =	spop @!p1 (v2sf);
	(pc) =	sbr.rel @!p3 .LBB2_36-.Ltmp29, $4  }
0x186: {  	p2 =	seq.s32 @!p1 s12, s2  }
0x187: {  	s13 =	simm.s32 $0x0;
	p2 =	por !p2, p1  }
0x188: {  	s2 =	simm.s32 $0xFFFFFFFF;
	s13 =	simm.s32 @p2 $0xFFFFFFFF  }
0x189: {  	s4 =	simm.s32 $0x1;
	s13 =	smov.u32 @p1 s2  }
.LBB2_35:
0x18a: {  	s2 =	smov.u32 s13;
	p1 =	sne.s32 s13, $0xFFFFFFFF  }
0x18b: {  	s0 =	sadd.s32 $0x1, s0;
	s13 =	smov.u32 s4;
	s4 =	sadd.s32 $0x1, s4  }
0x18c: {  	p2 =	sne.s32 s6, s4;
	v1 =	vld.msk @!p1 [tilespmem:s0+$0x0], $0x1;
	_ =	sdelay $0x4  }
0x18d: {  	(v2sf) =	vpush @!p1 v1, $0x0;
	_ =	sdelay $0xe  }
.Ltmp30:
0x18e: {  	s3 =	spop @!p1 (v2sf);
	(pc) =	sbr.rel @p2 .LBB2_35-.Ltmp30, $4  }
0x18f: {  	p3 =	seq.s32 @!p1 s12, s3  }
0x190: {  	p3 =	por !p3, p1  }
0x191: {  	s13 =	simm.s32 @p3 $0xFFFFFFFF  }
0x192: {  	s13 =	smov.u32 @p1 s2  }
.LBB2_36:
0x193: {  	p1 =	seq.s32 s13, $0xFFFFFFFF  }
.Ltmp31:
0x194: {  	_ = 	snop;
	(pc) =	sbr.rel @p1 .LBB2_38-.Ltmp31, $1  }
0x195: {  	_ =	sdelay $0x3  }
0x196: {  	s0 =	sshll.u32 s11, $0x6  }
0x197: {  	s0 =	sand.u32 $0x3FFFFFC0, s0  }
0x198: {  	v0 =	vld [tilespmem:s0+$0xA138];
	_ =	sdelay $0x2  }
0x199: {  	s2 =	sshll.u32 s13, $0x8  }
0x19a: {  	s2 =	sshra.s32 s2, $0x2  }
0x19b: {  	[tilespmem:s2+$0xA138] =	vst.add.f32.msk $0xffff, v0  }
0x19c: {  	v0 =	vld [tilespmem:s0+$0xA148];
	_ =	sdelay $0x4  }
0x19d: {  	[tilespmem:s2+$0xA148] =	vst.add.f32.msk $0xffff, v0  }
0x19e: {  	v0 =	vld [tilespmem:s0+$0xA158];
	_ =	sdelay $0x4  }
0x19f: {  	[tilespmem:s2+$0xA158] =	vst.add.f32.msk $0xffff, v0  }
0x1a0: {  	v0 =	vld [tilespmem:s0+$0xA168]  }
.Ltmp32:
0x1a1: {  	_ = 	snop;
	(pc) =	sbr.rel .LBB2_39-.Ltmp32, $2  }
0x1a2: {  	_ =	sdelay $0x2  }
0x1a3: {  	[tilespmem:s2+$0xA168] =	vst.add.f32.msk $0xffff, v0  }
.LBB2_40:
0x1a4: {  	s0 =	simm.s32 $0x6;
	p1 =	seq.s32 s6, $0x0  }
0x1a5: {  	[sflag:s0] =	ssyncpa.u1 $0x1;
	v0 =	vimm.s32 @p1 $0xFFFFFFFF  }
0x1a6: {  	s0 =	sadd.s32 $0xFFFFFFFF, s6;
	[tilespmem:$0xA938] =	vst @p1 v0  }
0x1a7: {  	v0 =	vld.msk @!p1 [tilespmem:s0+$0xA118], $0x1;
	_ =	sdelay $0x1  }
0x1a8: {  	v1 =	vld.msk @!p1 [tilespmem:$0xA118], $0x1;
	_ =	sdelay $0x2  }
0x1a9: {  	p2 =	seq.s32 @!p1 s0, $0x0;
	v0 =	vbroadcast @!p1 v0, $0x0  }
0x1aa: {  	vm0 =	vmmov @!p1 $0x1;
	p2 =	por !p2, p1  }
0x1ab: {  	v1 =	vnsel @!p1 vm0, $0xFFFFFFFF, v1;
	vm0 =	vcmask @!p1 $0x308;
	v0 =	vpsel !p2, $0xFFFFFFFF, v0  }
0x1ac: {  	p2 =	sne.s32 @!p1 s8, s7;
	v0 =	vsel @!p1 vm0, v1, v0  }
0x1ad: {  	s2 =	simm.s32 @!p1 $0xA138;
	s3 =	simm.s32 @!p1 $0x0;
	p3 =	por !p2, p1;
	[tilespmem:$0xA938] =	vst @!p1 v0  }
0x1ae: {  	[spmem:s3] =	stream.linear.scatter @!p1 [tilespmem:s2], [sflag:$0x1], $0x40, $0x38;
	[tilespmem:$0x1EF88] =	vst v63  }
0x1af: {  	s2 =	sshll.u32 @!p3 s0, $0x8  }
0x1b0: {  	s2 =	sshra.s32 @!p3 s2, $0x2  }
0x1b1: {  	s3 =	simm.s32 @!p3 $0x40;
	s2 =	sadd.s32 @!p3 $0xA138, s2  }
0x1b2: {  	[spmem:s3] =	stream.linear.scatter @!p3 [tilespmem:s2], [sflag:$0x1], $0x40, $0x38;
	[tilespmem:$0x1EF88] =	vst v63  }
0x1b3: {  	s2 =	simm.s32 @!p3 $0x1  }
0x1b4: {  	_ =	swait.ge @!p3 [sflag:s2], $0x80  }
0x1b5: {  	p1 =	por p2, p1;
	[sflag:s2] =	ssyncset.done @!p3 $0x0  }
0x1b6: {  	[sflag:s2] =	ssyncadd.s32 @!p3 $0xFFFFFF80;
	s2 =	simm.s32 @!p1 $0x1  }
0x1b7: {  	_ =	swait.ge @!p1 [sflag:s2], $0x40  }
0x1b8: {  	s29 =	simm.s32 $0xA938;
	[sflag:s2] =	ssyncset.done @!p1 $0x0  }
0x1b9: {  	s30 =	simm.s32 $0x800;
	s31 =	simm.s32 $0x1;
	[sflag:s2] =	ssyncadd.s32 @!p1 $0xFFFFFFC0  }
0x1ba: {  	[spmem:s30] =	stream.linear.scatter [tilespmem:s29], [sflag:$0x1], $0x10, $0x38;
	[tilespmem:$0x1EF88] =	vst v63  }
0x1bb: {  	_ =	swait.ge [sflag:s31], $0x10  }
0x1bc: {  	[sflag:s31] =	ssyncset.done $0x0  }
0x1bd: {  	p1 =	seq.s32 s14, $0x0;
	s9 =	rddreg [dreg:$0x1];
	[sflag:s31] =	ssyncadd.s32 $0xFFFFFFF0  }
0x1be: {  	s3 =	sshll.u32 @p1 s9, $0xE;
	s8 =	rddreg [dreg:$0x2]  }
0x1bf: {  	s2 =	sadd.s32 @p1 $0x15C3C, s3;
	s3 =	sshll.u32 @p1 s8, $0x11  }
0x1c0: {  	_ =	sfence.stream.spmem;
	s2 =	sor.u32 @p1 s3, s2  }
0x1c1: {  	[sflag:s2] =	ssyncadd.remote.s32 @p1 $0x1;
	s2 =	simm.s32 @p1 $0x4  }
0x1c2: {  	s4 =	simm.s32 @!p1 $0x3C;
	s3 =	sand.u32 $0xFFFFFFFE, s9;
	_ =	swait.ge @p1 [sflag:s2], $0x12  }
0x1c3: {  	s5 =	simm.s32 @!p1 $0x0;
	s3 =	sadd.s32 @!p1 $0x4, s3;
	[sflag:s2] =	ssyncset.done @p1 $0x0  }
0x1c4: {  	s7 =	simm.s32 @!p1 $0x80;
	[sflag:s2] =	ssyncadd.s32 @p1 $0xFFFFFFEE;
	s2 =	sshll.u32 @!p1 s3, $0x1A  }
0x1c5: {  	s3 =	sshll.u32 @!p1 s3, $0xD;
	s2 =	sor.u32 @!p1 s2, s8;
	_ =	swait.eq @!p1 [sflag:s4], $0x1  }
0x1c6: {  	s3 =	sor.u32 @!p1 $0x1C04, s3;
	s4 =	simm.s32 @!p1 $0x1C03;
	s2 =	sor.u32 @!p1 $0x80004000, s2  }
0x1c7: {  	[spmem:s7], [sflag:s3] =	dma.general @!p1 [spmem:s5], [sflag:s4], length:$0x10, [dreg:$0x0], stride_count:$0x0, ici_dest:s2, dma_misc:DstOpCode:WRITE  }
0x1c8: {  	p2 =	slt.s32 s0, $0x2;
	s5 =	simm.s32 @!p1 $0x100;
	s7 =	simm.s32 @!p1 $0x102  }
0x1c9: {  	[spmem:s7], [sflag:s3] =	dma.general @!p1 [spmem:s5], [sflag:s4], length:$0x2, [dreg:$0x0], stride_count:$0x0, ici_dest:s2, dma_misc:DstOpCode:WRITE  }
.Ltmp33:
0x1ca: {  	s2 =	simm.s32 @!p1 $0x3;
	(pc) =	sbr.rel @p2 .LBB2_44-.Ltmp33, $4  }
0x1cb: {  	s3 =	sshll.u32 @!p1 s9, $0xE;
	_ =	swait.ge @!p1 [sflag:s2], $0x12  }
0x1cc: {  	s4 =	sshll.u32 @!p1 s8, $0x11;
	s3 =	sadd.s32 @!p1 $0x11C3C, s3;
	[sflag:s2] =	ssyncset.done @!p1 $0x0  }
0x1cd: {  	[sflag:s2] =	ssyncadd.s32 @!p1 $0xFFFFFFEE;
	s2 =	sor.u32 @!p1 s4, s3  }
0x1ce: {  	s0 =	simm.s32 $0x0;
	[sflag:s2] =	ssyncadd.remote.s32 @!p1 $0xFFFFFFFF  }
0x1cf: {  	s0 =	simm.s32 $0xA119  }
0x1d0: {  	v0 =	vld.msk [tilespmem:s0+$0x0], $0x1;
	_ =	sdelay $0x4  }
0x1d1: {  	(v2sf) =	vpush v0, $0x0;
	_ =	sdelay $0xd  }
0x1d2: {  	s3 =	sadd.s32 $0xFFFFFFFE, s6  }
0x1d3: {  	s4 =	sadd.s32 $0xFFFFFFFF, s3;
	s2 =	spop (v2sf)  }
0x1d4: {  	p2 =	sne.s32 s4, $0x0;
	p1 =	sgt.u32 s2, $0x270F8  }
.Ltmp34:
0x1d5: {  	s5 =	sand.u32 @!p1 $0x3FFF8, s2;
	(pc) =	sbr.rel @!p2 .LBB2_43-.Ltmp34, $4  }
0x1d6: {  	s0 =	simm.s32 $0xA178;
	s2 =	sand.u32 @!p1 $0x7, s2;
	s3 =	sadd.s32 @!p1 s1, s5  }
0x1d7: {  	[hbm4b:s3+s2] =	stream.linear.scatter @!p1 [tilespmem:s0], [sflag:$0x5], $0x40, $0x38;
	[tilespmem:$0x1EF88] =	vst v63  }
0x1d8: {  	s2 =	simm.s32 $0x0  }
0x1d9: {  	s6 =	simm.s32 $0xA11A;
	s5 =	simm.s32 $0x0;
	s2 =	simm.s32 @!p1 $0x100  }
.LBB2_42:
0x1da: {  	v0 =	vld.msk [tilespmem:s6+$0x0], $0x1;
	s4 =	sadd.s32 $0xFFFFFFFF, s4;
	s5 =	sadd.s32 s5, s2  }
0x1db: {  	p1 =	sne.s32 s4, $0x0;
	_ =	sdelay $0x3  }
0x1dc: {  	(v2sf) =	vpush v0, $0x0;
	_ =	sdelay $0xe  }
.Ltmp35:
0x1dd: {  	s3 =	spop (v2sf);
	(pc) =	sbr.rel @p1 .LBB2_42-.Ltmp35, $4  }
0x1de: {  	s2 =	simm.s32 $0x0;
	p2 =	sgt.u32 s3, $0x270F8  }
0x1df: {  	s0 =	sadd.s32 $0x40, s0;
	s2 =	simm.s32 @!p2 $0x100;
	s7 =	sand.u32 @!p2 $0x3FFF8, s3  }
0x1e0: {  	s6 =	sadd.s32 $0x1, s6;
	s3 =	sand.u32 @!p2 $0x7, s3;
	s7 =	sadd.s32 @!p2 s1, s7  }
0x1e1: {  	[hbm4b:s7+s3] =	stream.linear.scatter @!p2 [tilespmem:s0], [sflag:$0x5], $0x40, $0x38;
	[tilespmem:$0x1EF88] =	vst v63  }
.LBB2_43:
0x1e2: {  	s0 =	sadd.s32 s5, s2  }
0x1e3: {  	s0 =	sshrl.u32 s0, $0x2  }
.LBB2_44:
0x1e4: {  	s2 =	simm.s32 $0x5  }
0x1e5: {  	_ =	swait.ge [sflag:s2], s0  }
0x1e6: {  	s31 =	ssub.s32 $0x0, s0;
	[sflag:s2] =	ssyncset.done $0x0  }
0x1e7: {  	[sflag:s2] =	ssyncadd.s32 s31  }
0x1e8: {  	[sflag:s2] =	ssyncpa.u1 $0x1  }
.LBB2_45:
0x1e9: {  	s0 =	sor.u32 s14, s15  }
0x1ea: {  	p1 =	sne.s32 s0, $0x0  }
.Ltmp36:
0x1eb: {  	_ = 	snop;
	(pc) =	sbr.rel @p1 .LBB2_60-.Ltmp36, $3  }
0x1ec: {  	_ =	sdelay $0x1  }
0x1ed: {  	[bflag:$0x0] =	sbarrier.arrive $0xFFFF  }
0x1ee: {  	_ =	sfence  }
0x1ef: {  	s0 =	simm.s32 $0x7  }
0x1f0: {  	s2 =	simm.s32 $0x800;
	s3 =	simm.s32 $0xA118;
	[sflag:s0] =	ssyncpa.u1 $0x0  }
0x1f1: {  	[tilespmem:s3], [sflag:$0x7] =	stream.linear.gather [spmem:s2], $0x20, $0x38;
	[tilespmem:$0x1EF88] =	vst v63  }
0x1f2: {  	s30 =	simm.s32 $0xA138;
	s2 =	simm.s32 $0x0  }
0x1f3: {  	[tilespmem:s30], [sflag:$0x7] =	stream.linear.gather [spmem:s2], $0x800, $0x38;
	[tilespmem:$0x1EF88] =	vst v63  }
.Ltmp37:
0x1f4: {  	_ = 	snop;
	(pc) =	sbr.rel .LBB2_47-.Ltmp37, $4  }
0x1f5: {  	_ =	swait.ge [sflag:s0], $0x820  }
0x1f6: {  	[sflag:s0] =	ssyncset.done $0x0  }
0x1f7: {  	s31 =	simm.s32 $0x8;
	[sflag:s0] =	ssyncadd.s32 $0xFFFFF7E0  }
0x1f8: {  	s3 =	simm.s32 $0x0;
	[sflag:s31] =	ssyncpa.u1 $0x0  }
.LBB2_53:
0x1f9: {  	p1 =	slt.u32 s0, $0x270F9  }
0x1fa: {  	s4 =	sand.u32 @p1 $0x3FFF8, s0  }
0x1fb: {  	s0 =	sand.u32 @p1 $0x7, s0;
	s5 =	simm.s32 @p1 $0xA0C8;
	s4 =	sadd.s32 @p1 s1, s4  }
0x1fc: {  	[tilespmem:s5], [sflag:$0x8] =	stream.linear.gather @p1 [hbm4b:s4+s0], $0x40, $0x38;
	[tilespmem:$0x1EF88] =	vst v63  }
0x1fd: {  	s0 =	simm.s32 @p1 $0x8  }
0x1fe: {  	_ =	swait.ge @p1 [sflag:s0], $0x40  }
0x1ff: {  	[sflag:s0] =	ssyncset.done @p1 $0x0  }
0x200: {  	[sflag:s0] =	ssyncadd.s32 @p1 $0xFFFFFFC0  }
0x201: {  	v1 =	vld @p1 [tilespmem:$0xA0C8];
	_ =	sdelay $0x2  }
0x202: {  	s0 =	sshll.u32 @p1 s3, $0x8  }
0x203: {  	s4 =	sshrl.u32 @p1 s0, $0x2  }
0x204: {  	[tilespmem:s4+$0xA138] =	vst.add.f32.msk @p1 $0xffff, v1  }
0x205: {  	v1 =	vld @p1 [tilespmem:$0xA0D8];
	_ =	sdelay $0x4  }
0x206: {  	[tilespmem:s4+$0xA148] =	vst.add.f32.msk @p1 $0xffff, v1  }
0x207: {  	v1 =	vld @p1 [tilespmem:$0xA0E8];
	_ =	sdelay $0x4  }
0x208: {  	[tilespmem:s4+$0xA158] =	vst.add.f32.msk @p1 $0xffff, v1  }
0x209: {  	v1 =	vld @p1 [tilespmem:$0xA0F8];
	_ =	sdelay $0x3  }
0x20a: {  	s5 =	sshll.u32 @!p1 s3, $0x8  }
0x20b: {  	s5 =	smov.u32 @p1 s0;
	[tilespmem:s4+$0xA168] =	vst.add.f32.msk @p1 $0xffff, v1  }
0x20c: {  	s0 =	sshrl.u32 s5, $0x2;
	[tilespmem:s2+$0xA118] =	vst.msk $0x1, v0  }
0x20d: {  	v0 =	vld [tilespmem:s0+$0xA138];
	_ =	sdelay $0x2  }
0x20e: {  	s31 =	sshll.u32 s2, $0x8  }
0x20f: {  	s4 =	sshra.s32 s31, $0x2  }
0x210: {  	[tilespmem:s4+$0xA138] =	vst v0  }
0x211: {  	v0 =	vld [tilespmem:s0+$0xA148];
	_ =	sdelay $0x4  }
0x212: {  	[tilespmem:s4+$0xA148] =	vst v0  }
0x213: {  	v0 =	vld [tilespmem:s0+$0xA158];
	_ =	sdelay $0x4  }
0x214: {  	[tilespmem:s4+$0xA158] =	vst v0  }
0x215: {  	v0 =	vld [tilespmem:s0+$0xA168];
	_ =	sdelay $0x4  }
0x216: {  	s2 =	sadd.s32 $0x1, s2;
	[tilespmem:s4+$0xA168] =	vst v0  }
.LBB2_54:
0x217: {  	s3 =	sadd.s32 $0x1, s3  }
0x218: {  	p1 =	sne.s32 s3, $0x20  }
.Ltmp38:
0x219: {  	_ = 	snop;
	(pc) =	sbr.rel @!p1 .LBB2_55-.Ltmp38, $1  }
0x21a: {  	_ =	sdelay $0x3  }
.LBB2_47:
0x21b: {  	v0 =	vld.msk [tilespmem:s3+$0xA118], $0x1;
	_ =	sdelay $0x4  }
0x21c: {  	(v2sf) =	vpush v0, $0x0;
	_ =	sdelay $0xe  }
0x21d: {  	s0 =	spop (v2sf)  }
0x21e: {  	p1 =	seq.s32 s0, $0xFFFFFFFF  }
.Ltmp39:
0x21f: {  	_ = 	snop;
	(pc) =	sbr.rel @p1 .LBB2_54-.Ltmp39, $1  }
0x220: {  	_ =	sdelay $0x3  }
0x221: {  	p1 =	slt.s32 s2, $0x1  }
.Ltmp40:
0x222: {  	_ = 	snop;
	(pc) =	sbr.rel @p1 .LBB2_53-.Ltmp40, $1  }
0x223: {  	_ =	sdelay $0x3  }
0x224: {  	s4 =	simm.s32 $0xA118;
	p1 =	por $0x0, $0x0  }
0x225: {  	v1 =	vld.msk @!p1 [tilespmem:s4+$0x0], $0x1;
	_ =	sdelay $0x4  }
0x226: {  	(v2sf) =	vpush @!p1 v1, $0x0;
	_ =	sdelay $0xd  }
0x227: {  	p3 =	sne.s32 s2, $0x1  }
.Ltmp41:
0x228: {  	s5 =	spop @!p1 (v2sf);
	(pc) =	sbr.rel @!p3 .LBB2_51-.Ltmp41, $4  }
0x229: {  	p2 =	seq.s32 @!p1 s0, s5  }
0x22a: {  	s5 =	simm.s32 $0x0;
	p2 =	por !p2, p1  }
0x22b: {  	s7 =	simm.s32 $0xFFFFFFFF;
	s5 =	simm.s32 @p2 $0xFFFFFFFF  }
0x22c: {  	s6 =	simm.s32 $0x1;
	s5 =	smov.u32 @p1 s7  }
.LBB2_50:
0x22d: {  	s7 =	smov.u32 s5;
	p1 =	sne.s32 s5, $0xFFFFFFFF  }
0x22e: {  	s4 =	sadd.s32 $0x1, s4;
	s5 =	smov.u32 s6;
	s6 =	sadd.s32 $0x1, s6  }
0x22f: {  	p2 =	sne.s32 s2, s6;
	v1 =	vld.msk @!p1 [tilespmem:s4+$0x0], $0x1;
	_ =	sdelay $0x4  }
0x230: {  	(v2sf) =	vpush @!p1 v1, $0x0;
	_ =	sdelay $0xe  }
.Ltmp42:
0x231: {  	s8 =	spop @!p1 (v2sf);
	(pc) =	sbr.rel @p2 .LBB2_50-.Ltmp42, $4  }
0x232: {  	p3 =	seq.s32 @!p1 s0, s8  }
0x233: {  	p3 =	por !p3, p1  }
0x234: {  	s5 =	simm.s32 @p3 $0xFFFFFFFF  }
0x235: {  	s5 =	smov.u32 @p1 s7  }
.LBB2_51:
0x236: {  	p1 =	seq.s32 s5, $0xFFFFFFFF  }
.Ltmp43:
0x237: {  	_ = 	snop;
	(pc) =	sbr.rel @p1 .LBB2_53-.Ltmp43, $1  }
0x238: {  	_ =	sdelay $0x3  }
0x239: {  	s0 =	sshll.u32 s3, $0x6  }
0x23a: {  	s0 =	sand.u32 $0x3FFFFFC0, s0  }
0x23b: {  	v0 =	vld [tilespmem:s0+$0xA138];
	_ =	sdelay $0x2  }
0x23c: {  	s4 =	sshll.u32 s5, $0x8  }
0x23d: {  	s4 =	sshra.s32 s4, $0x2  }
0x23e: {  	[tilespmem:s4+$0xA138] =	vst.add.f32.msk $0xffff, v0  }
0x23f: {  	v0 =	vld [tilespmem:s0+$0xA148];
	_ =	sdelay $0x4  }
0x240: {  	[tilespmem:s4+$0xA148] =	vst.add.f32.msk $0xffff, v0  }
0x241: {  	v0 =	vld [tilespmem:s0+$0xA158];
	_ =	sdelay $0x4  }
0x242: {  	[tilespmem:s4+$0xA158] =	vst.add.f32.msk $0xffff, v0  }
0x243: {  	v0 =	vld [tilespmem:s0+$0xA168]  }
.Ltmp44:
0x244: {  	_ = 	snop;
	(pc) =	sbr.rel .LBB2_54-.Ltmp44, $2  }
0x245: {  	_ =	sdelay $0x2  }
0x246: {  	[tilespmem:s4+$0xA168] =	vst.add.f32.msk $0xffff, v0  }
.LBB2_55:
0x247: {  	p1 =	slt.s32 s2, $0x1  }
.Ltmp45:
0x248: {  	_ = 	snop;
	(pc) =	sbr.rel @p1 .LBB2_59-.Ltmp45, $3  }
0x249: {  	_ =	sdelay $0x1  }
0x24a: {  	s0 =	simm.s32 $0x8  }
0x24b: {  	[sflag:s0] =	ssyncpa.u1 $0x1;
	s0 =	simm.s32 $0x0  }
0x24c: {  	s3 =	simm.s32 $0xA118  }
0x24d: {  	v0 =	vld.msk [tilespmem:s3+$0x0], $0x1;
	_ =	sdelay $0x4  }
0x24e: {  	(v2sf) =	vpush v0, $0x0;
	_ =	sdelay $0xe  }
0x24f: {  	s2 =	sadd.s32 $0xFFFFFFFF, s2;
	s4 =	spop (v2sf)  }
0x250: {  	p2 =	sne.s32 s2, $0x0;
	p1 =	sgt.u32 s4, $0x270F8  }
.Ltmp46:
0x251: {  	s5 =	sand.u32 @!p1 $0x3FFF8, s4;
	(pc) =	sbr.rel @!p2 .LBB2_58-.Ltmp46, $4  }
0x252: {  	s3 =	simm.s32 $0xA138;
	s4 =	sand.u32 @!p1 $0x7, s4;
	s5 =	sadd.s32 @!p1 s1, s5  }
0x253: {  	[hbm4b:s5+s4] =	stream.linear.scatter @!p1 [tilespmem:s3], [sflag:$0x7], $0x40, $0x38;
	[tilespmem:$0x1EF88] =	vst v63  }
0x254: {  	s5 =	simm.s32 $0x0  }
0x255: {  	s4 =	simm.s32 $0xA119;
	s5 =	simm.s32 @!p1 $0x100  }
.LBB2_57:
0x256: {  	v0 =	vld.msk [tilespmem:s4+$0x0], $0x1;
	s2 =	sadd.s32 $0xFFFFFFFF, s2;
	s0 =	sadd.s32 s0, s5  }
0x257: {  	p1 =	sne.s32 s2, $0x0;
	_ =	sdelay $0x3  }
0x258: {  	(v2sf) =	vpush v0, $0x0;
	_ =	sdelay $0xe  }
.Ltmp47:
0x259: {  	s6 =	spop (v2sf);
	(pc) =	sbr.rel @p1 .LBB2_57-.Ltmp47, $4  }
0x25a: {  	s5 =	simm.s32 $0x0;
	p2 =	sgt.u32 s6, $0x270F8  }
0x25b: {  	s3 =	sadd.s32 $0x40, s3;
	s5 =	simm.s32 @!p2 $0x100;
	s7 =	sand.u32 @!p2 $0x3FFF8, s6  }
0x25c: {  	s4 =	sadd.s32 $0x1, s4;
	s6 =	sand.u32 @!p2 $0x7, s6;
	s7 =	sadd.s32 @!p2 s1, s7  }
0x25d: {  	[hbm4b:s7+s6] =	stream.linear.scatter @!p2 [tilespmem:s3], [sflag:$0x7], $0x40, $0x38;
	[tilespmem:$0x1EF88] =	vst v63  }
.LBB2_58:
0x25e: {  	s0 =	sadd.s32 s0, s5  }
0x25f: {  	s0 =	sshrl.u32 s0, $0x2  }
.LBB2_59:
0x260: {  	s1 =	simm.s32 $0x7  }
0x261: {  	_ =	swait.ge [sflag:s1], s0  }
0x262: {  	s31 =	ssub.s32 $0x0, s0;
	[sflag:s1] =	ssyncset.done $0x0  }
0x263: {  	[sflag:s1] =	ssyncadd.s32 s31  }
0x264: {  	[sflag:s1] =	ssyncpa.u1 $0x1  }
.LBB2_60:
0x265: {  	_ =	sfence;
	s0 =	simm.s32 $0x1  }
0x266: {  	[sflag:s0] =	ssyncpa.u1 $0x1  }
0x267: {  	_ =	strace $0x9000006E  }
0x268: {  	[bflag:$0x2] =	sbarrier.arrive $0xFFFF  }
0x269: {  	s0 =	rddreg [dreg:$0x3]  }
0x26a: {  	s0 =	sadd.s32 @!p0 $0x100000, s0  }
0x26b: {  	[sflag:s0] =	ssyncadd.tile.s32 @!p0 $0x1;
	_ =	shalt  }
.Lfunc_end2:
_tile_overlayer_lowered:
.L_overlay_start_2:
0x26c: {  	(tag) =	ssettag $0x2  }
0x26d: {  	s0 =	rddreg [dreg:$0x0];
	s2 =	stileid.u32  }
0x26e: {  	s1 =	rddreg [dreg:$0x1];
	p0 =	sne.s32 s2, $0x0  }
0x26f: {  	s3 =	rddreg [dreg:$0x2];
	[bflag:$0x3] =	sbarrier.arrive $0xFFFF;
	s2 =	simm.s32 @!p0 $0x1C01  }
0x270: {  	[timem:s3], [sflag:s2] =	dma.local @!p0 [hbm:s0], s1  }
0x271: {  	s0 =	simm.s32 @!p0 $0x1  }
0x272: {  	_ =	swait.ge @!p0 [sflag:s0], s1  }
0x273: {  	s1 =	ssub.s32 @!p0 $0x0, s1;
	[sflag:s0] =	ssyncset.done @!p0 $0x0  }
0x274: {  	[sflag:s0] =	ssyncadd.s32 @!p0 s1  }
0x275: {  	[bflag:$0x3] =	sbarrier.arrive $0xFFFF  }
0x276: {  	_ =	shalt  }

// kernel: scatter_offload_async_start
scs
__scs_entry_jumppad:
0x0: {  	(pc) =	sbr.rel $0x88, $3  }
0x1: {  	(tag) =	ssettag $0x0;
	lr =	simm.s32 $0x1  }
0x2: {  	[smem:$0x3F70] =	sst lr;
	_ =	strace $0xD0000000  }
0x3: {  	_ = 	snop  }
0x4: {  	_ = 	snop  }
0x5: {  	_ = 	snop  }
0x6: {  	_ = 	snop  }
0x7: {  	_ = 	snop  }
__scs_overlays_trampoline_lowered:
0x8: {  	[smem:$0x3F7F] =	sst s0  }
0x9: {  	[smem:$0x3F80] =	sst s1  }
0xa: {  	[smem:$0x3F81] =	sst s2  }
0xb: {  	[smem:$0x3F82] =	sst s3  }
0xc: {  	[smem:$0x3F83] =	sst s4  }
0xd: {  	[smem:$0x3F84] =	sst s5  }
0xe: {  	[smem:$0x3F85] =	sst s6  }
0xf: {  	[smem:$0x3F86] =	sst s7  }
0x10: {  	[smem:$0x3F87] =	sst s8  }
0x11: {  	[smem:$0x3F88] =	sst s9;
	s0 =	simm.s32 @!p0 $0x0  }
0x12: {  	s1 =	sld [smem:$0x3F6E];
	s0 =	simm.s32 @p0 $0x1  }
0x13: {  	[smem:$0x3F89] =	sst s0;
	s0 =	simm.s32 @!p1 $0x0  }
0x14: {  	s2 =	sld [smem:$0x3F6D];
	s0 =	simm.s32 @p1 $0x1  }
0x15: {  	[smem:$0x3F8A] =	sst s0;
	s0 =	simm.s32 @!p2 $0x0  }
0x16: {  	s3 =	sld [smem:$0x3FDB];
	s0 =	simm.s32 @p2 $0x1  }
0x17: {  	s4 =	simm.s32 $0x1BF5;
	[smem:$0x3F8C] =	sst s0  }
0x18: {  	s0 =	sld [smem:$0x3F6F];
	_ =	swait.ge [sflag:s4], $0x0  }
0x19: {  	s7 =	sld [smem:$0x3F70]  }
0x1a: {  	s8 =	sadd.s32 $0xFFFFE003, lr  }
0x1b: {  	s9 =	sadd.s32 $0xFFFFFEF7, lr;
	s5 =	simm.s32 $0xFFFFFFFF;
	p2 =	slt.u32 s8, $0xFFFFF086  }
0x1c: {  	p1 =	slt.u32 s9, $0xF7A;
	s5 =	simm.s32 @!p2 $0x0  }
0x1d: {  	s5 =	simm.s32 @p1 $0x1;
	p0 =	seq.s32 s7, s2  }
0x1e: {  	s7 =	smul.u32 @!p0 $0xF7A, s2;
	p2 =	seq.s32 @!p0 s5, $0x0  }
0x1f: {  	s9 =	smul.u32 $0xF7A, s1;
	s8 =	simm.s32 @!p0 $0x1BF5;
	p2 =	por !p2, p0  }
0x20: {  	[sflag:s8] =	ssyncset.s32 @!p0 $0xFFFFF086;
	s6 =	sadd.s32 @!p0 s3, s7;
	s7 =	simm.s32 @!p0 $0x108  }
0x21: {  	s3 =	sadd.s32 s3, s9;
	s6 =	sadd.s32 @!p0 $0x88, s6;
	s7 =	simm.s32 @p2 $0x1082  }
0x22: {  	[simem:s7], [sflag:s8] =	dma.local @!p0 [hbm:s6], $0xF7A  }
0x23: {  	s9 =	sor.u32 $0xD0000000, s2;
	s6 =	simm.s32 $0x108;
	_ =	swait.ge @!p0 [sflag:s8], $0x0  }
0x24: {  	s3 =	sadd.s32 $0x88, s3;
	s6 =	simm.s32 @!p1 $0x1082;
	[sflag:s4] =	ssyncset.s32 $0xFFFFF086  }
0x25: {  	[simem:s6], [sflag:s4] =	dma.local [hbm:s3], $0xF7A  }
0x26: {  	[smem:$0x3F70] =	sst s1;
	(tag) =	ssettag s2;
	_ =	strace s9  }
0x27: {  	s1 =	sld [smem:$0x3F80]  }
0x28: {  	s2 =	sld [smem:$0x3F81]  }
0x29: {  	s4 =	sld [smem:$0x3F83]  }
0x2a: {  	p0 =	seq.s32 s5, $0x0;
	s5 =	sld [smem:$0x3F84]  }
0x2b: {  	s6 =	sld [smem:$0x3F85]  }
0x2c: {  	s7 =	sld [smem:$0x3F86]  }
0x2d: {  	s3 =	simm.s32 $0x108;
	s8 =	sld [smem:$0x3F87]  }
0x2e: {  	s3 =	simm.s32 @!p0 $0x1082;
	s9 =	sld [smem:$0x3F88]  }
0x2f: {  	lr =	sadd.s32 s0, s3;
	s0 =	sld [smem:$0x3F7F]  }
0x30: {  	s3 =	sld [smem:$0x3F82]  }
0x31: {  	[smem:$0x3F8B] =	sst s10  }
0x32: {  	s10 =	sld [smem:$0x3F89];
	_ =	sdelay $0x3  }
0x33: {  	p0 =	seq.s32 s10, $0x1;
	s10 =	sld [smem:$0x3F8B];
	_ =	sdelay $0x3  }
0x34: {  	[smem:$0x3F8B] =	sst s10  }
0x35: {  	s10 =	sld [smem:$0x3F8A];
	_ =	sdelay $0x3  }
0x36: {  	p1 =	seq.s32 s10, $0x1;
	s10 =	sld [smem:$0x3F8B];
	_ =	sdelay $0x3  }
0x37: {  	[smem:$0x3F8B] =	sst s10  }
0x38: {  	s10 =	sld [smem:$0x3F8C]  }
0x39: {  	_ = 	snop;
	(pc) =	sbr.ind lr, $3  }
0x3a: {  	_ = 	snop  }
0x3b: {  	_ = 	snop  }
0x3c: {  	p2 =	seq.s32 s10, $0x1;
	s10 =	sld [smem:$0x3F8B]  }
0x3d: {  	_ =	shalt  }
0x3e: {  	_ =	shalt  }
0x3f: {  	_ =	shalt  }
0x40: {  	_ =	shalt  }
0x41: {  	_ =	shalt  }
0x42: {  	_ =	shalt  }
0x43: {  	_ =	shalt  }
0x44: {  	_ =	shalt  }
0x45: {  	_ =	shalt  }
0x46: {  	_ =	shalt  }
0x47: {  	_ =	shalt  }
0x48: {  	_ =	shalt  }
0x49: {  	_ =	shalt  }
0x4a: {  	_ =	shalt  }
0x4b: {  	_ =	shalt  }
0x4c: {  	_ =	shalt  }
0x4d: {  	_ =	shalt  }
0x4e: {  	_ =	shalt  }
0x4f: {  	_ =	shalt  }
0x50: {  	_ =	shalt  }
0x51: {  	_ =	shalt  }
0x52: {  	_ =	shalt  }
0x53: {  	_ =	shalt  }
0x54: {  	_ =	shalt  }
0x55: {  	_ =	shalt  }
0x56: {  	_ =	shalt  }
0x57: {  	_ =	shalt  }
0x58: {  	_ =	shalt  }
0x59: {  	_ =	shalt  }
0x5a: {  	_ =	shalt  }
0x5b: {  	_ =	shalt  }
0x5c: {  	_ =	shalt  }
0x5d: {  	_ =	shalt  }
0x5e: {  	_ =	shalt  }
0x5f: {  	_ =	shalt  }
0x60: {  	_ =	shalt  }
0x61: {  	_ =	shalt  }
0x62: {  	_ =	shalt  }
0x63: {  	_ =	shalt  }
0x64: {  	_ =	shalt  }
0x65: {  	_ =	shalt  }
0x66: {  	_ =	shalt  }
0x67: {  	_ =	shalt  }
0x68: {  	_ =	shalt  }
0x69: {  	_ =	shalt  }
0x6a: {  	_ =	shalt  }
0x6b: {  	_ =	shalt  }
0x6c: {  	_ =	shalt  }
0x6d: {  	_ =	shalt  }
0x6e: {  	_ =	shalt  }
0x6f: {  	_ =	shalt  }
0x70: {  	_ =	shalt  }
0x71: {  	_ =	shalt  }
0x72: {  	_ =	shalt  }
0x73: {  	_ =	shalt  }
0x74: {  	_ =	shalt  }
0x75: {  	_ =	shalt  }
0x76: {  	_ =	shalt  }
0x77: {  	_ =	shalt  }
0x78: {  	_ =	shalt  }
0x79: {  	_ =	shalt  }
0x7a: {  	_ =	shalt  }
0x7b: {  	_ =	shalt  }
0x7c: {  	_ =	shalt  }
0x7d: {  	_ =	shalt  }
0x7e: {  	_ =	shalt  }
0x7f: {  	_ =	shalt  }
0x80: {  	_ =	shalt  }
0x81: {  	_ =	shalt  }
0x82: {  	_ =	shalt  }
0x83: {  	_ =	shalt  }
0x84: {  	_ =	shalt  }
0x85: {  	_ =	shalt  }
0x86: {  	_ =	shalt  }
0x87: {  	_ =	shalt  }
.Lfunc_end0:
.L_simem_size_0:
called_computation_lowered:
.L_overlay_start_0:
0x88: {  	s0 =	sld [smem:$0x3FD9]  }
0x89: {  	s1 =	sld [smem:$0x3FFE];
	_ =	sdelay $0x3  }
0x8a: {  	s0 =	sadd.s32 s1, s0  }
0x8b: {  	[smem:$0x3F97] =	sst s0  }
0x8c: {  	_ = 	snop  }
0x8d: {  	(tm) =	ssettm $0x1  }
0x8e: {  	s14 =	sld [smem:$0x3FFB];
	_ =	sdelay $0x3  }
0x8f: {  	_ =	strace s14  }
0x90: {  	s0 =	sld [smem:$0x3FFC];
	_ =	sdelay $0x3  }
0x91: {  	_ =	strace s0  }
0x92: {  	s0 =	sld [smem:$0x3FFD];
	_ =	sdelay $0x3  }
0x93: {  	_ =	strace s0  }
0x94: {  	_ =	strace $0x8FFFFFFF  }
0x95: {  	s15 =	sld [smem:$0x3FDB];
	_ =	sdelay $0x1  }
0x96: {  	s16 =	simm.s32 $_scs_section_size  }
0x97: {  	s2 =	simm.s32 $_size__tile_overlayer_lowered;
	s3 =	simm.s32 $_tile_overlayer_lowered  }
0x98: {  	s4 =	simm.s32 $0x1BFF;
	s17 =	sshll.u32 s3, $0x1;
	s1 =	sadd.s32 s16, s15  }
0x99: {  	s18 =	simm.s32 $0x0;
	s2 =	sshll.u32 s2, $0x1;
	s3 =	sadd.s32 s17, s1  }
0x9a: {  	[timem:s18], [sflag:s4] =	dma.local [hbm:s3], s2  }
0x9b: {  	_ =	swait.ge [sflag:s4], s2  }
0x9c: {  	s2 =	ssub.s32 $0x0, s2;
	[sflag:s4] =	ssyncset.done $0x0  }
0x9d: {  	[sflag:s4] =	ssyncadd.s32 s2;
	_ =	sdelay $0x1  }
0x9e: {  	s19 =	simm.s32 $0x1B8B  }
0x9f: {  	_ =	swait.ge [sflag:s19], $0x1  }
0xa0: {  	[sflag:s19] =	ssyncset.done $0x0  }
0xa1: {  	s21 =	simm.s32 $0x1B8E;
	s20 =	sld [smem:$0x3FFE];
	[sflag:s19] =	ssyncadd.s32 $0xFFFFFFFF  }
0xa2: {  	s22 =	simm.s32 $execute0_lowered;
	[smem:$0x3FD2] =	sst s21  }
0xa3: {  	s3 =	sshll.u32 s22, $0x1;
	_ =	strace $0x80000046;
	[dreg:$0x1] =	wrdreg $0xFFFFFFFF  }
0xa4: {  	s23 =	simm.s32 $_size_execute0_lowered;
	s3 =	sadd.s32 s1, s3;
	[dreg:$0x0] =	wrdreg $0x0  }
0xa5: {  	s4 =	sshll.u32 s23, $0x1;
	[dreg:$0x2] =	wrdreg s3  }
0xa6: {  	[dreg:$0x3] =	wrdreg s4  }
0xa7: {  	[dreg:$0x4] =	wrdreg $0xC0  }
0xa8: {  	s24 =	simm.s32 $execute1_lowered;
	_ =	task [dreg:s18], $0x5FFFF  }
0xa9: {  	s3 =	sshll.u32 s24, $0x1;
	[dreg:$0x1] =	wrdreg $0xFFFFFFFF  }
0xaa: {  	s1 =	sadd.s32 s1, s3;
	[dreg:$0x0] =	wrdreg $0x60  }
0xab: {  	[dreg:$0x2] =	wrdreg s1  }
0xac: {  	[dreg:$0x3] =	wrdreg s20  }
0xad: {  	[dreg:$0x4] =	wrdreg $0x9  }
0xae: {  	_ =	task.clear_ibuf [dreg:s18], $0x5FFFF;
	_ =	strace $0x90000046  }
0xaf: {  	s25 =	simm.s32 $0x9;
	_ =	strace $0x80000048  }
0xb0: {  	_ =	swait.ge [sflag:s25], $0x1  }
0xb1: {  	[sflag:s25] =	ssyncadd.s32 $0xFFFFFFFF  }
0xb2: {  	_ =	strace $0x90000048  }
0xb3: {  	_ =	strace $0x80000049;
	[dreg:$0x1] =	wrdreg $0xFFFFFFFF  }
0xb4: {  	[dreg:$0x0] =	wrdreg $0x2030  }
0xb5: {  	[dreg:$0x2] =	wrdreg s20  }
0xb6: {  	[dreg:$0x3] =	wrdreg $0xA  }
0xb7: {  	_ =	task.clear_ibuf [dreg:s18], $0x4FFFF;
	_ =	strace $0x90000049  }
0xb8: {  	s26 =	simm.s32 $0xA;
	_ =	strace $0x8000004B  }
0xb9: {  	_ =	swait.ge [sflag:s26], $0x1  }
0xba: {  	[sflag:s26] =	ssyncadd.s32 $0xFFFFFFFF  }
0xbb: {  	_ =	strace $0x9000004B  }
0xbc: {  	_ =	sfence  }
0xbd: {  	s28 =	sld [smem:$0x0];
	_ =	sdelay $0x1  }
0xbe: {  	s29 =	srdreg.scid  }
0xbf: {  	s30 =	sshll.u32 s29, $0xD;
	s31 =	sshrl.u32 s29, $0x2  }
0xc0: {  	s2 =	sand.u32 $0x1, s29;
	s3 =	sand.u32 $0x4000, s30;
	s1 =	sadd.s32 s31, s28  }
0xc1: {  	s2 =	sor.u32 s3, s2;
	s1 =	sshll.u32 s1, $0x11  }
0xc2: {  	s1 =	sor.u32 s1, s2  }
0xc3: {  	s1 =	sadd.s32 $0x8F2B, s1  }
0xc4: {  	[sflag:s1] =	ssyncadd.remote.s32 $0x1  }
0xc5: {  	_ =	sfence.sel $0xFFFF  }
0xc6: {  	[dreg:$0x0] =	wrdreg $0xFFFFFFFF;
	(pc) =	sbr.abs _section_cstart, $3  }
0xc7: {  	[dreg:$0x1] =	wrdreg $0xFFFFFFFF  }
0xc8: {  	_ =	task.clear_ibuf [dreg:s18], $0x2FFFF;
	_ =	strace $0x9FFFFFFF  }
0xc9: {  	(tm) =	ssettm $0x7FFFFFFF  }
tec
execute0_lowered:
.L_overlay_start_1:
0x0: {  	(tag) =	ssettag $0x1  }
0x1: {  	s2 =	rddreg [dreg:$0x0]  }
0x2: {  	s6 =	rddreg [dreg:$0x1]  }
0x3: {  	s0 =	rddreg [dreg:$0x2];
	s3 =	stileid.u32  }
0x4: {  	[bflag:$0x3] =	sbarrier.arrive $0xFFFF;
	s1 =	simm.s32 $_size_execute1_lowered;
	p0 =	sne.s32 s3, $0x0  }
0x5: {  	s1 =	sshll.u32 s1, $0x1;
	s4 =	simm.s32 @!p0 $0x1C3F;
	s5 =	simm.s32 @!p0 $0x4060  }
0x6: {  	[timem:s5], [sflag:s4] =	dma.local @!p0 [hbm:s2], s1  }
0x7: {  	s7 =	simm.s32 $0x1;
	s8 =	simm.s32 $0x2;
	s2 =	sshll.u32 s3, $0xD  }
0x8: {  	s10 =	simm.s32 $0x0;
	s9 =	simm.s32 $0x0;
	s30 =	ssub.s32 $0x40000, s2  }
.Ltmp0:
0x9: {  	s3 =	sadd.s32 $0x141600, s6;
	s31 =	sand.u32 $0x1E000, s30;
	(pc) =	sbr.rel .LBB2_1-.Ltmp0, $4  }
0xa: {  	s4 =	simm.s32 $0x1;
	_ =	strace $0x80000047;
	p1 =	sne.s32 s31, $0x0  }
0xb: {  	s5 =	sshrl.u32 s30, $0x11;
	[sflag:s4] =	ssyncpa.u1 $0x0;
	s7 =	simm.s32 @!p1 $0x0  }
0xc: {  	s6 =	sadd.s32 $0x149600, s6;
	[sflag:s8] =	ssyncpa.u1 $0x0;
	s5 =	sadd.s32 s7, s5  }
0xd: {  	s8 =	smov.u32 s2;
	p1 =	por $0x0, $0x0;
	s7 =	sadd.s32 $0x1, s5  }
.LBB2_4:
0xe: {  	[tilespmem:s11+$0xB0] =	vst v0  }
0xf: {  	[tilespmem:s11+$0xC0] =	vst v1  }
0x10: {  	[tilespmem:s11+$0xD0] =	vst v2  }
0x11: {  	[tilespmem:s11+$0xE0] =	vst v3;
	s13 =	sshrl.u32 s10, $0x3  }
0x12: {  	[tilespmem:s11+$0xFFFFFF00] =	vst v4;
	s31 =	sand.u32 $0x7, s10;
	s30 =	sadd.s32 s6, s13  }
0x13: {  	[hbm4b:s30+s31] =	stream.linear.scatter [tilespmem:s12], [sflag:$0x2], $0x2000, $0x38;
	[tilespmem:$0x8000] =	vst v63  }
.LBB2_5:
0x14: {  	s12 =	sadd.s32 $0x20000, s8  }
0x15: {  	p3 =	sgt.s32 s12, $0x3FFFF  }
0x16: {  	s12 =	smov.u32 @p3 s2;
	p3 =	sne.s32 s9, s7  }
.Ltmp1:
0x17: {  	p2 =	slt.u32 s9, $0x2;
	(pc) =	sbr.rel @!p3 .LBB2_6-.Ltmp1, $4  }
0x18: {  	s11 =	simm.s32 @!p2 $0x2  }
0x19: {  	s13 =	sadd.s32 $0x1, s9;
	_ =	swait.ge @!p2 [sflag:s11], $0x2000  }
0x1a: {  	s10 =	smov.u32 s8;
	p1 =	por !p1, !p1;
	[sflag:s11] =	ssyncset.done @!p2 $0x0  }
0x1b: {  	s9 =	smov.u32 s13;
	s8 =	smov.u32 s12;
	[sflag:s11] =	ssyncadd.s32 @!p2 $0xFFFFE000  }
.LBB2_1:
0x1c: {  	p2 =	sge.u32 s9, s5  }
0x1d: {  	s11 =	sxor.u32 @!p2 $0xFFFFFFFF, s9  }
0x1e: {  	s31 =	sadd.s32 $0xFFFFFFFF, s9;
	s12 =	sshrl.u32 @!p2 s8, $0x3;
	s11 =	sshll.u32 @!p2 s11, $0xD  }
0x1f: {  	s13 =	sand.u32 @!p2 $0x7, s8;
	s12 =	sadd.s32 @!p2 s3, s12;
	s11 =	sand.u32 @!p2 $0x2000, s11  }
0x20: {  	[tilespmem:s11], [sflag:$0x1] =	stream.linear.gather @!p2 [hbm4b:s12+s13], $0x2000, $0x38;
	[tilespmem:$0x8000] =	vst v63  }
0x21: {  	p2 =	sge.u32 s31, s5  }
.Ltmp2:
0x22: {  	_ = 	snop;
	(pc) =	sbr.rel @p2 .LBB2_5-.Ltmp2, $1  }
0x23: {  	_ =	sdelay $0x3  }
0x24: {  	s11 =	simm.s32 $0x1  }
0x25: {  	_ =	swait.ge [sflag:s4], $0x2000;
	s11 =	simm.s32 @!p1 $0x0  }
0x26: {  	[sflag:s4] =	ssyncset.done $0x0;
	s11 =	sshll.u32 s11, $0xD  }
0x27: {  	[sflag:s4] =	ssyncadd.s32 $0xFFFFE000;
	s14 =	sor.u32 $0x100, s11  }
0x28: {  	v0 =	vld [tilespmem:s14+$0xF0]  }
0x29: {  	v1 =	vld [tilespmem:s14+$0xFFFFFF10]  }
0x2a: {  	v2 =	vld [tilespmem:s14+$0xFFFFFF20]  }
0x2b: {  	v3 =	vld [tilespmem:s14+$0xFFFFFF30]  }
0x2c: {  	s11 =	sor.u32 $0x4100, s11;
	v4 =	vld [tilespmem:s14+$0xFFFFFF40]  }
0x2d: {  	v5 =	vld [tilespmem:s14+$0xFFFFFF50];
	[tilespmem:s11+$0xF0] =	vst v0  }
0x2e: {  	[tilespmem:s11+$0xFFFFFF10] =	vst v1;
	v0 =	vld [tilespmem:s14+$0xFFFFFF60]  }
0x2f: {  	[tilespmem:s11+$0xFFFFFF20] =	vst v2;
	v1 =	vld [tilespmem:s14+$0xFFFFFF70]  }
0x30: {  	[tilespmem:s11+$0xFFFFFF30] =	vst v3;
	v2 =	vld [tilespmem:s14+$0xFFFFFF80]  }
0x31: {  	[tilespmem:s11+$0xFFFFFF40] =	vst v4;
	v3 =	vld [tilespmem:s14+$0xFFFFFF90]  }
0x32: {  	[tilespmem:s11+$0xFFFFFF50] =	vst v5;
	v4 =	vld [tilespmem:s14+$0xFFFFFFA0]  }
0x33: {  	v5 =	vld [tilespmem:s14+$0xA0];
	[tilespmem:s11+$0xFFFFFF60] =	vst v0  }
0x34: {  	v0 =	vld [tilespmem:s14+$0xFFFFFFB0];
	[tilespmem:s11+$0xFFFFFF70] =	vst v1  }
0x35: {  	v1 =	vld [tilespmem:s14+$0xFFFFFFC0];
	[tilespmem:s11+$0xFFFFFF80] =	vst v2  }
0x36: {  	v2 =	vld [tilespmem:s14+$0xFFFFFFD0];
	[tilespmem:s11+$0xFFFFFF90] =	vst v3  }
0x37: {  	v3 =	vld [tilespmem:s14+$0xFFFFFFE0];
	[tilespmem:s11+$0xFFFFFFA0] =	vst v4  }
0x38: {  	v4 =	vld [tilespmem:s14+$0xFFFFFFF0];
	[tilespmem:s11+$0xA0] =	vst v5  }
0x39: {  	[tilespmem:s11+$0xFFFFFFB0] =	vst v0;
	v0 =	vld [tilespmem:s14+$0x0]  }
0x3a: {  	[tilespmem:s11+$0xFFFFFFC0] =	vst v1;
	v1 =	vld [tilespmem:s14+$0x10]  }
0x3b: {  	[tilespmem:s11+$0xFFFFFFD0] =	vst v2;
	v2 =	vld [tilespmem:s14+$0x20]  }
0x3c: {  	[tilespmem:s11+$0xFFFFFFE0] =	vst v3;
	v3 =	vld [tilespmem:s14+$0x30]  }
0x3d: {  	[tilespmem:s11+$0xFFFFFFF0] =	vst v4;
	v4 =	vld [tilespmem:s14+$0x40]  }
0x3e: {  	[tilespmem:s11+$0x0] =	vst v0;
	v0 =	vld [tilespmem:s14+$0x50]  }
0x3f: {  	[tilespmem:s11+$0x10] =	vst v1;
	v1 =	vld [tilespmem:s14+$0x60]  }
0x40: {  	[tilespmem:s11+$0x20] =	vst v2;
	v2 =	vld [tilespmem:s14+$0x70]  }
0x41: {  	[tilespmem:s11+$0x30] =	vst v3;
	v3 =	vld [tilespmem:s14+$0x80]  }
0x42: {  	[tilespmem:s11+$0x40] =	vst v4;
	v4 =	vld [tilespmem:s14+$0x90]  }
0x43: {  	[tilespmem:s11+$0x50] =	vst v0;
	v0 =	vld [tilespmem:s14+$0xB0]  }
0x44: {  	[tilespmem:s11+$0x60] =	vst v1;
	v1 =	vld [tilespmem:s14+$0xC0]  }
0x45: {  	s12 =	sshll.u32 s9, $0xD;
	[tilespmem:s11+$0x70] =	vst v2;
	v2 =	vld [tilespmem:s14+$0xD0]  }
0x46: {  	s12 =	sand.u32 $0x2000, s12;
	[tilespmem:s11+$0x80] =	vst v3;
	v3 =	vld [tilespmem:s14+$0xE0]  }
0x47: {  	s13 =	simm.s32 $0x0;
	s12 =	sor.u32 $0x4000, s12;
	[tilespmem:s11+$0x90] =	vst v4;
	v4 =	vld [tilespmem:s14+$0xFFFFFF00];
	s14 =	sadd.s32 $0x200, s14  }
.LBB2_3:
0x48: {  	v5 =	vld [tilespmem:s14+$0xF0];
	s13 =	sadd.s32 $0x200, s13;
	[tilespmem:s11+$0xB0] =	vst v0  }
0x49: {  	v0 =	vld [tilespmem:s14+$0xFFFFFF10];
	p2 =	slt.u32 s13, $0x1E00;
	[tilespmem:s11+$0xC0] =	vst v1  }
0x4a: {  	v1 =	vld [tilespmem:s14+$0xFFFFFF20];
	[tilespmem:s11+$0xD0] =	vst v2  }
0x4b: {  	v2 =	vld [tilespmem:s14+$0xFFFFFF30];
	[tilespmem:s11+$0xE0] =	vst v3  }
0x4c: {  	v3 =	vld [tilespmem:s14+$0xFFFFFF40];
	[tilespmem:s11+$0xFFFFFF00] =	vst v4;
	s11 =	sadd.s32 $0x200, s11  }
0x4d: {  	v4 =	vld [tilespmem:s14+$0xFFFFFF50];
	[tilespmem:s11+$0xF0] =	vst v5  }
0x4e: {  	[tilespmem:s11+$0xFFFFFF10] =	vst v0;
	v0 =	vld [tilespmem:s14+$0xFFFFFF60]  }
0x4f: {  	[tilespmem:s11+$0xFFFFFF20] =	vst v1;
	v1 =	vld [tilespmem:s14+$0xFFFFFF70]  }
0x50: {  	[tilespmem:s11+$0xFFFFFF30] =	vst v2;
	v2 =	vld [tilespmem:s14+$0xFFFFFF80]  }
0x51: {  	[tilespmem:s11+$0xFFFFFF40] =	vst v3;
	v3 =	vld [tilespmem:s14+$0xFFFFFF90]  }
0x52: {  	[tilespmem:s11+$0xFFFFFF50] =	vst v4;
	v4 =	vld [tilespmem:s14+$0xFFFFFFA0]  }
0x53: {  	[tilespmem:s11+$0xFFFFFF60] =	vst v0;
	v0 =	vld [tilespmem:s14+$0xFFFFFFB0]  }
0x54: {  	[tilespmem:s11+$0xFFFFFF70] =	vst v1;
	v1 =	vld [tilespmem:s14+$0xFFFFFFC0]  }
0x55: {  	[tilespmem:s11+$0xFFFFFF80] =	vst v2;
	v2 =	vld [tilespmem:s14+$0xFFFFFFD0]  }
0x56: {  	[tilespmem:s11+$0xFFFFFF90] =	vst v3;
	v3 =	vld [tilespmem:s14+$0xFFFFFFE0]  }
0x57: {  	[tilespmem:s11+$0xFFFFFFA0] =	vst v4;
	v4 =	vld [tilespmem:s14+$0xFFFFFFF0]  }
0x58: {  	[tilespmem:s11+$0xFFFFFFB0] =	vst v0;
	v0 =	vld [tilespmem:s14+$0x0]  }
0x59: {  	[tilespmem:s11+$0xFFFFFFC0] =	vst v1;
	v1 =	vld [tilespmem:s14+$0x10]  }
0x5a: {  	[tilespmem:s11+$0xFFFFFFD0] =	vst v2;
	v2 =	vld [tilespmem:s14+$0x20]  }
0x5b: {  	[tilespmem:s11+$0xFFFFFFE0] =	vst v3;
	v3 =	vld [tilespmem:s14+$0x30]  }
0x5c: {  	[tilespmem:s11+$0xFFFFFFF0] =	vst v4;
	v4 =	vld [tilespmem:s14+$0x40]  }
0x5d: {  	[tilespmem:s11+$0x0] =	vst v0;
	v0 =	vld [tilespmem:s14+$0x50]  }
0x5e: {  	[tilespmem:s11+$0x10] =	vst v1;
	v1 =	vld [tilespmem:s14+$0x60]  }
0x5f: {  	[tilespmem:s11+$0x20] =	vst v2;
	v2 =	vld [tilespmem:s14+$0x70]  }
0x60: {  	[tilespmem:s11+$0x30] =	vst v3;
	v3 =	vld [tilespmem:s14+$0x80]  }
0x61: {  	[tilespmem:s11+$0x40] =	vst v4;
	v4 =	vld [tilespmem:s14+$0x90]  }
0x62: {  	[tilespmem:s11+$0x50] =	vst v0;
	v5 =	vld [tilespmem:s14+$0xA0]  }
.Ltmp3:
0x63: {  	[tilespmem:s11+$0x60] =	vst v1;
	v0 =	vld [tilespmem:s14+$0xB0];
	(pc) =	sbr.rel @p2 .LBB2_3-.Ltmp3, $4  }
0x64: {  	[tilespmem:s11+$0x70] =	vst v2;
	v1 =	vld [tilespmem:s14+$0xC0]  }
0x65: {  	[tilespmem:s11+$0x80] =	vst v3;
	v2 =	vld [tilespmem:s14+$0xD0]  }
0x66: {  	[tilespmem:s11+$0x90] =	vst v4;
	v3 =	vld [tilespmem:s14+$0xE0]  }
0x67: {  	v4 =	vld [tilespmem:s14+$0xFFFFFF00];
	[tilespmem:s11+$0xA0] =	vst v5;
	s14 =	sadd.s32 $0x200, s14  }
.Ltmp4:
0x68: {  	_ = 	snop;
	(pc) =	sbr.rel .LBB2_4-.Ltmp4, $1  }
0x69: {  	_ =	sdelay $0x3  }
.LBB2_6:
0x6a: {  	_ =	sfence.sel $0x180000  }
0x6b: {  	s2 =	simm.s32 $0x1;
	[bflag:$0x0] =	sbarrier.arrive $0xFFFF  }
0x6c: {  	s31 =	simm.s32 $0x2;
	[sflag:s2] =	ssyncpa.u1 $0x1  }
0x6d: {  	[sflag:s31] =	ssyncpa.u1 $0x1  }
0x6e: {  	_ =	strace $0x90000047  }
0x6f: {  	s0 =	sadd.s32 @!p0 $0x100000, s0;
	[bflag:$0x2] =	sbarrier.arrive $0xFFFF  }
0x70: {  	[sflag:s0] =	ssyncadd.tile.s32 @!p0 $0x1;
	s0 =	simm.s32 @!p0 $0x3F  }
0x71: {  	_ =	swait.ge @!p0 [sflag:s0], s1  }
0x72: {  	s1 =	ssub.s32 @!p0 $0x0, s1;
	[sflag:s0] =	ssyncset.done @!p0 $0x0  }
0x73: {  	[sflag:s0] =	ssyncadd.s32 @!p0 s1  }
0x74: {  	[bflag:$0x3] =	sbarrier.arrive $0xFFFF  }
0x75: {  	_ =	shalt  }
.Lfunc_end2:
execute1_lowered:
.L_overlay_start_2:
0x76: {  	(tag) =	ssettag $0x2  }
0x77: {  	s5 =	rddreg [dreg:$0x0]  }
0x78: {  	s0 =	rddreg [dreg:$0x1];
	_ =	strace $0x8000004A;
	s3 =	stileid.u32  }
0x79: {  	s2 =	simm.s32 $0x3E;
	s1 =	sadd.s32 $0x149600, s5;
	p0 =	sne.s32 s3, $0x0  }
0x7a: {  	[sflag:s2] =	ssyncpa.u1 $0x0;
	s4 =	simm.s32 @!p0 $0x1C3E;
	s6 =	simm.s32 @!p0 $0x0  }
0x7b: {  	[spmem:s6], [sflag:s4] =	dma.local @!p0 [hbm:s1], $0x8000  }
0x7c: {  	s4 =	simm.s32 @!p0 $0x3E  }
0x7d: {  	_ =	swait.ge @!p0 [sflag:s4], $0x8000  }
0x7e: {  	s3 =	smul.u32 $0x64000, s3;
	[sflag:s4] =	ssyncset.done @!p0 $0x0  }
.Ltmp5:
0x7f: {  	s7 =	simm.s32 $0x2;
	[sflag:s4] =	ssyncadd.s32 @!p0 $0xFFFF8000;
	(pc) =	sbr.rel .LBB3_1-.Ltmp5, $4  }
0x80: {  	s8 =	simm.s32 $0x0;
	s9 =	simm.s32 $0x0;
	[bflag:$0x0] =	sbarrier.arrive $0xFFFF  }
0x81: {  	s6 =	sadd.s32 $0x64000, s3;
	[sflag:s2] =	ssyncpa.u1 $0x1;
	s2 =	simm.s32 $0x1  }
0x82: {  	s10 =	smov.u32 s3;
	s4 =	sadd.s32 $0x194000, s5;
	[sflag:s2] =	ssyncpa.u1 $0x0  }
0x83: {  	vm0 =	vmmov $0xffff;
	s5 =	sadd.s32 $0x25C000, s5;
	(ifvalue) =	ssetifvalue $0x40000;
	[sflag:s7] =	ssyncpa.u1 $0x0  }
.LBB3_5:
0x84: {  	s9 =	sadd.s32 $0x1, s9  }
0x85: {  	p2 =	sne.s32 s9, $0x33  }
.Ltmp6:
0x86: {  	_ = 	snop;
	(pc) =	sbr.rel @!p2 .LBB3_6-.Ltmp6, $4  }
0x87: {  	_ = 	snop  }
0x88: {  	s11 =	sadd.s32 $0x2000, s10  }
0x89: {  	s10 =	smov.u32 s3;
	p1 =	slt.s32 s11, s6  }
0x8a: {  	s10 =	smov.u32 @p1 s11  }
.LBB3_1:
0x8b: {  	p1 =	seq.s32 s9, $0x32  }
0x8c: {  	s11 =	sshll.u32 @!p1 s9, $0xD;
	p2 =	seq.s32 @!p1 s9, $0x0  }
0x8d: {  	s11 =	sand.u32 @!p1 $0x2000, s11;
	p2 =	por p1, !p2  }
.Ltmp7:
0x8e: {  	s13 =	sshrl.u32 @!p1 s10, $0x3;
	s12 =	sxor.u32 @!p1 $0x2000, s11;
	(pc) =	sbr.rel @!p2 .LBB3_5-.Ltmp7, $4  }
0x8f: {  	s16 =	sand.u32 @!p1 $0x7, s10;
	s14 =	sadd.s32 @!p1 s4, s13;
	s15 =	sor.u32 @!p1 $0x4000, s12  }
0x90: {  	[tilespmem:s15], [sflag:$0x2] =	stream.linear.gather @!p1 [hbm4b:s14+s16], $0x2000, $0x38;
	[tilespmem:$0xC000] =	vst v63  }
0x91: {  	s13 =	sadd.s32 @!p1 s5, s13;
	s12 =	sor.u32 @!p1 $0x8000, s12  }
0x92: {  	[tilespmem:s12], [sflag:$0x2] =	stream.linear.gather @!p1 [hbm4b:s13+s16], $0x2000, $0x38;
	[tilespmem:$0xC000] =	vst v63  }
0x93: {  	_ =	swait.ge [sflag:s7], $0x4000  }
0x94: {  	s11 =	simm.s32 @p1 $0x0;
	[sflag:s7] =	ssyncset.done $0x0  }
0x95: {  	s13 =	sor.u32 $0x4000, s11;
	[sflag:s7] =	ssyncadd.s32 $0xFFFFC000  }
0x96: {  	v0 =	vld.msk [tilespmem:s13+$0x0 ss:$0x1], $0xffff;
	_ =	sdelay $0x4  }
0x97: {  	v0 =	vmin.u32 v0, $0x40000;
	_ =	sdelay $0x3  }
0x98: {  	s12 =	simm.s32 $0x0;
	s11 =	sor.u32 $0x8000, s11;
	s13 =	sadd.s32 $0x10, s13  }
0x99: {  	[spmem:s8] =	stream.indirect_vreg.scatter.add.s32 [tilespmem:s11], [sflag:$0x1], $0x1, v0, vm0, $0x4038;
	[tilespmem:$0xC000] =	vst v63  }
.LBB3_3:
0x9a: {  	v0 =	vld.msk [tilespmem:s13+$0x0 ss:$0x1], $0xffff;
	s12 =	sadd.s32 $0x10, s12  }
0x9b: {  	p1 =	slt.u32 s12, $0x1FF0;
	_ =	sdelay $0x4  }
0x9c: {  	v0 =	vmin.u32 v0, $0x40000  }
.Ltmp8:
0x9d: {  	(pc) =	sbr.rel @p1 .LBB3_3-.Ltmp8, $3  }
0x9e: {  	_ =	sdelay $0x1  }
0x9f: {  	s13 =	sadd.s32 $0x10, s13;
	s11 =	sadd.s32 $0x10, s11  }
0xa0: {  	[spmem:s8] =	stream.indirect_vreg.scatter.add.s32 [tilespmem:s11], [sflag:$0x1], $0x1, v0, vm0, $0x4038;
	[tilespmem:$0xC000] =	vst v63  }
.Ltmp9:
0xa1: {  	(pc) =	sbr.rel .LBB3_5-.Ltmp9, $4  }
0xa2: {  	_ = 	snop  }
0xa3: {  	_ =	swait.ge [sflag:s2], $0x2000  }
0xa4: {  	[sflag:s2] =	ssyncset.done $0x0  }
0xa5: {  	[sflag:s2] =	ssyncadd.s32 $0xFFFFE000  }
.LBB3_6:
0xa6: {  	_ =	sfence.sel $0x180000  }
0xa7: {  	s2 =	simm.s32 $0x2;
	[bflag:$0x0] =	sbarrier.arrive $0xFFFF  }
0xa8: {  	s30 =	simm.s32 $0x1;
	[sflag:s2] =	ssyncpa.u1 $0x1  }
0xa9: {  	[sflag:s30] =	ssyncpa.u1 $0x1  }
0xaa: {  	_ =	sfence.stream.spmem  }
0xab: {  	s31 =	simm.s32 $0x3D;
	[bflag:$0x0] =	sbarrier.arrive $0xFFFF  }
0xac: {  	s2 =	simm.s32 @p0 $0x3D;
	[sflag:s31] =	ssyncpa.u1 $0x0  }
0xad: {  	[sflag:s2] =	ssyncpa.u1 @p0 $0x1  }
0xae: {  	[bflag:$0x0] =	sbarrier.arrive @p0 $0xFFFF  }
0xaf: {  	_ =	strace @p0 $0x9000004A  }
0xb0: {  	s3 =	simm.s32 @!p0 $0x1C3D;
	s2 =	simm.s32 @!p0 $0x0;
	[bflag:$0x2] =	sbarrier.arrive @p0 $0xFFFF  }
0xb1: {  	[hbm:s1], [sflag:s3] =	dma.local @!p0 [spmem:s2], $0x8000  }
0xb2: {  	s1 =	simm.s32 @!p0 $0x3D  }
0xb3: {  	_ =	swait.ge @!p0 [sflag:s1], $0x8000  }
0xb4: {  	[sflag:s1] =	ssyncset.done @!p0 $0x0  }
0xb5: {  	[sflag:s1] =	ssyncadd.s32 @!p0 $0xFFFF8000  }
0xb6: {  	[sflag:s1] =	ssyncpa.u1 @!p0 $0x1  }
0xb7: {  	[bflag:$0x0] =	sbarrier.arrive @!p0 $0xFFFF  }
0xb8: {  	_ =	strace @!p0 $0x9000004A  }
0xb9: {  	s0 =	sadd.s32 @!p0 $0x100000, s0;
	[bflag:$0x2] =	sbarrier.arrive @!p0 $0xFFFF  }
0xba: {  	[sflag:s0] =	ssyncadd.tile.s32 @!p0 $0x1;
	_ =	shalt  }
.Lfunc_end3:
_tile_overlayer_lowered:
.L_overlay_start_3:
0xbb: {  	(tag) =	ssettag $0x3  }
0xbc: {  	s0 =	rddreg [dreg:$0x0];
	s2 =	stileid.u32  }
0xbd: {  	s1 =	rddreg [dreg:$0x1];
	p0 =	sne.s32 s2, $0x0  }
0xbe: {  	s3 =	rddreg [dreg:$0x2];
	[bflag:$0x3] =	sbarrier.arrive $0xFFFF;
	s2 =	simm.s32 @!p0 $0x1C01  }
0xbf: {  	[timem:s3], [sflag:s2] =	dma.local @!p0 [hbm:s0], s1  }
0xc0: {  	s0 =	simm.s32 @!p0 $0x1  }
0xc1: {  	_ =	swait.ge @!p0 [sflag:s0], s1  }
0xc2: {  	s1 =	ssub.s32 @!p0 $0x0, s1;
	[sflag:s0] =	ssyncset.done @!p0 $0x0  }
0xc3: {  	[sflag:s0] =	ssyncadd.s32 @!p0 s1  }
0xc4: {  	[bflag:$0x3] =	sbarrier.arrive $0xFFFF  }
0xc5: {  	_ =	shalt  }

</sc_bundles>
